<compile_context>
chip_gen: v7x
topology: tpu7x:2x2x1
jax: 0.10.2.dev20260603
libtpu: 0.0.44.dev20260713+nightly
codegen_flags: <defaults>
</compile_context>

<pallas_src>
import functools

import jax
import jax.numpy as jnp
from jax import lax
from jax.experimental import pallas as pl
from jax.experimental.pallas import tpu as pltpu
from jax.experimental.pallas import tpu_sc as plsc

B, H, W = 16, 512, 512
HW = H * W
TOP_K = 512
CAP = 1024
BAND_ROWS = 86
RES_ROWS = 88
NBANDS = 6
CHUNK = 8192
LOSS_LAMBDA = 100.0

_G0 = 1.0
_G1 = 0.1353352832366127
_G2 = 0.00033546262790251185
_GSUM = _G0 + 2.0 * _G1 + 2.0 * _G2
_INVZ = 1.0 / (_GSUM * _GSUM)


def _warp_prep_body(xw_ref, yw_ref, s1_ref, planes_ref, fw_ref, vis_ref,
                    nms1_ref, t1_ref, bounds_ref):
    b = pl.program_id(0)
    xw = xw_ref[0, 0]
    yw = yw_ref[0, 0]

    x0 = jnp.floor(xw)
    y0 = jnp.floor(yw)
    x1 = x0 + 1.0
    y1 = y0 + 1.0
    fx = xw - x0
    fy = yw - y0
    wa = (1.0 - fx) * (1.0 - fy)
    wb = (1.0 - fx) * fy
    wc = fx * (1.0 - fy)
    wd = fx * fy

    def corner(xi, yi, wgt):
        valid = ((xi >= 0.0) & (xi <= W - 1.0) & (yi >= 0.0) & (yi <= H - 1.0))
        xc = jnp.clip(xi, 0.0, W - 1.0)
        yc = jnp.clip(yi, 0.0, H - 1.0)
        inb = ((xc >= 8.0) & (xc <= W - 9.0) & (yc >= 8.0) & (yc <= H - 9.0))
        fw = wgt * valid.astype(jnp.float32) * inb.astype(jnp.float32)
        idx = yc.astype(jnp.int32) * W + xc.astype(jnp.int32)
        vw = wgt * valid.astype(jnp.float32)
        return idx, fw, vw

    ia, fwa, va = corner(x0, y0, wa)
    ib, fwb, vb = corner(x0, y1, wb)
    ic, fwc, vc = corner(x1, y0, wc)
    idd, fwd, vd = corner(x1, y1, wd)

    vis = ((va + vb + vc + vd) > 0.0).astype(jnp.float32)
    vis_ref[...] = vis[None, None]

    planes_ref[...] = jnp.stack([ia, ib, ic, idd])[None]
    fw_ref[...] = jnp.stack([fwa, fwb, fwc, fwd])[None]

    rowa = (ia >> 9).astype(jnp.float32).reshape(32, 16 * W)
    rowd = (idd >> 9).astype(jnp.float32).reshape(32, 16 * W)
    rmin = jnp.min(rowa, axis=1, keepdims=True)
    rmax = jnp.max(rowd, axis=1, keepdims=True)
    bounds = jnp.concatenate([jnp.broadcast_to(rmin, (32, 128)),
                              jnp.broadcast_to(rmax, (32, 128))], axis=0)
    bounds_ref[...] = bounds[None]

    s = s1_ref[0, 0]
    zc = jnp.zeros((H, 2), jnp.float32)
    p = jnp.concatenate([zc, s, zc], axis=1)
    mh = p[:, 0:W]
    for k in range(1, 5):
        mh = jnp.maximum(mh, p[:, k:k + W])
    zr = jnp.zeros((2, W), jnp.float32)
    q = jnp.concatenate([zr, mh, zr], axis=0)
    mx = q[0:H, :]
    for k in range(1, 5):
        mx = jnp.maximum(mx, q[k:k + H, :])
    nms = s * ((s == mx) & (s >= 0.0)).astype(jnp.float32)
    nms1_ref[...] = nms[None, None]

    m = nms
    for _ in range(5):
        wth = m.shape[1] // 2
        m = jnp.maximum(m[:, :wth], m[:, wth:])
    bits = lax.bitcast_convert_type(m, jnp.int32)

    def bs_body(_, carry):
        lo, hi = carry
        mid = lo + (hi - lo) // 2
        cnt = jnp.sum((bits >= mid).astype(jnp.float32))
        big = cnt >= float(TOP_K)
        return (jnp.where(big, mid, lo), jnp.where(big, hi, mid))

    lo, _ = lax.fori_loop(0, 31, bs_body, (jnp.int32(0), jnp.int32(0x7F800001)))
    t = lax.bitcast_convert_type(lo, jnp.float32)

    @pl.when(b == 0)
    def _():
        t1_ref[...] = jnp.zeros_like(t1_ref)

    rows = lax.broadcasted_iota(jnp.int32, t1_ref.shape, 0)
    t1_ref[...] += jnp.where(rows == b, t, 0.0)


def _warp_prep(xw, yw, score1):
    return pl.pallas_call(
        _warp_prep_body,
        grid=(B,),
        in_specs=[
            pl.BlockSpec((1, 1, H, W), lambda b: (b, 0, 0, 0)),
            pl.BlockSpec((1, 1, H, W), lambda b: (b, 0, 0, 0)),
            pl.BlockSpec((1, 1, H, W), lambda b: (b, 0, 0, 0)),
        ],
        out_specs=[
            pl.BlockSpec((1, 4, H, W), lambda b: (b, 0, 0, 0)),
            pl.BlockSpec((1, 4, H, W), lambda b: (b, 0, 0, 0)),
            pl.BlockSpec((1, 1, H, W), lambda b: (b, 0, 0, 0)),
            pl.BlockSpec((1, 1, H, W), lambda b: (b, 0, 0, 0)),
            pl.BlockSpec((B, 128), lambda b: (0, 0)),
            pl.BlockSpec((1, 64, 128), lambda b: (b, 0, 0)),
        ],
        out_shape=[
            jax.ShapeDtypeStruct((B, 4, H, W), jnp.int32),
            jax.ShapeDtypeStruct((B, 4, H, W), jnp.float32),
            jax.ShapeDtypeStruct((B, 1, H, W), jnp.float32),
            jax.ShapeDtypeStruct((B, 1, H, W), jnp.float32),
            jax.ShapeDtypeStruct((B, 128), jnp.float32),
            jax.ShapeDtypeStruct((B, 64, 128), jnp.float32),
        ],
    )(xw, yw, score1)


def _nms2_body(w_ref, nms2_ref, t2_ref):
    b = pl.program_id(0)
    s = w_ref[0, 0]
    zc = jnp.zeros((H, 2), jnp.float32)
    p = jnp.concatenate([zc, s, zc], axis=1)
    mh = p[:, 0:W]
    for k in range(1, 5):
        mh = jnp.maximum(mh, p[:, k:k + W])
    zr = jnp.zeros((2, W), jnp.float32)
    q = jnp.concatenate([zr, mh, zr], axis=0)
    mx = q[0:H, :]
    for k in range(1, 5):
        mx = jnp.maximum(mx, q[k:k + H, :])
    nms = s * ((s == mx) & (s >= 0.0)).astype(jnp.float32)
    nms2_ref[...] = nms[None, None]

    m = nms
    for _ in range(5):
        wth = m.shape[1] // 2
        m = jnp.maximum(m[:, :wth], m[:, wth:])
    bits = lax.bitcast_convert_type(m, jnp.int32)

    def bs_body(_, carry):
        lo, hi = carry
        mid = lo + (hi - lo) // 2
        cnt = jnp.sum((bits >= mid).astype(jnp.float32))
        big = cnt >= float(TOP_K)
        return (jnp.where(big, mid, lo), jnp.where(big, hi, mid))

    lo, _ = lax.fori_loop(0, 31, bs_body, (jnp.int32(0), jnp.int32(0x7F800001)))
    t = lax.bitcast_convert_type(lo, jnp.float32)

    @pl.when(b == 0)
    def _():
        t2_ref[...] = jnp.zeros_like(t2_ref)

    rows = lax.broadcasted_iota(jnp.int32, t2_ref.shape, 0)
    t2_ref[...] += jnp.where(rows == b, t, 0.0)


def _nms2(w_score2):
    return pl.pallas_call(
        _nms2_body,
        grid=(B,),
        in_specs=[pl.BlockSpec((1, 1, H, W), lambda b: (b, 0, 0, 0))],
        out_specs=[
            pl.BlockSpec((1, 1, H, W), lambda b: (b, 0, 0, 0)),
            pl.BlockSpec((B, 128), lambda b: (0, 0)),
        ],
        out_shape=[
            jax.ShapeDtypeStruct((B, 1, H, W), jnp.float32),
            jax.ShapeDtypeStruct((B, 128), jnp.float32),
        ],
    )(w_score2)


def _sc_gather_kernel():
    mesh = plsc.VectorSubcoreMesh(core_axis_name="c", subcore_axis_name="s")
    info = plsc.get_sparse_core_info()
    nc = info.num_cores

    @functools.partial(
        pl.kernel,
        mesh=mesh,
        out_type=jax.ShapeDtypeStruct((B, HW), jnp.float32),
        compiler_params=pltpu.CompilerParams(needs_layout_passes=False),
        scratch_types=[
            pltpu.VMEM((4, 16, W), jnp.int32),
            pltpu.VMEM((4, 16, W), jnp.float32),
            pltpu.VMEM((RES_ROWS * W // 128, 128), jnp.float32),
            pltpu.VMEM((CHUNK,), jnp.float32),
            pltpu.VMEM((64, 128), jnp.float32),
        ],
    )
    def k(planes_hbm, fwp_hbm, s2_hbm, bounds_hbm, out_hbm, stg, stgf, band,
          acc, bv):
        wid = lax.axis_index("s") * nc + lax.axis_index("c")
        b = wid // 2
        hh = wid % 2
        pltpu.sync_copy(bounds_hbm.at[b], bv)

        def do_chunk(ch, _):
            r0 = hh * 256 + ch * 16
            pltpu.sync_copy(planes_hbm.at[b, :, pl.ds(r0, 16), :], stg)
            pltpu.sync_copy(fwp_hbm.at[b, :, pl.ds(r0, 16), :], stgf)

            def zero_body(i, _):
                acc[pl.ds(i * 16, 16)] = jnp.zeros((16,), jnp.float32)
                return 0

            lax.fori_loop(0, CHUNK // 16, zero_body, 0)

            slab = hh * 16 + ch
            rmin = bv[slab, pl.ds(0, 16)][0]
            rmax = bv[32 + slab, pl.ds(0, 16)][0]

            for bd in range(NBANDS):
                blo = bd * BAND_ROWS
                bhi = min((bd + 1) * BAND_ROWS, H)
                rn = min(RES_ROWS, H - blo)
                sz = rn * W

                @pl.when((rmin < float(bhi)) & (rmax >= float(blo)))
                def _():
                    pltpu.sync_copy(s2_hbm.at[b, pl.ds(blo * 4, sz // 128), :],
                                    band.at[pl.ds(0, sz // 128), :])

                    def px_body(i, _):
                        r = i // 32
                        c16 = (i % 32) * 16
                        ia = stg[0, r, pl.ds(c16, 16)]
                        ib = stg[1, r, pl.ds(c16, 16)]
                        ic = stg[2, r, pl.ds(c16, 16)]
                        idd = stg[3, r, pl.ds(c16, 16)]
                        fwa = stgf[0, r, pl.ds(c16, 16)]
                        fwb = stgf[1, r, pl.ds(c16, 16)]
                        fwc = stgf[2, r, pl.ds(c16, 16)]
                        fwd = stgf[3, r, pl.ds(c16, 16)]
                        row = ia >> 9
                        msk = (row >= blo) & (row < bhi)
                        base = blo * W
                        tot = jnp.zeros((16,), jnp.float32)
                        for idxv, fwv in ((ia, fwa), (ib, fwb), (ic, fwc), (idd, fwd)):
                            rel = jnp.clip(idxv - base, 0, sz - 1)
                            val = plsc.load_gather(band, [rel >> 7, rel & 127])
                            tot = tot + fwv * val
                        sel = jnp.where(msk, tot, 0.0)
                        plsc.addupdate(acc.at[pl.ds(i * 16, 16)], sel)
                        return 0

                    lax.fori_loop(0, CHUNK // 16, px_body, 0)

            pltpu.sync_copy(acc, out_hbm.at[b, pl.ds(hh * (HW // 2) + ch * CHUNK, CHUNK)])
            return 0

        lax.fori_loop(0, 16, do_chunk, 0)

    return k


def _sc_compact_kernel():
    mesh = plsc.VectorSubcoreMesh(core_axis_name="c", subcore_axis_name="s")
    info = plsc.get_sparse_core_info()
    nc = info.num_cores
    nchunks = 16
    csz = HW // nchunks

    @functools.partial(
        pl.kernel,
        mesh=mesh,
        out_type=(
            jax.ShapeDtypeStruct((32, CAP), jnp.float32),
            jax.ShapeDtypeStruct((32, CAP), jnp.int32),
            jax.ShapeDtypeStruct((32, 128), jnp.int32),
        ),
        compiler_params=pltpu.CompilerParams(needs_layout_passes=False),
        scratch_types=[
            pltpu.VMEM((csz,), jnp.float32),
            pltpu.VMEM((128,), jnp.float32),
            pltpu.VMEM((CAP,), jnp.float32),
            pltpu.VMEM((CAP,), jnp.int32),
            pltpu.VMEM((16,), jnp.int32),
        ],
    )
    def k(nms_hbm, t_hbm, cv_hbm, ci_hbm, cnt_hbm, chunk, tv, vbuf, ibuf, cbuf):
        wid = lax.axis_index("s") * nc + lax.axis_index("c")
        pltpu.sync_copy(t_hbm.at[wid], tv)
        t = tv[pl.ds(0, 16)][0]
        lane = lax.iota(jnp.int32, 16)

        def do_chunk(ch, off):
            pltpu.sync_copy(nms_hbm.at[wid, pl.ds(ch * csz, csz)], chunk)

            def body(i, off):
                v = chunk[pl.ds(i * 16, 16)]
                m = v >= t
                cnt = plsc.all_reduce_population_count(m)[0]

                @pl.when((cnt > 0) & (off <= CAP - 16))
                def _():
                    plsc.store_compressed(vbuf.at[pl.ds(off, 16)], v, mask=m)
                    iv = ch * csz + i * 16 + lane
                    plsc.store_compressed(ibuf.at[pl.ds(off, 16)], iv, mask=m)

                return jnp.where(off <= CAP - 16, off + cnt, off)

            return lax.fori_loop(0, csz // 16, body, off)

        off = lax.fori_loop(0, nchunks, do_chunk, jnp.int32(0))
        cbuf[...] = jnp.full((16,), jnp.int32(0)) + off
        pltpu.sync_copy(vbuf, cv_hbm.at[wid])
        pltpu.sync_copy(ibuf, ci_hbm.at[wid])
        pltpu.sync_copy(cbuf, cnt_hbm.at[wid, pl.ds(0, 16)])

    return k


def _select_compact(v, iv, count):
    lanes = lax.broadcasted_iota(jnp.int32, (1, CAP), 1)
    validm = lanes < count
    bits = lax.bitcast_convert_type(v, jnp.int32)
    mbits = jnp.where(validm, bits, -1)

    def bs_body(_, carry):
        lo, hi = carry
        mid = lo + (hi - lo) // 2
        cnt = jnp.sum((mbits >= mid).astype(jnp.float32))
        big = cnt >= float(TOP_K)
        return (jnp.where(big, mid, lo), jnp.where(big, hi, mid))

    lo, _ = lax.fori_loop(0, 32, bs_body, (jnp.int32(-1), jnp.int32(0x7F800001)))

    gt = (mbits > lo).astype(jnp.float32)
    eq = (mbits == lo).astype(jnp.float32)
    n_gt = jnp.sum(gt)
    need_eq = float(TOP_K) - n_gt

    iu = lax.broadcasted_iota(jnp.int32, (128, 128), 0).astype(jnp.float32)
    ju = lax.broadcasted_iota(jnp.int32, (128, 128), 1).astype(jnp.float32)
    uex = (iu < ju).astype(jnp.float32)
    i8 = lax.broadcasted_iota(jnp.int32, (8, 8), 0).astype(jnp.float32)
    j8 = lax.broadcasted_iota(jnp.int32, (8, 8), 1).astype(jnp.float32)
    l8 = (j8 < i8).astype(jnp.float32)

    def excl_cumsum(x):
        x8 = jnp.reshape(x, (8, 128))
        p = lax.dot_general(x8, uex, (((1,), (0,)), ((), ())),
                            preferred_element_type=jnp.float32,
                         precision=lax.Precision.HIGHEST)
        rs = p[:, 127:128] + x8[:, 127:128]
        er = lax.dot_general(l8, rs, (((1,), (0,)), ((), ())),
                             preferred_element_type=jnp.float32,
                         precision=lax.Precision.HIGHEST)
        return jnp.reshape(p + er, (1, CAP))

    eqrank = excl_cumsum(eq)
    sel = gt + eq * (eqrank < need_eq).astype(jnp.float32)
    r0 = excl_cumsum(sel)

    iota_r = lax.broadcasted_iota(jnp.int32, (TOP_K, 1), 0).astype(jnp.float32)
    ot = (r0 == iota_r).astype(jnp.float32) * sel
    ivf = iv.astype(jnp.float32)
    vc = lax.dot_general(ot, v, (((1,), (1,)), ((), ())),
                         preferred_element_type=jnp.float32,
                         precision=lax.Precision.HIGHEST)
    ic = lax.dot_general(ot, ivf, (((1,), (1,)), ((), ())),
                         preferred_element_type=jnp.float32,
                         precision=lax.Precision.HIGHEST)
    return vc, ic


def _gmat(coordT, scaleT):
    iot = lax.broadcasted_iota(jnp.int32, (TOP_K, TOP_K), 0).astype(jnp.float32)
    d = iot - coordT
    ad = jnp.abs(d)
    g = ((ad == 0.0).astype(jnp.float32) * _G0
         + (ad == 1.0).astype(jnp.float32) * _G1
         + (ad == 2.0).astype(jnp.float32) * _G2)
    return g * scaleT


def _final_body(cv1_ref, ci1_ref, cv2_ref, ci2_ref, cnt_ref, vis_ref,
                kp_ref, sq_ref, vs_ref):
    b = pl.program_id(0)
    c1 = cnt_ref[b, 0]
    c2 = cnt_ref[b + 16, 0]

    vc1, ic1 = _select_compact(cv1_ref[0], ci1_ref[0], c1)
    vc2, ic2 = _select_compact(cv2_ref[0], ci2_ref[0], c2)

    def split_xy(ic):
        yc = jnp.floor(ic * (1.0 / W))
        xc = ic - yc * float(W)
        return xc, yc

    xc1, yc1 = split_xy(ic1)
    xc2, yc2 = split_xy(ic2)

    vT = jnp.transpose(vc1)
    iT = jnp.transpose(ic1)
    rank = jnp.sum((vT > vc1).astype(jnp.float32)
                   + (vT == vc1).astype(jnp.float32) * (iT < ic1).astype(jnp.float32),
                   axis=1, keepdims=True)
    rT = jnp.transpose(rank)
    iota_r = lax.broadcasted_iota(jnp.int32, (TOP_K, 1), 0).astype(jnp.float32)
    perm = (rT == iota_r).astype(jnp.float32)
    kpx = lax.dot_general(perm, xc1, (((1,), (0,)), ((), ())),
                          preferred_element_type=jnp.float32,
                         precision=lax.Precision.HIGHEST)
    kpy = lax.dot_general(perm, yc1, (((1,), (0,)), ((), ())),
                          preferred_element_type=jnp.float32,
                         precision=lax.Precision.HIGHEST)
    kp = jnp.concatenate([kpx, kpy], axis=1).astype(jnp.int32)
    kp_ref[...] = kp[None]

    u1 = _gmat(jnp.transpose(yc1), jnp.transpose(vc1) * _INVZ)
    v1 = _gmat(jnp.transpose(xc1), jnp.ones((1, TOP_K), jnp.float32))
    u2 = _gmat(jnp.transpose(yc2), jnp.transpose(vc2) * _INVZ)
    v2 = _gmat(jnp.transpose(xc2), jnp.ones((1, TOP_K), jnp.float32))

    d1 = lax.dot_general(u1, v1, (((1,), (1,)), ((), ())),
                         preferred_element_type=jnp.float32,
                         precision=lax.Precision.HIGHEST)
    d2 = lax.dot_general(u2, v2, (((1,), (1,)), ((), ())),
                         preferred_element_type=jnp.float32,
                         precision=lax.Precision.HIGHEST)
    diff = d1 - d2

    vis = vis_ref[0, 0]
    sqp = jnp.sum(diff * diff * vis)
    vsp = jnp.sum(vis)

    @pl.when(b == 0)
    def _():
        sq_ref[...] = jnp.zeros_like(sq_ref)
        vs_ref[...] = jnp.zeros_like(vs_ref)

    rows = lax.broadcasted_iota(jnp.int32, sq_ref.shape, 0)
    sq_ref[...] += jnp.where(rows == b, sqp, 0.0)
    vs_ref[...] += jnp.where(rows == b, vsp, 0.0)


def _final(cand_v, cand_i, counts, vis):
    cv3 = cand_v.reshape(32, 1, CAP)
    ci3 = cand_i.reshape(32, 1, CAP)
    return pl.pallas_call(
        _final_body,
        grid=(B,),
        in_specs=[
            pl.BlockSpec((1, 1, CAP), lambda b: (b, 0, 0)),
            pl.BlockSpec((1, 1, CAP), lambda b: (b, 0, 0)),
            pl.BlockSpec((1, 1, CAP), lambda b: (b + 16, 0, 0)),
            pl.BlockSpec((1, 1, CAP), lambda b: (b + 16, 0, 0)),
            pl.BlockSpec((32, 128), lambda b: (0, 0)),
            pl.BlockSpec((1, 1, H, W), lambda b: (b, 0, 0, 0)),
        ],
        out_specs=[
            pl.BlockSpec((1, TOP_K, 2), lambda b: (b, 0, 0)),
            pl.BlockSpec((B, 128), lambda b: (0, 0)),
            pl.BlockSpec((B, 128), lambda b: (0, 0)),
        ],
        out_shape=[
            jax.ShapeDtypeStruct((B, TOP_K, 2), jnp.int32),
            jax.ShapeDtypeStruct((B, 128), jnp.float32),
            jax.ShapeDtypeStruct((B, 128), jnp.float32),
        ],
    )(cv3, ci3, cv3, ci3, counts, vis)


def kernel(score1, score2, homo12):
    ys, xs = jnp.meshgrid(jnp.arange(H, dtype=jnp.float32),
                          jnp.arange(W, dtype=jnp.float32), indexing='ij')
    grid = jnp.stack([xs.reshape(-1), ys.reshape(-1),
                      jnp.ones(H * W, dtype=jnp.float32)], axis=0)
    warped = homo12 @ grid[None]
    warped = warped / (warped[:, 2:3, :] + 1e-8)
    xw = warped[:, 0, :].reshape(B, 1, H, W)
    yw = warped[:, 1, :].reshape(B, 1, H, W)

    planes, fwp, vis_mask1, nms1, t1, bounds = _warp_prep(xw, yw, score1)

    s2flat = score2.reshape(B, HW // 128, 128)
    w_flat = _sc_gather_kernel()(planes, fwp, s2flat, bounds)
    w_score2 = w_flat.reshape(B, 1, H, W)

    nms2, t2 = _nms2(w_score2)

    nms_all = jnp.concatenate([nms1.reshape(B, HW), nms2.reshape(B, HW)], axis=0)
    t_all = jnp.concatenate([t1, t2], axis=0)
    cand_v, cand_i, counts = _sc_compact_kernel()(nms_all, t_all)

    kp1, sq, vs = _final(cand_v, cand_i, counts, vis_mask1)

    loss = (jnp.sum(sq[:, 0]) / jnp.sum(vs[:, 0])) * LOSS_LAMBDA
    return (loss, kp1, vis_mask1)

# --- scband reference (transcript-rebuilt; emitter-appended) ---
"""Pipeline reference for scband-homo-mseloss-3393024164477 (READ-ONLY COPY).

The authoritative reference and input builder live on the scoring server;
editing this copy changes nothing except your own understanding.
"""

import jax, jax.numpy as jnp
import numpy as np

NMS_THRESH = 0.0
NMS_KSIZE = 5
TOP_K = 512
GAUSS_KSIZE = 5
GAUSS_SIGMA = 0.5
LOSS_LAMBDA = 100.0


def filter_border(x, radius=8):
    m = jnp.zeros_like(x)
    m = m.at[:, :, radius:-radius, radius:-radius].set(1.0)
    return x * m


def bilinear_sample(img, x, y):
    # img: [B, C, H, W]; x, y: [B, H*W] pixel coords; zero padding out of bounds
    B, C, H, W = img.shape
    x0 = jnp.floor(x); x1 = x0 + 1.0
    y0 = jnp.floor(y); y1 = y0 + 1.0
    wa = (x1 - x) * (y1 - y)
    wb = (x1 - x) * (y - y0)
    wc = (x - x0) * (y1 - y)
    wd = (x - x0) * (y - y0)
    flat = img.reshape(B, C, H * W)

    def gather(xi, yi):
        valid = ((xi >= 0) & (xi <= W - 1) & (yi >= 0) & (yi <= H - 1)).astype(img.dtype)
        xc = jnp.clip(xi, 0, W - 1).astype(jnp.int32)
        yc = jnp.clip(yi, 0, H - 1).astype(jnp.int32)
        idx = yc * W + xc
        vals = jnp.take_along_axis(flat, idx[:, None, :], axis=2)
        return vals * valid[:, None, :]

    out = (gather(x0, y0) * wa[:, None, :] + gather(x0, y1) * wb[:, None, :]
           + gather(x1, y0) * wc[:, None, :] + gather(x1, y1) * wd[:, None, :])
    return out.reshape(B, C, H, W)


def warp_image(dst_like, img, homo):
    # sample img at locations homo @ grid(dst frame)
    B, C, H, W = img.shape
    ys, xs = jnp.meshgrid(jnp.arange(H, dtype=jnp.float32), jnp.arange(W, dtype=jnp.float32), indexing='ij')
    grid = jnp.stack([xs.reshape(-1), ys.reshape(-1), jnp.ones(H * W, dtype=jnp.float32)], axis=0)
    warped = homo @ grid[None]
    warped = warped / (warped[:, 2:3, :] + 1e-8)
    return bilinear_sample(img, warped[:, 0, :], warped[:, 1, :])


def select_keypoints(score, nms_thresh, nms_ksize, top_k):
    B, C, H, W = score.shape
    pad = nms_ksize // 2
    maxed = jax.lax.reduce_window(score, -jnp.inf, jax.lax.max,
                                  (1, 1, nms_ksize, nms_ksize), (1, 1, 1, 1),
                                  [(0, 0), (0, 0), (pad, pad), (pad, pad)])
    mask = ((score == maxed) & (score >= nms_thresh)).astype(score.dtype)
    nms_score = score * mask
    flat = nms_score.reshape(B, H * W)
    vals, idx = jax.lax.top_k(flat, top_k)
    topk_mask = jnp.zeros_like(flat).at[jnp.arange(B)[:, None], idx].set(1.0)
    out = (flat * topk_mask).reshape(B, C, H, W)
    kp = jnp.stack([idx % W, idx // W], axis=-1)  # [B, top_k, 2] (x, y)
    return out, kp


def gaussian_filter(x, ksize, sigma):
    ax = jnp.arange(ksize, dtype=jnp.float32) - (ksize - 1) / 2.0
    g = jnp.exp(-(ax ** 2) / (2.0 * sigma ** 2))
    k2 = jnp.outer(g, g)
    k2 = k2 / k2.sum()
    kernel = k2[None, None, :, :]
    pad = ksize // 2
    return jax.lax.conv_general_dilated(x, kernel, (1, 1), [(pad, pad), (pad, pad)],
                                        dimension_numbers=('NCHW', 'OIHW', 'NCHW'))


def setup_inputs(seed=0):
    key = jax.random.key(seed)
    k1, k2, k3 = jax.random.split(key, 3)
    B, H, W = 16, 512, 512
    score1 = jax.random.uniform(k1, (B, 1, H, W), dtype=jnp.float32)
    score2 = jax.random.uniform(k2, (B, 1, H, W), dtype=jnp.float32)
    eye = jnp.tile(jnp.eye(3, dtype=jnp.float32)[None], (B, 1, 1))
    scale = jnp.array([[0.02, 0.02, 2.0], [0.02, 0.02, 2.0], [1e-5, 1e-5, 0.0]], dtype=jnp.float32)
    homo12 = eye + jax.random.normal(k3, (B, 3, 3), dtype=jnp.float32) * scale[None]
    return {"score1": score1, "score2": score2, "homo12": homo12}


def reference(score1, score2, homo12):
    score2 = filter_border(score2)
    w_score2 = warp_image(score1, score2, homo12)
    vis_mask = jnp.ones_like(score2)
    vis_mask1 = (warp_image(score1, vis_mask, homo12) > 0).astype(jnp.float32)
    s1, kp1 = select_keypoints(score1, NMS_THRESH, NMS_KSIZE, TOP_K)
    s1 = gaussian_filter(s1, GAUSS_KSIZE, GAUSS_SIGMA)
    gt_s1, _ = select_keypoints(w_score2, NMS_THRESH, NMS_KSIZE, TOP_K)
    gt_s1 = gaussian_filter(gt_s1, GAUSS_KSIZE, GAUSS_SIGMA)
    norm = vis_mask1.sum()
    loss = ((s1 - gt_s1) ** 2) * vis_mask1 / norm
    loss = loss.sum() * LOSS_LAMBDA
    return (loss, kp1, vis_mask1)

if __name__ == "__main__":
    import jax
    _d = setup_inputs()
    print(jax.jit(kernel)(*tuple(_d.values())))

</pallas_src>

<mosaic_0001>
#map = affine_map<(d0, d1) -> (0, 0)>
module attributes {stable_mosaic.version = 14 : i64} {
  func.func @k(%arg0: i32, %arg1: i32, %arg2: memref<32x262144xf32, #tpu.memory_space<hbm>>, %arg3: memref<32x128xf32, #tpu.memory_space<hbm>>, %arg4: memref<32x1024xf32, #tpu.memory_space<hbm>>, %arg5: memref<32x1024xi32, #tpu.memory_space<hbm>>, %arg6: memref<32x128xi32, #tpu.memory_space<hbm>>, %arg7: memref<16384xf32, #tpu.memory_space<vmem>>, %arg8: memref<128xf32, #tpu.memory_space<vmem>>, %arg9: memref<1024xf32, #tpu.memory_space<vmem>>, %arg10: memref<1024xi32, #tpu.memory_space<vmem>>, %arg11: memref<16xi32, #tpu.memory_space<vmem>>) attributes {dimension_semantics = [#tpu.dimension_semantics<core_parallel>, #tpu.dimension_semantics<subcore_parallel>], iteration_bounds = array<i64: 2, 16>, scalar_prefetch = 0 : i64, scratch_operands = 5 : i64, tpu.core_type = #tpu.core_type<sc_vector_subcore>, window_params = [{transform_indices = #map}, {transform_indices = #map}, {transform_indices = #map}, {transform_indices = #map}, {transform_indices = #map}]} {
    %mul3A = arith.constant 2 : i32
    %mul3A_0 = arith.muli %arg1, %mul3A : i32
    %add3A = arith.addi %mul3A_0, %arg0 : i32
    "tpu.region"() ({
      %run_scoped3A = tpu.sem_alloc : memref<!tpu.dma_semaphore, #tpu.memory_space<semaphore_mem>>
      %dma_start3A = arith.constant 0 : i32
      %dma_start3A_12 = tpu.memref_slice %arg3[%add3A, %dma_start3A] : memref<32x128xf32, #tpu.memory_space<hbm>> -> memref<1x128xf32, #tpu.memory_space<hbm>>
      %dma_start3A_13 = tpu.memref_squeeze %dma_start3A_12 : memref<1x128xf32, #tpu.memory_space<hbm>> -> memref<128xf32, #tpu.memory_space<hbm>>
      %dma_start3A_14 = arith.constant 0 : i32
      %dma_start3A_15 = tpu.memref_slice %arg3[%add3A, %dma_start3A_14] : memref<32x128xf32, #tpu.memory_space<hbm>> -> memref<1x128xf32, #tpu.memory_space<hbm>>
      %dma_start3A_16 = tpu.memref_squeeze %dma_start3A_15 : memref<1x128xf32, #tpu.memory_space<hbm>> -> memref<128xf32, #tpu.memory_space<hbm>>
      tpu.enqueue_dma source(%dma_start3A_16 : memref<128xf32, #tpu.memory_space<hbm>>) target(%arg8 : memref<128xf32, #tpu.memory_space<vmem>>) target_semaphore(%run_scoped3A : memref<!tpu.dma_semaphore, #tpu.memory_space<semaphore_mem>>)
      %dma_wait3A = arith.constant 0 : i32
      %dma_wait3A_17 = tpu.memref_slice %arg3[%add3A, %dma_wait3A] : memref<32x128xf32, #tpu.memory_space<hbm>> -> memref<1x128xf32, #tpu.memory_space<hbm>>
      %dma_wait3A_18 = tpu.memref_squeeze %dma_wait3A_17 : memref<1x128xf32, #tpu.memory_space<hbm>> -> memref<128xf32, #tpu.memory_space<hbm>>
      %dma_wait3A_19 = arith.constant 0 : i32
      %dma_wait3A_20 = tpu.memref_slice %arg3[%add3A, %dma_wait3A_19] : memref<32x128xf32, #tpu.memory_space<hbm>> -> memref<1x128xf32, #tpu.memory_space<hbm>>
      %dma_wait3A_21 = tpu.memref_squeeze %dma_wait3A_20 : memref<1x128xf32, #tpu.memory_space<hbm>> -> memref<128xf32, #tpu.memory_space<hbm>>
      tpu.wait_dma2 semaphore(%run_scoped3A : memref<!tpu.dma_semaphore, #tpu.memory_space<semaphore_mem>>) src(%dma_wait3A_21 : memref<128xf32, #tpu.memory_space<hbm>>) dst(%arg8 : memref<128xf32, #tpu.memory_space<vmem>>)
      tpu.yield
    }) : () -> ()
    %get3A = arith.constant 0 : index
    %get3A_1 = tpu.vector_load %arg8[%get3A] {strides = array<i32>} : memref<128xf32, #tpu.memory_space<vmem>>, vector<16xf32>,
    %slice3A = vector.extract_strided_slice %get3A_1 {offsets = [0], sizes = [1], strides = [1]} : vector<16xf32> to vector<1xf32>
    %squeeze3A = vector.extract %slice3A[0] : f32 from vector<1xf32>
    %iota3A = tpu.iota {dimensions = array<i32: 0>} : vector<16xi32>
    %scan3A = arith.constant 0 : i32
    %scan3A_2 = arith.constant 0 : i32
    %scan3A_3 = arith.constant 16 : i32
    %scan3A_4 = arith.addi %scan3A_2, %scan3A_3 : i32
    %scan3A_5 = arith.constant 1 : i32
    %scan3A_6 = scf.for %scan3A_12 = %scan3A_2 to %scan3A_4 step %scan3A_5 iter_args(%scan3A_13 = %scan3A) -> (i32)  : i32 {
      %mul3A_14 = arith.constant 16384 : i32
      %mul3A_15 = arith.muli %scan3A_12, %mul3A_14 : i32
      "tpu.region"() ({
        %run_scoped3A = tpu.sem_alloc : memref<!tpu.dma_semaphore, #tpu.memory_space<semaphore_mem>>
        %dma_start3A = tpu.memref_slice %arg2[%add3A, %mul3A_15] : memref<32x262144xf32, #tpu.memory_space<hbm>> -> memref<1x16384xf32, #tpu.memory_space<hbm>>
        %dma_start3A_22 = tpu.memref_squeeze %dma_start3A : memref<1x16384xf32, #tpu.memory_space<hbm>> -> memref<16384xf32, #tpu.memory_space<hbm>>
        %dma_start3A_23 = tpu.memref_slice %arg2[%add3A, %mul3A_15] : memref<32x262144xf32, #tpu.memory_space<hbm>> -> memref<1x16384xf32, #tpu.memory_space<hbm>>
        %dma_start3A_24 = tpu.memref_squeeze %dma_start3A_23 : memref<1x16384xf32, #tpu.memory_space<hbm>> -> memref<16384xf32, #tpu.memory_space<hbm>>
        tpu.enqueue_dma source(%dma_start3A_24 : memref<16384xf32, #tpu.memory_space<hbm>>) target(%arg7 : memref<16384xf32, #tpu.memory_space<vmem>>) target_semaphore(%run_scoped3A : memref<!tpu.dma_semaphore, #tpu.memory_space<semaphore_mem>>)
        %dma_wait3A = tpu.memref_slice %arg2[%add3A, %mul3A_15] : memref<32x262144xf32, #tpu.memory_space<hbm>> -> memref<1x16384xf32, #tpu.memory_space<hbm>>
        %dma_wait3A_25 = tpu.memref_squeeze %dma_wait3A : memref<1x16384xf32, #tpu.memory_space<hbm>> -> memref<16384xf32, #tpu.memory_space<hbm>>
        %dma_wait3A_26 = tpu.memref_slice %arg2[%add3A, %mul3A_15] : memref<32x262144xf32, #tpu.memory_space<hbm>> -> memref<1x16384xf32, #tpu.memory_space<hbm>>
        %dma_wait3A_27 = tpu.memref_squeeze %dma_wait3A_26 : memref<1x16384xf32, #tpu.memory_space<hbm>> -> memref<16384xf32, #tpu.memory_space<hbm>>
        tpu.wait_dma2 semaphore(%run_scoped3A : memref<!tpu.dma_semaphore, #tpu.memory_space<semaphore_mem>>) src(%dma_wait3A_27 : memref<16384xf32, #tpu.memory_space<hbm>>) dst(%arg7 : memref<16384xf32, #tpu.memory_space<vmem>>)
        tpu.yield
      }) : () -> ()
      %scan3A_16 = arith.constant 0 : i32
      %scan3A_17 = arith.constant 1024 : i32
      %scan3A_18 = arith.addi %scan3A_16, %scan3A_17 : i32
      %scan3A_19 = arith.constant 1 : i32
      %scan3A_20 = scf.for %scan3A_22 = %scan3A_16 to %scan3A_18 step %scan3A_19 iter_args(%scan3A_23 = %scan3A_13) -> (i32)  : i32 {
        %mul3A_24 = arith.constant 16 : i32
        %mul3A_25 = arith.muli %scan3A_22, %mul3A_24 : i32
        %get3A_26 = arith.index_cast %mul3A_25 : i32 to index
        %get3A_27 = tpu.vector_load %arg7[%get3A_26] {strides = array<i32>} : memref<16384xf32, #tpu.memory_space<vmem>>, vector<16xf32>,
        %ge3A = vector.broadcast %squeeze3A : f32 to vector<16xf32>
        %ge3A_28 = arith.cmpf oge, %get3A_27, %ge3A : vector<16xf32>
        %all_reduce_population_count3A = tpu.all_reduce %ge3A_28 {dim = 0 : i64, kind = #tpu.reduction_kind<sum>} : vector<16xi1> -> vector<16xi32>
        %slice3A_29 = vector.extract_strided_slice %all_reduce_population_count3A {offsets = [0], sizes = [1], strides = [1]} : vector<16xi32> to vector<1xi32>
        %squeeze3A_30 = vector.extract %slice3A_29[0] : i32 from vector<1xi32>
        %gt3A = arith.constant 0 : i32
        %gt3A_31 = arith.cmpi sgt, %squeeze3A_30, %gt3A : i32
        %le3A = arith.constant 1008 : i32
        %le3A_32 = arith.cmpi sle, %scan3A_23, %le3A : i32
        %and3A = arith.andi %gt3A_31, %le3A_32 : i1
        %convert_element_type3A = arith.extui %and3A : i1 to i32
        %cond3A = arith.constant 0 : i32
        %cond3A_33 = arith.cmpi ne, %convert_element_type3A, %cond3A : i32
        scf.if %cond3A_33 {
          %swap3A_37 = arith.index_cast %scan3A_23 : i32 to index
          %swap3A_38 = tpu.vector_load %arg9[%swap3A_37] masked %ge3A_28 {strides = array<i32>} : memref<1024xf32, #tpu.memory_space<vmem>>, vector<16xf32>, vector<16xi1>
          tpu.vector_store %arg9[%swap3A_37], %get3A_27 masked %ge3A_28 {strides = array<i32>} : memref<1024xf32, #tpu.memory_space<vmem>>, vector<16xf32>, vector<16xi1>
          %mul3A_39 = arith.constant 16384 : i32
          %mul3A_40 = arith.muli %scan3A_12, %mul3A_39 : i32
          %mul3A_41 = arith.constant 16 : i32
          %mul3A_42 = arith.muli %scan3A_22, %mul3A_41 : i32
          %add3A_43 = arith.addi %mul3A_40, %mul3A_42 : i32
          %add3A_44 = vector.broadcast %add3A_43 : i32 to vector<16xi32>
          %add3A_45 = arith.addi %add3A_44, %iota3A : vector<16xi32>
          %swap3A_46 = arith.index_cast %scan3A_23 : i32 to index
          %swap3A_47 = tpu.vector_load %arg10[%swap3A_46] masked %ge3A_28 {strides = array<i32>} : memref<1024xi32, #tpu.memory_space<vmem>>, vector<16xi32>, vector<16xi1>
          tpu.vector_store %arg10[%swap3A_46], %add3A_45 masked %ge3A_28 {strides = array<i32>} : memref<1024xi32, #tpu.memory_space<vmem>>, vector<16xi32>, vector<16xi1>
        } else {
        }
        %le3A_34 = arith.constant 1008 : i32
        %le3A_35 = arith.cmpi sle, %scan3A_23, %le3A_34 : i32
        %add3A_36 = arith.addi %scan3A_23, %squeeze3A_30 : i32
        %select_n3A = arith.select %le3A_35, %add3A_36, %scan3A_23 : i32
        scf.yield %select_n3A : i32
      }
      %scan3A_21 = arith.constant 1024 : i32
      scf.yield %scan3A_20 : i32
    }
    %scan3A_7 = arith.constant 16 : i32
    %broadcast_in_dim3A = arith.constant 0 : i32
    %broadcast_in_dim3A_8 = vector.broadcast %broadcast_in_dim3A : i32 to vector<16xi32>
    %add3A_9 = vector.broadcast %scan3A_6 : i32 to vector<16xi32>
    %add3A_10 = arith.addi %broadcast_in_dim3A_8, %add3A_9 : vector<16xi32>
    %swap3A = arith.constant 0 : index
    %swap3A_11 = tpu.vector_load %arg11[%swap3A] {strides = array<i32>} : memref<16xi32, #tpu.memory_space<vmem>>, vector<16xi32>,
    tpu.vector_store %arg11[%swap3A], %add3A_10 {strides = array<i32>} : memref<16xi32, #tpu.memory_space<vmem>>, vector<16xi32>,
    "tpu.region"() ({
      %run_scoped3A = tpu.sem_alloc : memref<!tpu.dma_semaphore, #tpu.memory_space<semaphore_mem>>
      %dma_start3A = arith.constant 0 : i32
      %dma_start3A_12 = tpu.memref_slice %arg4[%add3A, %dma_start3A] : memref<32x1024xf32, #tpu.memory_space<hbm>> -> memref<1x1024xf32, #tpu.memory_space<hbm>>
      %dma_start3A_13 = tpu.memref_squeeze %dma_start3A_12 : memref<1x1024xf32, #tpu.memory_space<hbm>> -> memref<1024xf32, #tpu.memory_space<hbm>>
      %dma_start3A_14 = arith.constant 0 : i32
      %dma_start3A_15 = tpu.memref_slice %arg4[%add3A, %dma_start3A_14] : memref<32x1024xf32, #tpu.memory_space<hbm>> -> memref<1x1024xf32, #tpu.memory_space<hbm>>
      %dma_start3A_16 = tpu.memref_squeeze %dma_start3A_15 : memref<1x1024xf32, #tpu.memory_space<hbm>> -> memref<1024xf32, #tpu.memory_space<hbm>>
      tpu.enqueue_dma source(%arg9 : memref<1024xf32, #tpu.memory_space<vmem>>) target(%dma_start3A_16 : memref<1024xf32, #tpu.memory_space<hbm>>) target_semaphore(%run_scoped3A : memref<!tpu.dma_semaphore, #tpu.memory_space<semaphore_mem>>)
      %dma_wait3A = arith.constant 0 : i32
      %dma_wait3A_17 = tpu.memref_slice %arg4[%add3A, %dma_wait3A] : memref<32x1024xf32, #tpu.memory_space<hbm>> -> memref<1x1024xf32, #tpu.memory_space<hbm>>
      %dma_wait3A_18 = tpu.memref_squeeze %dma_wait3A_17 : memref<1x1024xf32, #tpu.memory_space<hbm>> -> memref<1024xf32, #tpu.memory_space<hbm>>
      %dma_wait3A_19 = arith.constant 0 : i32
      %dma_wait3A_20 = tpu.memref_slice %arg4[%add3A, %dma_wait3A_19] : memref<32x1024xf32, #tpu.memory_space<hbm>> -> memref<1x1024xf32, #tpu.memory_space<hbm>>
      %dma_wait3A_21 = tpu.memref_squeeze %dma_wait3A_20 : memref<1x1024xf32, #tpu.memory_space<hbm>> -> memref<1024xf32, #tpu.memory_space<hbm>>
      tpu.wait_dma2 semaphore(%run_scoped3A : memref<!tpu.dma_semaphore, #tpu.memory_space<semaphore_mem>>) src(%arg9 : memref<1024xf32, #tpu.memory_space<vmem>>) dst(%dma_wait3A_21 : memref<1024xf32, #tpu.memory_space<hbm>>)
      tpu.yield
    }) : () -> ()
    "tpu.region"() ({
      %run_scoped3A = tpu.sem_alloc : memref<!tpu.dma_semaphore, #tpu.memory_space<semaphore_mem>>
      %dma_start3A = arith.constant 0 : i32
      %dma_start3A_12 = tpu.memref_slice %arg5[%add3A, %dma_start3A] : memref<32x1024xi32, #tpu.memory_space<hbm>> -> memref<1x1024xi32, #tpu.memory_space<hbm>>
      %dma_start3A_13 = tpu.memref_squeeze %dma_start3A_12 : memref<1x1024xi32, #tpu.memory_space<hbm>> -> memref<1024xi32, #tpu.memory_space<hbm>>
      %dma_start3A_14 = arith.constant 0 : i32
      %dma_start3A_15 = tpu.memref_slice %arg5[%add3A, %dma_start3A_14] : memref<32x1024xi32, #tpu.memory_space<hbm>> -> memref<1x1024xi32, #tpu.memory_space<hbm>>
      %dma_start3A_16 = tpu.memref_squeeze %dma_start3A_15 : memref<1x1024xi32, #tpu.memory_space<hbm>> -> memref<1024xi32, #tpu.memory_space<hbm>>
      tpu.enqueue_dma source(%arg10 : memref<1024xi32, #tpu.memory_space<vmem>>) target(%dma_start3A_16 : memref<1024xi32, #tpu.memory_space<hbm>>) target_semaphore(%run_scoped3A : memref<!tpu.dma_semaphore, #tpu.memory_space<semaphore_mem>>)
      %dma_wait3A = arith.constant 0 : i32
      %dma_wait3A_17 = tpu.memref_slice %arg5[%add3A, %dma_wait3A] : memref<32x1024xi32, #tpu.memory_space<hbm>> -> memref<1x1024xi32, #tpu.memory_space<hbm>>
      %dma_wait3A_18 = tpu.memref_squeeze %dma_wait3A_17 : memref<1x1024xi32, #tpu.memory_space<hbm>> -> memref<1024xi32, #tpu.memory_space<hbm>>
      %dma_wait3A_19 = arith.constant 0 : i32
      %dma_wait3A_20 = tpu.memref_slice %arg5[%add3A, %dma_wait3A_19] : memref<32x1024xi32, #tpu.memory_space<hbm>> -> memref<1x1024xi32, #tpu.memory_space<hbm>>
      %dma_wait3A_21 = tpu.memref_squeeze %dma_wait3A_20 : memref<1x1024xi32, #tpu.memory_space<hbm>> -> memref<1024xi32, #tpu.memory_space<hbm>>
      tpu.wait_dma2 semaphore(%run_scoped3A : memref<!tpu.dma_semaphore, #tpu.memory_space<semaphore_mem>>) src(%arg10 : memref<1024xi32, #tpu.memory_space<vmem>>) dst(%dma_wait3A_21 : memref<1024xi32, #tpu.memory_space<hbm>>)
      tpu.yield
    }) : () -> ()
    "tpu.region"() ({
      %run_scoped3A = tpu.sem_alloc : memref<!tpu.dma_semaphore, #tpu.memory_space<semaphore_mem>>
      %dma_start3A = arith.constant 0 : i32
      %dma_start3A_12 = tpu.memref_slice %arg6[%add3A, %dma_start3A] : memref<32x128xi32, #tpu.memory_space<hbm>> -> memref<1x16xi32, #tpu.memory_space<hbm>>
      %dma_start3A_13 = tpu.memref_squeeze %dma_start3A_12 : memref<1x16xi32, #tpu.memory_space<hbm>> -> memref<16xi32, #tpu.memory_space<hbm>>
      %dma_start3A_14 = arith.constant 0 : i32
      %dma_start3A_15 = tpu.memref_slice %arg6[%add3A, %dma_start3A_14] : memref<32x128xi32, #tpu.memory_space<hbm>> -> memref<1x16xi32, #tpu.memory_space<hbm>>
      %dma_start3A_16 = tpu.memref_squeeze %dma_start3A_15 : memref<1x16xi32, #tpu.memory_space<hbm>> -> memref<16xi32, #tpu.memory_space<hbm>>
      tpu.enqueue_dma source(%arg11 : memref<16xi32, #tpu.memory_space<vmem>>) target(%dma_start3A_16 : memref<16xi32, #tpu.memory_space<hbm>>) target_semaphore(%run_scoped3A : memref<!tpu.dma_semaphore, #tpu.memory_space<semaphore_mem>>)
      %dma_wait3A = arith.constant 0 : i32
      %dma_wait3A_17 = tpu.memref_slice %arg6[%add3A, %dma_wait3A] : memref<32x128xi32, #tpu.memory_space<hbm>> -> memref<1x16xi32, #tpu.memory_space<hbm>>
      %dma_wait3A_18 = tpu.memref_squeeze %dma_wait3A_17 : memref<1x16xi32, #tpu.memory_space<hbm>> -> memref<16xi32, #tpu.memory_space<hbm>>
      %dma_wait3A_19 = arith.constant 0 : i32
      %dma_wait3A_20 = tpu.memref_slice %arg6[%add3A, %dma_wait3A_19] : memref<32x128xi32, #tpu.memory_space<hbm>> -> memref<1x16xi32, #tpu.memory_space<hbm>>
      %dma_wait3A_21 = tpu.memref_squeeze %dma_wait3A_20 : memref<1x16xi32, #tpu.memory_space<hbm>> -> memref<16xi32, #tpu.memory_space<hbm>>
      tpu.wait_dma2 semaphore(%run_scoped3A : memref<!tpu.dma_semaphore, #tpu.memory_space<semaphore_mem>>) src(%arg11 : memref<16xi32, #tpu.memory_space<vmem>>) dst(%dma_wait3A_21 : memref<16xi32, #tpu.memory_space<hbm>>)
      tpu.yield
    }) : () -> ()
    return
  }
}

#map = affine_map<(d0, d1) -> (0, 0, 0, 0)>
#map1 = affine_map<(d0, d1) -> (0, 0, 0)>
#map2 = affine_map<(d0, d1) -> (0, 0)>
module attributes {stable_mosaic.version = 14 : i64} {
  func.func @k(%arg0: i32, %arg1: i32, %arg2: memref<16x4x512x512xi32, #tpu.memory_space<hbm>>, %arg3: memref<16x4x512x512xf32, #tpu.memory_space<hbm>>, %arg4: memref<16x2048x128xf32, #tpu.memory_space<hbm>>, %arg5: memref<16x64x128xf32, #tpu.memory_space<hbm>>, %arg6: memref<16x262144xf32, #tpu.memory_space<hbm>>, %arg7: memref<4x16x512xi32, #tpu.memory_space<vmem>>, %arg8: memref<4x16x512xf32, #tpu.memory_space<vmem>>, %arg9: memref<352x128xf32, #tpu.memory_space<vmem>>, %arg10: memref<8192xf32, #tpu.memory_space<vmem>>, %arg11: memref<64x128xf32, #tpu.memory_space<vmem>>) attributes {dimension_semantics = [#tpu.dimension_semantics<core_parallel>, #tpu.dimension_semantics<subcore_parallel>], iteration_bounds = array<i64: 2, 16>, scalar_prefetch = 0 : i64, scratch_operands = 5 : i64, tpu.core_type = #tpu.core_type<sc_vector_subcore>, window_params = [{transform_indices = #map}, {transform_indices = #map}, {transform_indices = #map1}, {transform_indices = #map1}, {transform_indices = #map2}]} {
    %mul3A = arith.constant 2 : i32
    %mul3A_0 = arith.muli %arg1, %mul3A : i32
    %add3A = arith.addi %mul3A_0, %arg0 : i32
    %jit3A = arith.constant 2 : i32
    %div3A = arith.divsi %add3A, %jit3A : i32
    %sign3A = arith.constant 0 : i32
    %sign3A_1 = arith.cmpi sgt, %add3A, %sign3A : i32
    %sign3A_2 = arith.extui %sign3A_1 : i1 to i32
    %sign3A_3 = arith.constant 0 : i32
    %sign3A_4 = arith.cmpi slt, %add3A, %sign3A_3 : i32
    %sign3A_5 = arith.extui %sign3A_4 : i1 to i32
    %sign3A_6 = arith.subi %sign3A_2, %sign3A_5 : i32
    %sign3A_7 = arith.constant 0 : i32
    %sign3A_8 = arith.cmpi sgt, %jit3A, %sign3A_7 : i32
    %sign3A_9 = arith.extui %sign3A_8 : i1 to i32
    %sign3A_10 = arith.constant 0 : i32
    %sign3A_11 = arith.cmpi slt, %jit3A, %sign3A_10 : i32
    %sign3A_12 = arith.extui %sign3A_11 : i1 to i32
    %sign3A_13 = arith.subi %sign3A_9, %sign3A_12 : i32
    %ne3A = arith.cmpi ne, %sign3A_6, %sign3A_13 : i32
    %rem3A = arith.remsi %add3A, %jit3A : i32
    %ne3A_14 = arith.constant 0 : i32
    %ne3A_15 = arith.cmpi ne, %rem3A, %ne3A_14 : i32
    %and3A = arith.andi %ne3A, %ne3A_15 : i1
    %sub3A = arith.constant 1 : i32
    %sub3A_16 = arith.subi %div3A, %sub3A : i32
    %select_n3A = arith.select %and3A, %sub3A_16, %div3A : i32
    %jit3A_17 = arith.constant 2 : i32
    %eq3A = arith.constant 0 : i32
    %eq3A_18 = arith.cmpi eq, %jit3A_17, %eq3A : i32
    %jit3A_19 = arith.constant 1 : i32
    %select_n3A_20 = arith.select %eq3A_18, %jit3A_19, %jit3A_17 : i32
    %rem3A_21 = arith.remsi %add3A, %select_n3A_20 : i32
    %ne3A_22 = arith.constant 0 : i32
    %ne3A_23 = arith.cmpi ne, %rem3A_21, %ne3A_22 : i32
    %lt3A = arith.constant 0 : i32
    %lt3A_24 = arith.cmpi slt, %rem3A_21, %lt3A : i32
    %lt3A_25 = arith.constant 0 : i32
    %lt3A_26 = arith.cmpi slt, %select_n3A_20, %lt3A_25 : i32
    %ne3A_27 = arith.xori %lt3A_24, %lt3A_26 : i1
    %and3A_28 = arith.andi %ne3A_27, %ne3A_23 : i1
    %add3A_29 = arith.addi %rem3A_21, %select_n3A_20 : i32
    %select_n3A_30 = arith.select %and3A_28, %add3A_29, %rem3A_21 : i32
    "tpu.region"() ({
      %run_scoped3A = tpu.sem_alloc : memref<!tpu.dma_semaphore, #tpu.memory_space<semaphore_mem>>
      %dma_start3A = arith.constant 0 : i32
      %dma_start3A_37 = arith.constant 0 : i32
      %dma_start3A_38 = tpu.memref_slice %arg5[%select_n3A, %dma_start3A, %dma_start3A_37] : memref<16x64x128xf32, #tpu.memory_space<hbm>> -> memref<1x64x128xf32, #tpu.memory_space<hbm>>
      %dma_start3A_39 = tpu.memref_squeeze %dma_start3A_38 : memref<1x64x128xf32, #tpu.memory_space<hbm>> -> memref<64x128xf32, #tpu.memory_space<hbm>>
      %dma_start3A_40 = arith.constant 0 : i32
      %dma_start3A_41 = arith.constant 0 : i32
      %dma_start3A_42 = tpu.memref_slice %arg5[%select_n3A, %dma_start3A_40, %dma_start3A_41] : memref<16x64x128xf32, #tpu.memory_space<hbm>> -> memref<1x64x128xf32, #tpu.memory_space<hbm>>
      %dma_start3A_43 = tpu.memref_squeeze %dma_start3A_42 : memref<1x64x128xf32, #tpu.memory_space<hbm>> -> memref<64x128xf32, #tpu.memory_space<hbm>>
      tpu.enqueue_dma source(%dma_start3A_43 : memref<64x128xf32, #tpu.memory_space<hbm>>) target(%arg11 : memref<64x128xf32, #tpu.memory_space<vmem>>) target_semaphore(%run_scoped3A : memref<!tpu.dma_semaphore, #tpu.memory_space<semaphore_mem>>)
      %dma_wait3A = arith.constant 0 : i32
      %dma_wait3A_44 = arith.constant 0 : i32
      %dma_wait3A_45 = tpu.memref_slice %arg5[%select_n3A, %dma_wait3A, %dma_wait3A_44] : memref<16x64x128xf32, #tpu.memory_space<hbm>> -> memref<1x64x128xf32, #tpu.memory_space<hbm>>
      %dma_wait3A_46 = tpu.memref_squeeze %dma_wait3A_45 : memref<1x64x128xf32, #tpu.memory_space<hbm>> -> memref<64x128xf32, #tpu.memory_space<hbm>>
      %dma_wait3A_47 = arith.constant 0 : i32
      %dma_wait3A_48 = arith.constant 0 : i32
      %dma_wait3A_49 = tpu.memref_slice %arg5[%select_n3A, %dma_wait3A_47, %dma_wait3A_48] : memref<16x64x128xf32, #tpu.memory_space<hbm>> -> memref<1x64x128xf32, #tpu.memory_space<hbm>>
      %dma_wait3A_50 = tpu.memref_squeeze %dma_wait3A_49 : memref<1x64x128xf32, #tpu.memory_space<hbm>> -> memref<64x128xf32, #tpu.memory_space<hbm>>
      tpu.wait_dma2 semaphore(%run_scoped3A : memref<!tpu.dma_semaphore, #tpu.memory_space<semaphore_mem>>) src(%dma_wait3A_50 : memref<64x128xf32, #tpu.memory_space<hbm>>) dst(%arg11 : memref<64x128xf32, #tpu.memory_space<vmem>>)
      tpu.yield
    }) : () -> ()
    %scan3A = arith.constant 0 : i32
    %scan3A_31 = arith.constant 0 : i32
    %scan3A_32 = arith.constant 16 : i32
    %scan3A_33 = arith.addi %scan3A_31, %scan3A_32 : i32
    %scan3A_34 = arith.constant 1 : i32
    %scan3A_35 = scf.for %scan3A_37 = %scan3A_31 to %scan3A_33 step %scan3A_34 iter_args(%scan3A_38 = %scan3A) -> (i32)  : i32 {
      %mul3A_39 = arith.constant 256 : i32
      %mul3A_40 = arith.muli %select_n3A_30, %mul3A_39 : i32
      %mul3A_41 = arith.constant 16 : i32
      %mul3A_42 = arith.muli %scan3A_37, %mul3A_41 : i32
      %add3A_43 = arith.addi %mul3A_40, %mul3A_42 : i32
      "tpu.region"() ({
        %run_scoped3A = tpu.sem_alloc : memref<!tpu.dma_semaphore, #tpu.memory_space<semaphore_mem>>
        %dma_start3A = arith.constant 0 : i32
        %dma_start3A_114 = arith.constant 0 : i32
        %dma_start3A_115 = tpu.memref_slice %arg2[%select_n3A, %dma_start3A, %add3A_43, %dma_start3A_114] : memref<16x4x512x512xi32, #tpu.memory_space<hbm>> -> memref<1x4x16x512xi32, #tpu.memory_space<hbm>>
        %dma_start3A_116 = tpu.memref_squeeze %dma_start3A_115 : memref<1x4x16x512xi32, #tpu.memory_space<hbm>> -> memref<4x16x512xi32, #tpu.memory_space<hbm>>
        %dma_start3A_117 = arith.constant 0 : i32
        %dma_start3A_118 = arith.constant 0 : i32
        %dma_start3A_119 = tpu.memref_slice %arg2[%select_n3A, %dma_start3A_117, %add3A_43, %dma_start3A_118] : memref<16x4x512x512xi32, #tpu.memory_space<hbm>> -> memref<1x4x16x512xi32, #tpu.memory_space<hbm>>
        %dma_start3A_120 = tpu.memref_squeeze %dma_start3A_119 : memref<1x4x16x512xi32, #tpu.memory_space<hbm>> -> memref<4x16x512xi32, #tpu.memory_space<hbm>>
        tpu.enqueue_dma source(%dma_start3A_120 : memref<4x16x512xi32, #tpu.memory_space<hbm>>) target(%arg7 : memref<4x16x512xi32, #tpu.memory_space<vmem>>) target_semaphore(%run_scoped3A : memref<!tpu.dma_semaphore, #tpu.memory_space<semaphore_mem>>)
        %dma_wait3A = arith.constant 0 : i32
        %dma_wait3A_121 = arith.constant 0 : i32
        %dma_wait3A_122 = tpu.memref_slice %arg2[%select_n3A, %dma_wait3A, %add3A_43, %dma_wait3A_121] : memref<16x4x512x512xi32, #tpu.memory_space<hbm>> -> memref<1x4x16x512xi32, #tpu.memory_space<hbm>>
        %dma_wait3A_123 = tpu.memref_squeeze %dma_wait3A_122 : memref<1x4x16x512xi32, #tpu.memory_space<hbm>> -> memref<4x16x512xi32, #tpu.memory_space<hbm>>
        %dma_wait3A_124 = arith.constant 0 : i32
        %dma_wait3A_125 = arith.constant 0 : i32
        %dma_wait3A_126 = tpu.memref_slice %arg2[%select_n3A, %dma_wait3A_124, %add3A_43, %dma_wait3A_125] : memref<16x4x512x512xi32, #tpu.memory_space<hbm>> -> memref<1x4x16x512xi32, #tpu.memory_space<hbm>>
        %dma_wait3A_127 = tpu.memref_squeeze %dma_wait3A_126 : memref<1x4x16x512xi32, #tpu.memory_space<hbm>> -> memref<4x16x512xi32, #tpu.memory_space<hbm>>
        tpu.wait_dma2 semaphore(%run_scoped3A : memref<!tpu.dma_semaphore, #tpu.memory_space<semaphore_mem>>) src(%dma_wait3A_127 : memref<4x16x512xi32, #tpu.memory_space<hbm>>) dst(%arg7 : memref<4x16x512xi32, #tpu.memory_space<vmem>>)
        tpu.yield
      }) : () -> ()
      "tpu.region"() ({
        %run_scoped3A = tpu.sem_alloc : memref<!tpu.dma_semaphore, #tpu.memory_space<semaphore_mem>>
        %dma_start3A = arith.constant 0 : i32
        %dma_start3A_114 = arith.constant 0 : i32
        %dma_start3A_115 = tpu.memref_slice %arg3[%select_n3A, %dma_start3A, %add3A_43, %dma_start3A_114] : memref<16x4x512x512xf32, #tpu.memory_space<hbm>> -> memref<1x4x16x512xf32, #tpu.memory_space<hbm>>
        %dma_start3A_116 = tpu.memref_squeeze %dma_start3A_115 : memref<1x4x16x512xf32, #tpu.memory_space<hbm>> -> memref<4x16x512xf32, #tpu.memory_space<hbm>>
        %dma_start3A_117 = arith.constant 0 : i32
        %dma_start3A_118 = arith.constant 0 : i32
        %dma_start3A_119 = tpu.memref_slice %arg3[%select_n3A, %dma_start3A_117, %add3A_43, %dma_start3A_118] : memref<16x4x512x512xf32, #tpu.memory_space<hbm>> -> memref<1x4x16x512xf32, #tpu.memory_space<hbm>>
        %dma_start3A_120 = tpu.memref_squeeze %dma_start3A_119 : memref<1x4x16x512xf32, #tpu.memory_space<hbm>> -> memref<4x16x512xf32, #tpu.memory_space<hbm>>
        tpu.enqueue_dma source(%dma_start3A_120 : memref<4x16x512xf32, #tpu.memory_space<hbm>>) target(%arg8 : memref<4x16x512xf32, #tpu.memory_space<vmem>>) target_semaphore(%run_scoped3A : memref<!tpu.dma_semaphore, #tpu.memory_space<semaphore_mem>>)
        %dma_wait3A = arith.constant 0 : i32
        %dma_wait3A_121 = arith.constant 0 : i32
        %dma_wait3A_122 = tpu.memref_slice %arg3[%select_n3A, %dma_wait3A, %add3A_43, %dma_wait3A_121] : memref<16x4x512x512xf32, #tpu.memory_space<hbm>> -> memref<1x4x16x512xf32, #tpu.memory_space<hbm>>
        %dma_wait3A_123 = tpu.memref_squeeze %dma_wait3A_122 : memref<1x4x16x512xf32, #tpu.memory_space<hbm>> -> memref<4x16x512xf32, #tpu.memory_space<hbm>>
        %dma_wait3A_124 = arith.constant 0 : i32
        %dma_wait3A_125 = arith.constant 0 : i32
        %dma_wait3A_126 = tpu.memref_slice %arg3[%select_n3A, %dma_wait3A_124, %add3A_43, %dma_wait3A_125] : memref<16x4x512x512xf32, #tpu.memory_space<hbm>> -> memref<1x4x16x512xf32, #tpu.memory_space<hbm>>
        %dma_wait3A_127 = tpu.memref_squeeze %dma_wait3A_126 : memref<1x4x16x512xf32, #tpu.memory_space<hbm>> -> memref<4x16x512xf32, #tpu.memory_space<hbm>>
        tpu.wait_dma2 semaphore(%run_scoped3A : memref<!tpu.dma_semaphore, #tpu.memory_space<semaphore_mem>>) src(%dma_wait3A_127 : memref<4x16x512xf32, #tpu.memory_space<hbm>>) dst(%arg8 : memref<4x16x512xf32, #tpu.memory_space<vmem>>)
        tpu.yield
      }) : () -> ()
      %scan3A_44 = arith.constant 0 : i32
      %scan3A_45 = arith.constant 0 : i32
      %scan3A_46 = arith.constant 512 : i32
      %scan3A_47 = arith.addi %scan3A_45, %scan3A_46 : i32
      %scan3A_48 = arith.constant 1 : i32
      %scan3A_49 = scf.for %scan3A_114 = %scan3A_45 to %scan3A_47 step %scan3A_48 iter_args(%scan3A_115 = %scan3A_44) -> (i32)  : i32 {
        %broadcast_in_dim3A = arith.constant 0.000000e+00 : f32
        %broadcast_in_dim3A_116 = vector.broadcast %broadcast_in_dim3A : f32 to vector<16xf32>
        %mul3A_117 = arith.constant 16 : i32
        %mul3A_118 = arith.muli %scan3A_114, %mul3A_117 : i32
        %swap3A = arith.index_cast %mul3A_118 : i32 to index
        %swap3A_119 = tpu.vector_load %arg10[%swap3A] {strides = array<i32>} : memref<8192xf32, #tpu.memory_space<vmem>>, vector<16xf32>,
        tpu.vector_store %arg10[%swap3A], %broadcast_in_dim3A_116 {strides = array<i32>} : memref<8192xf32, #tpu.memory_space<vmem>>, vector<16xf32>,
        %scan3A_120 = arith.constant 0 : i32
        scf.yield %scan3A_120 : i32
      }
      %scan3A_50 = arith.constant 512 : i32
      %mul3A_51 = arith.constant 16 : i32
      %mul3A_52 = arith.muli %select_n3A_30, %mul3A_51 : i32
      %add3A_53 = arith.addi %mul3A_52, %scan3A_37 : i32
      %get3A = arith.index_cast %add3A_53 : i32 to index
      %get3A_54 = arith.constant 0 : index
      %get3A_55 = tpu.vector_load %arg11[%get3A, %get3A_54] {strides = array<i32>} : memref<64x128xf32, #tpu.memory_space<vmem>>, vector<16xf32>,
      %slice3A = vector.extract_strided_slice %get3A_55 {offsets = [0], sizes = [1], strides = [1]} : vector<16xf32> to vector<1xf32>
      %squeeze3A = vector.extract %slice3A[0] : f32 from vector<1xf32>
      %add3A_56 = arith.constant 32 : i32
      %add3A_57 = arith.addi %add3A_56, %add3A_53 : i32
      %get3A_58 = arith.index_cast %add3A_57 : i32 to index
      %get3A_59 = arith.constant 0 : index
      %get3A_60 = tpu.vector_load %arg11[%get3A_58, %get3A_59] {strides = array<i32>} : memref<64x128xf32, #tpu.memory_space<vmem>>, vector<16xf32>,
      %slice3A_61 = vector.extract_strided_slice %get3A_60 {offsets = [0], sizes = [1], strides = [1]} : vector<16xf32> to vector<1xf32>
      %squeeze3A_62 = vector.extract %slice3A_61[0] : f32 from vector<1xf32>
      %lt3A_63 = arith.constant 8.600000e+01 : f32
      %lt3A_64 = arith.cmpf olt, %squeeze3A, %lt3A_63 : f32
      %ge3A = arith.constant 0.000000e+00 : f32
      %ge3A_65 = arith.cmpf oge, %squeeze3A_62, %ge3A : f32
      %and3A_66 = arith.andi %lt3A_64, %ge3A_65 : i1
      %convert_element_type3A = arith.extui %and3A_66 : i1 to i32
      %cond3A = arith.constant 0 : i32
      %cond3A_67 = arith.cmpi ne, %convert_element_type3A, %cond3A : i32
      scf.if %cond3A_67 {
        "tpu.region"() ({
          %run_scoped3A = tpu.sem_alloc : memref<!tpu.dma_semaphore, #tpu.memory_space<semaphore_mem>>
          %dma_start3A = arith.constant 0 : i32
          %dma_start3A_121 = arith.constant 0 : i32
          %dma_start3A_122 = tpu.memref_slice %arg9[%dma_start3A, %dma_start3A_121] : memref<352x128xf32, #tpu.memory_space<vmem>> -> memref<352x128xf32, #tpu.memory_space<vmem>>
          %dma_start3A_123 = arith.constant 0 : i32
          %dma_start3A_124 = arith.constant 0 : i32
          %dma_start3A_125 = tpu.memref_slice %arg4[%select_n3A, %dma_start3A_123, %dma_start3A_124] : memref<16x2048x128xf32, #tpu.memory_space<hbm>> -> memref<1x352x128xf32, #tpu.memory_space<hbm>>
          %dma_start3A_126 = tpu.memref_squeeze %dma_start3A_125 : memref<1x352x128xf32, #tpu.memory_space<hbm>> -> memref<352x128xf32, #tpu.memory_space<hbm>>
          %dma_start3A_127 = arith.constant 0 : i32
          %dma_start3A_128 = arith.constant 0 : i32
          %dma_start3A_129 = tpu.memref_slice %arg9[%dma_start3A_127, %dma_start3A_128] : memref<352x128xf32, #tpu.memory_space<vmem>> -> memref<352x128xf32, #tpu.memory_space<vmem>>
          %dma_start3A_130 = arith.constant 0 : i32
          %dma_start3A_131 = arith.constant 0 : i32
          %dma_start3A_132 = tpu.memref_slice %arg4[%select_n3A, %dma_start3A_130, %dma_start3A_131] : memref<16x2048x128xf32, #tpu.memory_space<hbm>> -> memref<1x352x128xf32, #tpu.memory_space<hbm>>
          %dma_start3A_133 = tpu.memref_squeeze %dma_start3A_132 : memref<1x352x128xf32, #tpu.memory_space<hbm>> -> memref<352x128xf32, #tpu.memory_space<hbm>>
          tpu.enqueue_dma source(%dma_start3A_133 : memref<352x128xf32, #tpu.memory_space<hbm>>) target(%dma_start3A_129 : memref<352x128xf32, #tpu.memory_space<vmem>>) target_semaphore(%run_scoped3A : memref<!tpu.dma_semaphore, #tpu.memory_space<semaphore_mem>>)
          %dma_wait3A = arith.constant 0 : i32
          %dma_wait3A_134 = arith.constant 0 : i32
          %dma_wait3A_135 = tpu.memref_slice %arg9[%dma_wait3A, %dma_wait3A_134] : memref<352x128xf32, #tpu.memory_space<vmem>> -> memref<352x128xf32, #tpu.memory_space<vmem>>
          %dma_wait3A_136 = arith.constant 0 : i32
          %dma_wait3A_137 = arith.constant 0 : i32
          %dma_wait3A_138 = tpu.memref_slice %arg4[%select_n3A, %dma_wait3A_136, %dma_wait3A_137] : memref<16x2048x128xf32, #tpu.memory_space<hbm>> -> memref<1x352x128xf32, #tpu.memory_space<hbm>>
          %dma_wait3A_139 = tpu.memref_squeeze %dma_wait3A_138 : memref<1x352x128xf32, #tpu.memory_space<hbm>> -> memref<352x128xf32, #tpu.memory_space<hbm>>
          %dma_wait3A_140 = arith.constant 0 : i32
          %dma_wait3A_141 = arith.constant 0 : i32
          %dma_wait3A_142 = tpu.memref_slice %arg9[%dma_wait3A_140, %dma_wait3A_141] : memref<352x128xf32, #tpu.memory_space<vmem>> -> memref<352x128xf32, #tpu.memory_space<vmem>>
          %dma_wait3A_143 = arith.constant 0 : i32
          %dma_wait3A_144 = arith.constant 0 : i32
          %dma_wait3A_145 = tpu.memref_slice %arg4[%select_n3A, %dma_wait3A_143, %dma_wait3A_144] : memref<16x2048x128xf32, #tpu.memory_space<hbm>> -> memref<1x352x128xf32, #tpu.memory_space<hbm>>
          %dma_wait3A_146 = tpu.memref_squeeze %dma_wait3A_145 : memref<1x352x128xf32, #tpu.memory_space<hbm>> -> memref<352x128xf32, #tpu.memory_space<hbm>>
          tpu.wait_dma2 semaphore(%run_scoped3A : memref<!tpu.dma_semaphore, #tpu.memory_space<semaphore_mem>>) src(%dma_wait3A_146 : memref<352x128xf32, #tpu.memory_space<hbm>>) dst(%dma_wait3A_142 : memref<352x128xf32, #tpu.memory_space<vmem>>)
          tpu.yield
        }) : () -> ()
        %scan3A_114 = arith.constant 0 : i32
        %scan3A_115 = arith.constant 0 : i32
        %scan3A_116 = arith.constant 512 : i32
        %scan3A_117 = arith.addi %scan3A_115, %scan3A_116 : i32
        %scan3A_118 = arith.constant 1 : i32
        %scan3A_119 = scf.for %scan3A_121 = %scan3A_115 to %scan3A_117 step %scan3A_118 iter_args(%scan3A_122 = %scan3A_114) -> (i32)  : i32 {
          %jit3A_123 = arith.constant 32 : i32
          %div3A_124 = arith.divsi %scan3A_121, %jit3A_123 : i32
          %sign3A_125 = arith.constant 0 : i32
          %sign3A_126 = arith.cmpi sgt, %scan3A_121, %sign3A_125 : i32
          %sign3A_127 = arith.extui %sign3A_126 : i1 to i32
          %sign3A_128 = arith.constant 0 : i32
          %sign3A_129 = arith.cmpi slt, %scan3A_121, %sign3A_128 : i32
          %sign3A_130 = arith.extui %sign3A_129 : i1 to i32
          %sign3A_131 = arith.subi %sign3A_127, %sign3A_130 : i32
          %sign3A_132 = arith.constant 0 : i32
          %sign3A_133 = arith.cmpi sgt, %jit3A_123, %sign3A_132 : i32
          %sign3A_134 = arith.extui %sign3A_133 : i1 to i32
          %sign3A_135 = arith.constant 0 : i32
          %sign3A_136 = arith.cmpi slt, %jit3A_123, %sign3A_135 : i32
          %sign3A_137 = arith.extui %sign3A_136 : i1 to i32
          %sign3A_138 = arith.subi %sign3A_134, %sign3A_137 : i32
          %ne3A_139 = arith.cmpi ne, %sign3A_131, %sign3A_138 : i32
          %rem3A_140 = arith.remsi %scan3A_121, %jit3A_123 : i32
          %ne3A_141 = arith.constant 0 : i32
          %ne3A_142 = arith.cmpi ne, %rem3A_140, %ne3A_141 : i32
          %and3A_143 = arith.andi %ne3A_139, %ne3A_142 : i1
          %sub3A_144 = arith.constant 1 : i32
          %sub3A_145 = arith.subi %div3A_124, %sub3A_144 : i32
          %select_n3A_146 = arith.select %and3A_143, %sub3A_145, %div3A_124 : i32
          %jit3A_147 = arith.constant 32 : i32
          %eq3A_148 = arith.constant 0 : i32
          %eq3A_149 = arith.cmpi eq, %jit3A_147, %eq3A_148 : i32
          %jit3A_150 = arith.constant 1 : i32
          %select_n3A_151 = arith.select %eq3A_149, %jit3A_150, %jit3A_147 : i32
          %rem3A_152 = arith.remsi %scan3A_121, %select_n3A_151 : i32
          %ne3A_153 = arith.constant 0 : i32
          %ne3A_154 = arith.cmpi ne, %rem3A_152, %ne3A_153 : i32
          %lt3A_155 = arith.constant 0 : i32
          %lt3A_156 = arith.cmpi slt, %rem3A_152, %lt3A_155 : i32
          %lt3A_157 = arith.constant 0 : i32
          %lt3A_158 = arith.cmpi slt, %select_n3A_151, %lt3A_157 : i32
          %ne3A_159 = arith.xori %lt3A_156, %lt3A_158 : i1
          %and3A_160 = arith.andi %ne3A_159, %ne3A_154 : i1
          %add3A_161 = arith.addi %rem3A_152, %select_n3A_151 : i32
          %select_n3A_162 = arith.select %and3A_160, %add3A_161, %rem3A_152 : i32
          %mul3A_163 = arith.constant 16 : i32
          %mul3A_164 = arith.muli %select_n3A_162, %mul3A_163 : i32
          %get3A_165 = arith.constant 0 : i32
          %get3A_166 = arith.index_cast %get3A_165 : i32 to index
          %get3A_167 = arith.index_cast %select_n3A_146 : i32 to index
          %get3A_168 = arith.index_cast %mul3A_164 : i32 to index
          %get3A_169 = tpu.vector_load %arg7[%get3A_166, %get3A_167, %get3A_168] {strides = array<i32>} : memref<4x16x512xi32, #tpu.memory_space<vmem>>, vector<16xi32>,
          %get3A_170 = arith.constant 1 : i32
          %get3A_171 = arith.index_cast %get3A_170 : i32 to index
          %get3A_172 = arith.index_cast %select_n3A_146 : i32 to index
          %get3A_173 = arith.index_cast %mul3A_164 : i32 to index
          %get3A_174 = tpu.vector_load %arg7[%get3A_171, %get3A_172, %get3A_173] {strides = array<i32>} : memref<4x16x512xi32, #tpu.memory_space<vmem>>, vector<16xi32>,
          %get3A_175 = arith.constant 2 : i32
          %get3A_176 = arith.index_cast %get3A_175 : i32 to index
          %get3A_177 = arith.index_cast %select_n3A_146 : i32 to index
          %get3A_178 = arith.index_cast %mul3A_164 : i32 to index
          %get3A_179 = tpu.vector_load %arg7[%get3A_176, %get3A_177, %get3A_178] {strides = array<i32>} : memref<4x16x512xi32, #tpu.memory_space<vmem>>, vector<16xi32>,
          %get3A_180 = arith.constant 3 : i32
          %get3A_181 = arith.index_cast %get3A_180 : i32 to index
          %get3A_182 = arith.index_cast %select_n3A_146 : i32 to index
          %get3A_183 = arith.index_cast %mul3A_164 : i32 to index
          %get3A_184 = tpu.vector_load %arg7[%get3A_181, %get3A_182, %get3A_183] {strides = array<i32>} : memref<4x16x512xi32, #tpu.memory_space<vmem>>, vector<16xi32>,
          %get3A_185 = arith.constant 0 : i32
          %get3A_186 = arith.index_cast %get3A_185 : i32 to index
          %get3A_187 = arith.index_cast %select_n3A_146 : i32 to index
          %get3A_188 = arith.index_cast %mul3A_164 : i32 to index
          %get3A_189 = tpu.vector_load %arg8[%get3A_186, %get3A_187, %get3A_188] {strides = array<i32>} : memref<4x16x512xf32, #tpu.memory_space<vmem>>, vector<16xf32>,
          %get3A_190 = arith.constant 1 : i32
          %get3A_191 = arith.index_cast %get3A_190 : i32 to index
          %get3A_192 = arith.index_cast %select_n3A_146 : i32 to index
          %get3A_193 = arith.index_cast %mul3A_164 : i32 to index
          %get3A_194 = tpu.vector_load %arg8[%get3A_191, %get3A_192, %get3A_193] {strides = array<i32>} : memref<4x16x512xf32, #tpu.memory_space<vmem>>, vector<16xf32>,
          %get3A_195 = arith.constant 2 : i32
          %get3A_196 = arith.index_cast %get3A_195 : i32 to index
          %get3A_197 = arith.index_cast %select_n3A_146 : i32 to index
          %get3A_198 = arith.index_cast %mul3A_164 : i32 to index
          %get3A_199 = tpu.vector_load %arg8[%get3A_196, %get3A_197, %get3A_198] {strides = array<i32>} : memref<4x16x512xf32, #tpu.memory_space<vmem>>, vector<16xf32>,
          %get3A_200 = arith.constant 3 : i32
          %get3A_201 = arith.index_cast %get3A_200 : i32 to index
          %get3A_202 = arith.index_cast %select_n3A_146 : i32 to index
          %get3A_203 = arith.index_cast %mul3A_164 : i32 to index
          %get3A_204 = tpu.vector_load %arg8[%get3A_201, %get3A_202, %get3A_203] {strides = array<i32>} : memref<4x16x512xf32, #tpu.memory_space<vmem>>, vector<16xf32>,
          %shift_right_arithmetic3A = arith.constant 9 : i32
          %shift_right_arithmetic3A_205 = vector.broadcast %shift_right_arithmetic3A : i32 to vector<16xi32>
          %shift_right_arithmetic3A_206 = arith.shrsi %get3A_169, %shift_right_arithmetic3A_205 : vector<16xi32>
          %ge3A_207 = arith.constant 0 : i32
          %ge3A_208 = vector.broadcast %ge3A_207 : i32 to vector<16xi32>
          %ge3A_209 = arith.cmpi sge, %shift_right_arithmetic3A_206, %ge3A_208 : vector<16xi32>
          %lt3A_210 = arith.constant 86 : i32
          %lt3A_211 = vector.broadcast %lt3A_210 : i32 to vector<16xi32>
          %lt3A_212 = arith.cmpi slt, %shift_right_arithmetic3A_206, %lt3A_211 : vector<16xi32>
          %and3A_213 = arith.andi %ge3A_209, %lt3A_212 : vector<16xi1>
          %broadcast_in_dim3A = arith.constant 0.000000e+00 : f32
          %broadcast_in_dim3A_214 = vector.broadcast %broadcast_in_dim3A : f32 to vector<16xf32>
          %sub3A_215 = arith.constant 0 : i32
          %sub3A_216 = vector.broadcast %sub3A_215 : i32 to vector<16xi32>
          %sub3A_217 = arith.subi %get3A_169, %sub3A_216 : vector<16xi32>
          %jit3A_218 = arith.constant 0 : i32
          %jit3A_219 = arith.constant 45055 : i32
          %max3A = vector.broadcast %jit3A_218 : i32 to vector<16xi32>
          %max3A_220 = arith.maxsi %max3A, %sub3A_217 : vector<16xi32>
          %min3A = vector.broadcast %jit3A_219 : i32 to vector<16xi32>
          %min3A_221 = arith.minsi %min3A, %max3A_220 : vector<16xi32>
          %shift_right_arithmetic3A_222 = arith.constant 7 : i32
          %shift_right_arithmetic3A_223 = vector.broadcast %shift_right_arithmetic3A_222 : i32 to vector<16xi32>
          %shift_right_arithmetic3A_224 = arith.shrsi %min3A_221, %shift_right_arithmetic3A_223 : vector<16xi32>
          %and3A_225 = arith.constant 127 : i32
          %and3A_226 = vector.broadcast %and3A_225 : i32 to vector<16xi32>
          %and3A_227 = arith.andi %min3A_221, %and3A_226 : vector<16xi32>
          %gather3A = tpu.vector_load_idx %arg9[%shift_right_arithmetic3A_224, %and3A_227] : memref<352x128xf32, #tpu.memory_space<vmem>>[vector<16xi32>, vector<16xi32>], vector<16xf32>,
          %mul3A_228 = arith.mulf %get3A_189, %gather3A : vector<16xf32>
          %add3A_229 = arith.addf %broadcast_in_dim3A_214, %mul3A_228 : vector<16xf32>
          %sub3A_230 = arith.constant 0 : i32
          %sub3A_231 = vector.broadcast %sub3A_230 : i32 to vector<16xi32>
          %sub3A_232 = arith.subi %get3A_174, %sub3A_231 : vector<16xi32>
          %jit3A_233 = arith.constant 0 : i32
          %jit3A_234 = arith.constant 45055 : i32
          %max3A_235 = vector.broadcast %jit3A_233 : i32 to vector<16xi32>
          %max3A_236 = arith.maxsi %max3A_235, %sub3A_232 : vector<16xi32>
          %min3A_237 = vector.broadcast %jit3A_234 : i32 to vector<16xi32>
          %min3A_238 = arith.minsi %min3A_237, %max3A_236 : vector<16xi32>
          %shift_right_arithmetic3A_239 = arith.constant 7 : i32
          %shift_right_arithmetic3A_240 = vector.broadcast %shift_right_arithmetic3A_239 : i32 to vector<16xi32>
          %shift_right_arithmetic3A_241 = arith.shrsi %min3A_238, %shift_right_arithmetic3A_240 : vector<16xi32>
          %and3A_242 = arith.constant 127 : i32
          %and3A_243 = vector.broadcast %and3A_242 : i32 to vector<16xi32>
          %and3A_244 = arith.andi %min3A_238, %and3A_243 : vector<16xi32>
          %gather3A_245 = tpu.vector_load_idx %arg9[%shift_right_arithmetic3A_241, %and3A_244] : memref<352x128xf32, #tpu.memory_space<vmem>>[vector<16xi32>, vector<16xi32>], vector<16xf32>,
          %mul3A_246 = arith.mulf %get3A_194, %gather3A_245 : vector<16xf32>
          %add3A_247 = arith.addf %add3A_229, %mul3A_246 : vector<16xf32>
          %sub3A_248 = arith.constant 0 : i32
          %sub3A_249 = vector.broadcast %sub3A_248 : i32 to vector<16xi32>
          %sub3A_250 = arith.subi %get3A_179, %sub3A_249 : vector<16xi32>
          %jit3A_251 = arith.constant 0 : i32
          %jit3A_252 = arith.constant 45055 : i32
          %max3A_253 = vector.broadcast %jit3A_251 : i32 to vector<16xi32>
          %max3A_254 = arith.maxsi %max3A_253, %sub3A_250 : vector<16xi32>
          %min3A_255 = vector.broadcast %jit3A_252 : i32 to vector<16xi32>
          %min3A_256 = arith.minsi %min3A_255, %max3A_254 : vector<16xi32>
          %shift_right_arithmetic3A_257 = arith.constant 7 : i32
          %shift_right_arithmetic3A_258 = vector.broadcast %shift_right_arithmetic3A_257 : i32 to vector<16xi32>
          %shift_right_arithmetic3A_259 = arith.shrsi %min3A_256, %shift_right_arithmetic3A_258 : vector<16xi32>
          %and3A_260 = arith.constant 127 : i32
          %and3A_261 = vector.broadcast %and3A_260 : i32 to vector<16xi32>
          %and3A_262 = arith.andi %min3A_256, %and3A_261 : vector<16xi32>
          %gather3A_263 = tpu.vector_load_idx %arg9[%shift_right_arithmetic3A_259, %and3A_262] : memref<352x128xf32, #tpu.memory_space<vmem>>[vector<16xi32>, vector<16xi32>], vector<16xf32>,
          %mul3A_264 = arith.mulf %get3A_199, %gather3A_263 : vector<16xf32>
          %add3A_265 = arith.addf %add3A_247, %mul3A_264 : vector<16xf32>
          %sub3A_266 = arith.constant 0 : i32
          %sub3A_267 = vector.broadcast %sub3A_266 : i32 to vector<16xi32>
          %sub3A_268 = arith.subi %get3A_184, %sub3A_267 : vector<16xi32>
          %jit3A_269 = arith.constant 0 : i32
          %jit3A_270 = arith.constant 45055 : i32
          %max3A_271 = vector.broadcast %jit3A_269 : i32 to vector<16xi32>
          %max3A_272 = arith.maxsi %max3A_271, %sub3A_268 : vector<16xi32>
          %min3A_273 = vector.broadcast %jit3A_270 : i32 to vector<16xi32>
          %min3A_274 = arith.minsi %min3A_273, %max3A_272 : vector<16xi32>
          %shift_right_arithmetic3A_275 = arith.constant 7 : i32
          %shift_right_arithmetic3A_276 = vector.broadcast %shift_right_arithmetic3A_275 : i32 to vector<16xi32>
          %shift_right_arithmetic3A_277 = arith.shrsi %min3A_274, %shift_right_arithmetic3A_276 : vector<16xi32>
          %and3A_278 = arith.constant 127 : i32
          %and3A_279 = vector.broadcast %and3A_278 : i32 to vector<16xi32>
          %and3A_280 = arith.andi %min3A_274, %and3A_279 : vector<16xi32>
          %gather3A_281 = tpu.vector_load_idx %arg9[%shift_right_arithmetic3A_277, %and3A_280] : memref<352x128xf32, #tpu.memory_space<vmem>>[vector<16xi32>, vector<16xi32>], vector<16xf32>,
          %mul3A_282 = arith.mulf %get3A_204, %gather3A_281 : vector<16xf32>
          %add3A_283 = arith.addf %add3A_265, %mul3A_282 : vector<16xf32>
          %jit3A_284 = arith.constant 0.000000e+00 : f32
          %broadcast_in_dim3A_285 = vector.broadcast %jit3A_284 : f32 to vector<16xf32>
          %select_n3A_286 = arith.select %and3A_213, %add3A_283, %broadcast_in_dim3A_285 : vector<16xi1>, vector<16xf32>
          %mul3A_287 = arith.constant 16 : i32
          %mul3A_288 = arith.muli %scan3A_121, %mul3A_287 : i32
          %swap3A = arith.index_cast %mul3A_288 : i32 to index
          %swap3A_289 = tpu.vector_load %arg10[%swap3A] {strides = array<i32>} : memref<8192xf32, #tpu.memory_space<vmem>>, vector<16xf32>,
          tpu.vector_store %arg10[%swap3A], %select_n3A_286 {add = true, strides = array<i32>} : memref<8192xf32, #tpu.memory_space<vmem>>, vector<16xf32>,
          %scan3A_290 = arith.constant 0 : i32
          scf.yield %scan3A_290 : i32
        }
        %scan3A_120 = arith.constant 512 : i32
      } else {
      }
      %lt3A_68 = arith.constant 1.720000e+02 : f32
      %lt3A_69 = arith.cmpf olt, %squeeze3A, %lt3A_68 : f32
      %ge3A_70 = arith.constant 8.600000e+01 : f32
      %ge3A_71 = arith.cmpf oge, %squeeze3A_62, %ge3A_70 : f32
      %and3A_72 = arith.andi %lt3A_69, %ge3A_71 : i1
      %convert_element_type3A_73 = arith.extui %and3A_72 : i1 to i32
      %cond3A_74 = arith.constant 0 : i32
      %cond3A_75 = arith.cmpi ne, %convert_element_type3A_73, %cond3A_74 : i32
      scf.if %cond3A_75 {
        "tpu.region"() ({
          %run_scoped3A = tpu.sem_alloc : memref<!tpu.dma_semaphore, #tpu.memory_space<semaphore_mem>>
          %dma_start3A = arith.constant 0 : i32
          %dma_start3A_121 = arith.constant 0 : i32
          %dma_start3A_122 = tpu.memref_slice %arg9[%dma_start3A, %dma_start3A_121] : memref<352x128xf32, #tpu.memory_space<vmem>> -> memref<352x128xf32, #tpu.memory_space<vmem>>
          %dma_start3A_123 = arith.constant 344 : i32
          %dma_start3A_124 = arith.constant 0 : i32
          %dma_start3A_125 = tpu.memref_slice %arg4[%select_n3A, %dma_start3A_123, %dma_start3A_124] : memref<16x2048x128xf32, #tpu.memory_space<hbm>> -> memref<1x352x128xf32, #tpu.memory_space<hbm>>
          %dma_start3A_126 = tpu.memref_squeeze %dma_start3A_125 : memref<1x352x128xf32, #tpu.memory_space<hbm>> -> memref<352x128xf32, #tpu.memory_space<hbm>>
          %dma_start3A_127 = arith.constant 0 : i32
          %dma_start3A_128 = arith.constant 0 : i32
          %dma_start3A_129 = tpu.memref_slice %arg9[%dma_start3A_127, %dma_start3A_128] : memref<352x128xf32, #tpu.memory_space<vmem>> -> memref<352x128xf32, #tpu.memory_space<vmem>>
          %dma_start3A_130 = arith.constant 344 : i32
          %dma_start3A_131 = arith.constant 0 : i32
          %dma_start3A_132 = tpu.memref_slice %arg4[%select_n3A, %dma_start3A_130, %dma_start3A_131] : memref<16x2048x128xf32, #tpu.memory_space<hbm>> -> memref<1x352x128xf32, #tpu.memory_space<hbm>>
          %dma_start3A_133 = tpu.memref_squeeze %dma_start3A_132 : memref<1x352x128xf32, #tpu.memory_space<hbm>> -> memref<352x128xf32, #tpu.memory_space<hbm>>
          tpu.enqueue_dma source(%dma_start3A_133 : memref<352x128xf32, #tpu.memory_space<hbm>>) target(%dma_start3A_129 : memref<352x128xf32, #tpu.memory_space<vmem>>) target_semaphore(%run_scoped3A : memref<!tpu.dma_semaphore, #tpu.memory_space<semaphore_mem>>)
          %dma_wait3A = arith.constant 0 : i32
          %dma_wait3A_134 = arith.constant 0 : i32
          %dma_wait3A_135 = tpu.memref_slice %arg9[%dma_wait3A, %dma_wait3A_134] : memref<352x128xf32, #tpu.memory_space<vmem>> -> memref<352x128xf32, #tpu.memory_space<vmem>>
          %dma_wait3A_136 = arith.constant 344 : i32
          %dma_wait3A_137 = arith.constant 0 : i32
          %dma_wait3A_138 = tpu.memref_slice %arg4[%select_n3A, %dma_wait3A_136, %dma_wait3A_137] : memref<16x2048x128xf32, #tpu.memory_space<hbm>> -> memref<1x352x128xf32, #tpu.memory_space<hbm>>
          %dma_wait3A_139 = tpu.memref_squeeze %dma_wait3A_138 : memref<1x352x128xf32, #tpu.memory_space<hbm>> -> memref<352x128xf32, #tpu.memory_space<hbm>>
          %dma_wait3A_140 = arith.constant 0 : i32
          %dma_wait3A_141 = arith.constant 0 : i32
          %dma_wait3A_142 = tpu.memref_slice %arg9[%dma_wait3A_140, %dma_wait3A_141] : memref<352x128xf32, #tpu.memory_space<vmem>> -> memref<352x128xf32, #tpu.memory_space<vmem>>
          %dma_wait3A_143 = arith.constant 344 : i32
          %dma_wait3A_144 = arith.constant 0 : i32
          %dma_wait3A_145 = tpu.memref_slice %arg4[%select_n3A, %dma_wait3A_143, %dma_wait3A_144] : memref<16x2048x128xf32, #tpu.memory_space<hbm>> -> memref<1x352x128xf32, #tpu.memory_space<hbm>>
          %dma_wait3A_146 = tpu.memref_squeeze %dma_wait3A_145 : memref<1x352x128xf32, #tpu.memory_space<hbm>> -> memref<352x128xf32, #tpu.memory_space<hbm>>
          tpu.wait_dma2 semaphore(%run_scoped3A : memref<!tpu.dma_semaphore, #tpu.memory_space<semaphore_mem>>) src(%dma_wait3A_146 : memref<352x128xf32, #tpu.memory_space<hbm>>) dst(%dma_wait3A_142 : memref<352x128xf32, #tpu.memory_space<vmem>>)
          tpu.yield
        }) : () -> ()
        %scan3A_114 = arith.constant 0 : i32
        %scan3A_115 = arith.constant 0 : i32
        %scan3A_116 = arith.constant 512 : i32
        %scan3A_117 = arith.addi %scan3A_115, %scan3A_116 : i32
        %scan3A_118 = arith.constant 1 : i32
        %scan3A_119 = scf.for %scan3A_121 = %scan3A_115 to %scan3A_117 step %scan3A_118 iter_args(%scan3A_122 = %scan3A_114) -> (i32)  : i32 {
          %jit3A_123 = arith.constant 32 : i32
          %div3A_124 = arith.divsi %scan3A_121, %jit3A_123 : i32
          %sign3A_125 = arith.constant 0 : i32
          %sign3A_126 = arith.cmpi sgt, %scan3A_121, %sign3A_125 : i32
          %sign3A_127 = arith.extui %sign3A_126 : i1 to i32
          %sign3A_128 = arith.constant 0 : i32
          %sign3A_129 = arith.cmpi slt, %scan3A_121, %sign3A_128 : i32
          %sign3A_130 = arith.extui %sign3A_129 : i1 to i32
          %sign3A_131 = arith.subi %sign3A_127, %sign3A_130 : i32
          %sign3A_132 = arith.constant 0 : i32
          %sign3A_133 = arith.cmpi sgt, %jit3A_123, %sign3A_132 : i32
          %sign3A_134 = arith.extui %sign3A_133 : i1 to i32
          %sign3A_135 = arith.constant 0 : i32
          %sign3A_136 = arith.cmpi slt, %jit3A_123, %sign3A_135 : i32
          %sign3A_137 = arith.extui %sign3A_136 : i1 to i32
          %sign3A_138 = arith.subi %sign3A_134, %sign3A_137 : i32
          %ne3A_139 = arith.cmpi ne, %sign3A_131, %sign3A_138 : i32
          %rem3A_140 = arith.remsi %scan3A_121, %jit3A_123 : i32
          %ne3A_141 = arith.constant 0 : i32
          %ne3A_142 = arith.cmpi ne, %rem3A_140, %ne3A_141 : i32
          %and3A_143 = arith.andi %ne3A_139, %ne3A_142 : i1
          %sub3A_144 = arith.constant 1 : i32
          %sub3A_145 = arith.subi %div3A_124, %sub3A_144 : i32
          %select_n3A_146 = arith.select %and3A_143, %sub3A_145, %div3A_124 : i32
          %jit3A_147 = arith.constant 32 : i32
          %eq3A_148 = arith.constant 0 : i32
          %eq3A_149 = arith.cmpi eq, %jit3A_147, %eq3A_148 : i32
          %jit3A_150 = arith.constant 1 : i32
          %select_n3A_151 = arith.select %eq3A_149, %jit3A_150, %jit3A_147 : i32
          %rem3A_152 = arith.remsi %scan3A_121, %select_n3A_151 : i32
          %ne3A_153 = arith.constant 0 : i32
          %ne3A_154 = arith.cmpi ne, %rem3A_152, %ne3A_153 : i32
          %lt3A_155 = arith.constant 0 : i32
          %lt3A_156 = arith.cmpi slt, %rem3A_152, %lt3A_155 : i32
          %lt3A_157 = arith.constant 0 : i32
          %lt3A_158 = arith.cmpi slt, %select_n3A_151, %lt3A_157 : i32
          %ne3A_159 = arith.xori %lt3A_156, %lt3A_158 : i1
          %and3A_160 = arith.andi %ne3A_159, %ne3A_154 : i1
          %add3A_161 = arith.addi %rem3A_152, %select_n3A_151 : i32
          %select_n3A_162 = arith.select %and3A_160, %add3A_161, %rem3A_152 : i32
          %mul3A_163 = arith.constant 16 : i32
          %mul3A_164 = arith.muli %select_n3A_162, %mul3A_163 : i32
          %get3A_165 = arith.constant 0 : i32
          %get3A_166 = arith.index_cast %get3A_165 : i32 to index
          %get3A_167 = arith.index_cast %select_n3A_146 : i32 to index
          %get3A_168 = arith.index_cast %mul3A_164 : i32 to index
          %get3A_169 = tpu.vector_load %arg7[%get3A_166, %get3A_167, %get3A_168] {strides = array<i32>} : memref<4x16x512xi32, #tpu.memory_space<vmem>>, vector<16xi32>,
          %get3A_170 = arith.constant 1 : i32
          %get3A_171 = arith.index_cast %get3A_170 : i32 to index
          %get3A_172 = arith.index_cast %select_n3A_146 : i32 to index
          %get3A_173 = arith.index_cast %mul3A_164 : i32 to index
          %get3A_174 = tpu.vector_load %arg7[%get3A_171, %get3A_172, %get3A_173] {strides = array<i32>} : memref<4x16x512xi32, #tpu.memory_space<vmem>>, vector<16xi32>,
          %get3A_175 = arith.constant 2 : i32
          %get3A_176 = arith.index_cast %get3A_175 : i32 to index
          %get3A_177 = arith.index_cast %select_n3A_146 : i32 to index
          %get3A_178 = arith.index_cast %mul3A_164 : i32 to index
          %get3A_179 = tpu.vector_load %arg7[%get3A_176, %get3A_177, %get3A_178] {strides = array<i32>} : memref<4x16x512xi32, #tpu.memory_space<vmem>>, vector<16xi32>,
          %get3A_180 = arith.constant 3 : i32
          %get3A_181 = arith.index_cast %get3A_180 : i32 to index
          %get3A_182 = arith.index_cast %select_n3A_146 : i32 to index
          %get3A_183 = arith.index_cast %mul3A_164 : i32 to index
          %get3A_184 = tpu.vector_load %arg7[%get3A_181, %get3A_182, %get3A_183] {strides = array<i32>} : memref<4x16x512xi32, #tpu.memory_space<vmem>>, vector<16xi32>,
          %get3A_185 = arith.constant 0 : i32
          %get3A_186 = arith.index_cast %get3A_185 : i32 to index
          %get3A_187 = arith.index_cast %select_n3A_146 : i32 to index
          %get3A_188 = arith.index_cast %mul3A_164 : i32 to index
          %get3A_189 = tpu.vector_load %arg8[%get3A_186, %get3A_187, %get3A_188] {strides = array<i32>} : memref<4x16x512xf32, #tpu.memory_space<vmem>>, vector<16xf32>,
          %get3A_190 = arith.constant 1 : i32
          %get3A_191 = arith.index_cast %get3A_190 : i32 to index
          %get3A_192 = arith.index_cast %select_n3A_146 : i32 to index
          %get3A_193 = arith.index_cast %mul3A_164 : i32 to index
          %get3A_194 = tpu.vector_load %arg8[%get3A_191, %get3A_192, %get3A_193] {strides = array<i32>} : memref<4x16x512xf32, #tpu.memory_space<vmem>>, vector<16xf32>,
          %get3A_195 = arith.constant 2 : i32
          %get3A_196 = arith.index_cast %get3A_195 : i32 to index
          %get3A_197 = arith.index_cast %select_n3A_146 : i32 to index
          %get3A_198 = arith.index_cast %mul3A_164 : i32 to index
          %get3A_199 = tpu.vector_load %arg8[%get3A_196, %get3A_197, %get3A_198] {strides = array<i32>} : memref<4x16x512xf32, #tpu.memory_space<vmem>>, vector<16xf32>,
          %get3A_200 = arith.constant 3 : i32
          %get3A_201 = arith.index_cast %get3A_200 : i32 to index
          %get3A_202 = arith.index_cast %select_n3A_146 : i32 to index
          %get3A_203 = arith.index_cast %mul3A_164 : i32 to index
          %get3A_204 = tpu.vector_load %arg8[%get3A_201, %get3A_202, %get3A_203] {strides = array<i32>} : memref<4x16x512xf32, #tpu.memory_space<vmem>>, vector<16xf32>,
          %shift_right_arithmetic3A = arith.constant 9 : i32
          %shift_right_arithmetic3A_205 = vector.broadcast %shift_right_arithmetic3A : i32 to vector<16xi32>
          %shift_right_arithmetic3A_206 = arith.shrsi %get3A_169, %shift_right_arithmetic3A_205 : vector<16xi32>
          %ge3A_207 = arith.constant 86 : i32
          %ge3A_208 = vector.broadcast %ge3A_207 : i32 to vector<16xi32>
          %ge3A_209 = arith.cmpi sge, %shift_right_arithmetic3A_206, %ge3A_208 : vector<16xi32>
          %lt3A_210 = arith.constant 172 : i32
          %lt3A_211 = vector.broadcast %lt3A_210 : i32 to vector<16xi32>
          %lt3A_212 = arith.cmpi slt, %shift_right_arithmetic3A_206, %lt3A_211 : vector<16xi32>
          %and3A_213 = arith.andi %ge3A_209, %lt3A_212 : vector<16xi1>
          %broadcast_in_dim3A = arith.constant 0.000000e+00 : f32
          %broadcast_in_dim3A_214 = vector.broadcast %broadcast_in_dim3A : f32 to vector<16xf32>
          %sub3A_215 = arith.constant 44032 : i32
          %sub3A_216 = vector.broadcast %sub3A_215 : i32 to vector<16xi32>
          %sub3A_217 = arith.subi %get3A_169, %sub3A_216 : vector<16xi32>
          %jit3A_218 = arith.constant 0 : i32
          %jit3A_219 = arith.constant 45055 : i32
          %max3A = vector.broadcast %jit3A_218 : i32 to vector<16xi32>
          %max3A_220 = arith.maxsi %max3A, %sub3A_217 : vector<16xi32>
          %min3A = vector.broadcast %jit3A_219 : i32 to vector<16xi32>
          %min3A_221 = arith.minsi %min3A, %max3A_220 : vector<16xi32>
          %shift_right_arithmetic3A_222 = arith.constant 7 : i32
          %shift_right_arithmetic3A_223 = vector.broadcast %shift_right_arithmetic3A_222 : i32 to vector<16xi32>
          %shift_right_arithmetic3A_224 = arith.shrsi %min3A_221, %shift_right_arithmetic3A_223 : vector<16xi32>
          %and3A_225 = arith.constant 127 : i32
          %and3A_226 = vector.broadcast %and3A_225 : i32 to vector<16xi32>
          %and3A_227 = arith.andi %min3A_221, %and3A_226 : vector<16xi32>
          %gather3A = tpu.vector_load_idx %arg9[%shift_right_arithmetic3A_224, %and3A_227] : memref<352x128xf32, #tpu.memory_space<vmem>>[vector<16xi32>, vector<16xi32>], vector<16xf32>,
          %mul3A_228 = arith.mulf %get3A_189, %gather3A : vector<16xf32>
          %add3A_229 = arith.addf %broadcast_in_dim3A_214, %mul3A_228 : vector<16xf32>
          %sub3A_230 = arith.constant 44032 : i32
          %sub3A_231 = vector.broadcast %sub3A_230 : i32 to vector<16xi32>
          %sub3A_232 = arith.subi %get3A_174, %sub3A_231 : vector<16xi32>
          %jit3A_233 = arith.constant 0 : i32
          %jit3A_234 = arith.constant 45055 : i32
          %max3A_235 = vector.broadcast %jit3A_233 : i32 to vector<16xi32>
          %max3A_236 = arith.maxsi %max3A_235, %sub3A_232 : vector<16xi32>
          %min3A_237 = vector.broadcast %jit3A_234 : i32 to vector<16xi32>
          %min3A_238 = arith.minsi %min3A_237, %max3A_236 : vector<16xi32>
          %shift_right_arithmetic3A_239 = arith.constant 7 : i32
          %shift_right_arithmetic3A_240 = vector.broadcast %shift_right_arithmetic3A_239 : i32 to vector<16xi32>
          %shift_right_arithmetic3A_241 = arith.shrsi %min3A_238, %shift_right_arithmetic3A_240 : vector<16xi32>
          %and3A_242 = arith.constant 127 : i32
          %and3A_243 = vector.broadcast %and3A_242 : i32 to vector<16xi32>
          %and3A_244 = arith.andi %min3A_238, %and3A_243 : vector<16xi32>
          %gather3A_245 = tpu.vector_load_idx %arg9[%shift_right_arithmetic3A_241, %and3A_244] : memref<352x128xf32, #tpu.memory_space<vmem>>[vector<16xi32>, vector<16xi32>], vector<16xf32>,
          %mul3A_246 = arith.mulf %get3A_194, %gather3A_245 : vector<16xf32>
          %add3A_247 = arith.addf %add3A_229, %mul3A_246 : vector<16xf32>
          %sub3A_248 = arith.constant 44032 : i32
          %sub3A_249 = vector.broadcast %sub3A_248 : i32 to vector<16xi32>
          %sub3A_250 = arith.subi %get3A_179, %sub3A_249 : vector<16xi32>
          %jit3A_251 = arith.constant 0 : i32
          %jit3A_252 = arith.constant 45055 : i32
          %max3A_253 = vector.broadcast %jit3A_251 : i32 to vector<16xi32>
          %max3A_254 = arith.maxsi %max3A_253, %sub3A_250 : vector<16xi32>
          %min3A_255 = vector.broadcast %jit3A_252 : i32 to vector<16xi32>
          %min3A_256 = arith.minsi %min3A_255, %max3A_254 : vector<16xi32>
          %shift_right_arithmetic3A_257 = arith.constant 7 : i32
          %shift_right_arithmetic3A_258 = vector.broadcast %shift_right_arithmetic3A_257 : i32 to vector<16xi32>
          %shift_right_arithmetic3A_259 = arith.shrsi %min3A_256, %shift_right_arithmetic3A_258 : vector<16xi32>
          %and3A_260 = arith.constant 127 : i32
          %and3A_261 = vector.broadcast %and3A_260 : i32 to vector<16xi32>
          %and3A_262 = arith.andi %min3A_256, %and3A_261 : vector<16xi32>
          %gather3A_263 = tpu.vector_load_idx %arg9[%shift_right_arithmetic3A_259, %and3A_262] : memref<352x128xf32, #tpu.memory_space<vmem>>[vector<16xi32>, vector<16xi32>], vector<16xf32>,
          %mul3A_264 = arith.mulf %get3A_199, %gather3A_263 : vector<16xf32>
          %add3A_265 = arith.addf %add3A_247, %mul3A_264 : vector<16xf32>
          %sub3A_266 = arith.constant 44032 : i32
          %sub3A_267 = vector.broadcast %sub3A_266 : i32 to vector<16xi32>
          %sub3A_268 = arith.subi %get3A_184, %sub3A_267 : vector<16xi32>
          %jit3A_269 = arith.constant 0 : i32
          %jit3A_270 = arith.constant 45055 : i32
          %max3A_271 = vector.broadcast %jit3A_269 : i32 to vector<16xi32>
          %max3A_272 = arith.maxsi %max3A_271, %sub3A_268 : vector<16xi32>
          %min3A_273 = vector.broadcast %jit3A_270 : i32 to vector<16xi32>
          %min3A_274 = arith.minsi %min3A_273, %max3A_272 : vector<16xi32>
          %shift_right_arithmetic3A_275 = arith.constant 7 : i32
          %shift_right_arithmetic3A_276 = vector.broadcast %shift_right_arithmetic3A_275 : i32 to vector<16xi32>
          %shift_right_arithmetic3A_277 = arith.shrsi %min3A_274, %shift_right_arithmetic3A_276 : vector<16xi32>
          %and3A_278 = arith.constant 127 : i32
          %and3A_279 = vector.broadcast %and3A_278 : i32 to vector<16xi32>
          %and3A_280 = arith.andi %min3A_274, %and3A_279 : vector<16xi32>
          %gather3A_281 = tpu.vector_load_idx %arg9[%shift_right_arithmetic3A_277, %and3A_280] : memref<352x128xf32, #tpu.memory_space<vmem>>[vector<16xi32>, vector<16xi32>], vector<16xf32>,
          %mul3A_282 = arith.mulf %get3A_204, %gather3A_281 : vector<16xf32>
          %add3A_283 = arith.addf %add3A_265, %mul3A_282 : vector<16xf32>
          %jit3A_284 = arith.constant 0.000000e+00 : f32
          %broadcast_in_dim3A_285 = vector.broadcast %jit3A_284 : f32 to vector<16xf32>
          %select_n3A_286 = arith.select %and3A_213, %add3A_283, %broadcast_in_dim3A_285 : vector<16xi1>, vector<16xf32>
          %mul3A_287 = arith.constant 16 : i32
          %mul3A_288 = arith.muli %scan3A_121, %mul3A_287 : i32
          %swap3A = arith.index_cast %mul3A_288 : i32 to index
          %swap3A_289 = tpu.vector_load %arg10[%swap3A] {strides = array<i32>} : memref<8192xf32, #tpu.memory_space<vmem>>, vector<16xf32>,
          tpu.vector_store %arg10[%swap3A], %select_n3A_286 {add = true, strides = array<i32>} : memref<8192xf32, #tpu.memory_space<vmem>>, vector<16xf32>,
          %scan3A_290 = arith.constant 0 : i32
          scf.yield %scan3A_290 : i32
        }
        %scan3A_120 = arith.constant 512 : i32
      } else {
      }
      %lt3A_76 = arith.constant 2.580000e+02 : f32
      %lt3A_77 = arith.cmpf olt, %squeeze3A, %lt3A_76 : f32
      %ge3A_78 = arith.constant 1.720000e+02 : f32
      %ge3A_79 = arith.cmpf oge, %squeeze3A_62, %ge3A_78 : f32
      %and3A_80 = arith.andi %lt3A_77, %ge3A_79 : i1
      %convert_element_type3A_81 = arith.extui %and3A_80 : i1 to i32
      %cond3A_82 = arith.constant 0 : i32
      %cond3A_83 = arith.cmpi ne, %convert_element_type3A_81, %cond3A_82 : i32
      scf.if %cond3A_83 {
        "tpu.region"() ({
          %run_scoped3A = tpu.sem_alloc : memref<!tpu.dma_semaphore, #tpu.memory_space<semaphore_mem>>
          %dma_start3A = arith.constant 0 : i32
          %dma_start3A_121 = arith.constant 0 : i32
          %dma_start3A_122 = tpu.memref_slice %arg9[%dma_start3A, %dma_start3A_121] : memref<352x128xf32, #tpu.memory_space<vmem>> -> memref<352x128xf32, #tpu.memory_space<vmem>>
          %dma_start3A_123 = arith.constant 688 : i32
          %dma_start3A_124 = arith.constant 0 : i32
          %dma_start3A_125 = tpu.memref_slice %arg4[%select_n3A, %dma_start3A_123, %dma_start3A_124] : memref<16x2048x128xf32, #tpu.memory_space<hbm>> -> memref<1x352x128xf32, #tpu.memory_space<hbm>>
          %dma_start3A_126 = tpu.memref_squeeze %dma_start3A_125 : memref<1x352x128xf32, #tpu.memory_space<hbm>> -> memref<352x128xf32, #tpu.memory_space<hbm>>
          %dma_start3A_127 = arith.constant 0 : i32
          %dma_start3A_128 = arith.constant 0 : i32
          %dma_start3A_129 = tpu.memref_slice %arg9[%dma_start3A_127, %dma_start3A_128] : memref<352x128xf32, #tpu.memory_space<vmem>> -> memref<352x128xf32, #tpu.memory_space<vmem>>
          %dma_start3A_130 = arith.constant 688 : i32
          %dma_start3A_131 = arith.constant 0 : i32
          %dma_start3A_132 = tpu.memref_slice %arg4[%select_n3A, %dma_start3A_130, %dma_start3A_131] : memref<16x2048x128xf32, #tpu.memory_space<hbm>> -> memref<1x352x128xf32, #tpu.memory_space<hbm>>
          %dma_start3A_133 = tpu.memref_squeeze %dma_start3A_132 : memref<1x352x128xf32, #tpu.memory_space<hbm>> -> memref<352x128xf32, #tpu.memory_space<hbm>>
          tpu.enqueue_dma source(%dma_start3A_133 : memref<352x128xf32, #tpu.memory_space<hbm>>) target(%dma_start3A_129 : memref<352x128xf32, #tpu.memory_space<vmem>>) target_semaphore(%run_scoped3A : memref<!tpu.dma_semaphore, #tpu.memory_space<semaphore_mem>>)
          %dma_wait3A = arith.constant 0 : i32
          %dma_wait3A_134 = arith.constant 0 : i32
          %dma_wait3A_135 = tpu.memref_slice %arg9[%dma_wait3A, %dma_wait3A_134] : memref<352x128xf32, #tpu.memory_space<vmem>> -> memref<352x128xf32, #tpu.memory_space<vmem>>
          %dma_wait3A_136 = arith.constant 688 : i32
          %dma_wait3A_137 = arith.constant 0 : i32
          %dma_wait3A_138 = tpu.memref_slice %arg4[%select_n3A, %dma_wait3A_136, %dma_wait3A_137] : memref<16x2048x128xf32, #tpu.memory_space<hbm>> -> memref<1x352x128xf32, #tpu.memory_space<hbm>>
          %dma_wait3A_139 = tpu.memref_squeeze %dma_wait3A_138 : memref<1x352x128xf32, #tpu.memory_space<hbm>> -> memref<352x128xf32, #tpu.memory_space<hbm>>
          %dma_wait3A_140 = arith.constant 0 : i32
          %dma_wait3A_141 = arith.constant 0 : i32
          %dma_wait3A_142 = tpu.memref_slice %arg9[%dma_wait3A_140, %dma_wait3A_141] : memref<352x128xf32, #tpu.memory_space<vmem>> -> memref<352x128xf32, #tpu.memory_space<vmem>>
          %dma_wait3A_143 = arith.constant 688 : i32
          %dma_wait3A_144 = arith.constant 0 : i32
          %dma_wait3A_145 = tpu.memref_slice %arg4[%select_n3A, %dma_wait3A_143, %dma_wait3A_144] : memref<16x2048x128xf32, #tpu.memory_space<hbm>> -> memref<1x352x128xf32, #tpu.memory_space<hbm>>
          %dma_wait3A_146 = tpu.memref_squeeze %dma_wait3A_145 : memref<1x352x128xf32, #tpu.memory_space<hbm>> -> memref<352x128xf32, #tpu.memory_space<hbm>>
          tpu.wait_dma2 semaphore(%run_scoped3A : memref<!tpu.dma_semaphore, #tpu.memory_space<semaphore_mem>>) src(%dma_wait3A_146 : memref<352x128xf32, #tpu.memory_space<hbm>>) dst(%dma_wait3A_142 : memref<352x128xf32, #tpu.memory_space<vmem>>)
          tpu.yield
        }) : () -> ()
        %scan3A_114 = arith.constant 0 : i32
        %scan3A_115 = arith.constant 0 : i32
        %scan3A_116 = arith.constant 512 : i32
        %scan3A_117 = arith.addi %scan3A_115, %scan3A_116 : i32
        %scan3A_118 = arith.constant 1 : i32
        %scan3A_119 = scf.for %scan3A_121 = %scan3A_115 to %scan3A_117 step %scan3A_118 iter_args(%scan3A_122 = %scan3A_114) -> (i32)  : i32 {
          %jit3A_123 = arith.constant 32 : i32
          %div3A_124 = arith.divsi %scan3A_121, %jit3A_123 : i32
          %sign3A_125 = arith.constant 0 : i32
          %sign3A_126 = arith.cmpi sgt, %scan3A_121, %sign3A_125 : i32
          %sign3A_127 = arith.extui %sign3A_126 : i1 to i32
          %sign3A_128 = arith.constant 0 : i32
          %sign3A_129 = arith.cmpi slt, %scan3A_121, %sign3A_128 : i32
          %sign3A_130 = arith.extui %sign3A_129 : i1 to i32
          %sign3A_131 = arith.subi %sign3A_127, %sign3A_130 : i32
          %sign3A_132 = arith.constant 0 : i32
          %sign3A_133 = arith.cmpi sgt, %jit3A_123, %sign3A_132 : i32
          %sign3A_134 = arith.extui %sign3A_133 : i1 to i32
          %sign3A_135 = arith.constant 0 : i32
          %sign3A_136 = arith.cmpi slt, %jit3A_123, %sign3A_135 : i32
          %sign3A_137 = arith.extui %sign3A_136 : i1 to i32
          %sign3A_138 = arith.subi %sign3A_134, %sign3A_137 : i32
          %ne3A_139 = arith.cmpi ne, %sign3A_131, %sign3A_138 : i32
          %rem3A_140 = arith.remsi %scan3A_121, %jit3A_123 : i32
          %ne3A_141 = arith.constant 0 : i32
          %ne3A_142 = arith.cmpi ne, %rem3A_140, %ne3A_141 : i32
          %and3A_143 = arith.andi %ne3A_139, %ne3A_142 : i1
          %sub3A_144 = arith.constant 1 : i32
          %sub3A_145 = arith.subi %div3A_124, %sub3A_144 : i32
          %select_n3A_146 = arith.select %and3A_143, %sub3A_145, %div3A_124 : i32
          %jit3A_147 = arith.constant 32 : i32
          %eq3A_148 = arith.constant 0 : i32
          %eq3A_149 = arith.cmpi eq, %jit3A_147, %eq3A_148 : i32
          %jit3A_150 = arith.constant 1 : i32
          %select_n3A_151 = arith.select %eq3A_149, %jit3A_150, %jit3A_147 : i32
          %rem3A_152 = arith.remsi %scan3A_121, %select_n3A_151 : i32
          %ne3A_153 = arith.constant 0 : i32
          %ne3A_154 = arith.cmpi ne, %rem3A_152, %ne3A_153 : i32
          %lt3A_155 = arith.constant 0 : i32
          %lt3A_156 = arith.cmpi slt, %rem3A_152, %lt3A_155 : i32
          %lt3A_157 = arith.constant 0 : i32
          %lt3A_158 = arith.cmpi slt, %select_n3A_151, %lt3A_157 : i32
          %ne3A_159 = arith.xori %lt3A_156, %lt3A_158 : i1
          %and3A_160 = arith.andi %ne3A_159, %ne3A_154 : i1
          %add3A_161 = arith.addi %rem3A_152, %select_n3A_151 : i32
          %select_n3A_162 = arith.select %and3A_160, %add3A_161, %rem3A_152 : i32
          %mul3A_163 = arith.constant 16 : i32
          %mul3A_164 = arith.muli %select_n3A_162, %mul3A_163 : i32
          %get3A_165 = arith.constant 0 : i32
          %get3A_166 = arith.index_cast %get3A_165 : i32 to index
          %get3A_167 = arith.index_cast %select_n3A_146 : i32 to index
          %get3A_168 = arith.index_cast %mul3A_164 : i32 to index
          %get3A_169 = tpu.vector_load %arg7[%get3A_166, %get3A_167, %get3A_168] {strides = array<i32>} : memref<4x16x512xi32, #tpu.memory_space<vmem>>, vector<16xi32>,
          %get3A_170 = arith.constant 1 : i32
          %get3A_171 = arith.index_cast %get3A_170 : i32 to index
          %get3A_172 = arith.index_cast %select_n3A_146 : i32 to index
          %get3A_173 = arith.index_cast %mul3A_164 : i32 to index
          %get3A_174 = tpu.vector_load %arg7[%get3A_171, %get3A_172, %get3A_173] {strides = array<i32>} : memref<4x16x512xi32, #tpu.memory_space<vmem>>, vector<16xi32>,
          %get3A_175 = arith.constant 2 : i32
          %get3A_176 = arith.index_cast %get3A_175 : i32 to index
          %get3A_177 = arith.index_cast %select_n3A_146 : i32 to index
          %get3A_178 = arith.index_cast %mul3A_164 : i32 to index
          %get3A_179 = tpu.vector_load %arg7[%get3A_176, %get3A_177, %get3A_178] {strides = array<i32>} : memref<4x16x512xi32, #tpu.memory_space<vmem>>, vector<16xi32>,
          %get3A_180 = arith.constant 3 : i32
          %get3A_181 = arith.index_cast %get3A_180 : i32 to index
          %get3A_182 = arith.index_cast %select_n3A_146 : i32 to index
          %get3A_183 = arith.index_cast %mul3A_164 : i32 to index
          %get3A_184 = tpu.vector_load %arg7[%get3A_181, %get3A_182, %get3A_183] {strides = array<i32>} : memref<4x16x512xi32, #tpu.memory_space<vmem>>, vector<16xi32>,
          %get3A_185 = arith.constant 0 : i32
          %get3A_186 = arith.index_cast %get3A_185 : i32 to index
          %get3A_187 = arith.index_cast %select_n3A_146 : i32 to index
          %get3A_188 = arith.index_cast %mul3A_164 : i32 to index
          %get3A_189 = tpu.vector_load %arg8[%get3A_186, %get3A_187, %get3A_188] {strides = array<i32>} : memref<4x16x512xf32, #tpu.memory_space<vmem>>, vector<16xf32>,
          %get3A_190 = arith.constant 1 : i32
          %get3A_191 = arith.index_cast %get3A_190 : i32 to index
          %get3A_192 = arith.index_cast %select_n3A_146 : i32 to index
          %get3A_193 = arith.index_cast %mul3A_164 : i32 to index
          %get3A_194 = tpu.vector_load %arg8[%get3A_191, %get3A_192, %get3A_193] {strides = array<i32>} : memref<4x16x512xf32, #tpu.memory_space<vmem>>, vector<16xf32>,
          %get3A_195 = arith.constant 2 : i32
          %get3A_196 = arith.index_cast %get3A_195 : i32 to index
          %get3A_197 = arith.index_cast %select_n3A_146 : i32 to index
          %get3A_198 = arith.index_cast %mul3A_164 : i32 to index
          %get3A_199 = tpu.vector_load %arg8[%get3A_196, %get3A_197, %get3A_198] {strides = array<i32>} : memref<4x16x512xf32, #tpu.memory_space<vmem>>, vector<16xf32>,
          %get3A_200 = arith.constant 3 : i32
          %get3A_201 = arith.index_cast %get3A_200 : i32 to index
          %get3A_202 = arith.index_cast %select_n3A_146 : i32 to index
          %get3A_203 = arith.index_cast %mul3A_164 : i32 to index
          %get3A_204 = tpu.vector_load %arg8[%get3A_201, %get3A_202, %get3A_203] {strides = array<i32>} : memref<4x16x512xf32, #tpu.memory_space<vmem>>, vector<16xf32>,
          %shift_right_arithmetic3A = arith.constant 9 : i32
          %shift_right_arithmetic3A_205 = vector.broadcast %shift_right_arithmetic3A : i32 to vector<16xi32>
          %shift_right_arithmetic3A_206 = arith.shrsi %get3A_169, %shift_right_arithmetic3A_205 : vector<16xi32>
          %ge3A_207 = arith.constant 172 : i32
          %ge3A_208 = vector.broadcast %ge3A_207 : i32 to vector<16xi32>
          %ge3A_209 = arith.cmpi sge, %shift_right_arithmetic3A_206, %ge3A_208 : vector<16xi32>
          %lt3A_210 = arith.constant 258 : i32
          %lt3A_211 = vector.broadcast %lt3A_210 : i32 to vector<16xi32>
          %lt3A_212 = arith.cmpi slt, %shift_right_arithmetic3A_206, %lt3A_211 : vector<16xi32>
          %and3A_213 = arith.andi %ge3A_209, %lt3A_212 : vector<16xi1>
          %broadcast_in_dim3A = arith.constant 0.000000e+00 : f32
          %broadcast_in_dim3A_214 = vector.broadcast %broadcast_in_dim3A : f32 to vector<16xf32>
          %sub3A_215 = arith.constant 88064 : i32
          %sub3A_216 = vector.broadcast %sub3A_215 : i32 to vector<16xi32>
          %sub3A_217 = arith.subi %get3A_169, %sub3A_216 : vector<16xi32>
          %jit3A_218 = arith.constant 0 : i32
          %jit3A_219 = arith.constant 45055 : i32
          %max3A = vector.broadcast %jit3A_218 : i32 to vector<16xi32>
          %max3A_220 = arith.maxsi %max3A, %sub3A_217 : vector<16xi32>
          %min3A = vector.broadcast %jit3A_219 : i32 to vector<16xi32>
          %min3A_221 = arith.minsi %min3A, %max3A_220 : vector<16xi32>
          %shift_right_arithmetic3A_222 = arith.constant 7 : i32
          %shift_right_arithmetic3A_223 = vector.broadcast %shift_right_arithmetic3A_222 : i32 to vector<16xi32>
          %shift_right_arithmetic3A_224 = arith.shrsi %min3A_221, %shift_right_arithmetic3A_223 : vector<16xi32>
          %and3A_225 = arith.constant 127 : i32
          %and3A_226 = vector.broadcast %and3A_225 : i32 to vector<16xi32>
          %and3A_227 = arith.andi %min3A_221, %and3A_226 : vector<16xi32>
          %gather3A = tpu.vector_load_idx %arg9[%shift_right_arithmetic3A_224, %and3A_227] : memref<352x128xf32, #tpu.memory_space<vmem>>[vector<16xi32>, vector<16xi32>], vector<16xf32>,
          %mul3A_228 = arith.mulf %get3A_189, %gather3A : vector<16xf32>
          %add3A_229 = arith.addf %broadcast_in_dim3A_214, %mul3A_228 : vector<16xf32>
          %sub3A_230 = arith.constant 88064 : i32
          %sub3A_231 = vector.broadcast %sub3A_230 : i32 to vector<16xi32>
          %sub3A_232 = arith.subi %get3A_174, %sub3A_231 : vector<16xi32>
          %jit3A_233 = arith.constant 0 : i32
          %jit3A_234 = arith.constant 45055 : i32
          %max3A_235 = vector.broadcast %jit3A_233 : i32 to vector<16xi32>
          %max3A_236 = arith.maxsi %max3A_235, %sub3A_232 : vector<16xi32>
          %min3A_237 = vector.broadcast %jit3A_234 : i32 to vector<16xi32>
          %min3A_238 = arith.minsi %min3A_237, %max3A_236 : vector<16xi32>
          %shift_right_arithmetic3A_239 = arith.constant 7 : i32
          %shift_right_arithmetic3A_240 = vector.broadcast %shift_right_arithmetic3A_239 : i32 to vector<16xi32>
          %shift_right_arithmetic3A_241 = arith.shrsi %min3A_238, %shift_right_arithmetic3A_240 : vector<16xi32>
          %and3A_242 = arith.constant 127 : i32
          %and3A_243 = vector.broadcast %and3A_242 : i32 to vector<16xi32>
          %and3A_244 = arith.andi %min3A_238, %and3A_243 : vector<16xi32>
          %gather3A_245 = tpu.vector_load_idx %arg9[%shift_right_arithmetic3A_241, %and3A_244] : memref<352x128xf32, #tpu.memory_space<vmem>>[vector<16xi32>, vector<16xi32>], vector<16xf32>,
          %mul3A_246 = arith.mulf %get3A_194, %gather3A_245 : vector<16xf32>
          %add3A_247 = arith.addf %add3A_229, %mul3A_246 : vector<16xf32>
          %sub3A_248 = arith.constant 88064 : i32
          %sub3A_249 = vector.broadcast %sub3A_248 : i32 to vector<16xi32>
          %sub3A_250 = arith.subi %get3A_179, %sub3A_249 : vector<16xi32>
          %jit3A_251 = arith.constant 0 : i32
          %jit3A_252 = arith.constant 45055 : i32
          %max3A_253 = vector.broadcast %jit3A_251 : i32 to vector<16xi32>
          %max3A_254 = arith.maxsi %max3A_253, %sub3A_250 : vector<16xi32>
          %min3A_255 = vector.broadcast %jit3A_252 : i32 to vector<16xi32>
          %min3A_256 = arith.minsi %min3A_255, %max3A_254 : vector<16xi32>
          %shift_right_arithmetic3A_257 = arith.constant 7 : i32
          %shift_right_arithmetic3A_258 = vector.broadcast %shift_right_arithmetic3A_257 : i32 to vector<16xi32>
          %shift_right_arithmetic3A_259 = arith.shrsi %min3A_256, %shift_right_arithmetic3A_258 : vector<16xi32>
          %and3A_260 = arith.constant 127 : i32
          %and3A_261 = vector.broadcast %and3A_260 : i32 to vector<16xi32>
          %and3A_262 = arith.andi %min3A_256, %and3A_261 : vector<16xi32>
          %gather3A_263 = tpu.vector_load_idx %arg9[%shift_right_arithmetic3A_259, %and3A_262] : memref<352x128xf32, #tpu.memory_space<vmem>>[vector<16xi32>, vector<16xi32>], vector<16xf32>,
          %mul3A_264 = arith.mulf %get3A_199, %gather3A_263 : vector<16xf32>
          %add3A_265 = arith.addf %add3A_247, %mul3A_264 : vector<16xf32>
          %sub3A_266 = arith.constant 88064 : i32
          %sub3A_267 = vector.broadcast %sub3A_266 : i32 to vector<16xi32>
          %sub3A_268 = arith.subi %get3A_184, %sub3A_267 : vector<16xi32>
          %jit3A_269 = arith.constant 0 : i32
          %jit3A_270 = arith.constant 45055 : i32
          %max3A_271 = vector.broadcast %jit3A_269 : i32 to vector<16xi32>
          %max3A_272 = arith.maxsi %max3A_271, %sub3A_268 : vector<16xi32>
          %min3A_273 = vector.broadcast %jit3A_270 : i32 to vector<16xi32>
          %min3A_274 = arith.minsi %min3A_273, %max3A_272 : vector<16xi32>
          %shift_right_arithmetic3A_275 = arith.constant 7 : i32
          %shift_right_arithmetic3A_276 = vector.broadcast %shift_right_arithmetic3A_275 : i32 to vector<16xi32>
          %shift_right_arithmetic3A_277 = arith.shrsi %min3A_274, %shift_right_arithmetic3A_276 : vector<16xi32>
          %and3A_278 = arith.constant 127 : i32
          %and3A_279 = vector.broadcast %and3A_278 : i32 to vector<16xi32>
          %and3A_280 = arith.andi %min3A_274, %and3A_279 : vector<16xi32>
          %gather3A_281 = tpu.vector_load_idx %arg9[%shift_right_arithmetic3A_277, %and3A_280] : memref<352x128xf32, #tpu.memory_space<vmem>>[vector<16xi32>, vector<16xi32>], vector<16xf32>,
          %mul3A_282 = arith.mulf %get3A_204, %gather3A_281 : vector<16xf32>
          %add3A_283 = arith.addf %add3A_265, %mul3A_282 : vector<16xf32>
          %jit3A_284 = arith.constant 0.000000e+00 : f32
          %broadcast_in_dim3A_285 = vector.broadcast %jit3A_284 : f32 to vector<16xf32>
          %select_n3A_286 = arith.select %and3A_213, %add3A_283, %broadcast_in_dim3A_285 : vector<16xi1>, vector<16xf32>
          %mul3A_287 = arith.constant 16 : i32
          %mul3A_288 = arith.muli %scan3A_121, %mul3A_287 : i32
          %swap3A = arith.index_cast %mul3A_288 : i32 to index
          %swap3A_289 = tpu.vector_load %arg10[%swap3A] {strides = array<i32>} : memref<8192xf32, #tpu.memory_space<vmem>>, vector<16xf32>,
          tpu.vector_store %arg10[%swap3A], %select_n3A_286 {add = true, strides = array<i32>} : memref<8192xf32, #tpu.memory_space<vmem>>, vector<16xf32>,
          %scan3A_290 = arith.constant 0 : i32
          scf.yield %scan3A_290 : i32
        }
        %scan3A_120 = arith.constant 512 : i32
      } else {
      }
      %lt3A_84 = arith.constant 3.440000e+02 : f32
      %lt3A_85 = arith.cmpf olt, %squeeze3A, %lt3A_84 : f32
      %ge3A_86 = arith.constant 2.580000e+02 : f32
      %ge3A_87 = arith.cmpf oge, %squeeze3A_62, %ge3A_86 : f32
      %and3A_88 = arith.andi %lt3A_85, %ge3A_87 : i1
      %convert_element_type3A_89 = arith.extui %and3A_88 : i1 to i32
      %cond3A_90 = arith.constant 0 : i32
      %cond3A_91 = arith.cmpi ne, %convert_element_type3A_89, %cond3A_90 : i32
      scf.if %cond3A_91 {
        "tpu.region"() ({
          %run_scoped3A = tpu.sem_alloc : memref<!tpu.dma_semaphore, #tpu.memory_space<semaphore_mem>>
          %dma_start3A = arith.constant 0 : i32
          %dma_start3A_121 = arith.constant 0 : i32
          %dma_start3A_122 = tpu.memref_slice %arg9[%dma_start3A, %dma_start3A_121] : memref<352x128xf32, #tpu.memory_space<vmem>> -> memref<352x128xf32, #tpu.memory_space<vmem>>
          %dma_start3A_123 = arith.constant 1032 : i32
          %dma_start3A_124 = arith.constant 0 : i32
          %dma_start3A_125 = tpu.memref_slice %arg4[%select_n3A, %dma_start3A_123, %dma_start3A_124] : memref<16x2048x128xf32, #tpu.memory_space<hbm>> -> memref<1x352x128xf32, #tpu.memory_space<hbm>>
          %dma_start3A_126 = tpu.memref_squeeze %dma_start3A_125 : memref<1x352x128xf32, #tpu.memory_space<hbm>> -> memref<352x128xf32, #tpu.memory_space<hbm>>
          %dma_start3A_127 = arith.constant 0 : i32
          %dma_start3A_128 = arith.constant 0 : i32
          %dma_start3A_129 = tpu.memref_slice %arg9[%dma_start3A_127, %dma_start3A_128] : memref<352x128xf32, #tpu.memory_space<vmem>> -> memref<352x128xf32, #tpu.memory_space<vmem>>
          %dma_start3A_130 = arith.constant 1032 : i32
          %dma_start3A_131 = arith.constant 0 : i32
          %dma_start3A_132 = tpu.memref_slice %arg4[%select_n3A, %dma_start3A_130, %dma_start3A_131] : memref<16x2048x128xf32, #tpu.memory_space<hbm>> -> memref<1x352x128xf32, #tpu.memory_space<hbm>>
          %dma_start3A_133 = tpu.memref_squeeze %dma_start3A_132 : memref<1x352x128xf32, #tpu.memory_space<hbm>> -> memref<352x128xf32, #tpu.memory_space<hbm>>
          tpu.enqueue_dma source(%dma_start3A_133 : memref<352x128xf32, #tpu.memory_space<hbm>>) target(%dma_start3A_129 : memref<352x128xf32, #tpu.memory_space<vmem>>) target_semaphore(%run_scoped3A : memref<!tpu.dma_semaphore, #tpu.memory_space<semaphore_mem>>)
          %dma_wait3A = arith.constant 0 : i32
          %dma_wait3A_134 = arith.constant 0 : i32
          %dma_wait3A_135 = tpu.memref_slice %arg9[%dma_wait3A, %dma_wait3A_134] : memref<352x128xf32, #tpu.memory_space<vmem>> -> memref<352x128xf32, #tpu.memory_space<vmem>>
          %dma_wait3A_136 = arith.constant 1032 : i32
          %dma_wait3A_137 = arith.constant 0 : i32
          %dma_wait3A_138 = tpu.memref_slice %arg4[%select_n3A, %dma_wait3A_136, %dma_wait3A_137] : memref<16x2048x128xf32, #tpu.memory_space<hbm>> -> memref<1x352x128xf32, #tpu.memory_space<hbm>>
          %dma_wait3A_139 = tpu.memref_squeeze %dma_wait3A_138 : memref<1x352x128xf32, #tpu.memory_space<hbm>> -> memref<352x128xf32, #tpu.memory_space<hbm>>
          %dma_wait3A_140 = arith.constant 0 : i32
          %dma_wait3A_141 = arith.constant 0 : i32
          %dma_wait3A_142 = tpu.memref_slice %arg9[%dma_wait3A_140, %dma_wait3A_141] : memref<352x128xf32, #tpu.memory_space<vmem>> -> memref<352x128xf32, #tpu.memory_space<vmem>>
          %dma_wait3A_143 = arith.constant 1032 : i32
          %dma_wait3A_144 = arith.constant 0 : i32
          %dma_wait3A_145 = tpu.memref_slice %arg4[%select_n3A, %dma_wait3A_143, %dma_wait3A_144] : memref<16x2048x128xf32, #tpu.memory_space<hbm>> -> memref<1x352x128xf32, #tpu.memory_space<hbm>>
          %dma_wait3A_146 = tpu.memref_squeeze %dma_wait3A_145 : memref<1x352x128xf32, #tpu.memory_space<hbm>> -> memref<352x128xf32, #tpu.memory_space<hbm>>
          tpu.wait_dma2 semaphore(%run_scoped3A : memref<!tpu.dma_semaphore, #tpu.memory_space<semaphore_mem>>) src(%dma_wait3A_146 : memref<352x128xf32, #tpu.memory_space<hbm>>) dst(%dma_wait3A_142 : memref<352x128xf32, #tpu.memory_space<vmem>>)
          tpu.yield
        }) : () -> ()
        %scan3A_114 = arith.constant 0 : i32
        %scan3A_115 = arith.constant 0 : i32
        %scan3A_116 = arith.constant 512 : i32
        %scan3A_117 = arith.addi %scan3A_115, %scan3A_116 : i32
        %scan3A_118 = arith.constant 1 : i32
        %scan3A_119 = scf.for %scan3A_121 = %scan3A_115 to %scan3A_117 step %scan3A_118 iter_args(%scan3A_122 = %scan3A_114) -> (i32)  : i32 {
          %jit3A_123 = arith.constant 32 : i32
          %div3A_124 = arith.divsi %scan3A_121, %jit3A_123 : i32
          %sign3A_125 = arith.constant 0 : i32
          %sign3A_126 = arith.cmpi sgt, %scan3A_121, %sign3A_125 : i32
          %sign3A_127 = arith.extui %sign3A_126 : i1 to i32
          %sign3A_128 = arith.constant 0 : i32
          %sign3A_129 = arith.cmpi slt, %scan3A_121, %sign3A_128 : i32
          %sign3A_130 = arith.extui %sign3A_129 : i1 to i32
          %sign3A_131 = arith.subi %sign3A_127, %sign3A_130 : i32
          %sign3A_132 = arith.constant 0 : i32
          %sign3A_133 = arith.cmpi sgt, %jit3A_123, %sign3A_132 : i32
          %sign3A_134 = arith.extui %sign3A_133 : i1 to i32
          %sign3A_135 = arith.constant 0 : i32
          %sign3A_136 = arith.cmpi slt, %jit3A_123, %sign3A_135 : i32
          %sign3A_137 = arith.extui %sign3A_136 : i1 to i32
          %sign3A_138 = arith.subi %sign3A_134, %sign3A_137 : i32
          %ne3A_139 = arith.cmpi ne, %sign3A_131, %sign3A_138 : i32
          %rem3A_140 = arith.remsi %scan3A_121, %jit3A_123 : i32
          %ne3A_141 = arith.constant 0 : i32
          %ne3A_142 = arith.cmpi ne, %rem3A_140, %ne3A_141 : i32
          %and3A_143 = arith.andi %ne3A_139, %ne3A_142 : i1
          %sub3A_144 = arith.constant 1 : i32
          %sub3A_145 = arith.subi %div3A_124, %sub3A_144 : i32
          %select_n3A_146 = arith.select %and3A_143, %sub3A_145, %div3A_124 : i32
          %jit3A_147 = arith.constant 32 : i32
          %eq3A_148 = arith.constant 0 : i32
          %eq3A_149 = arith.cmpi eq, %jit3A_147, %eq3A_148 : i32
          %jit3A_150 = arith.constant 1 : i32
          %select_n3A_151 = arith.select %eq3A_149, %jit3A_150, %jit3A_147 : i32
          %rem3A_152 = arith.remsi %scan3A_121, %select_n3A_151 : i32
          %ne3A_153 = arith.constant 0 : i32
          %ne3A_154 = arith.cmpi ne, %rem3A_152, %ne3A_153 : i32
          %lt3A_155 = arith.constant 0 : i32
          %lt3A_156 = arith.cmpi slt, %rem3A_152, %lt3A_155 : i32
          %lt3A_157 = arith.constant 0 : i32
          %lt3A_158 = arith.cmpi slt, %select_n3A_151, %lt3A_157 : i32
          %ne3A_159 = arith.xori %lt3A_156, %lt3A_158 : i1
          %and3A_160 = arith.andi %ne3A_159, %ne3A_154 : i1
          %add3A_161 = arith.addi %rem3A_152, %select_n3A_151 : i32
          %select_n3A_162 = arith.select %and3A_160, %add3A_161, %rem3A_152 : i32
          %mul3A_163 = arith.constant 16 : i32
          %mul3A_164 = arith.muli %select_n3A_162, %mul3A_163 : i32
          %get3A_165 = arith.constant 0 : i32
          %get3A_166 = arith.index_cast %get3A_165 : i32 to index
          %get3A_167 = arith.index_cast %select_n3A_146 : i32 to index
          %get3A_168 = arith.index_cast %mul3A_164 : i32 to index
          %get3A_169 = tpu.vector_load %arg7[%get3A_166, %get3A_167, %get3A_168] {strides = array<i32>} : memref<4x16x512xi32, #tpu.memory_space<vmem>>, vector<16xi32>,
          %get3A_170 = arith.constant 1 : i32
          %get3A_171 = arith.index_cast %get3A_170 : i32 to index
          %get3A_172 = arith.index_cast %select_n3A_146 : i32 to index
          %get3A_173 = arith.index_cast %mul3A_164 : i32 to index
          %get3A_174 = tpu.vector_load %arg7[%get3A_171, %get3A_172, %get3A_173] {strides = array<i32>} : memref<4x16x512xi32, #tpu.memory_space<vmem>>, vector<16xi32>,
          %get3A_175 = arith.constant 2 : i32
          %get3A_176 = arith.index_cast %get3A_175 : i32 to index
          %get3A_177 = arith.index_cast %select_n3A_146 : i32 to index
          %get3A_178 = arith.index_cast %mul3A_164 : i32 to index
          %get3A_179 = tpu.vector_load %arg7[%get3A_176, %get3A_177, %get3A_178] {strides = array<i32>} : memref<4x16x512xi32, #tpu.memory_space<vmem>>, vector<16xi32>,
          %get3A_180 = arith.constant 3 : i32
          %get3A_181 = arith.index_cast %get3A_180 : i32 to index
          %get3A_182 = arith.index_cast %select_n3A_146 : i32 to index
          %get3A_183 = arith.index_cast %mul3A_164 : i32 to index
          %get3A_184 = tpu.vector_load %arg7[%get3A_181, %get3A_182, %get3A_183] {strides = array<i32>} : memref<4x16x512xi32, #tpu.memory_space<vmem>>, vector<16xi32>,
          %get3A_185 = arith.constant 0 : i32
          %get3A_186 = arith.index_cast %get3A_185 : i32 to index
          %get3A_187 = arith.index_cast %select_n3A_146 : i32 to index
          %get3A_188 = arith.index_cast %mul3A_164 : i32 to index
          %get3A_189 = tpu.vector_load %arg8[%get3A_186, %get3A_187, %get3A_188] {strides = array<i32>} : memref<4x16x512xf32, #tpu.memory_space<vmem>>, vector<16xf32>,
          %get3A_190 = arith.constant 1 : i32
          %get3A_191 = arith.index_cast %get3A_190 : i32 to index
          %get3A_192 = arith.index_cast %select_n3A_146 : i32 to index
          %get3A_193 = arith.index_cast %mul3A_164 : i32 to index
          %get3A_194 = tpu.vector_load %arg8[%get3A_191, %get3A_192, %get3A_193] {strides = array<i32>} : memref<4x16x512xf32, #tpu.memory_space<vmem>>, vector<16xf32>,
          %get3A_195 = arith.constant 2 : i32
          %get3A_196 = arith.index_cast %get3A_195 : i32 to index
          %get3A_197 = arith.index_cast %select_n3A_146 : i32 to index
          %get3A_198 = arith.index_cast %mul3A_164 : i32 to index
          %get3A_199 = tpu.vector_load %arg8[%get3A_196, %get3A_197, %get3A_198] {strides = array<i32>} : memref<4x16x512xf32, #tpu.memory_space<vmem>>, vector<16xf32>,
          %get3A_200 = arith.constant 3 : i32
          %get3A_201 = arith.index_cast %get3A_200 : i32 to index
          %get3A_202 = arith.index_cast %select_n3A_146 : i32 to index
          %get3A_203 = arith.index_cast %mul3A_164 : i32 to index
          %get3A_204 = tpu.vector_load %arg8[%get3A_201, %get3A_202, %get3A_203] {strides = array<i32>} : memref<4x16x512xf32, #tpu.memory_space<vmem>>, vector<16xf32>,
          %shift_right_arithmetic3A = arith.constant 9 : i32
          %shift_right_arithmetic3A_205 = vector.broadcast %shift_right_arithmetic3A : i32 to vector<16xi32>
          %shift_right_arithmetic3A_206 = arith.shrsi %get3A_169, %shift_right_arithmetic3A_205 : vector<16xi32>
          %ge3A_207 = arith.constant 258 : i32
          %ge3A_208 = vector.broadcast %ge3A_207 : i32 to vector<16xi32>
          %ge3A_209 = arith.cmpi sge, %shift_right_arithmetic3A_206, %ge3A_208 : vector<16xi32>
          %lt3A_210 = arith.constant 344 : i32
          %lt3A_211 = vector.broadcast %lt3A_210 : i32 to vector<16xi32>
          %lt3A_212 = arith.cmpi slt, %shift_right_arithmetic3A_206, %lt3A_211 : vector<16xi32>
          %and3A_213 = arith.andi %ge3A_209, %lt3A_212 : vector<16xi1>
          %broadcast_in_dim3A = arith.constant 0.000000e+00 : f32
          %broadcast_in_dim3A_214 = vector.broadcast %broadcast_in_dim3A : f32 to vector<16xf32>
          %sub3A_215 = arith.constant 132096 : i32
          %sub3A_216 = vector.broadcast %sub3A_215 : i32 to vector<16xi32>
          %sub3A_217 = arith.subi %get3A_169, %sub3A_216 : vector<16xi32>
          %jit3A_218 = arith.constant 0 : i32
          %jit3A_219 = arith.constant 45055 : i32
          %max3A = vector.broadcast %jit3A_218 : i32 to vector<16xi32>
          %max3A_220 = arith.maxsi %max3A, %sub3A_217 : vector<16xi32>
          %min3A = vector.broadcast %jit3A_219 : i32 to vector<16xi32>
          %min3A_221 = arith.minsi %min3A, %max3A_220 : vector<16xi32>
          %shift_right_arithmetic3A_222 = arith.constant 7 : i32
          %shift_right_arithmetic3A_223 = vector.broadcast %shift_right_arithmetic3A_222 : i32 to vector<16xi32>
          %shift_right_arithmetic3A_224 = arith.shrsi %min3A_221, %shift_right_arithmetic3A_223 : vector<16xi32>
          %and3A_225 = arith.constant 127 : i32
          %and3A_226 = vector.broadcast %and3A_225 : i32 to vector<16xi32>
          %and3A_227 = arith.andi %min3A_221, %and3A_226 : vector<16xi32>
          %gather3A = tpu.vector_load_idx %arg9[%shift_right_arithmetic3A_224, %and3A_227] : memref<352x128xf32, #tpu.memory_space<vmem>>[vector<16xi32>, vector<16xi32>], vector<16xf32>,
          %mul3A_228 = arith.mulf %get3A_189, %gather3A : vector<16xf32>
          %add3A_229 = arith.addf %broadcast_in_dim3A_214, %mul3A_228 : vector<16xf32>
          %sub3A_230 = arith.constant 132096 : i32
          %sub3A_231 = vector.broadcast %sub3A_230 : i32 to vector<16xi32>
          %sub3A_232 = arith.subi %get3A_174, %sub3A_231 : vector<16xi32>
          %jit3A_233 = arith.constant 0 : i32
          %jit3A_234 = arith.constant 45055 : i32
          %max3A_235 = vector.broadcast %jit3A_233 : i32 to vector<16xi32>
          %max3A_236 = arith.maxsi %max3A_235, %sub3A_232 : vector<16xi32>
          %min3A_237 = vector.broadcast %jit3A_234 : i32 to vector<16xi32>
          %min3A_238 = arith.minsi %min3A_237, %max3A_236 : vector<16xi32>
          %shift_right_arithmetic3A_239 = arith.constant 7 : i32
          %shift_right_arithmetic3A_240 = vector.broadcast %shift_right_arithmetic3A_239 : i32 to vector<16xi32>
          %shift_right_arithmetic3A_241 = arith.shrsi %min3A_238, %shift_right_arithmetic3A_240 : vector<16xi32>
          %and3A_242 = arith.constant 127 : i32
          %and3A_243 = vector.broadcast %and3A_242 : i32 to vector<16xi32>
          %and3A_244 = arith.andi %min3A_238, %and3A_243 : vector<16xi32>
          %gather3A_245 = tpu.vector_load_idx %arg9[%shift_right_arithmetic3A_241, %and3A_244] : memref<352x128xf32, #tpu.memory_space<vmem>>[vector<16xi32>, vector<16xi32>], vector<16xf32>,
          %mul3A_246 = arith.mulf %get3A_194, %gather3A_245 : vector<16xf32>
          %add3A_247 = arith.addf %add3A_229, %mul3A_246 : vector<16xf32>
          %sub3A_248 = arith.constant 132096 : i32
          %sub3A_249 = vector.broadcast %sub3A_248 : i32 to vector<16xi32>
          %sub3A_250 = arith.subi %get3A_179, %sub3A_249 : vector<16xi32>
          %jit3A_251 = arith.constant 0 : i32
          %jit3A_252 = arith.constant 45055 : i32
          %max3A_253 = vector.broadcast %jit3A_251 : i32 to vector<16xi32>
          %max3A_254 = arith.maxsi %max3A_253, %sub3A_250 : vector<16xi32>
          %min3A_255 = vector.broadcast %jit3A_252 : i32 to vector<16xi32>
          %min3A_256 = arith.minsi %min3A_255, %max3A_254 : vector<16xi32>
          %shift_right_arithmetic3A_257 = arith.constant 7 : i32
          %shift_right_arithmetic3A_258 = vector.broadcast %shift_right_arithmetic3A_257 : i32 to vector<16xi32>
          %shift_right_arithmetic3A_259 = arith.shrsi %min3A_256, %shift_right_arithmetic3A_258 : vector<16xi32>
          %and3A_260 = arith.constant 127 : i32
          %and3A_261 = vector.broadcast %and3A_260 : i32 to vector<16xi32>
          %and3A_262 = arith.andi %min3A_256, %and3A_261 : vector<16xi32>
          %gather3A_263 = tpu.vector_load_idx %arg9[%shift_right_arithmetic3A_259, %and3A_262] : memref<352x128xf32, #tpu.memory_space<vmem>>[vector<16xi32>, vector<16xi32>], vector<16xf32>,
          %mul3A_264 = arith.mulf %get3A_199, %gather3A_263 : vector<16xf32>
          %add3A_265 = arith.addf %add3A_247, %mul3A_264 : vector<16xf32>
          %sub3A_266 = arith.constant 132096 : i32
          %sub3A_267 = vector.broadcast %sub3A_266 : i32 to vector<16xi32>
          %sub3A_268 = arith.subi %get3A_184, %sub3A_267 : vector<16xi32>
          %jit3A_269 = arith.constant 0 : i32
          %jit3A_270 = arith.constant 45055 : i32
          %max3A_271 = vector.broadcast %jit3A_269 : i32 to vector<16xi32>
          %max3A_272 = arith.maxsi %max3A_271, %sub3A_268 : vector<16xi32>
          %min3A_273 = vector.broadcast %jit3A_270 : i32 to vector<16xi32>
          %min3A_274 = arith.minsi %min3A_273, %max3A_272 : vector<16xi32>
          %shift_right_arithmetic3A_275 = arith.constant 7 : i32
          %shift_right_arithmetic3A_276 = vector.broadcast %shift_right_arithmetic3A_275 : i32 to vector<16xi32>
          %shift_right_arithmetic3A_277 = arith.shrsi %min3A_274, %shift_right_arithmetic3A_276 : vector<16xi32>
          %and3A_278 = arith.constant 127 : i32
          %and3A_279 = vector.broadcast %and3A_278 : i32 to vector<16xi32>
          %and3A_280 = arith.andi %min3A_274, %and3A_279 : vector<16xi32>
          %gather3A_281 = tpu.vector_load_idx %arg9[%shift_right_arithmetic3A_277, %and3A_280] : memref<352x128xf32, #tpu.memory_space<vmem>>[vector<16xi32>, vector<16xi32>], vector<16xf32>,
          %mul3A_282 = arith.mulf %get3A_204, %gather3A_281 : vector<16xf32>
          %add3A_283 = arith.addf %add3A_265, %mul3A_282 : vector<16xf32>
          %jit3A_284 = arith.constant 0.000000e+00 : f32
          %broadcast_in_dim3A_285 = vector.broadcast %jit3A_284 : f32 to vector<16xf32>
          %select_n3A_286 = arith.select %and3A_213, %add3A_283, %broadcast_in_dim3A_285 : vector<16xi1>, vector<16xf32>
          %mul3A_287 = arith.constant 16 : i32
          %mul3A_288 = arith.muli %scan3A_121, %mul3A_287 : i32
          %swap3A = arith.index_cast %mul3A_288 : i32 to index
          %swap3A_289 = tpu.vector_load %arg10[%swap3A] {strides = array<i32>} : memref<8192xf32, #tpu.memory_space<vmem>>, vector<16xf32>,
          tpu.vector_store %arg10[%swap3A], %select_n3A_286 {add = true, strides = array<i32>} : memref<8192xf32, #tpu.memory_space<vmem>>, vector<16xf32>,
          %scan3A_290 = arith.constant 0 : i32
          scf.yield %scan3A_290 : i32
        }
        %scan3A_120 = arith.constant 512 : i32
      } else {
      }
      %lt3A_92 = arith.constant 4.300000e+02 : f32
      %lt3A_93 = arith.cmpf olt, %squeeze3A, %lt3A_92 : f32
      %ge3A_94 = arith.constant 3.440000e+02 : f32
      %ge3A_95 = arith.cmpf oge, %squeeze3A_62, %ge3A_94 : f32
      %and3A_96 = arith.andi %lt3A_93, %ge3A_95 : i1
      %convert_element_type3A_97 = arith.extui %and3A_96 : i1 to i32
      %cond3A_98 = arith.constant 0 : i32
      %cond3A_99 = arith.cmpi ne, %convert_element_type3A_97, %cond3A_98 : i32
      scf.if %cond3A_99 {
        "tpu.region"() ({
          %run_scoped3A = tpu.sem_alloc : memref<!tpu.dma_semaphore, #tpu.memory_space<semaphore_mem>>
          %dma_start3A = arith.constant 0 : i32
          %dma_start3A_121 = arith.constant 0 : i32
          %dma_start3A_122 = tpu.memref_slice %arg9[%dma_start3A, %dma_start3A_121] : memref<352x128xf32, #tpu.memory_space<vmem>> -> memref<352x128xf32, #tpu.memory_space<vmem>>
          %dma_start3A_123 = arith.constant 1376 : i32
          %dma_start3A_124 = arith.constant 0 : i32
          %dma_start3A_125 = tpu.memref_slice %arg4[%select_n3A, %dma_start3A_123, %dma_start3A_124] : memref<16x2048x128xf32, #tpu.memory_space<hbm>> -> memref<1x352x128xf32, #tpu.memory_space<hbm>>
          %dma_start3A_126 = tpu.memref_squeeze %dma_start3A_125 : memref<1x352x128xf32, #tpu.memory_space<hbm>> -> memref<352x128xf32, #tpu.memory_space<hbm>>
          %dma_start3A_127 = arith.constant 0 : i32
          %dma_start3A_128 = arith.constant 0 : i32
          %dma_start3A_129 = tpu.memref_slice %arg9[%dma_start3A_127, %dma_start3A_128] : memref<352x128xf32, #tpu.memory_space<vmem>> -> memref<352x128xf32, #tpu.memory_space<vmem>>
          %dma_start3A_130 = arith.constant 1376 : i32
          %dma_start3A_131 = arith.constant 0 : i32
          %dma_start3A_132 = tpu.memref_slice %arg4[%select_n3A, %dma_start3A_130, %dma_start3A_131] : memref<16x2048x128xf32, #tpu.memory_space<hbm>> -> memref<1x352x128xf32, #tpu.memory_space<hbm>>
          %dma_start3A_133 = tpu.memref_squeeze %dma_start3A_132 : memref<1x352x128xf32, #tpu.memory_space<hbm>> -> memref<352x128xf32, #tpu.memory_space<hbm>>
          tpu.enqueue_dma source(%dma_start3A_133 : memref<352x128xf32, #tpu.memory_space<hbm>>) target(%dma_start3A_129 : memref<352x128xf32, #tpu.memory_space<vmem>>) target_semaphore(%run_scoped3A : memref<!tpu.dma_semaphore, #tpu.memory_space<semaphore_mem>>)
          %dma_wait3A = arith.constant 0 : i32
          %dma_wait3A_134 = arith.constant 0 : i32
          %dma_wait3A_135 = tpu.memref_slice %arg9[%dma_wait3A, %dma_wait3A_134] : memref<352x128xf32, #tpu.memory_space<vmem>> -> memref<352x128xf32, #tpu.memory_space<vmem>>
          %dma_wait3A_136 = arith.constant 1376 : i32
          %dma_wait3A_137 = arith.constant 0 : i32
          %dma_wait3A_138 = tpu.memref_slice %arg4[%select_n3A, %dma_wait3A_136, %dma_wait3A_137] : memref<16x2048x128xf32, #tpu.memory_space<hbm>> -> memref<1x352x128xf32, #tpu.memory_space<hbm>>
          %dma_wait3A_139 = tpu.memref_squeeze %dma_wait3A_138 : memref<1x352x128xf32, #tpu.memory_space<hbm>> -> memref<352x128xf32, #tpu.memory_space<hbm>>
          %dma_wait3A_140 = arith.constant 0 : i32
          %dma_wait3A_141 = arith.constant 0 : i32
          %dma_wait3A_142 = tpu.memref_slice %arg9[%dma_wait3A_140, %dma_wait3A_141] : memref<352x128xf32, #tpu.memory_space<vmem>> -> memref<352x128xf32, #tpu.memory_space<vmem>>
          %dma_wait3A_143 = arith.constant 1376 : i32
          %dma_wait3A_144 = arith.constant 0 : i32
          %dma_wait3A_145 = tpu.memref_slice %arg4[%select_n3A, %dma_wait3A_143, %dma_wait3A_144] : memref<16x2048x128xf32, #tpu.memory_space<hbm>> -> memref<1x352x128xf32, #tpu.memory_space<hbm>>
          %dma_wait3A_146 = tpu.memref_squeeze %dma_wait3A_145 : memref<1x352x128xf32, #tpu.memory_space<hbm>> -> memref<352x128xf32, #tpu.memory_space<hbm>>
          tpu.wait_dma2 semaphore(%run_scoped3A : memref<!tpu.dma_semaphore, #tpu.memory_space<semaphore_mem>>) src(%dma_wait3A_146 : memref<352x128xf32, #tpu.memory_space<hbm>>) dst(%dma_wait3A_142 : memref<352x128xf32, #tpu.memory_space<vmem>>)
          tpu.yield
        }) : () -> ()
        %scan3A_114 = arith.constant 0 : i32
        %scan3A_115 = arith.constant 0 : i32
        %scan3A_116 = arith.constant 512 : i32
        %scan3A_117 = arith.addi %scan3A_115, %scan3A_116 : i32
        %scan3A_118 = arith.constant 1 : i32
        %scan3A_119 = scf.for %scan3A_121 = %scan3A_115 to %scan3A_117 step %scan3A_118 iter_args(%scan3A_122 = %scan3A_114) -> (i32)  : i32 {
          %jit3A_123 = arith.constant 32 : i32
          %div3A_124 = arith.divsi %scan3A_121, %jit3A_123 : i32
          %sign3A_125 = arith.constant 0 : i32
          %sign3A_126 = arith.cmpi sgt, %scan3A_121, %sign3A_125 : i32
          %sign3A_127 = arith.extui %sign3A_126 : i1 to i32
          %sign3A_128 = arith.constant 0 : i32
          %sign3A_129 = arith.cmpi slt, %scan3A_121, %sign3A_128 : i32
          %sign3A_130 = arith.extui %sign3A_129 : i1 to i32
          %sign3A_131 = arith.subi %sign3A_127, %sign3A_130 : i32
          %sign3A_132 = arith.constant 0 : i32
          %sign3A_133 = arith.cmpi sgt, %jit3A_123, %sign3A_132 : i32
          %sign3A_134 = arith.extui %sign3A_133 : i1 to i32
          %sign3A_135 = arith.constant 0 : i32
          %sign3A_136 = arith.cmpi slt, %jit3A_123, %sign3A_135 : i32
          %sign3A_137 = arith.extui %sign3A_136 : i1 to i32
          %sign3A_138 = arith.subi %sign3A_134, %sign3A_137 : i32
          %ne3A_139 = arith.cmpi ne, %sign3A_131, %sign3A_138 : i32
          %rem3A_140 = arith.remsi %scan3A_121, %jit3A_123 : i32
          %ne3A_141 = arith.constant 0 : i32
          %ne3A_142 = arith.cmpi ne, %rem3A_140, %ne3A_141 : i32
          %and3A_143 = arith.andi %ne3A_139, %ne3A_142 : i1
          %sub3A_144 = arith.constant 1 : i32
          %sub3A_145 = arith.subi %div3A_124, %sub3A_144 : i32
          %select_n3A_146 = arith.select %and3A_143, %sub3A_145, %div3A_124 : i32
          %jit3A_147 = arith.constant 32 : i32
          %eq3A_148 = arith.constant 0 : i32
          %eq3A_149 = arith.cmpi eq, %jit3A_147, %eq3A_148 : i32
          %jit3A_150 = arith.constant 1 : i32
          %select_n3A_151 = arith.select %eq3A_149, %jit3A_150, %jit3A_147 : i32
          %rem3A_152 = arith.remsi %scan3A_121, %select_n3A_151 : i32
          %ne3A_153 = arith.constant 0 : i32
          %ne3A_154 = arith.cmpi ne, %rem3A_152, %ne3A_153 : i32
          %lt3A_155 = arith.constant 0 : i32
          %lt3A_156 = arith.cmpi slt, %rem3A_152, %lt3A_155 : i32
          %lt3A_157 = arith.constant 0 : i32
          %lt3A_158 = arith.cmpi slt, %select_n3A_151, %lt3A_157 : i32
          %ne3A_159 = arith.xori %lt3A_156, %lt3A_158 : i1
          %and3A_160 = arith.andi %ne3A_159, %ne3A_154 : i1
          %add3A_161 = arith.addi %rem3A_152, %select_n3A_151 : i32
          %select_n3A_162 = arith.select %and3A_160, %add3A_161, %rem3A_152 : i32
          %mul3A_163 = arith.constant 16 : i32
          %mul3A_164 = arith.muli %select_n3A_162, %mul3A_163 : i32
          %get3A_165 = arith.constant 0 : i32
          %get3A_166 = arith.index_cast %get3A_165 : i32 to index
          %get3A_167 = arith.index_cast %select_n3A_146 : i32 to index
          %get3A_168 = arith.index_cast %mul3A_164 : i32 to index
          %get3A_169 = tpu.vector_load %arg7[%get3A_166, %get3A_167, %get3A_168] {strides = array<i32>} : memref<4x16x512xi32, #tpu.memory_space<vmem>>, vector<16xi32>,
          %get3A_170 = arith.constant 1 : i32
          %get3A_171 = arith.index_cast %get3A_170 : i32 to index
          %get3A_172 = arith.index_cast %select_n3A_146 : i32 to index
          %get3A_173 = arith.index_cast %mul3A_164 : i32 to index
          %get3A_174 = tpu.vector_load %arg7[%get3A_171, %get3A_172, %get3A_173] {strides = array<i32>} : memref<4x16x512xi32, #tpu.memory_space<vmem>>, vector<16xi32>,
          %get3A_175 = arith.constant 2 : i32
          %get3A_176 = arith.index_cast %get3A_175 : i32 to index
          %get3A_177 = arith.index_cast %select_n3A_146 : i32 to index
          %get3A_178 = arith.index_cast %mul3A_164 : i32 to index
          %get3A_179 = tpu.vector_load %arg7[%get3A_176, %get3A_177, %get3A_178] {strides = array<i32>} : memref<4x16x512xi32, #tpu.memory_space<vmem>>, vector<16xi32>,
          %get3A_180 = arith.constant 3 : i32
          %get3A_181 = arith.index_cast %get3A_180 : i32 to index
          %get3A_182 = arith.index_cast %select_n3A_146 : i32 to index
          %get3A_183 = arith.index_cast %mul3A_164 : i32 to index
          %get3A_184 = tpu.vector_load %arg7[%get3A_181, %get3A_182, %get3A_183] {strides = array<i32>} : memref<4x16x512xi32, #tpu.memory_space<vmem>>, vector<16xi32>,
          %get3A_185 = arith.constant 0 : i32
          %get3A_186 = arith.index_cast %get3A_185 : i32 to index
          %get3A_187 = arith.index_cast %select_n3A_146 : i32 to index
          %get3A_188 = arith.index_cast %mul3A_164 : i32 to index
          %get3A_189 = tpu.vector_load %arg8[%get3A_186, %get3A_187, %get3A_188] {strides = array<i32>} : memref<4x16x512xf32, #tpu.memory_space<vmem>>, vector<16xf32>,
          %get3A_190 = arith.constant 1 : i32
          %get3A_191 = arith.index_cast %get3A_190 : i32 to index
          %get3A_192 = arith.index_cast %select_n3A_146 : i32 to index
          %get3A_193 = arith.index_cast %mul3A_164 : i32 to index
          %get3A_194 = tpu.vector_load %arg8[%get3A_191, %get3A_192, %get3A_193] {strides = array<i32>} : memref<4x16x512xf32, #tpu.memory_space<vmem>>, vector<16xf32>,
          %get3A_195 = arith.constant 2 : i32
          %get3A_196 = arith.index_cast %get3A_195 : i32 to index
          %get3A_197 = arith.index_cast %select_n3A_146 : i32 to index
          %get3A_198 = arith.index_cast %mul3A_164 : i32 to index
          %get3A_199 = tpu.vector_load %arg8[%get3A_196, %get3A_197, %get3A_198] {strides = array<i32>} : memref<4x16x512xf32, #tpu.memory_space<vmem>>, vector<16xf32>,
          %get3A_200 = arith.constant 3 : i32
          %get3A_201 = arith.index_cast %get3A_200 : i32 to index
          %get3A_202 = arith.index_cast %select_n3A_146 : i32 to index
          %get3A_203 = arith.index_cast %mul3A_164 : i32 to index
          %get3A_204 = tpu.vector_load %arg8[%get3A_201, %get3A_202, %get3A_203] {strides = array<i32>} : memref<4x16x512xf32, #tpu.memory_space<vmem>>, vector<16xf32>,
          %shift_right_arithmetic3A = arith.constant 9 : i32
          %shift_right_arithmetic3A_205 = vector.broadcast %shift_right_arithmetic3A : i32 to vector<16xi32>
          %shift_right_arithmetic3A_206 = arith.shrsi %get3A_169, %shift_right_arithmetic3A_205 : vector<16xi32>
          %ge3A_207 = arith.constant 344 : i32
          %ge3A_208 = vector.broadcast %ge3A_207 : i32 to vector<16xi32>
          %ge3A_209 = arith.cmpi sge, %shift_right_arithmetic3A_206, %ge3A_208 : vector<16xi32>
          %lt3A_210 = arith.constant 430 : i32
          %lt3A_211 = vector.broadcast %lt3A_210 : i32 to vector<16xi32>
          %lt3A_212 = arith.cmpi slt, %shift_right_arithmetic3A_206, %lt3A_211 : vector<16xi32>
          %and3A_213 = arith.andi %ge3A_209, %lt3A_212 : vector<16xi1>
          %broadcast_in_dim3A = arith.constant 0.000000e+00 : f32
          %broadcast_in_dim3A_214 = vector.broadcast %broadcast_in_dim3A : f32 to vector<16xf32>
          %sub3A_215 = arith.constant 176128 : i32
          %sub3A_216 = vector.broadcast %sub3A_215 : i32 to vector<16xi32>
          %sub3A_217 = arith.subi %get3A_169, %sub3A_216 : vector<16xi32>
          %jit3A_218 = arith.constant 0 : i32
          %jit3A_219 = arith.constant 45055 : i32
          %max3A = vector.broadcast %jit3A_218 : i32 to vector<16xi32>
          %max3A_220 = arith.maxsi %max3A, %sub3A_217 : vector<16xi32>
          %min3A = vector.broadcast %jit3A_219 : i32 to vector<16xi32>
          %min3A_221 = arith.minsi %min3A, %max3A_220 : vector<16xi32>
          %shift_right_arithmetic3A_222 = arith.constant 7 : i32
          %shift_right_arithmetic3A_223 = vector.broadcast %shift_right_arithmetic3A_222 : i32 to vector<16xi32>
          %shift_right_arithmetic3A_224 = arith.shrsi %min3A_221, %shift_right_arithmetic3A_223 : vector<16xi32>
          %and3A_225 = arith.constant 127 : i32
          %and3A_226 = vector.broadcast %and3A_225 : i32 to vector<16xi32>
          %and3A_227 = arith.andi %min3A_221, %and3A_226 : vector<16xi32>
          %gather3A = tpu.vector_load_idx %arg9[%shift_right_arithmetic3A_224, %and3A_227] : memref<352x128xf32, #tpu.memory_space<vmem>>[vector<16xi32>, vector<16xi32>], vector<16xf32>,
          %mul3A_228 = arith.mulf %get3A_189, %gather3A : vector<16xf32>
          %add3A_229 = arith.addf %broadcast_in_dim3A_214, %mul3A_228 : vector<16xf32>
          %sub3A_230 = arith.constant 176128 : i32
          %sub3A_231 = vector.broadcast %sub3A_230 : i32 to vector<16xi32>
          %sub3A_232 = arith.subi %get3A_174, %sub3A_231 : vector<16xi32>
          %jit3A_233 = arith.constant 0 : i32
          %jit3A_234 = arith.constant 45055 : i32
          %max3A_235 = vector.broadcast %jit3A_233 : i32 to vector<16xi32>
          %max3A_236 = arith.maxsi %max3A_235, %sub3A_232 : vector<16xi32>
          %min3A_237 = vector.broadcast %jit3A_234 : i32 to vector<16xi32>
          %min3A_238 = arith.minsi %min3A_237, %max3A_236 : vector<16xi32>
          %shift_right_arithmetic3A_239 = arith.constant 7 : i32
          %shift_right_arithmetic3A_240 = vector.broadcast %shift_right_arithmetic3A_239 : i32 to vector<16xi32>
          %shift_right_arithmetic3A_241 = arith.shrsi %min3A_238, %shift_right_arithmetic3A_240 : vector<16xi32>
          %and3A_242 = arith.constant 127 : i32
          %and3A_243 = vector.broadcast %and3A_242 : i32 to vector<16xi32>
          %and3A_244 = arith.andi %min3A_238, %and3A_243 : vector<16xi32>
          %gather3A_245 = tpu.vector_load_idx %arg9[%shift_right_arithmetic3A_241, %and3A_244] : memref<352x128xf32, #tpu.memory_space<vmem>>[vector<16xi32>, vector<16xi32>], vector<16xf32>,
          %mul3A_246 = arith.mulf %get3A_194, %gather3A_245 : vector<16xf32>
          %add3A_247 = arith.addf %add3A_229, %mul3A_246 : vector<16xf32>
          %sub3A_248 = arith.constant 176128 : i32
          %sub3A_249 = vector.broadcast %sub3A_248 : i32 to vector<16xi32>
          %sub3A_250 = arith.subi %get3A_179, %sub3A_249 : vector<16xi32>
          %jit3A_251 = arith.constant 0 : i32
          %jit3A_252 = arith.constant 45055 : i32
          %max3A_253 = vector.broadcast %jit3A_251 : i32 to vector<16xi32>
          %max3A_254 = arith.maxsi %max3A_253, %sub3A_250 : vector<16xi32>
          %min3A_255 = vector.broadcast %jit3A_252 : i32 to vector<16xi32>
          %min3A_256 = arith.minsi %min3A_255, %max3A_254 : vector<16xi32>
          %shift_right_arithmetic3A_257 = arith.constant 7 : i32
          %shift_right_arithmetic3A_258 = vector.broadcast %shift_right_arithmetic3A_257 : i32 to vector<16xi32>
          %shift_right_arithmetic3A_259 = arith.shrsi %min3A_256, %shift_right_arithmetic3A_258 : vector<16xi32>
          %and3A_260 = arith.constant 127 : i32
          %and3A_261 = vector.broadcast %and3A_260 : i32 to vector<16xi32>
          %and3A_262 = arith.andi %min3A_256, %and3A_261 : vector<16xi32>
          %gather3A_263 = tpu.vector_load_idx %arg9[%shift_right_arithmetic3A_259, %and3A_262] : memref<352x128xf32, #tpu.memory_space<vmem>>[vector<16xi32>, vector<16xi32>], vector<16xf32>,
          %mul3A_264 = arith.mulf %get3A_199, %gather3A_263 : vector<16xf32>
          %add3A_265 = arith.addf %add3A_247, %mul3A_264 : vector<16xf32>
          %sub3A_266 = arith.constant 176128 : i32
          %sub3A_267 = vector.broadcast %sub3A_266 : i32 to vector<16xi32>
          %sub3A_268 = arith.subi %get3A_184, %sub3A_267 : vector<16xi32>
          %jit3A_269 = arith.constant 0 : i32
          %jit3A_270 = arith.constant 45055 : i32
          %max3A_271 = vector.broadcast %jit3A_269 : i32 to vector<16xi32>
          %max3A_272 = arith.maxsi %max3A_271, %sub3A_268 : vector<16xi32>
          %min3A_273 = vector.broadcast %jit3A_270 : i32 to vector<16xi32>
          %min3A_274 = arith.minsi %min3A_273, %max3A_272 : vector<16xi32>
          %shift_right_arithmetic3A_275 = arith.constant 7 : i32
          %shift_right_arithmetic3A_276 = vector.broadcast %shift_right_arithmetic3A_275 : i32 to vector<16xi32>
          %shift_right_arithmetic3A_277 = arith.shrsi %min3A_274, %shift_right_arithmetic3A_276 : vector<16xi32>
          %and3A_278 = arith.constant 127 : i32
          %and3A_279 = vector.broadcast %and3A_278 : i32 to vector<16xi32>
          %and3A_280 = arith.andi %min3A_274, %and3A_279 : vector<16xi32>
          %gather3A_281 = tpu.vector_load_idx %arg9[%shift_right_arithmetic3A_277, %and3A_280] : memref<352x128xf32, #tpu.memory_space<vmem>>[vector<16xi32>, vector<16xi32>], vector<16xf32>,
          %mul3A_282 = arith.mulf %get3A_204, %gather3A_281 : vector<16xf32>
          %add3A_283 = arith.addf %add3A_265, %mul3A_282 : vector<16xf32>
          %jit3A_284 = arith.constant 0.000000e+00 : f32
          %broadcast_in_dim3A_285 = vector.broadcast %jit3A_284 : f32 to vector<16xf32>
          %select_n3A_286 = arith.select %and3A_213, %add3A_283, %broadcast_in_dim3A_285 : vector<16xi1>, vector<16xf32>
          %mul3A_287 = arith.constant 16 : i32
          %mul3A_288 = arith.muli %scan3A_121, %mul3A_287 : i32
          %swap3A = arith.index_cast %mul3A_288 : i32 to index
          %swap3A_289 = tpu.vector_load %arg10[%swap3A] {strides = array<i32>} : memref<8192xf32, #tpu.memory_space<vmem>>, vector<16xf32>,
          tpu.vector_store %arg10[%swap3A], %select_n3A_286 {add = true, strides = array<i32>} : memref<8192xf32, #tpu.memory_space<vmem>>, vector<16xf32>,
          %scan3A_290 = arith.constant 0 : i32
          scf.yield %scan3A_290 : i32
        }
        %scan3A_120 = arith.constant 512 : i32
      } else {
      }
      %lt3A_100 = arith.constant 5.120000e+02 : f32
      %lt3A_101 = arith.cmpf olt, %squeeze3A, %lt3A_100 : f32
      %ge3A_102 = arith.constant 4.300000e+02 : f32
      %ge3A_103 = arith.cmpf oge, %squeeze3A_62, %ge3A_102 : f32
      %and3A_104 = arith.andi %lt3A_101, %ge3A_103 : i1
      %convert_element_type3A_105 = arith.extui %and3A_104 : i1 to i32
      %cond3A_106 = arith.constant 0 : i32
      %cond3A_107 = arith.cmpi ne, %convert_element_type3A_105, %cond3A_106 : i32
      scf.if %cond3A_107 {
        "tpu.region"() ({
          %run_scoped3A = tpu.sem_alloc : memref<!tpu.dma_semaphore, #tpu.memory_space<semaphore_mem>>
          %dma_start3A = arith.constant 0 : i32
          %dma_start3A_121 = arith.constant 0 : i32
          %dma_start3A_122 = tpu.memref_slice %arg9[%dma_start3A, %dma_start3A_121] : memref<352x128xf32, #tpu.memory_space<vmem>> -> memref<328x128xf32, #tpu.memory_space<vmem>>
          %dma_start3A_123 = arith.constant 1720 : i32
          %dma_start3A_124 = arith.constant 0 : i32
          %dma_start3A_125 = tpu.memref_slice %arg4[%select_n3A, %dma_start3A_123, %dma_start3A_124] : memref<16x2048x128xf32, #tpu.memory_space<hbm>> -> memref<1x328x128xf32, #tpu.memory_space<hbm>>
          %dma_start3A_126 = tpu.memref_squeeze %dma_start3A_125 : memref<1x328x128xf32, #tpu.memory_space<hbm>> -> memref<328x128xf32, #tpu.memory_space<hbm>>
          %dma_start3A_127 = arith.constant 0 : i32
          %dma_start3A_128 = arith.constant 0 : i32
          %dma_start3A_129 = tpu.memref_slice %arg9[%dma_start3A_127, %dma_start3A_128] : memref<352x128xf32, #tpu.memory_space<vmem>> -> memref<328x128xf32, #tpu.memory_space<vmem>>
          %dma_start3A_130 = arith.constant 1720 : i32
          %dma_start3A_131 = arith.constant 0 : i32
          %dma_start3A_132 = tpu.memref_slice %arg4[%select_n3A, %dma_start3A_130, %dma_start3A_131] : memref<16x2048x128xf32, #tpu.memory_space<hbm>> -> memref<1x328x128xf32, #tpu.memory_space<hbm>>
          %dma_start3A_133 = tpu.memref_squeeze %dma_start3A_132 : memref<1x328x128xf32, #tpu.memory_space<hbm>> -> memref<328x128xf32, #tpu.memory_space<hbm>>
          tpu.enqueue_dma source(%dma_start3A_133 : memref<328x128xf32, #tpu.memory_space<hbm>>) target(%dma_start3A_129 : memref<328x128xf32, #tpu.memory_space<vmem>>) target_semaphore(%run_scoped3A : memref<!tpu.dma_semaphore, #tpu.memory_space<semaphore_mem>>)
          %dma_wait3A = arith.constant 0 : i32
          %dma_wait3A_134 = arith.constant 0 : i32
          %dma_wait3A_135 = tpu.memref_slice %arg9[%dma_wait3A, %dma_wait3A_134] : memref<352x128xf32, #tpu.memory_space<vmem>> -> memref<328x128xf32, #tpu.memory_space<vmem>>
          %dma_wait3A_136 = arith.constant 1720 : i32
          %dma_wait3A_137 = arith.constant 0 : i32
          %dma_wait3A_138 = tpu.memref_slice %arg4[%select_n3A, %dma_wait3A_136, %dma_wait3A_137] : memref<16x2048x128xf32, #tpu.memory_space<hbm>> -> memref<1x328x128xf32, #tpu.memory_space<hbm>>
          %dma_wait3A_139 = tpu.memref_squeeze %dma_wait3A_138 : memref<1x328x128xf32, #tpu.memory_space<hbm>> -> memref<328x128xf32, #tpu.memory_space<hbm>>
          %dma_wait3A_140 = arith.constant 0 : i32
          %dma_wait3A_141 = arith.constant 0 : i32
          %dma_wait3A_142 = tpu.memref_slice %arg9[%dma_wait3A_140, %dma_wait3A_141] : memref<352x128xf32, #tpu.memory_space<vmem>> -> memref<328x128xf32, #tpu.memory_space<vmem>>
          %dma_wait3A_143 = arith.constant 1720 : i32
          %dma_wait3A_144 = arith.constant 0 : i32
          %dma_wait3A_145 = tpu.memref_slice %arg4[%select_n3A, %dma_wait3A_143, %dma_wait3A_144] : memref<16x2048x128xf32, #tpu.memory_space<hbm>> -> memref<1x328x128xf32, #tpu.memory_space<hbm>>
          %dma_wait3A_146 = tpu.memref_squeeze %dma_wait3A_145 : memref<1x328x128xf32, #tpu.memory_space<hbm>> -> memref<328x128xf32, #tpu.memory_space<hbm>>
          tpu.wait_dma2 semaphore(%run_scoped3A : memref<!tpu.dma_semaphore, #tpu.memory_space<semaphore_mem>>) src(%dma_wait3A_146 : memref<328x128xf32, #tpu.memory_space<hbm>>) dst(%dma_wait3A_142 : memref<328x128xf32, #tpu.memory_space<vmem>>)
          tpu.yield
        }) : () -> ()
        %scan3A_114 = arith.constant 0 : i32
        %scan3A_115 = arith.constant 0 : i32
        %scan3A_116 = arith.constant 512 : i32
        %scan3A_117 = arith.addi %scan3A_115, %scan3A_116 : i32
        %scan3A_118 = arith.constant 1 : i32
        %scan3A_119 = scf.for %scan3A_121 = %scan3A_115 to %scan3A_117 step %scan3A_118 iter_args(%scan3A_122 = %scan3A_114) -> (i32)  : i32 {
          %jit3A_123 = arith.constant 32 : i32
          %div3A_124 = arith.divsi %scan3A_121, %jit3A_123 : i32
          %sign3A_125 = arith.constant 0 : i32
          %sign3A_126 = arith.cmpi sgt, %scan3A_121, %sign3A_125 : i32
          %sign3A_127 = arith.extui %sign3A_126 : i1 to i32
          %sign3A_128 = arith.constant 0 : i32
          %sign3A_129 = arith.cmpi slt, %scan3A_121, %sign3A_128 : i32
          %sign3A_130 = arith.extui %sign3A_129 : i1 to i32
          %sign3A_131 = arith.subi %sign3A_127, %sign3A_130 : i32
          %sign3A_132 = arith.constant 0 : i32
          %sign3A_133 = arith.cmpi sgt, %jit3A_123, %sign3A_132 : i32
          %sign3A_134 = arith.extui %sign3A_133 : i1 to i32
          %sign3A_135 = arith.constant 0 : i32
          %sign3A_136 = arith.cmpi slt, %jit3A_123, %sign3A_135 : i32
          %sign3A_137 = arith.extui %sign3A_136 : i1 to i32
          %sign3A_138 = arith.subi %sign3A_134, %sign3A_137 : i32
          %ne3A_139 = arith.cmpi ne, %sign3A_131, %sign3A_138 : i32
          %rem3A_140 = arith.remsi %scan3A_121, %jit3A_123 : i32
          %ne3A_141 = arith.constant 0 : i32
          %ne3A_142 = arith.cmpi ne, %rem3A_140, %ne3A_141 : i32
          %and3A_143 = arith.andi %ne3A_139, %ne3A_142 : i1
          %sub3A_144 = arith.constant 1 : i32
          %sub3A_145 = arith.subi %div3A_124, %sub3A_144 : i32
          %select_n3A_146 = arith.select %and3A_143, %sub3A_145, %div3A_124 : i32
          %jit3A_147 = arith.constant 32 : i32
          %eq3A_148 = arith.constant 0 : i32
          %eq3A_149 = arith.cmpi eq, %jit3A_147, %eq3A_148 : i32
          %jit3A_150 = arith.constant 1 : i32
          %select_n3A_151 = arith.select %eq3A_149, %jit3A_150, %jit3A_147 : i32
          %rem3A_152 = arith.remsi %scan3A_121, %select_n3A_151 : i32
          %ne3A_153 = arith.constant 0 : i32
          %ne3A_154 = arith.cmpi ne, %rem3A_152, %ne3A_153 : i32
          %lt3A_155 = arith.constant 0 : i32
          %lt3A_156 = arith.cmpi slt, %rem3A_152, %lt3A_155 : i32
          %lt3A_157 = arith.constant 0 : i32
          %lt3A_158 = arith.cmpi slt, %select_n3A_151, %lt3A_157 : i32
          %ne3A_159 = arith.xori %lt3A_156, %lt3A_158 : i1
          %and3A_160 = arith.andi %ne3A_159, %ne3A_154 : i1
          %add3A_161 = arith.addi %rem3A_152, %select_n3A_151 : i32
          %select_n3A_162 = arith.select %and3A_160, %add3A_161, %rem3A_152 : i32
          %mul3A_163 = arith.constant 16 : i32
          %mul3A_164 = arith.muli %select_n3A_162, %mul3A_163 : i32
          %get3A_165 = arith.constant 0 : i32
          %get3A_166 = arith.index_cast %get3A_165 : i32 to index
          %get3A_167 = arith.index_cast %select_n3A_146 : i32 to index
          %get3A_168 = arith.index_cast %mul3A_164 : i32 to index
          %get3A_169 = tpu.vector_load %arg7[%get3A_166, %get3A_167, %get3A_168] {strides = array<i32>} : memref<4x16x512xi32, #tpu.memory_space<vmem>>, vector<16xi32>,
          %get3A_170 = arith.constant 1 : i32
          %get3A_171 = arith.index_cast %get3A_170 : i32 to index
          %get3A_172 = arith.index_cast %select_n3A_146 : i32 to index
          %get3A_173 = arith.index_cast %mul3A_164 : i32 to index
          %get3A_174 = tpu.vector_load %arg7[%get3A_171, %get3A_172, %get3A_173] {strides = array<i32>} : memref<4x16x512xi32, #tpu.memory_space<vmem>>, vector<16xi32>,
          %get3A_175 = arith.constant 2 : i32
          %get3A_176 = arith.index_cast %get3A_175 : i32 to index
          %get3A_177 = arith.index_cast %select_n3A_146 : i32 to index
          %get3A_178 = arith.index_cast %mul3A_164 : i32 to index
          %get3A_179 = tpu.vector_load %arg7[%get3A_176, %get3A_177, %get3A_178] {strides = array<i32>} : memref<4x16x512xi32, #tpu.memory_space<vmem>>, vector<16xi32>,
          %get3A_180 = arith.constant 3 : i32
          %get3A_181 = arith.index_cast %get3A_180 : i32 to index
          %get3A_182 = arith.index_cast %select_n3A_146 : i32 to index
          %get3A_183 = arith.index_cast %mul3A_164 : i32 to index
          %get3A_184 = tpu.vector_load %arg7[%get3A_181, %get3A_182, %get3A_183] {strides = array<i32>} : memref<4x16x512xi32, #tpu.memory_space<vmem>>, vector<16xi32>,
          %get3A_185 = arith.constant 0 : i32
          %get3A_186 = arith.index_cast %get3A_185 : i32 to index
          %get3A_187 = arith.index_cast %select_n3A_146 : i32 to index
          %get3A_188 = arith.index_cast %mul3A_164 : i32 to index
          %get3A_189 = tpu.vector_load %arg8[%get3A_186, %get3A_187, %get3A_188] {strides = array<i32>} : memref<4x16x512xf32, #tpu.memory_space<vmem>>, vector<16xf32>,
          %get3A_190 = arith.constant 1 : i32
          %get3A_191 = arith.index_cast %get3A_190 : i32 to index
          %get3A_192 = arith.index_cast %select_n3A_146 : i32 to index
          %get3A_193 = arith.index_cast %mul3A_164 : i32 to index
          %get3A_194 = tpu.vector_load %arg8[%get3A_191, %get3A_192, %get3A_193] {strides = array<i32>} : memref<4x16x512xf32, #tpu.memory_space<vmem>>, vector<16xf32>,
          %get3A_195 = arith.constant 2 : i32
          %get3A_196 = arith.index_cast %get3A_195 : i32 to index
          %get3A_197 = arith.index_cast %select_n3A_146 : i32 to index
          %get3A_198 = arith.index_cast %mul3A_164 : i32 to index
          %get3A_199 = tpu.vector_load %arg8[%get3A_196, %get3A_197, %get3A_198] {strides = array<i32>} : memref<4x16x512xf32, #tpu.memory_space<vmem>>, vector<16xf32>,
          %get3A_200 = arith.constant 3 : i32
          %get3A_201 = arith.index_cast %get3A_200 : i32 to index
          %get3A_202 = arith.index_cast %select_n3A_146 : i32 to index
          %get3A_203 = arith.index_cast %mul3A_164 : i32 to index
          %get3A_204 = tpu.vector_load %arg8[%get3A_201, %get3A_202, %get3A_203] {strides = array<i32>} : memref<4x16x512xf32, #tpu.memory_space<vmem>>, vector<16xf32>,
          %shift_right_arithmetic3A = arith.constant 9 : i32
          %shift_right_arithmetic3A_205 = vector.broadcast %shift_right_arithmetic3A : i32 to vector<16xi32>
          %shift_right_arithmetic3A_206 = arith.shrsi %get3A_169, %shift_right_arithmetic3A_205 : vector<16xi32>
          %ge3A_207 = arith.constant 430 : i32
          %ge3A_208 = vector.broadcast %ge3A_207 : i32 to vector<16xi32>
          %ge3A_209 = arith.cmpi sge, %shift_right_arithmetic3A_206, %ge3A_208 : vector<16xi32>
          %lt3A_210 = arith.constant 512 : i32
          %lt3A_211 = vector.broadcast %lt3A_210 : i32 to vector<16xi32>
          %lt3A_212 = arith.cmpi slt, %shift_right_arithmetic3A_206, %lt3A_211 : vector<16xi32>
          %and3A_213 = arith.andi %ge3A_209, %lt3A_212 : vector<16xi1>
          %broadcast_in_dim3A = arith.constant 0.000000e+00 : f32
          %broadcast_in_dim3A_214 = vector.broadcast %broadcast_in_dim3A : f32 to vector<16xf32>
          %sub3A_215 = arith.constant 220160 : i32
          %sub3A_216 = vector.broadcast %sub3A_215 : i32 to vector<16xi32>
          %sub3A_217 = arith.subi %get3A_169, %sub3A_216 : vector<16xi32>
          %jit3A_218 = arith.constant 0 : i32
          %jit3A_219 = arith.constant 41983 : i32
          %max3A = vector.broadcast %jit3A_218 : i32 to vector<16xi32>
          %max3A_220 = arith.maxsi %max3A, %sub3A_217 : vector<16xi32>
          %min3A = vector.broadcast %jit3A_219 : i32 to vector<16xi32>
          %min3A_221 = arith.minsi %min3A, %max3A_220 : vector<16xi32>
          %shift_right_arithmetic3A_222 = arith.constant 7 : i32
          %shift_right_arithmetic3A_223 = vector.broadcast %shift_right_arithmetic3A_222 : i32 to vector<16xi32>
          %shift_right_arithmetic3A_224 = arith.shrsi %min3A_221, %shift_right_arithmetic3A_223 : vector<16xi32>
          %and3A_225 = arith.constant 127 : i32
          %and3A_226 = vector.broadcast %and3A_225 : i32 to vector<16xi32>
          %and3A_227 = arith.andi %min3A_221, %and3A_226 : vector<16xi32>
          %gather3A = tpu.vector_load_idx %arg9[%shift_right_arithmetic3A_224, %and3A_227] : memref<352x128xf32, #tpu.memory_space<vmem>>[vector<16xi32>, vector<16xi32>], vector<16xf32>,
          %mul3A_228 = arith.mulf %get3A_189, %gather3A : vector<16xf32>
          %add3A_229 = arith.addf %broadcast_in_dim3A_214, %mul3A_228 : vector<16xf32>
          %sub3A_230 = arith.constant 220160 : i32
          %sub3A_231 = vector.broadcast %sub3A_230 : i32 to vector<16xi32>
          %sub3A_232 = arith.subi %get3A_174, %sub3A_231 : vector<16xi32>
          %jit3A_233 = arith.constant 0 : i32
          %jit3A_234 = arith.constant 41983 : i32
          %max3A_235 = vector.broadcast %jit3A_233 : i32 to vector<16xi32>
          %max3A_236 = arith.maxsi %max3A_235, %sub3A_232 : vector<16xi32>
          %min3A_237 = vector.broadcast %jit3A_234 : i32 to vector<16xi32>
          %min3A_238 = arith.minsi %min3A_237, %max3A_236 : vector<16xi32>
          %shift_right_arithmetic3A_239 = arith.constant 7 : i32
          %shift_right_arithmetic3A_240 = vector.broadcast %shift_right_arithmetic3A_239 : i32 to vector<16xi32>
          %shift_right_arithmetic3A_241 = arith.shrsi %min3A_238, %shift_right_arithmetic3A_240 : vector<16xi32>
          %and3A_242 = arith.constant 127 : i32
          %and3A_243 = vector.broadcast %and3A_242 : i32 to vector<16xi32>
          %and3A_244 = arith.andi %min3A_238, %and3A_243 : vector<16xi32>
          %gather3A_245 = tpu.vector_load_idx %arg9[%shift_right_arithmetic3A_241, %and3A_244] : memref<352x128xf32, #tpu.memory_space<vmem>>[vector<16xi32>, vector<16xi32>], vector<16xf32>,
          %mul3A_246 = arith.mulf %get3A_194, %gather3A_245 : vector<16xf32>
          %add3A_247 = arith.addf %add3A_229, %mul3A_246 : vector<16xf32>
          %sub3A_248 = arith.constant 220160 : i32
          %sub3A_249 = vector.broadcast %sub3A_248 : i32 to vector<16xi32>
          %sub3A_250 = arith.subi %get3A_179, %sub3A_249 : vector<16xi32>
          %jit3A_251 = arith.constant 0 : i32
          %jit3A_252 = arith.constant 41983 : i32
          %max3A_253 = vector.broadcast %jit3A_251 : i32 to vector<16xi32>
          %max3A_254 = arith.maxsi %max3A_253, %sub3A_250 : vector<16xi32>
          %min3A_255 = vector.broadcast %jit3A_252 : i32 to vector<16xi32>
          %min3A_256 = arith.minsi %min3A_255, %max3A_254 : vector<16xi32>
          %shift_right_arithmetic3A_257 = arith.constant 7 : i32
          %shift_right_arithmetic3A_258 = vector.broadcast %shift_right_arithmetic3A_257 : i32 to vector<16xi32>
          %shift_right_arithmetic3A_259 = arith.shrsi %min3A_256, %shift_right_arithmetic3A_258 : vector<16xi32>
          %and3A_260 = arith.constant 127 : i32
          %and3A_261 = vector.broadcast %and3A_260 : i32 to vector<16xi32>
          %and3A_262 = arith.andi %min3A_256, %and3A_261 : vector<16xi32>
          %gather3A_263 = tpu.vector_load_idx %arg9[%shift_right_arithmetic3A_259, %and3A_262] : memref<352x128xf32, #tpu.memory_space<vmem>>[vector<16xi32>, vector<16xi32>], vector<16xf32>,
          %mul3A_264 = arith.mulf %get3A_199, %gather3A_263 : vector<16xf32>
          %add3A_265 = arith.addf %add3A_247, %mul3A_264 : vector<16xf32>
          %sub3A_266 = arith.constant 220160 : i32
          %sub3A_267 = vector.broadcast %sub3A_266 : i32 to vector<16xi32>
          %sub3A_268 = arith.subi %get3A_184, %sub3A_267 : vector<16xi32>
          %jit3A_269 = arith.constant 0 : i32
          %jit3A_270 = arith.constant 41983 : i32
          %max3A_271 = vector.broadcast %jit3A_269 : i32 to vector<16xi32>
          %max3A_272 = arith.maxsi %max3A_271, %sub3A_268 : vector<16xi32>
          %min3A_273 = vector.broadcast %jit3A_270 : i32 to vector<16xi32>
          %min3A_274 = arith.minsi %min3A_273, %max3A_272 : vector<16xi32>
          %shift_right_arithmetic3A_275 = arith.constant 7 : i32
          %shift_right_arithmetic3A_276 = vector.broadcast %shift_right_arithmetic3A_275 : i32 to vector<16xi32>
          %shift_right_arithmetic3A_277 = arith.shrsi %min3A_274, %shift_right_arithmetic3A_276 : vector<16xi32>
          %and3A_278 = arith.constant 127 : i32
          %and3A_279 = vector.broadcast %and3A_278 : i32 to vector<16xi32>
          %and3A_280 = arith.andi %min3A_274, %and3A_279 : vector<16xi32>
          %gather3A_281 = tpu.vector_load_idx %arg9[%shift_right_arithmetic3A_277, %and3A_280] : memref<352x128xf32, #tpu.memory_space<vmem>>[vector<16xi32>, vector<16xi32>], vector<16xf32>,
          %mul3A_282 = arith.mulf %get3A_204, %gather3A_281 : vector<16xf32>
          %add3A_283 = arith.addf %add3A_265, %mul3A_282 : vector<16xf32>
          %jit3A_284 = arith.constant 0.000000e+00 : f32
          %broadcast_in_dim3A_285 = vector.broadcast %jit3A_284 : f32 to vector<16xf32>
          %select_n3A_286 = arith.select %and3A_213, %add3A_283, %broadcast_in_dim3A_285 : vector<16xi1>, vector<16xf32>
          %mul3A_287 = arith.constant 16 : i32
          %mul3A_288 = arith.muli %scan3A_121, %mul3A_287 : i32
          %swap3A = arith.index_cast %mul3A_288 : i32 to index
          %swap3A_289 = tpu.vector_load %arg10[%swap3A] {strides = array<i32>} : memref<8192xf32, #tpu.memory_space<vmem>>, vector<16xf32>,
          tpu.vector_store %arg10[%swap3A], %select_n3A_286 {add = true, strides = array<i32>} : memref<8192xf32, #tpu.memory_space<vmem>>, vector<16xf32>,
          %scan3A_290 = arith.constant 0 : i32
          scf.yield %scan3A_290 : i32
        }
        %scan3A_120 = arith.constant 512 : i32
      } else {
      }
      %mul3A_108 = arith.constant 131072 : i32
      %mul3A_109 = arith.muli %select_n3A_30, %mul3A_108 : i32
      %mul3A_110 = arith.constant 8192 : i32
      %mul3A_111 = arith.muli %scan3A_37, %mul3A_110 : i32
      %add3A_112 = arith.addi %mul3A_109, %mul3A_111 : i32
      "tpu.region"() ({
        %run_scoped3A = tpu.sem_alloc : memref<!tpu.dma_semaphore, #tpu.memory_space<semaphore_mem>>
        %dma_start3A = tpu.memref_slice %arg6[%select_n3A, %add3A_112] : memref<16x262144xf32, #tpu.memory_space<hbm>> -> memref<1x8192xf32, #tpu.memory_space<hbm>>
        %dma_start3A_114 = tpu.memref_squeeze %dma_start3A : memref<1x8192xf32, #tpu.memory_space<hbm>> -> memref<8192xf32, #tpu.memory_space<hbm>>
        %dma_start3A_115 = tpu.memref_slice %arg6[%select_n3A, %add3A_112] : memref<16x262144xf32, #tpu.memory_space<hbm>> -> memref<1x8192xf32, #tpu.memory_space<hbm>>
        %dma_start3A_116 = tpu.memref_squeeze %dma_start3A_115 : memref<1x8192xf32, #tpu.memory_space<hbm>> -> memref<8192xf32, #tpu.memory_space<hbm>>
        tpu.enqueue_dma source(%arg10 : memref<8192xf32, #tpu.memory_space<vmem>>) target(%dma_start3A_116 : memref<8192xf32, #tpu.memory_space<hbm>>) target_semaphore(%run_scoped3A : memref<!tpu.dma_semaphore, #tpu.memory_space<semaphore_mem>>)
        %dma_wait3A = tpu.memref_slice %arg6[%select_n3A, %add3A_112] : memref<16x262144xf32, #tpu.memory_space<hbm>> -> memref<1x8192xf32, #tpu.memory_space<hbm>>
        %dma_wait3A_117 = tpu.memref_squeeze %dma_wait3A : memref<1x8192xf32, #tpu.memory_space<hbm>> -> memref<8192xf32, #tpu.memory_space<hbm>>
        %dma_wait3A_118 = tpu.memref_slice %arg6[%select_n3A, %add3A_112] : memref<16x262144xf32, #tpu.memory_space<hbm>> -> memref<1x8192xf32, #tpu.memory_space<hbm>>
        %dma_wait3A_119 = tpu.memref_squeeze %dma_wait3A_118 : memref<1x8192xf32, #tpu.memory_space<hbm>> -> memref<8192xf32, #tpu.memory_space<hbm>>
        tpu.wait_dma2 semaphore(%run_scoped3A : memref<!tpu.dma_semaphore, #tpu.memory_space<semaphore_mem>>) src(%arg10 : memref<8192xf32, #tpu.memory_space<vmem>>) dst(%dma_wait3A_119 : memref<8192xf32, #tpu.memory_space<hbm>>)
        tpu.yield
      }) : () -> ()
      %scan3A_113 = arith.constant 0 : i32
      scf.yield %scan3A_113 : i32
    }
    %scan3A_36 = arith.constant 16 : i32
    return
  }
}

module attributes {stable_mosaic.version = 14 : i64} {
  func.func @_warp_prep_body(%arg0: i32, %arg1: memref<1x1x512x512xf32, #tpu.memory_space<vmem>>, %arg2: memref<1x1x512x512xf32, #tpu.memory_space<vmem>>, %arg3: memref<1x1x512x512xf32, #tpu.memory_space<vmem>>, %arg4: memref<1x4x512x512xi32, #tpu.memory_space<vmem>>, %arg5: memref<1x4x512x512xf32, #tpu.memory_space<vmem>>, %arg6: memref<1x1x512x512xf32, #tpu.memory_space<vmem>>, %arg7: memref<1x1x512x512xf32, #tpu.memory_space<vmem>>, %arg8: memref<16x128xf32, #tpu.memory_space<vmem>>, %arg9: memref<1x64x128xf32, #tpu.memory_space<vmem>>) attributes {dimension_semantics = [#tpu.dimension_semantics<arbitrary>], iteration_bounds = array<i64: 16>, scalar_prefetch = 0 : i64, scratch_operands = 0 : i64, tpu.core_type = #tpu.core_type<tc>, window_params = [{transform_indices = @transform_0, window_bounds = array<i64: 1, 1, 512, 512>}, {transform_indices = @transform_1, window_bounds = array<i64: 1, 1, 512, 512>}, {transform_indices = @transform_2, window_bounds = array<i64: 1, 1, 512, 512>}, {transform_indices = @transform_3, window_bounds = array<i64: 1, 4, 512, 512>}, {transform_indices = @transform_4, window_bounds = array<i64: 1, 4, 512, 512>}, {transform_indices = @transform_5, window_bounds = array<i64: 1, 1, 512, 512>}, {transform_indices = @transform_6, window_bounds = array<i64: 1, 1, 512, 512>}, {pipeline_mode = #tpu.pipeline_mode<synchronous>, transform_indices = @transform_7, window_bounds = array<i64: 16, 128>}, {transform_indices = @transform_8, window_bounds = array<i64: 1, 64, 128>}]} {
    %get3A = arith.constant 0 : index
    %get3A_0 = arith.constant 0 : index
    %get3A_1 = arith.constant 0 : index
    %get3A_2 = arith.constant 0 : index
    %get3A_3 = vector.load %arg1[%get3A, %get3A_0, %get3A_1, %get3A_2] : memref<1x1x512x512xf32, #tpu.memory_space<vmem>>, vector<1x1x512x512xf32>
    %get3A_4 = vector.shape_cast %get3A_3 : vector<1x1x512x512xf32> to vector<512x512xf32>
    %get3A_5 = arith.constant 0 : index
    %get3A_6 = arith.constant 0 : index
    %get3A_7 = arith.constant 0 : index
    %get3A_8 = arith.constant 0 : index
    %get3A_9 = vector.load %arg2[%get3A_5, %get3A_6, %get3A_7, %get3A_8] : memref<1x1x512x512xf32, #tpu.memory_space<vmem>>, vector<1x1x512x512xf32>
    %get3A_10 = vector.shape_cast %get3A_9 : vector<1x1x512x512xf32> to vector<512x512xf32>
    %floor3A = math.floor %get3A_4 : vector<512x512xf32>
    %floor3A_11 = math.floor %get3A_10 : vector<512x512xf32>
    %add3A = arith.constant 1.000000e+00 : f32
    %add3A_12 = vector.broadcast %add3A : f32 to vector<512x512xf32>
    %add3A_13 = arith.addf %floor3A, %add3A_12 : vector<512x512xf32>
    %add3A_14 = arith.constant 1.000000e+00 : f32
    %add3A_15 = vector.broadcast %add3A_14 : f32 to vector<512x512xf32>
    %add3A_16 = arith.addf %floor3A_11, %add3A_15 : vector<512x512xf32>
    %sub3A = arith.subf %get3A_4, %floor3A : vector<512x512xf32>
    %sub3A_17 = arith.subf %get3A_10, %floor3A_11 : vector<512x512xf32>
    %sub3A_18 = arith.constant 1.000000e+00 : f32
    %sub3A_19 = vector.broadcast %sub3A_18 : f32 to vector<512x512xf32>
    %sub3A_20 = arith.subf %sub3A_19, %sub3A : vector<512x512xf32>
    %sub3A_21 = arith.constant 1.000000e+00 : f32
    %sub3A_22 = vector.broadcast %sub3A_21 : f32 to vector<512x512xf32>
    %sub3A_23 = arith.subf %sub3A_22, %sub3A_17 : vector<512x512xf32>
    %mul3A = arith.mulf %sub3A_20, %sub3A_23 : vector<512x512xf32>
    %sub3A_24 = arith.constant 1.000000e+00 : f32
    %sub3A_25 = vector.broadcast %sub3A_24 : f32 to vector<512x512xf32>
    %sub3A_26 = arith.subf %sub3A_25, %sub3A : vector<512x512xf32>
    %mul3A_27 = arith.mulf %sub3A_26, %sub3A_17 : vector<512x512xf32>
    %sub3A_28 = arith.constant 1.000000e+00 : f32
    %sub3A_29 = vector.broadcast %sub3A_28 : f32 to vector<512x512xf32>
    %sub3A_30 = arith.subf %sub3A_29, %sub3A_17 : vector<512x512xf32>
    %mul3A_31 = arith.mulf %sub3A, %sub3A_30 : vector<512x512xf32>
    %mul3A_32 = arith.mulf %sub3A, %sub3A_17 : vector<512x512xf32>
    %ge3A = arith.constant 0.000000e+00 : f32
    %ge3A_33 = vector.broadcast %ge3A : f32 to vector<512x512xf32>
    %ge3A_34 = arith.cmpf oge, %floor3A, %ge3A_33 : vector<512x512xf32>
    %le3A = arith.constant 5.110000e+02 : f32
    %le3A_35 = vector.broadcast %le3A : f32 to vector<512x512xf32>
    %le3A_36 = arith.cmpf ole, %floor3A, %le3A_35 : vector<512x512xf32>
    %and3A = arith.andi %ge3A_34, %le3A_36 : vector<512x512xi1>
    %ge3A_37 = arith.constant 0.000000e+00 : f32
    %ge3A_38 = vector.broadcast %ge3A_37 : f32 to vector<512x512xf32>
    %ge3A_39 = arith.cmpf oge, %floor3A_11, %ge3A_38 : vector<512x512xf32>
    %and3A_40 = arith.andi %and3A, %ge3A_39 : vector<512x512xi1>
    %le3A_41 = arith.constant 5.110000e+02 : f32
    %le3A_42 = vector.broadcast %le3A_41 : f32 to vector<512x512xf32>
    %le3A_43 = arith.cmpf ole, %floor3A_11, %le3A_42 : vector<512x512xf32>
    %and3A_44 = arith.andi %and3A_40, %le3A_43 : vector<512x512xi1>
    %jit3A = arith.constant 0.000000e+00 : f32
    %jit3A_45 = arith.constant 5.110000e+02 : f32
    %max3A = vector.broadcast %jit3A : f32 to vector<512x512xf32>
    %max3A_46 = arith.maximumf %max3A, %floor3A : vector<512x512xf32>
    %min3A = vector.broadcast %jit3A_45 : f32 to vector<512x512xf32>
    %min3A_47 = arith.minimumf %min3A, %max3A_46 : vector<512x512xf32>
    %jit3A_48 = arith.constant 0.000000e+00 : f32
    %jit3A_49 = arith.constant 5.110000e+02 : f32
    %max3A_50 = vector.broadcast %jit3A_48 : f32 to vector<512x512xf32>
    %max3A_51 = arith.maximumf %max3A_50, %floor3A_11 : vector<512x512xf32>
    %min3A_52 = vector.broadcast %jit3A_49 : f32 to vector<512x512xf32>
    %min3A_53 = arith.minimumf %min3A_52, %max3A_51 : vector<512x512xf32>
    %ge3A_54 = arith.constant 8.000000e+00 : f32
    %ge3A_55 = vector.broadcast %ge3A_54 : f32 to vector<512x512xf32>
    %ge3A_56 = arith.cmpf oge, %min3A_47, %ge3A_55 : vector<512x512xf32>
    %le3A_57 = arith.constant 5.030000e+02 : f32
    %le3A_58 = vector.broadcast %le3A_57 : f32 to vector<512x512xf32>
    %le3A_59 = arith.cmpf ole, %min3A_47, %le3A_58 : vector<512x512xf32>
    %and3A_60 = arith.andi %ge3A_56, %le3A_59 : vector<512x512xi1>
    %ge3A_61 = arith.constant 8.000000e+00 : f32
    %ge3A_62 = vector.broadcast %ge3A_61 : f32 to vector<512x512xf32>
    %ge3A_63 = arith.cmpf oge, %min3A_53, %ge3A_62 : vector<512x512xf32>
    %and3A_64 = arith.andi %and3A_60, %ge3A_63 : vector<512x512xi1>
    %le3A_65 = arith.constant 5.030000e+02 : f32
    %le3A_66 = vector.broadcast %le3A_65 : f32 to vector<512x512xf32>
    %le3A_67 = arith.cmpf ole, %min3A_53, %le3A_66 : vector<512x512xf32>
    %and3A_68 = arith.andi %and3A_64, %le3A_67 : vector<512x512xi1>
    %convert_element_type3A = arith.extui %and3A_44 : vector<512x512xi1> to vector<512x512xi32>
    %convert_element_type3A_69 = arith.sitofp %convert_element_type3A : vector<512x512xi32> to vector<512x512xf32>
    %mul3A_70 = arith.mulf %mul3A, %convert_element_type3A_69 : vector<512x512xf32>
    %convert_element_type3A_71 = arith.extui %and3A_68 : vector<512x512xi1> to vector<512x512xi32>
    %convert_element_type3A_72 = arith.sitofp %convert_element_type3A_71 : vector<512x512xi32> to vector<512x512xf32>
    %mul3A_73 = arith.mulf %mul3A_70, %convert_element_type3A_72 : vector<512x512xf32>
    %convert_element_type3A_74 = arith.fptosi %min3A_53 : vector<512x512xf32> to vector<512x512xi32>
    %mul3A_75 = arith.constant 512 : i32
    %mul3A_76 = vector.broadcast %mul3A_75 : i32 to vector<512x512xi32>
    %mul3A_77 = arith.muli %convert_element_type3A_74, %mul3A_76 : vector<512x512xi32>
    %convert_element_type3A_78 = arith.fptosi %min3A_47 : vector<512x512xf32> to vector<512x512xi32>
    %add3A_79 = arith.addi %mul3A_77, %convert_element_type3A_78 : vector<512x512xi32>
    %convert_element_type3A_80 = arith.extui %and3A_44 : vector<512x512xi1> to vector<512x512xi32>
    %convert_element_type3A_81 = arith.sitofp %convert_element_type3A_80 : vector<512x512xi32> to vector<512x512xf32>
    %mul3A_82 = arith.mulf %mul3A, %convert_element_type3A_81 : vector<512x512xf32>
    %ge3A_83 = arith.constant 0.000000e+00 : f32
    %ge3A_84 = vector.broadcast %ge3A_83 : f32 to vector<512x512xf32>
    %ge3A_85 = arith.cmpf oge, %floor3A, %ge3A_84 : vector<512x512xf32>
    %le3A_86 = arith.constant 5.110000e+02 : f32
    %le3A_87 = vector.broadcast %le3A_86 : f32 to vector<512x512xf32>
    %le3A_88 = arith.cmpf ole, %floor3A, %le3A_87 : vector<512x512xf32>
    %and3A_89 = arith.andi %ge3A_85, %le3A_88 : vector<512x512xi1>
    %ge3A_90 = arith.constant 0.000000e+00 : f32
    %ge3A_91 = vector.broadcast %ge3A_90 : f32 to vector<512x512xf32>
    %ge3A_92 = arith.cmpf oge, %add3A_16, %ge3A_91 : vector<512x512xf32>
    %and3A_93 = arith.andi %and3A_89, %ge3A_92 : vector<512x512xi1>
    %le3A_94 = arith.constant 5.110000e+02 : f32
    %le3A_95 = vector.broadcast %le3A_94 : f32 to vector<512x512xf32>
    %le3A_96 = arith.cmpf ole, %add3A_16, %le3A_95 : vector<512x512xf32>
    %and3A_97 = arith.andi %and3A_93, %le3A_96 : vector<512x512xi1>
    %jit3A_98 = arith.constant 0.000000e+00 : f32
    %jit3A_99 = arith.constant 5.110000e+02 : f32
    %max3A_100 = vector.broadcast %jit3A_98 : f32 to vector<512x512xf32>
    %max3A_101 = arith.maximumf %max3A_100, %floor3A : vector<512x512xf32>
    %min3A_102 = vector.broadcast %jit3A_99 : f32 to vector<512x512xf32>
    %min3A_103 = arith.minimumf %min3A_102, %max3A_101 : vector<512x512xf32>
    %jit3A_104 = arith.constant 0.000000e+00 : f32
    %jit3A_105 = arith.constant 5.110000e+02 : f32
    %max3A_106 = vector.broadcast %jit3A_104 : f32 to vector<512x512xf32>
    %max3A_107 = arith.maximumf %max3A_106, %add3A_16 : vector<512x512xf32>
    %min3A_108 = vector.broadcast %jit3A_105 : f32 to vector<512x512xf32>
    %min3A_109 = arith.minimumf %min3A_108, %max3A_107 : vector<512x512xf32>
    %ge3A_110 = arith.constant 8.000000e+00 : f32
    %ge3A_111 = vector.broadcast %ge3A_110 : f32 to vector<512x512xf32>
    %ge3A_112 = arith.cmpf oge, %min3A_103, %ge3A_111 : vector<512x512xf32>
    %le3A_113 = arith.constant 5.030000e+02 : f32
    %le3A_114 = vector.broadcast %le3A_113 : f32 to vector<512x512xf32>
    %le3A_115 = arith.cmpf ole, %min3A_103, %le3A_114 : vector<512x512xf32>
    %and3A_116 = arith.andi %ge3A_112, %le3A_115 : vector<512x512xi1>
    %ge3A_117 = arith.constant 8.000000e+00 : f32
    %ge3A_118 = vector.broadcast %ge3A_117 : f32 to vector<512x512xf32>
    %ge3A_119 = arith.cmpf oge, %min3A_109, %ge3A_118 : vector<512x512xf32>
    %and3A_120 = arith.andi %and3A_116, %ge3A_119 : vector<512x512xi1>
    %le3A_121 = arith.constant 5.030000e+02 : f32
    %le3A_122 = vector.broadcast %le3A_121 : f32 to vector<512x512xf32>
    %le3A_123 = arith.cmpf ole, %min3A_109, %le3A_122 : vector<512x512xf32>
    %and3A_124 = arith.andi %and3A_120, %le3A_123 : vector<512x512xi1>
    %convert_element_type3A_125 = arith.extui %and3A_97 : vector<512x512xi1> to vector<512x512xi32>
    %convert_element_type3A_126 = arith.sitofp %convert_element_type3A_125 : vector<512x512xi32> to vector<512x512xf32>
    %mul3A_127 = arith.mulf %mul3A_27, %convert_element_type3A_126 : vector<512x512xf32>
    %convert_element_type3A_128 = arith.extui %and3A_124 : vector<512x512xi1> to vector<512x512xi32>
    %convert_element_type3A_129 = arith.sitofp %convert_element_type3A_128 : vector<512x512xi32> to vector<512x512xf32>
    %mul3A_130 = arith.mulf %mul3A_127, %convert_element_type3A_129 : vector<512x512xf32>
    %convert_element_type3A_131 = arith.fptosi %min3A_109 : vector<512x512xf32> to vector<512x512xi32>
    %mul3A_132 = arith.constant 512 : i32
    %mul3A_133 = vector.broadcast %mul3A_132 : i32 to vector<512x512xi32>
    %mul3A_134 = arith.muli %convert_element_type3A_131, %mul3A_133 : vector<512x512xi32>
    %convert_element_type3A_135 = arith.fptosi %min3A_103 : vector<512x512xf32> to vector<512x512xi32>
    %add3A_136 = arith.addi %mul3A_134, %convert_element_type3A_135 : vector<512x512xi32>
    %convert_element_type3A_137 = arith.extui %and3A_97 : vector<512x512xi1> to vector<512x512xi32>
    %convert_element_type3A_138 = arith.sitofp %convert_element_type3A_137 : vector<512x512xi32> to vector<512x512xf32>
    %mul3A_139 = arith.mulf %mul3A_27, %convert_element_type3A_138 : vector<512x512xf32>
    %ge3A_140 = arith.constant 0.000000e+00 : f32
    %ge3A_141 = vector.broadcast %ge3A_140 : f32 to vector<512x512xf32>
    %ge3A_142 = arith.cmpf oge, %add3A_13, %ge3A_141 : vector<512x512xf32>
    %le3A_143 = arith.constant 5.110000e+02 : f32
    %le3A_144 = vector.broadcast %le3A_143 : f32 to vector<512x512xf32>
    %le3A_145 = arith.cmpf ole, %add3A_13, %le3A_144 : vector<512x512xf32>
    %and3A_146 = arith.andi %ge3A_142, %le3A_145 : vector<512x512xi1>
    %ge3A_147 = arith.constant 0.000000e+00 : f32
    %ge3A_148 = vector.broadcast %ge3A_147 : f32 to vector<512x512xf32>
    %ge3A_149 = arith.cmpf oge, %floor3A_11, %ge3A_148 : vector<512x512xf32>
    %and3A_150 = arith.andi %and3A_146, %ge3A_149 : vector<512x512xi1>
    %le3A_151 = arith.constant 5.110000e+02 : f32
    %le3A_152 = vector.broadcast %le3A_151 : f32 to vector<512x512xf32>
    %le3A_153 = arith.cmpf ole, %floor3A_11, %le3A_152 : vector<512x512xf32>
    %and3A_154 = arith.andi %and3A_150, %le3A_153 : vector<512x512xi1>
    %jit3A_155 = arith.constant 0.000000e+00 : f32
    %jit3A_156 = arith.constant 5.110000e+02 : f32
    %max3A_157 = vector.broadcast %jit3A_155 : f32 to vector<512x512xf32>
    %max3A_158 = arith.maximumf %max3A_157, %add3A_13 : vector<512x512xf32>
    %min3A_159 = vector.broadcast %jit3A_156 : f32 to vector<512x512xf32>
    %min3A_160 = arith.minimumf %min3A_159, %max3A_158 : vector<512x512xf32>
    %jit3A_161 = arith.constant 0.000000e+00 : f32
    %jit3A_162 = arith.constant 5.110000e+02 : f32
    %max3A_163 = vector.broadcast %jit3A_161 : f32 to vector<512x512xf32>
    %max3A_164 = arith.maximumf %max3A_163, %floor3A_11 : vector<512x512xf32>
    %min3A_165 = vector.broadcast %jit3A_162 : f32 to vector<512x512xf32>
    %min3A_166 = arith.minimumf %min3A_165, %max3A_164 : vector<512x512xf32>
    %ge3A_167 = arith.constant 8.000000e+00 : f32
    %ge3A_168 = vector.broadcast %ge3A_167 : f32 to vector<512x512xf32>
    %ge3A_169 = arith.cmpf oge, %min3A_160, %ge3A_168 : vector<512x512xf32>
    %le3A_170 = arith.constant 5.030000e+02 : f32
    %le3A_171 = vector.broadcast %le3A_170 : f32 to vector<512x512xf32>
    %le3A_172 = arith.cmpf ole, %min3A_160, %le3A_171 : vector<512x512xf32>
    %and3A_173 = arith.andi %ge3A_169, %le3A_172 : vector<512x512xi1>
    %ge3A_174 = arith.constant 8.000000e+00 : f32
    %ge3A_175 = vector.broadcast %ge3A_174 : f32 to vector<512x512xf32>
    %ge3A_176 = arith.cmpf oge, %min3A_166, %ge3A_175 : vector<512x512xf32>
    %and3A_177 = arith.andi %and3A_173, %ge3A_176 : vector<512x512xi1>
    %le3A_178 = arith.constant 5.030000e+02 : f32
    %le3A_179 = vector.broadcast %le3A_178 : f32 to vector<512x512xf32>
    %le3A_180 = arith.cmpf ole, %min3A_166, %le3A_179 : vector<512x512xf32>
    %and3A_181 = arith.andi %and3A_177, %le3A_180 : vector<512x512xi1>
    %convert_element_type3A_182 = arith.extui %and3A_154 : vector<512x512xi1> to vector<512x512xi32>
    %convert_element_type3A_183 = arith.sitofp %convert_element_type3A_182 : vector<512x512xi32> to vector<512x512xf32>
    %mul3A_184 = arith.mulf %mul3A_31, %convert_element_type3A_183 : vector<512x512xf32>
    %convert_element_type3A_185 = arith.extui %and3A_181 : vector<512x512xi1> to vector<512x512xi32>
    %convert_element_type3A_186 = arith.sitofp %convert_element_type3A_185 : vector<512x512xi32> to vector<512x512xf32>
    %mul3A_187 = arith.mulf %mul3A_184, %convert_element_type3A_186 : vector<512x512xf32>
    %convert_element_type3A_188 = arith.fptosi %min3A_166 : vector<512x512xf32> to vector<512x512xi32>
    %mul3A_189 = arith.constant 512 : i32
    %mul3A_190 = vector.broadcast %mul3A_189 : i32 to vector<512x512xi32>
    %mul3A_191 = arith.muli %convert_element_type3A_188, %mul3A_190 : vector<512x512xi32>
    %convert_element_type3A_192 = arith.fptosi %min3A_160 : vector<512x512xf32> to vector<512x512xi32>
    %add3A_193 = arith.addi %mul3A_191, %convert_element_type3A_192 : vector<512x512xi32>
    %convert_element_type3A_194 = arith.extui %and3A_154 : vector<512x512xi1> to vector<512x512xi32>
    %convert_element_type3A_195 = arith.sitofp %convert_element_type3A_194 : vector<512x512xi32> to vector<512x512xf32>
    %mul3A_196 = arith.mulf %mul3A_31, %convert_element_type3A_195 : vector<512x512xf32>
    %ge3A_197 = arith.constant 0.000000e+00 : f32
    %ge3A_198 = vector.broadcast %ge3A_197 : f32 to vector<512x512xf32>
    %ge3A_199 = arith.cmpf oge, %add3A_13, %ge3A_198 : vector<512x512xf32>
    %le3A_200 = arith.constant 5.110000e+02 : f32
    %le3A_201 = vector.broadcast %le3A_200 : f32 to vector<512x512xf32>
    %le3A_202 = arith.cmpf ole, %add3A_13, %le3A_201 : vector<512x512xf32>
    %and3A_203 = arith.andi %ge3A_199, %le3A_202 : vector<512x512xi1>
    %ge3A_204 = arith.constant 0.000000e+00 : f32
    %ge3A_205 = vector.broadcast %ge3A_204 : f32 to vector<512x512xf32>
    %ge3A_206 = arith.cmpf oge, %add3A_16, %ge3A_205 : vector<512x512xf32>
    %and3A_207 = arith.andi %and3A_203, %ge3A_206 : vector<512x512xi1>
    %le3A_208 = arith.constant 5.110000e+02 : f32
    %le3A_209 = vector.broadcast %le3A_208 : f32 to vector<512x512xf32>
    %le3A_210 = arith.cmpf ole, %add3A_16, %le3A_209 : vector<512x512xf32>
    %and3A_211 = arith.andi %and3A_207, %le3A_210 : vector<512x512xi1>
    %jit3A_212 = arith.constant 0.000000e+00 : f32
    %jit3A_213 = arith.constant 5.110000e+02 : f32
    %max3A_214 = vector.broadcast %jit3A_212 : f32 to vector<512x512xf32>
    %max3A_215 = arith.maximumf %max3A_214, %add3A_13 : vector<512x512xf32>
    %min3A_216 = vector.broadcast %jit3A_213 : f32 to vector<512x512xf32>
    %min3A_217 = arith.minimumf %min3A_216, %max3A_215 : vector<512x512xf32>
    %jit3A_218 = arith.constant 0.000000e+00 : f32
    %jit3A_219 = arith.constant 5.110000e+02 : f32
    %max3A_220 = vector.broadcast %jit3A_218 : f32 to vector<512x512xf32>
    %max3A_221 = arith.maximumf %max3A_220, %add3A_16 : vector<512x512xf32>
    %min3A_222 = vector.broadcast %jit3A_219 : f32 to vector<512x512xf32>
    %min3A_223 = arith.minimumf %min3A_222, %max3A_221 : vector<512x512xf32>
    %ge3A_224 = arith.constant 8.000000e+00 : f32
    %ge3A_225 = vector.broadcast %ge3A_224 : f32 to vector<512x512xf32>
    %ge3A_226 = arith.cmpf oge, %min3A_217, %ge3A_225 : vector<512x512xf32>
    %le3A_227 = arith.constant 5.030000e+02 : f32
    %le3A_228 = vector.broadcast %le3A_227 : f32 to vector<512x512xf32>
    %le3A_229 = arith.cmpf ole, %min3A_217, %le3A_228 : vector<512x512xf32>
    %and3A_230 = arith.andi %ge3A_226, %le3A_229 : vector<512x512xi1>
    %ge3A_231 = arith.constant 8.000000e+00 : f32
    %ge3A_232 = vector.broadcast %ge3A_231 : f32 to vector<512x512xf32>
    %ge3A_233 = arith.cmpf oge, %min3A_223, %ge3A_232 : vector<512x512xf32>
    %and3A_234 = arith.andi %and3A_230, %ge3A_233 : vector<512x512xi1>
    %le3A_235 = arith.constant 5.030000e+02 : f32
    %le3A_236 = vector.broadcast %le3A_235 : f32 to vector<512x512xf32>
    %le3A_237 = arith.cmpf ole, %min3A_223, %le3A_236 : vector<512x512xf32>
    %and3A_238 = arith.andi %and3A_234, %le3A_237 : vector<512x512xi1>
    %convert_element_type3A_239 = arith.extui %and3A_211 : vector<512x512xi1> to vector<512x512xi32>
    %convert_element_type3A_240 = arith.sitofp %convert_element_type3A_239 : vector<512x512xi32> to vector<512x512xf32>
    %mul3A_241 = arith.mulf %mul3A_32, %convert_element_type3A_240 : vector<512x512xf32>
    %convert_element_type3A_242 = arith.extui %and3A_238 : vector<512x512xi1> to vector<512x512xi32>
    %convert_element_type3A_243 = arith.sitofp %convert_element_type3A_242 : vector<512x512xi32> to vector<512x512xf32>
    %mul3A_244 = arith.mulf %mul3A_241, %convert_element_type3A_243 : vector<512x512xf32>
    %convert_element_type3A_245 = arith.fptosi %min3A_223 : vector<512x512xf32> to vector<512x512xi32>
    %mul3A_246 = arith.constant 512 : i32
    %mul3A_247 = vector.broadcast %mul3A_246 : i32 to vector<512x512xi32>
    %mul3A_248 = arith.muli %convert_element_type3A_245, %mul3A_247 : vector<512x512xi32>
    %convert_element_type3A_249 = arith.fptosi %min3A_217 : vector<512x512xf32> to vector<512x512xi32>
    %add3A_250 = arith.addi %mul3A_248, %convert_element_type3A_249 : vector<512x512xi32>
    %convert_element_type3A_251 = arith.extui %and3A_211 : vector<512x512xi1> to vector<512x512xi32>
    %convert_element_type3A_252 = arith.sitofp %convert_element_type3A_251 : vector<512x512xi32> to vector<512x512xf32>
    %mul3A_253 = arith.mulf %mul3A_32, %convert_element_type3A_252 : vector<512x512xf32>
    %add3A_254 = arith.addf %mul3A_82, %mul3A_139 : vector<512x512xf32>
    %add3A_255 = arith.addf %add3A_254, %mul3A_196 : vector<512x512xf32>
    %add3A_256 = arith.addf %add3A_255, %mul3A_253 : vector<512x512xf32>
    %gt3A = arith.constant 0.000000e+00 : f32
    %gt3A_257 = vector.broadcast %gt3A : f32 to vector<512x512xf32>
    %gt3A_258 = arith.cmpf ogt, %add3A_256, %gt3A_257 : vector<512x512xf32>
    %convert_element_type3A_259 = arith.extui %gt3A_258 : vector<512x512xi1> to vector<512x512xi32>
    %convert_element_type3A_260 = arith.sitofp %convert_element_type3A_259 : vector<512x512xi32> to vector<512x512xf32>
    %broadcast_in_dim3A = vector.shape_cast %convert_element_type3A_260 : vector<512x512xf32> to vector<1x1x512x512xf32>
    %swap3A = arith.constant 0 : index
    %swap3A_261 = arith.constant 0 : index
    %swap3A_262 = arith.constant 0 : index
    %swap3A_263 = arith.constant 0 : index
    %swap3A_264 = vector.load %arg6[%swap3A, %swap3A_261, %swap3A_262, %swap3A_263] : memref<1x1x512x512xf32, #tpu.memory_space<vmem>>, vector<1x1x512x512xf32>
    tpu.vector_store %arg6[%swap3A, %swap3A_261, %swap3A_262, %swap3A_263], %broadcast_in_dim3A {strides = array<i32>} : memref<1x1x512x512xf32, #tpu.memory_space<vmem>>, vector<1x1x512x512xf32>,
    %stack3A = vector.shape_cast %add3A_79 : vector<512x512xi32> to vector<1x512x512xi32>
    %stack3A_265 = vector.shape_cast %add3A_136 : vector<512x512xi32> to vector<1x512x512xi32>
    %stack3A_266 = vector.shape_cast %add3A_193 : vector<512x512xi32> to vector<1x512x512xi32>
    %stack3A_267 = vector.shape_cast %add3A_250 : vector<512x512xi32> to vector<1x512x512xi32>
    %stack3A_268 = tpu.concatenate %stack3A, %stack3A_265, %stack3A_266, %stack3A_267 in 0 : vector<1x512x512xi32>, vector<1x512x512xi32>, vector<1x512x512xi32>, vector<1x512x512xi32> -> vector<4x512x512xi32>
    %broadcast_in_dim3A_269 = vector.shape_cast %stack3A_268 : vector<4x512x512xi32> to vector<1x4x512x512xi32>
    %swap3A_270 = arith.constant 0 : index
    %swap3A_271 = arith.constant 0 : index
    %swap3A_272 = arith.constant 0 : index
    %swap3A_273 = arith.constant 0 : index
    %swap3A_274 = vector.load %arg4[%swap3A_270, %swap3A_271, %swap3A_272, %swap3A_273] : memref<1x4x512x512xi32, #tpu.memory_space<vmem>>, vector<1x4x512x512xi32>
    tpu.vector_store %arg4[%swap3A_270, %swap3A_271, %swap3A_272, %swap3A_273], %broadcast_in_dim3A_269 {strides = array<i32>} : memref<1x4x512x512xi32, #tpu.memory_space<vmem>>, vector<1x4x512x512xi32>,
    %stack3A_275 = vector.shape_cast %mul3A_73 : vector<512x512xf32> to vector<1x512x512xf32>
    %stack3A_276 = vector.shape_cast %mul3A_130 : vector<512x512xf32> to vector<1x512x512xf32>
    %stack3A_277 = vector.shape_cast %mul3A_187 : vector<512x512xf32> to vector<1x512x512xf32>
    %stack3A_278 = vector.shape_cast %mul3A_244 : vector<512x512xf32> to vector<1x512x512xf32>
    %stack3A_279 = tpu.concatenate %stack3A_275, %stack3A_276, %stack3A_277, %stack3A_278 in 0 : vector<1x512x512xf32>, vector<1x512x512xf32>, vector<1x512x512xf32>, vector<1x512x512xf32> -> vector<4x512x512xf32>
    %broadcast_in_dim3A_280 = vector.shape_cast %stack3A_279 : vector<4x512x512xf32> to vector<1x4x512x512xf32>
    %swap3A_281 = arith.constant 0 : index
    %swap3A_282 = arith.constant 0 : index
    %swap3A_283 = arith.constant 0 : index
    %swap3A_284 = arith.constant 0 : index
    %swap3A_285 = vector.load %arg5[%swap3A_281, %swap3A_282, %swap3A_283, %swap3A_284] : memref<1x4x512x512xf32, #tpu.memory_space<vmem>>, vector<1x4x512x512xf32>
    tpu.vector_store %arg5[%swap3A_281, %swap3A_282, %swap3A_283, %swap3A_284], %broadcast_in_dim3A_280 {strides = array<i32>} : memref<1x4x512x512xf32, #tpu.memory_space<vmem>>, vector<1x4x512x512xf32>,
    %shift_right_arithmetic3A = arith.constant 9 : i32
    %shift_right_arithmetic3A_286 = vector.broadcast %shift_right_arithmetic3A : i32 to vector<512x512xi32>
    %shift_right_arithmetic3A_287 = arith.shrsi %add3A_79, %shift_right_arithmetic3A_286 : vector<512x512xi32>
    %convert_element_type3A_288 = arith.sitofp %shift_right_arithmetic3A_287 : vector<512x512xi32> to vector<512x512xf32>
    %reshape3A = vector.shape_cast %convert_element_type3A_288 : vector<512x512xf32> to vector<32x8192xf32>
    %shift_right_arithmetic3A_289 = arith.constant 9 : i32
    %shift_right_arithmetic3A_290 = vector.broadcast %shift_right_arithmetic3A_289 : i32 to vector<512x512xi32>
    %shift_right_arithmetic3A_291 = arith.shrsi %add3A_250, %shift_right_arithmetic3A_290 : vector<512x512xi32>
    %convert_element_type3A_292 = arith.sitofp %shift_right_arithmetic3A_291 : vector<512x512xi32> to vector<512x512xf32>
    %reshape3A_293 = vector.shape_cast %convert_element_type3A_292 : vector<512x512xf32> to vector<32x8192xf32>
    %reduce_min3A = arith.constant dense<0x7F800000> : vector<32xf32>
    %reduce_min3A_294 = vector.multi_reduction <minimumf>, %reshape3A, %reduce_min3A [1] : vector<32x8192xf32> to vector<32xf32>
    %broadcast_in_dim3A_295 = vector.shape_cast %reduce_min3A_294 : vector<32xf32> to vector<32x1xf32>
    %reduce_max3A = arith.constant dense<0xFF800000> : vector<32xf32>
    %reduce_max3A_296 = vector.multi_reduction <maximumf>, %reshape3A_293, %reduce_max3A [1] : vector<32x8192xf32> to vector<32xf32>
    %broadcast_in_dim3A_297 = vector.shape_cast %reduce_max3A_296 : vector<32xf32> to vector<32x1xf32>
    %broadcast_in_dim3A_298 = vector.shape_cast %broadcast_in_dim3A_295 : vector<32x1xf32> to vector<32x1xf32>
    %broadcast_in_dim3A_299 = vector.broadcast %broadcast_in_dim3A_298 : vector<32x1xf32> to vector<32x128xf32>
    %broadcast_in_dim3A_300 = vector.shape_cast %broadcast_in_dim3A_297 : vector<32x1xf32> to vector<32x1xf32>
    %broadcast_in_dim3A_301 = vector.broadcast %broadcast_in_dim3A_300 : vector<32x1xf32> to vector<32x128xf32>
    %concatenate3A = tpu.concatenate %broadcast_in_dim3A_299, %broadcast_in_dim3A_301 in 0 : vector<32x128xf32>, vector<32x128xf32> -> vector<64x128xf32>
    %broadcast_in_dim3A_302 = vector.shape_cast %concatenate3A : vector<64x128xf32> to vector<1x64x128xf32>
    %swap3A_303 = arith.constant 0 : index
    %swap3A_304 = arith.constant 0 : index
    %swap3A_305 = arith.constant 0 : index
    %swap3A_306 = vector.load %arg9[%swap3A_303, %swap3A_304, %swap3A_305] : memref<1x64x128xf32, #tpu.memory_space<vmem>>, vector<1x64x128xf32>
    tpu.vector_store %arg9[%swap3A_303, %swap3A_304, %swap3A_305], %broadcast_in_dim3A_302 {strides = array<i32>} : memref<1x64x128xf32, #tpu.memory_space<vmem>>, vector<1x64x128xf32>,
    %get3A_307 = arith.constant 0 : index
    %get3A_308 = arith.constant 0 : index
    %get3A_309 = arith.constant 0 : index
    %get3A_310 = arith.constant 0 : index
    %get3A_311 = vector.load %arg3[%get3A_307, %get3A_308, %get3A_309, %get3A_310] : memref<1x1x512x512xf32, #tpu.memory_space<vmem>>, vector<1x1x512x512xf32>
    %get3A_312 = vector.shape_cast %get3A_311 : vector<1x1x512x512xf32> to vector<512x512xf32>
    %broadcast_in_dim3A_313 = arith.constant 0.000000e+00 : f32
    %broadcast_in_dim3A_314 = vector.broadcast %broadcast_in_dim3A_313 : f32 to vector<512x2xf32>
    %concatenate3A_315 = tpu.concatenate %broadcast_in_dim3A_314, %get3A_312, %broadcast_in_dim3A_314 in 1 : vector<512x2xf32>, vector<512x512xf32>, vector<512x2xf32> -> vector<512x516xf32>
    %slice3A = vector.extract_strided_slice %concatenate3A_315 {offsets = [0, 0], sizes = [512, 512], strides = [1, 1]} : vector<512x516xf32> to vector<512x512xf32>
    %slice3A_316 = vector.extract_strided_slice %concatenate3A_315 {offsets = [0, 1], sizes = [512, 512], strides = [1, 1]} : vector<512x516xf32> to vector<512x512xf32>
    %max3A_317 = arith.maximumf %slice3A, %slice3A_316 : vector<512x512xf32>
    %slice3A_318 = vector.extract_strided_slice %concatenate3A_315 {offsets = [0, 2], sizes = [512, 512], strides = [1, 1]} : vector<512x516xf32> to vector<512x512xf32>
    %max3A_319 = arith.maximumf %max3A_317, %slice3A_318 : vector<512x512xf32>
    %slice3A_320 = vector.extract_strided_slice %concatenate3A_315 {offsets = [0, 3], sizes = [512, 512], strides = [1, 1]} : vector<512x516xf32> to vector<512x512xf32>
    %max3A_321 = arith.maximumf %max3A_319, %slice3A_320 : vector<512x512xf32>
    %slice3A_322 = vector.extract_strided_slice %concatenate3A_315 {offsets = [0, 4], sizes = [512, 512], strides = [1, 1]} : vector<512x516xf32> to vector<512x512xf32>
    %max3A_323 = arith.maximumf %max3A_321, %slice3A_322 : vector<512x512xf32>
    %broadcast_in_dim3A_324 = arith.constant 0.000000e+00 : f32
    %broadcast_in_dim3A_325 = vector.broadcast %broadcast_in_dim3A_324 : f32 to vector<2x512xf32>
    %concatenate3A_326 = tpu.concatenate %broadcast_in_dim3A_325, %max3A_323, %broadcast_in_dim3A_325 in 0 : vector<2x512xf32>, vector<512x512xf32>, vector<2x512xf32> -> vector<516x512xf32>
    %slice3A_327 = vector.extract_strided_slice %concatenate3A_326 {offsets = [0, 0], sizes = [512, 512], strides = [1, 1]} : vector<516x512xf32> to vector<512x512xf32>
    %slice3A_328 = vector.extract_strided_slice %concatenate3A_326 {offsets = [1, 0], sizes = [512, 512], strides = [1, 1]} : vector<516x512xf32> to vector<512x512xf32>
    %max3A_329 = arith.maximumf %slice3A_327, %slice3A_328 : vector<512x512xf32>
    %slice3A_330 = vector.extract_strided_slice %concatenate3A_326 {offsets = [2, 0], sizes = [512, 512], strides = [1, 1]} : vector<516x512xf32> to vector<512x512xf32>
    %max3A_331 = arith.maximumf %max3A_329, %slice3A_330 : vector<512x512xf32>
    %slice3A_332 = vector.extract_strided_slice %concatenate3A_326 {offsets = [3, 0], sizes = [512, 512], strides = [1, 1]} : vector<516x512xf32> to vector<512x512xf32>
    %max3A_333 = arith.maximumf %max3A_331, %slice3A_332 : vector<512x512xf32>
    %slice3A_334 = vector.extract_strided_slice %concatenate3A_326 {offsets = [4, 0], sizes = [512, 512], strides = [1, 1]} : vector<516x512xf32> to vector<512x512xf32>
    %max3A_335 = arith.maximumf %max3A_333, %slice3A_334 : vector<512x512xf32>
    %eq3A = arith.cmpf oeq, %get3A_312, %max3A_335 : vector<512x512xf32>
    %ge3A_336 = arith.constant 0.000000e+00 : f32
    %ge3A_337 = vector.broadcast %ge3A_336 : f32 to vector<512x512xf32>
    %ge3A_338 = arith.cmpf oge, %get3A_312, %ge3A_337 : vector<512x512xf32>
    %and3A_339 = arith.andi %eq3A, %ge3A_338 : vector<512x512xi1>
    %convert_element_type3A_340 = arith.extui %and3A_339 : vector<512x512xi1> to vector<512x512xi32>
    %convert_element_type3A_341 = arith.sitofp %convert_element_type3A_340 : vector<512x512xi32> to vector<512x512xf32>
    %mul3A_342 = arith.mulf %get3A_312, %convert_element_type3A_341 : vector<512x512xf32>
    %broadcast_in_dim3A_343 = vector.shape_cast %mul3A_342 : vector<512x512xf32> to vector<1x1x512x512xf32>
    %swap3A_344 = arith.constant 0 : index
    %swap3A_345 = arith.constant 0 : index
    %swap3A_346 = arith.constant 0 : index
    %swap3A_347 = arith.constant 0 : index
    %swap3A_348 = vector.load %arg7[%swap3A_344, %swap3A_345, %swap3A_346, %swap3A_347] : memref<1x1x512x512xf32, #tpu.memory_space<vmem>>, vector<1x1x512x512xf32>
    tpu.vector_store %arg7[%swap3A_344, %swap3A_345, %swap3A_346, %swap3A_347], %broadcast_in_dim3A_343 {strides = array<i32>} : memref<1x1x512x512xf32, #tpu.memory_space<vmem>>, vector<1x1x512x512xf32>,
    %slice3A_349 = vector.extract_strided_slice %mul3A_342 {offsets = [0, 0], sizes = [512, 256], strides = [1, 1]} : vector<512x512xf32> to vector<512x256xf32>
    %slice3A_350 = vector.extract_strided_slice %mul3A_342 {offsets = [0, 256], sizes = [512, 256], strides = [1, 1]} : vector<512x512xf32> to vector<512x256xf32>
    %max3A_351 = arith.maximumf %slice3A_349, %slice3A_350 : vector<512x256xf32>
    %slice3A_352 = vector.extract_strided_slice %max3A_351 {offsets = [0, 0], sizes = [512, 128], strides = [1, 1]} : vector<512x256xf32> to vector<512x128xf32>
    %slice3A_353 = vector.extract_strided_slice %max3A_351 {offsets = [0, 128], sizes = [512, 128], strides = [1, 1]} : vector<512x256xf32> to vector<512x128xf32>
    %max3A_354 = arith.maximumf %slice3A_352, %slice3A_353 : vector<512x128xf32>
    %slice3A_355 = vector.extract_strided_slice %max3A_354 {offsets = [0, 0], sizes = [512, 64], strides = [1, 1]} : vector<512x128xf32> to vector<512x64xf32>
    %slice3A_356 = vector.extract_strided_slice %max3A_354 {offsets = [0, 64], sizes = [512, 64], strides = [1, 1]} : vector<512x128xf32> to vector<512x64xf32>
    %max3A_357 = arith.maximumf %slice3A_355, %slice3A_356 : vector<512x64xf32>
    %slice3A_358 = vector.extract_strided_slice %max3A_357 {offsets = [0, 0], sizes = [512, 32], strides = [1, 1]} : vector<512x64xf32> to vector<512x32xf32>
    %slice3A_359 = vector.extract_strided_slice %max3A_357 {offsets = [0, 32], sizes = [512, 32], strides = [1, 1]} : vector<512x64xf32> to vector<512x32xf32>
    %max3A_360 = arith.maximumf %slice3A_358, %slice3A_359 : vector<512x32xf32>
    %slice3A_361 = vector.extract_strided_slice %max3A_360 {offsets = [0, 0], sizes = [512, 16], strides = [1, 1]} : vector<512x32xf32> to vector<512x16xf32>
    %slice3A_362 = vector.extract_strided_slice %max3A_360 {offsets = [0, 16], sizes = [512, 16], strides = [1, 1]} : vector<512x32xf32> to vector<512x16xf32>
    %max3A_363 = arith.maximumf %slice3A_361, %slice3A_362 : vector<512x16xf32>
    %bitcast_convert_type3A = tpu.bitcast %max3A_363 : vector<512x16xf32> -> vector<512x16xi32>
    %scan3A = arith.constant 0 : i32
    %scan3A_364 = arith.constant 2139095041 : i32
    %scan3A_365 = arith.constant 0 : i32
    %scan3A_366 = arith.constant 31 : i32
    %scan3A_367 = arith.addi %scan3A_365, %scan3A_366 : i32
    %scan3A_368 = arith.constant 1 : i32
    %scan3A_369:2 = scf.for %scan3A_387 = %scan3A_365 to %scan3A_367 step %scan3A_368 iter_args(%scan3A_388 = %scan3A, %scan3A_389 = %scan3A_364) -> (i32, i32)  : i32 {
      %sub3A_390 = arith.subi %scan3A_389, %scan3A_388 : i32
      %jit3A_391 = arith.constant 2 : i32
      %div3A = arith.divsi %sub3A_390, %jit3A_391 : i32
      %sign3A = arith.constant 0 : i32
      %sign3A_392 = arith.cmpi sgt, %sub3A_390, %sign3A : i32
      %sign3A_393 = arith.extui %sign3A_392 : i1 to i32
      %sign3A_394 = arith.constant 0 : i32
      %sign3A_395 = arith.cmpi slt, %sub3A_390, %sign3A_394 : i32
      %sign3A_396 = arith.extui %sign3A_395 : i1 to i32
      %sign3A_397 = arith.subi %sign3A_393, %sign3A_396 : i32
      %sign3A_398 = arith.constant 0 : i32
      %sign3A_399 = arith.cmpi sgt, %jit3A_391, %sign3A_398 : i32
      %sign3A_400 = arith.extui %sign3A_399 : i1 to i32
      %sign3A_401 = arith.constant 0 : i32
      %sign3A_402 = arith.cmpi slt, %jit3A_391, %sign3A_401 : i32
      %sign3A_403 = arith.extui %sign3A_402 : i1 to i32
      %sign3A_404 = arith.subi %sign3A_400, %sign3A_403 : i32
      %ne3A = arith.cmpi ne, %sign3A_397, %sign3A_404 : i32
      %rem3A = arith.remsi %sub3A_390, %jit3A_391 : i32
      %ne3A_405 = arith.constant 0 : i32
      %ne3A_406 = arith.cmpi ne, %rem3A, %ne3A_405 : i32
      %and3A_407 = arith.andi %ne3A, %ne3A_406 : i1
      %sub3A_408 = arith.constant 1 : i32
      %sub3A_409 = arith.subi %div3A, %sub3A_408 : i32
      %select_n3A_410 = arith.select %and3A_407, %sub3A_409, %div3A : i32
      %add3A_411 = arith.addi %scan3A_388, %select_n3A_410 : i32
      %ge3A_412 = vector.broadcast %add3A_411 : i32 to vector<512x16xi32>
      %ge3A_413 = arith.cmpi sge, %bitcast_convert_type3A, %ge3A_412 : vector<512x16xi32>
      %convert_element_type3A_414 = arith.extui %ge3A_413 : vector<512x16xi1> to vector<512x16xi32>
      %convert_element_type3A_415 = arith.sitofp %convert_element_type3A_414 : vector<512x16xi32> to vector<512x16xf32>
      %reduce_sum3A = vector.shape_cast %convert_element_type3A_415 : vector<512x16xf32> to vector<1x512x16xf32>
      %reduce_sum3A_416 = arith.constant dense<0.000000e+00> : vector<1xf32>
      %reduce_sum3A_417 = vector.multi_reduction <add>, %reduce_sum3A, %reduce_sum3A_416 [1, 2] : vector<1x512x16xf32> to vector<1xf32>
      %reduce_sum3A_418 = vector.shape_cast %reduce_sum3A_417 : vector<1xf32> to vector<1x1x1xf32>
      %reduce_sum3A_419 = vector.extract %reduce_sum3A_418[0, 0, 0] : f32 from vector<1x1x1xf32>
      %ge3A_420 = arith.constant 5.120000e+02 : f32
      %ge3A_421 = arith.cmpf oge, %reduce_sum3A_419, %ge3A_420 : f32
      %select_n3A_422 = arith.select %ge3A_421, %add3A_411, %scan3A_388 : i32
      %select_n3A_423 = arith.select %ge3A_421, %scan3A_389, %add3A_411 : i32
      scf.yield %select_n3A_422, %select_n3A_423 : i32, i32
    }
    %bitcast_convert_type3A_370 = arith.bitcast %scan3A_369#0 : i32 to f32
    %eq3A_371 = arith.constant 0 : i32
    %eq3A_372 = arith.cmpi eq, %arg0, %eq3A_371 : i32
    %convert_element_type3A_373 = arith.extui %eq3A_372 : i1 to i32
    %cond3A = arith.constant 0 : i32
    %cond3A_374 = arith.cmpi ne, %convert_element_type3A_373, %cond3A : i32
    scf.if %cond3A_374 {
      %broadcast_in_dim3A_387 = arith.constant 0.000000e+00 : f32
      %broadcast_in_dim3A_388 = vector.broadcast %broadcast_in_dim3A_387 : f32 to vector<16x128xf32>
      %swap3A_389 = arith.constant 0 : index
      %swap3A_390 = arith.constant 0 : index
      %swap3A_391 = vector.load %arg8[%swap3A_389, %swap3A_390] : memref<16x128xf32, #tpu.memory_space<vmem>>, vector<16x128xf32>
      tpu.vector_store %arg8[%swap3A_389, %swap3A_390], %broadcast_in_dim3A_388 {strides = array<i32>} : memref<16x128xf32, #tpu.memory_space<vmem>>, vector<16x128xf32>,
    } else {
    }
    %iota3A = tpu.iota {dimensions = array<i32: 0>} : vector<16x128xi32>
    %get3A_375 = arith.constant 0 : index
    %get3A_376 = arith.constant 0 : index
    %get3A_377 = vector.load %arg8[%get3A_375, %get3A_376] : memref<16x128xf32, #tpu.memory_space<vmem>>, vector<16x128xf32>
    %eq3A_378 = vector.broadcast %arg0 : i32 to vector<16x128xi32>
    %eq3A_379 = arith.cmpi eq, %iota3A, %eq3A_378 : vector<16x128xi32>
    %jit3A_380 = arith.constant 0.000000e+00 : f32
    %broadcast_in_dim3A_381 = vector.broadcast %bitcast_convert_type3A_370 : f32 to vector<16x128xf32>
    %broadcast_in_dim3A_382 = vector.broadcast %jit3A_380 : f32 to vector<16x128xf32>
    %select_n3A = arith.select %eq3A_379, %broadcast_in_dim3A_381, %broadcast_in_dim3A_382 : vector<16x128xi1>, vector<16x128xf32>
    %add3A_383 = arith.addf %get3A_377, %select_n3A : vector<16x128xf32>
    %swap3A_384 = arith.constant 0 : index
    %swap3A_385 = arith.constant 0 : index
    %swap3A_386 = vector.load %arg8[%swap3A_384, %swap3A_385] : memref<16x128xf32, #tpu.memory_space<vmem>>, vector<16x128xf32>
    tpu.vector_store %arg8[%swap3A_384, %swap3A_385], %add3A_383 {strides = array<i32>} : memref<16x128xf32, #tpu.memory_space<vmem>>, vector<16x128xf32>,
    return
  }
  func.func @transform_0(%arg0: i32) -> (i32, i32, i32, i32) {
    %c0_i32 = arith.constant 0 : i32
    %c0_i32_0 = arith.constant 0 : i32
    %c0_i32_1 = arith.constant 0 : i32
    %c0_i32_2 = arith.constant 0 : i32
    return %arg0, %c0_i32, %c0_i32_0, %c0_i32_1 : i32, i32, i32, i32
  }
  func.func @transform_1(%arg0: i32) -> (i32, i32, i32, i32) {
    %c0_i32 = arith.constant 0 : i32
    %c0_i32_0 = arith.constant 0 : i32
    %c0_i32_1 = arith.constant 0 : i32
    %c0_i32_2 = arith.constant 0 : i32
    return %arg0, %c0_i32, %c0_i32_0, %c0_i32_1 : i32, i32, i32, i32
  }
  func.func @transform_2(%arg0: i32) -> (i32, i32, i32, i32) {
    %c0_i32 = arith.constant 0 : i32
    %c0_i32_0 = arith.constant 0 : i32
    %c0_i32_1 = arith.constant 0 : i32
    %c0_i32_2 = arith.constant 0 : i32
    return %arg0, %c0_i32, %c0_i32_0, %c0_i32_1 : i32, i32, i32, i32
  }
  func.func @transform_3(%arg0: i32) -> (i32, i32, i32, i32) {
    %c0_i32 = arith.constant 0 : i32
    %c0_i32_0 = arith.constant 0 : i32
    %c0_i32_1 = arith.constant 0 : i32
    %c0_i32_2 = arith.constant 0 : i32
    return %arg0, %c0_i32, %c0_i32_0, %c0_i32_1 : i32, i32, i32, i32
  }
  func.func @transform_4(%arg0: i32) -> (i32, i32, i32, i32) {
    %c0_i32 = arith.constant 0 : i32
    %c0_i32_0 = arith.constant 0 : i32
    %c0_i32_1 = arith.constant 0 : i32
    %c0_i32_2 = arith.constant 0 : i32
    return %arg0, %c0_i32, %c0_i32_0, %c0_i32_1 : i32, i32, i32, i32
  }
  func.func @transform_5(%arg0: i32) -> (i32, i32, i32, i32) {
    %c0_i32 = arith.constant 0 : i32
    %c0_i32_0 = arith.constant 0 : i32
    %c0_i32_1 = arith.constant 0 : i32
    %c0_i32_2 = arith.constant 0 : i32
    return %arg0, %c0_i32, %c0_i32_0, %c0_i32_1 : i32, i32, i32, i32
  }
  func.func @transform_6(%arg0: i32) -> (i32, i32, i32, i32) {
    %c0_i32 = arith.constant 0 : i32
    %c0_i32_0 = arith.constant 0 : i32
    %c0_i32_1 = arith.constant 0 : i32
    %c0_i32_2 = arith.constant 0 : i32
    return %arg0, %c0_i32, %c0_i32_0, %c0_i32_1 : i32, i32, i32, i32
  }
  func.func @transform_7(%arg0: i32) -> (i32, i32) {
    %c0_i32 = arith.constant 0 : i32
    %c0_i32_0 = arith.constant 0 : i32
    %c0_i32_1 = arith.constant 0 : i32
    return %c0_i32, %c0_i32_0 : i32, i32
  }
  func.func @transform_8(%arg0: i32) -> (i32, i32, i32) {
    %c0_i32 = arith.constant 0 : i32
    %c0_i32_0 = arith.constant 0 : i32
    %c0_i32_1 = arith.constant 0 : i32
    return %arg0, %c0_i32, %c0_i32_0 : i32, i32, i32
  }
}

module attributes {stable_mosaic.version = 14 : i64} {
  func.func @_nms2_body(%arg0: i32, %arg1: memref<1x1x512x512xf32, #tpu.memory_space<vmem>>, %arg2: memref<1x1x512x512xf32, #tpu.memory_space<vmem>>, %arg3: memref<16x128xf32, #tpu.memory_space<vmem>>) attributes {dimension_semantics = [#tpu.dimension_semantics<arbitrary>], iteration_bounds = array<i64: 16>, scalar_prefetch = 0 : i64, scratch_operands = 0 : i64, tpu.core_type = #tpu.core_type<tc>, window_params = [{transform_indices = @transform_0, window_bounds = array<i64: 1, 1, 512, 512>}, {transform_indices = @transform_1, window_bounds = array<i64: 1, 1, 512, 512>}, {pipeline_mode = #tpu.pipeline_mode<synchronous>, transform_indices = @transform_2, window_bounds = array<i64: 16, 128>}]} {
    %get3A = arith.constant 0 : index
    %get3A_0 = arith.constant 0 : index
    %get3A_1 = arith.constant 0 : index
    %get3A_2 = arith.constant 0 : index
    %get3A_3 = vector.load %arg1[%get3A, %get3A_0, %get3A_1, %get3A_2] : memref<1x1x512x512xf32, #tpu.memory_space<vmem>>, vector<1x1x512x512xf32>
    %get3A_4 = vector.shape_cast %get3A_3 : vector<1x1x512x512xf32> to vector<512x512xf32>
    %broadcast_in_dim3A = arith.constant 0.000000e+00 : f32
    %broadcast_in_dim3A_5 = vector.broadcast %broadcast_in_dim3A : f32 to vector<512x2xf32>
    %concatenate3A = tpu.concatenate %broadcast_in_dim3A_5, %get3A_4, %broadcast_in_dim3A_5 in 1 : vector<512x2xf32>, vector<512x512xf32>, vector<512x2xf32> -> vector<512x516xf32>
    %slice3A = vector.extract_strided_slice %concatenate3A {offsets = [0, 0], sizes = [512, 512], strides = [1, 1]} : vector<512x516xf32> to vector<512x512xf32>
    %slice3A_6 = vector.extract_strided_slice %concatenate3A {offsets = [0, 1], sizes = [512, 512], strides = [1, 1]} : vector<512x516xf32> to vector<512x512xf32>
    %max3A = arith.maximumf %slice3A, %slice3A_6 : vector<512x512xf32>
    %slice3A_7 = vector.extract_strided_slice %concatenate3A {offsets = [0, 2], sizes = [512, 512], strides = [1, 1]} : vector<512x516xf32> to vector<512x512xf32>
    %max3A_8 = arith.maximumf %max3A, %slice3A_7 : vector<512x512xf32>
    %slice3A_9 = vector.extract_strided_slice %concatenate3A {offsets = [0, 3], sizes = [512, 512], strides = [1, 1]} : vector<512x516xf32> to vector<512x512xf32>
    %max3A_10 = arith.maximumf %max3A_8, %slice3A_9 : vector<512x512xf32>
    %slice3A_11 = vector.extract_strided_slice %concatenate3A {offsets = [0, 4], sizes = [512, 512], strides = [1, 1]} : vector<512x516xf32> to vector<512x512xf32>
    %max3A_12 = arith.maximumf %max3A_10, %slice3A_11 : vector<512x512xf32>
    %broadcast_in_dim3A_13 = arith.constant 0.000000e+00 : f32
    %broadcast_in_dim3A_14 = vector.broadcast %broadcast_in_dim3A_13 : f32 to vector<2x512xf32>
    %concatenate3A_15 = tpu.concatenate %broadcast_in_dim3A_14, %max3A_12, %broadcast_in_dim3A_14 in 0 : vector<2x512xf32>, vector<512x512xf32>, vector<2x512xf32> -> vector<516x512xf32>
    %slice3A_16 = vector.extract_strided_slice %concatenate3A_15 {offsets = [0, 0], sizes = [512, 512], strides = [1, 1]} : vector<516x512xf32> to vector<512x512xf32>
    %slice3A_17 = vector.extract_strided_slice %concatenate3A_15 {offsets = [1, 0], sizes = [512, 512], strides = [1, 1]} : vector<516x512xf32> to vector<512x512xf32>
    %max3A_18 = arith.maximumf %slice3A_16, %slice3A_17 : vector<512x512xf32>
    %slice3A_19 = vector.extract_strided_slice %concatenate3A_15 {offsets = [2, 0], sizes = [512, 512], strides = [1, 1]} : vector<516x512xf32> to vector<512x512xf32>
    %max3A_20 = arith.maximumf %max3A_18, %slice3A_19 : vector<512x512xf32>
    %slice3A_21 = vector.extract_strided_slice %concatenate3A_15 {offsets = [3, 0], sizes = [512, 512], strides = [1, 1]} : vector<516x512xf32> to vector<512x512xf32>
    %max3A_22 = arith.maximumf %max3A_20, %slice3A_21 : vector<512x512xf32>
    %slice3A_23 = vector.extract_strided_slice %concatenate3A_15 {offsets = [4, 0], sizes = [512, 512], strides = [1, 1]} : vector<516x512xf32> to vector<512x512xf32>
    %max3A_24 = arith.maximumf %max3A_22, %slice3A_23 : vector<512x512xf32>
    %eq3A = arith.cmpf oeq, %get3A_4, %max3A_24 : vector<512x512xf32>
    %ge3A = arith.constant 0.000000e+00 : f32
    %ge3A_25 = vector.broadcast %ge3A : f32 to vector<512x512xf32>
    %ge3A_26 = arith.cmpf oge, %get3A_4, %ge3A_25 : vector<512x512xf32>
    %and3A = arith.andi %eq3A, %ge3A_26 : vector<512x512xi1>
    %convert_element_type3A = arith.extui %and3A : vector<512x512xi1> to vector<512x512xi32>
    %convert_element_type3A_27 = arith.sitofp %convert_element_type3A : vector<512x512xi32> to vector<512x512xf32>
    %mul3A = arith.mulf %get3A_4, %convert_element_type3A_27 : vector<512x512xf32>
    %broadcast_in_dim3A_28 = vector.shape_cast %mul3A : vector<512x512xf32> to vector<1x1x512x512xf32>
    %swap3A = arith.constant 0 : index
    %swap3A_29 = arith.constant 0 : index
    %swap3A_30 = arith.constant 0 : index
    %swap3A_31 = arith.constant 0 : index
    %swap3A_32 = vector.load %arg2[%swap3A, %swap3A_29, %swap3A_30, %swap3A_31] : memref<1x1x512x512xf32, #tpu.memory_space<vmem>>, vector<1x1x512x512xf32>
    tpu.vector_store %arg2[%swap3A, %swap3A_29, %swap3A_30, %swap3A_31], %broadcast_in_dim3A_28 {strides = array<i32>} : memref<1x1x512x512xf32, #tpu.memory_space<vmem>>, vector<1x1x512x512xf32>,
    %slice3A_33 = vector.extract_strided_slice %mul3A {offsets = [0, 0], sizes = [512, 256], strides = [1, 1]} : vector<512x512xf32> to vector<512x256xf32>
    %slice3A_34 = vector.extract_strided_slice %mul3A {offsets = [0, 256], sizes = [512, 256], strides = [1, 1]} : vector<512x512xf32> to vector<512x256xf32>
    %max3A_35 = arith.maximumf %slice3A_33, %slice3A_34 : vector<512x256xf32>
    %slice3A_36 = vector.extract_strided_slice %max3A_35 {offsets = [0, 0], sizes = [512, 128], strides = [1, 1]} : vector<512x256xf32> to vector<512x128xf32>
    %slice3A_37 = vector.extract_strided_slice %max3A_35 {offsets = [0, 128], sizes = [512, 128], strides = [1, 1]} : vector<512x256xf32> to vector<512x128xf32>
    %max3A_38 = arith.maximumf %slice3A_36, %slice3A_37 : vector<512x128xf32>
    %slice3A_39 = vector.extract_strided_slice %max3A_38 {offsets = [0, 0], sizes = [512, 64], strides = [1, 1]} : vector<512x128xf32> to vector<512x64xf32>
    %slice3A_40 = vector.extract_strided_slice %max3A_38 {offsets = [0, 64], sizes = [512, 64], strides = [1, 1]} : vector<512x128xf32> to vector<512x64xf32>
    %max3A_41 = arith.maximumf %slice3A_39, %slice3A_40 : vector<512x64xf32>
    %slice3A_42 = vector.extract_strided_slice %max3A_41 {offsets = [0, 0], sizes = [512, 32], strides = [1, 1]} : vector<512x64xf32> to vector<512x32xf32>
    %slice3A_43 = vector.extract_strided_slice %max3A_41 {offsets = [0, 32], sizes = [512, 32], strides = [1, 1]} : vector<512x64xf32> to vector<512x32xf32>
    %max3A_44 = arith.maximumf %slice3A_42, %slice3A_43 : vector<512x32xf32>
    %slice3A_45 = vector.extract_strided_slice %max3A_44 {offsets = [0, 0], sizes = [512, 16], strides = [1, 1]} : vector<512x32xf32> to vector<512x16xf32>
    %slice3A_46 = vector.extract_strided_slice %max3A_44 {offsets = [0, 16], sizes = [512, 16], strides = [1, 1]} : vector<512x32xf32> to vector<512x16xf32>
    %max3A_47 = arith.maximumf %slice3A_45, %slice3A_46 : vector<512x16xf32>
    %bitcast_convert_type3A = tpu.bitcast %max3A_47 : vector<512x16xf32> -> vector<512x16xi32>
    %scan3A = arith.constant 0 : i32
    %scan3A_48 = arith.constant 2139095041 : i32
    %scan3A_49 = arith.constant 0 : i32
    %scan3A_50 = arith.constant 31 : i32
    %scan3A_51 = arith.addi %scan3A_49, %scan3A_50 : i32
    %scan3A_52 = arith.constant 1 : i32
    %scan3A_53:2 = scf.for %scan3A_69 = %scan3A_49 to %scan3A_51 step %scan3A_52 iter_args(%scan3A_70 = %scan3A, %scan3A_71 = %scan3A_48) -> (i32, i32)  : i32 {
      %sub3A = arith.subi %scan3A_71, %scan3A_70 : i32
      %jit3A_72 = arith.constant 2 : i32
      %div3A = arith.divsi %sub3A, %jit3A_72 : i32
      %sign3A = arith.constant 0 : i32
      %sign3A_73 = arith.cmpi sgt, %sub3A, %sign3A : i32
      %sign3A_74 = arith.extui %sign3A_73 : i1 to i32
      %sign3A_75 = arith.constant 0 : i32
      %sign3A_76 = arith.cmpi slt, %sub3A, %sign3A_75 : i32
      %sign3A_77 = arith.extui %sign3A_76 : i1 to i32
      %sign3A_78 = arith.subi %sign3A_74, %sign3A_77 : i32
      %sign3A_79 = arith.constant 0 : i32
      %sign3A_80 = arith.cmpi sgt, %jit3A_72, %sign3A_79 : i32
      %sign3A_81 = arith.extui %sign3A_80 : i1 to i32
      %sign3A_82 = arith.constant 0 : i32
      %sign3A_83 = arith.cmpi slt, %jit3A_72, %sign3A_82 : i32
      %sign3A_84 = arith.extui %sign3A_83 : i1 to i32
      %sign3A_85 = arith.subi %sign3A_81, %sign3A_84 : i32
      %ne3A = arith.cmpi ne, %sign3A_78, %sign3A_85 : i32
      %rem3A = arith.remsi %sub3A, %jit3A_72 : i32
      %ne3A_86 = arith.constant 0 : i32
      %ne3A_87 = arith.cmpi ne, %rem3A, %ne3A_86 : i32
      %and3A_88 = arith.andi %ne3A, %ne3A_87 : i1
      %sub3A_89 = arith.constant 1 : i32
      %sub3A_90 = arith.subi %div3A, %sub3A_89 : i32
      %select_n3A_91 = arith.select %and3A_88, %sub3A_90, %div3A : i32
      %add3A_92 = arith.addi %scan3A_70, %select_n3A_91 : i32
      %ge3A_93 = vector.broadcast %add3A_92 : i32 to vector<512x16xi32>
      %ge3A_94 = arith.cmpi sge, %bitcast_convert_type3A, %ge3A_93 : vector<512x16xi32>
      %convert_element_type3A_95 = arith.extui %ge3A_94 : vector<512x16xi1> to vector<512x16xi32>
      %convert_element_type3A_96 = arith.sitofp %convert_element_type3A_95 : vector<512x16xi32> to vector<512x16xf32>
      %reduce_sum3A = vector.shape_cast %convert_element_type3A_96 : vector<512x16xf32> to vector<1x512x16xf32>
      %reduce_sum3A_97 = arith.constant dense<0.000000e+00> : vector<1xf32>
      %reduce_sum3A_98 = vector.multi_reduction <add>, %reduce_sum3A, %reduce_sum3A_97 [1, 2] : vector<1x512x16xf32> to vector<1xf32>
      %reduce_sum3A_99 = vector.shape_cast %reduce_sum3A_98 : vector<1xf32> to vector<1x1x1xf32>
      %reduce_sum3A_100 = vector.extract %reduce_sum3A_99[0, 0, 0] : f32 from vector<1x1x1xf32>
      %ge3A_101 = arith.constant 5.120000e+02 : f32
      %ge3A_102 = arith.cmpf oge, %reduce_sum3A_100, %ge3A_101 : f32
      %select_n3A_103 = arith.select %ge3A_102, %add3A_92, %scan3A_70 : i32
      %select_n3A_104 = arith.select %ge3A_102, %scan3A_71, %add3A_92 : i32
      scf.yield %select_n3A_103, %select_n3A_104 : i32, i32
    }
    %bitcast_convert_type3A_54 = arith.bitcast %scan3A_53#0 : i32 to f32
    %eq3A_55 = arith.constant 0 : i32
    %eq3A_56 = arith.cmpi eq, %arg0, %eq3A_55 : i32
    %convert_element_type3A_57 = arith.extui %eq3A_56 : i1 to i32
    %cond3A = arith.constant 0 : i32
    %cond3A_58 = arith.cmpi ne, %convert_element_type3A_57, %cond3A : i32
    scf.if %cond3A_58 {
      %broadcast_in_dim3A_69 = arith.constant 0.000000e+00 : f32
      %broadcast_in_dim3A_70 = vector.broadcast %broadcast_in_dim3A_69 : f32 to vector<16x128xf32>
      %swap3A_71 = arith.constant 0 : index
      %swap3A_72 = arith.constant 0 : index
      %swap3A_73 = vector.load %arg3[%swap3A_71, %swap3A_72] : memref<16x128xf32, #tpu.memory_space<vmem>>, vector<16x128xf32>
      tpu.vector_store %arg3[%swap3A_71, %swap3A_72], %broadcast_in_dim3A_70 {strides = array<i32>} : memref<16x128xf32, #tpu.memory_space<vmem>>, vector<16x128xf32>,
    } else {
    }
    %iota3A = tpu.iota {dimensions = array<i32: 0>} : vector<16x128xi32>
    %get3A_59 = arith.constant 0 : index
    %get3A_60 = arith.constant 0 : index
    %get3A_61 = vector.load %arg3[%get3A_59, %get3A_60] : memref<16x128xf32, #tpu.memory_space<vmem>>, vector<16x128xf32>
    %eq3A_62 = vector.broadcast %arg0 : i32 to vector<16x128xi32>
    %eq3A_63 = arith.cmpi eq, %iota3A, %eq3A_62 : vector<16x128xi32>
    %jit3A = arith.constant 0.000000e+00 : f32
    %broadcast_in_dim3A_64 = vector.broadcast %bitcast_convert_type3A_54 : f32 to vector<16x128xf32>
    %broadcast_in_dim3A_65 = vector.broadcast %jit3A : f32 to vector<16x128xf32>
    %select_n3A = arith.select %eq3A_63, %broadcast_in_dim3A_64, %broadcast_in_dim3A_65 : vector<16x128xi1>, vector<16x128xf32>
    %add3A = arith.addf %get3A_61, %select_n3A : vector<16x128xf32>
    %swap3A_66 = arith.constant 0 : index
    %swap3A_67 = arith.constant 0 : index
    %swap3A_68 = vector.load %arg3[%swap3A_66, %swap3A_67] : memref<16x128xf32, #tpu.memory_space<vmem>>, vector<16x128xf32>
    tpu.vector_store %arg3[%swap3A_66, %swap3A_67], %add3A {strides = array<i32>} : memref<16x128xf32, #tpu.memory_space<vmem>>, vector<16x128xf32>,
    return
  }
  func.func @transform_0(%arg0: i32) -> (i32, i32, i32, i32) {
    %c0_i32 = arith.constant 0 : i32
    %c0_i32_0 = arith.constant 0 : i32
    %c0_i32_1 = arith.constant 0 : i32
    %c0_i32_2 = arith.constant 0 : i32
    return %arg0, %c0_i32, %c0_i32_0, %c0_i32_1 : i32, i32, i32, i32
  }
  func.func @transform_1(%arg0: i32) -> (i32, i32, i32, i32) {
    %c0_i32 = arith.constant 0 : i32
    %c0_i32_0 = arith.constant 0 : i32
    %c0_i32_1 = arith.constant 0 : i32
    %c0_i32_2 = arith.constant 0 : i32
    return %arg0, %c0_i32, %c0_i32_0, %c0_i32_1 : i32, i32, i32, i32
  }
  func.func @transform_2(%arg0: i32) -> (i32, i32) {
    %c0_i32 = arith.constant 0 : i32
    %c0_i32_0 = arith.constant 0 : i32
    %c0_i32_1 = arith.constant 0 : i32
    return %c0_i32, %c0_i32_0 : i32, i32
  }
}

module attributes {stable_mosaic.version = 14 : i64} {
  func.func @_final_body(%arg0: i32, %arg1: memref<1x1x1024xf32, #tpu.memory_space<vmem>>, %arg2: memref<1x1x1024xi32, #tpu.memory_space<vmem>>, %arg3: memref<1x1x1024xf32, #tpu.memory_space<vmem>>, %arg4: memref<1x1x1024xi32, #tpu.memory_space<vmem>>, %arg5: memref<32x128xi32, #tpu.memory_space<vmem>>, %arg6: memref<1x1x512x512xf32, #tpu.memory_space<vmem>>, %arg7: memref<1x512x2xi32, #tpu.memory_space<vmem>>, %arg8: memref<16x128xf32, #tpu.memory_space<vmem>>, %arg9: memref<16x128xf32, #tpu.memory_space<vmem>>) attributes {dimension_semantics = [#tpu.dimension_semantics<arbitrary>], iteration_bounds = array<i64: 16>, scalar_prefetch = 0 : i64, scratch_operands = 0 : i64, tpu.core_type = #tpu.core_type<tc>, window_params = [{transform_indices = @transform_0, window_bounds = array<i64: 1, 1, 1024>}, {transform_indices = @transform_1, window_bounds = array<i64: 1, 1, 1024>}, {transform_indices = @transform_2, window_bounds = array<i64: 1, 1, 1024>}, {transform_indices = @transform_3, window_bounds = array<i64: 1, 1, 1024>}, {pipeline_mode = #tpu.pipeline_mode<synchronous>, transform_indices = @transform_4, window_bounds = array<i64: 32, 128>}, {transform_indices = @transform_5, window_bounds = array<i64: 1, 1, 512, 512>}, {transform_indices = @transform_6, window_bounds = array<i64: 1, 512, 2>}, {pipeline_mode = #tpu.pipeline_mode<synchronous>, transform_indices = @transform_7, window_bounds = array<i64: 16, 128>}, {pipeline_mode = #tpu.pipeline_mode<synchronous>, transform_indices = @transform_8, window_bounds = array<i64: 16, 128>}]} {
    %get3A = arith.index_cast %arg0 : i32 to index
    %get3A_0 = arith.constant 0 : index
    %get3A_1 = vector.load %arg5[%get3A, %get3A_0] : memref<32x128xi32, #tpu.memory_space<vmem>>, vector<1x1xi32>
    %get3A_2 = vector.extract %get3A_1[0, 0] : i32 from vector<1x1xi32>
    %add3A = arith.constant 16 : i32
    %add3A_3 = arith.addi %arg0, %add3A : i32
    %get3A_4 = arith.index_cast %add3A_3 : i32 to index
    %get3A_5 = arith.constant 0 : index
    %get3A_6 = vector.load %arg5[%get3A_4, %get3A_5] : memref<32x128xi32, #tpu.memory_space<vmem>>, vector<1x1xi32>
    %get3A_7 = vector.extract %get3A_6[0, 0] : i32 from vector<1x1xi32>
    %get3A_8 = arith.constant 0 : index
    %get3A_9 = arith.constant 0 : index
    %get3A_10 = arith.constant 0 : index
    %get3A_11 = vector.load %arg1[%get3A_8, %get3A_9, %get3A_10] : memref<1x1x1024xf32, #tpu.memory_space<vmem>>, vector<1x1x1024xf32>
    %get3A_12 = vector.shape_cast %get3A_11 : vector<1x1x1024xf32> to vector<1x1024xf32>
    %get3A_13 = arith.constant 0 : index
    %get3A_14 = arith.constant 0 : index
    %get3A_15 = arith.constant 0 : index
    %get3A_16 = vector.load %arg2[%get3A_13, %get3A_14, %get3A_15] : memref<1x1x1024xi32, #tpu.memory_space<vmem>>, vector<1x1x1024xi32>
    %get3A_17 = vector.shape_cast %get3A_16 : vector<1x1x1024xi32> to vector<1x1024xi32>
    %iota3A = tpu.iota {dimensions = array<i32: 1>} : vector<1x1024xi32>
    %lt3A = vector.broadcast %get3A_2 : i32 to vector<1x1024xi32>
    %lt3A_18 = arith.cmpi slt, %iota3A, %lt3A : vector<1x1024xi32>
    %bitcast_convert_type3A = tpu.bitcast %get3A_12 : vector<1x1024xf32> -> vector<1x1024xi32>
    %jit3A = arith.constant -1 : i32
    %broadcast_in_dim3A = vector.broadcast %jit3A : i32 to vector<1x1024xi32>
    %select_n3A = arith.select %lt3A_18, %bitcast_convert_type3A, %broadcast_in_dim3A : vector<1x1024xi1>, vector<1x1024xi32>
    %scan3A = arith.constant -1 : i32
    %scan3A_19 = arith.constant 2139095041 : i32
    %scan3A_20 = arith.constant 0 : i32
    %scan3A_21 = arith.constant 32 : i32
    %scan3A_22 = arith.addi %scan3A_20, %scan3A_21 : i32
    %scan3A_23 = arith.constant 1 : i32
    %scan3A_24:2 = scf.for %scan3A_436 = %scan3A_20 to %scan3A_22 step %scan3A_23 iter_args(%scan3A_437 = %scan3A, %scan3A_438 = %scan3A_19) -> (i32, i32)  : i32 {
      %sub3A_439 = arith.subi %scan3A_438, %scan3A_437 : i32
      %jit3A_440 = arith.constant 2 : i32
      %div3A = arith.divsi %sub3A_439, %jit3A_440 : i32
      %sign3A = arith.constant 0 : i32
      %sign3A_441 = arith.cmpi sgt, %sub3A_439, %sign3A : i32
      %sign3A_442 = arith.extui %sign3A_441 : i1 to i32
      %sign3A_443 = arith.constant 0 : i32
      %sign3A_444 = arith.cmpi slt, %sub3A_439, %sign3A_443 : i32
      %sign3A_445 = arith.extui %sign3A_444 : i1 to i32
      %sign3A_446 = arith.subi %sign3A_442, %sign3A_445 : i32
      %sign3A_447 = arith.constant 0 : i32
      %sign3A_448 = arith.cmpi sgt, %jit3A_440, %sign3A_447 : i32
      %sign3A_449 = arith.extui %sign3A_448 : i1 to i32
      %sign3A_450 = arith.constant 0 : i32
      %sign3A_451 = arith.cmpi slt, %jit3A_440, %sign3A_450 : i32
      %sign3A_452 = arith.extui %sign3A_451 : i1 to i32
      %sign3A_453 = arith.subi %sign3A_449, %sign3A_452 : i32
      %ne3A = arith.cmpi ne, %sign3A_446, %sign3A_453 : i32
      %rem3A = arith.remsi %sub3A_439, %jit3A_440 : i32
      %ne3A_454 = arith.constant 0 : i32
      %ne3A_455 = arith.cmpi ne, %rem3A, %ne3A_454 : i32
      %and3A = arith.andi %ne3A, %ne3A_455 : i1
      %sub3A_456 = arith.constant 1 : i32
      %sub3A_457 = arith.subi %div3A, %sub3A_456 : i32
      %select_n3A_458 = arith.select %and3A, %sub3A_457, %div3A : i32
      %add3A_459 = arith.addi %scan3A_437, %select_n3A_458 : i32
      %ge3A = vector.broadcast %add3A_459 : i32 to vector<1x1024xi32>
      %ge3A_460 = arith.cmpi sge, %select_n3A, %ge3A : vector<1x1024xi32>
      %convert_element_type3A_461 = arith.extui %ge3A_460 : vector<1x1024xi1> to vector<1x1024xi32>
      %convert_element_type3A_462 = arith.sitofp %convert_element_type3A_461 : vector<1x1024xi32> to vector<1x1024xf32>
      %reduce_sum3A_463 = vector.shape_cast %convert_element_type3A_462 : vector<1x1024xf32> to vector<1x1x1024xf32>
      %reduce_sum3A_464 = arith.constant dense<0.000000e+00> : vector<1xf32>
      %reduce_sum3A_465 = vector.multi_reduction <add>, %reduce_sum3A_463, %reduce_sum3A_464 [1, 2] : vector<1x1x1024xf32> to vector<1xf32>
      %reduce_sum3A_466 = vector.shape_cast %reduce_sum3A_465 : vector<1xf32> to vector<1x1x1xf32>
      %reduce_sum3A_467 = vector.extract %reduce_sum3A_466[0, 0, 0] : f32 from vector<1x1x1xf32>
      %ge3A_468 = arith.constant 5.120000e+02 : f32
      %ge3A_469 = arith.cmpf oge, %reduce_sum3A_467, %ge3A_468 : f32
      %select_n3A_470 = arith.select %ge3A_469, %add3A_459, %scan3A_437 : i32
      %select_n3A_471 = arith.select %ge3A_469, %scan3A_438, %add3A_459 : i32
      scf.yield %select_n3A_470, %select_n3A_471 : i32, i32
    }
    %gt3A = vector.broadcast %scan3A_24#0 : i32 to vector<1x1024xi32>
    %gt3A_25 = arith.cmpi sgt, %select_n3A, %gt3A : vector<1x1024xi32>
    %convert_element_type3A = arith.extui %gt3A_25 : vector<1x1024xi1> to vector<1x1024xi32>
    %convert_element_type3A_26 = arith.sitofp %convert_element_type3A : vector<1x1024xi32> to vector<1x1024xf32>
    %eq3A = vector.broadcast %scan3A_24#0 : i32 to vector<1x1024xi32>
    %eq3A_27 = arith.cmpi eq, %select_n3A, %eq3A : vector<1x1024xi32>
    %convert_element_type3A_28 = arith.extui %eq3A_27 : vector<1x1024xi1> to vector<1x1024xi32>
    %convert_element_type3A_29 = arith.sitofp %convert_element_type3A_28 : vector<1x1024xi32> to vector<1x1024xf32>
    %reduce_sum3A = vector.shape_cast %convert_element_type3A_26 : vector<1x1024xf32> to vector<1x1x1024xf32>
    %reduce_sum3A_30 = arith.constant dense<0.000000e+00> : vector<1xf32>
    %reduce_sum3A_31 = vector.multi_reduction <add>, %reduce_sum3A, %reduce_sum3A_30 [1, 2] : vector<1x1x1024xf32> to vector<1xf32>
    %reduce_sum3A_32 = vector.shape_cast %reduce_sum3A_31 : vector<1xf32> to vector<1x1x1xf32>
    %reduce_sum3A_33 = vector.extract %reduce_sum3A_32[0, 0, 0] : f32 from vector<1x1x1xf32>
    %sub3A = arith.constant 5.120000e+02 : f32
    %sub3A_34 = arith.subf %sub3A, %reduce_sum3A_33 : f32
    %iota3A_35 = tpu.iota {dimensions = array<i32: 0>} : vector<128x128xi32>
    %convert_element_type3A_36 = arith.sitofp %iota3A_35 : vector<128x128xi32> to vector<128x128xf32>
    %iota3A_37 = tpu.iota {dimensions = array<i32: 1>} : vector<128x128xi32>
    %convert_element_type3A_38 = arith.sitofp %iota3A_37 : vector<128x128xi32> to vector<128x128xf32>
    %lt3A_39 = arith.cmpf olt, %convert_element_type3A_36, %convert_element_type3A_38 : vector<128x128xf32>
    %convert_element_type3A_40 = arith.extui %lt3A_39 : vector<128x128xi1> to vector<128x128xi32>
    %convert_element_type3A_41 = arith.sitofp %convert_element_type3A_40 : vector<128x128xi32> to vector<128x128xf32>
    %iota3A_42 = tpu.iota {dimensions = array<i32: 0>} : vector<8x8xi32>
    %convert_element_type3A_43 = arith.sitofp %iota3A_42 : vector<8x8xi32> to vector<8x8xf32>
    %iota3A_44 = tpu.iota {dimensions = array<i32: 1>} : vector<8x8xi32>
    %convert_element_type3A_45 = arith.sitofp %iota3A_44 : vector<8x8xi32> to vector<8x8xf32>
    %lt3A_46 = arith.cmpf olt, %convert_element_type3A_45, %convert_element_type3A_43 : vector<8x8xf32>
    %convert_element_type3A_47 = arith.extui %lt3A_46 : vector<8x8xi1> to vector<8x8xi32>
    %convert_element_type3A_48 = arith.sitofp %convert_element_type3A_47 : vector<8x8xi32> to vector<8x8xf32>
    %reshape3A = vector.shape_cast %convert_element_type3A_29 : vector<1x1024xf32> to vector<8x128xf32>
    %dot_general3A = arith.constant dense<0.000000e+00> : vector<8x128xf32>
    %dot_general3A_49 = tpu.matmul %reshape3A, %convert_element_type3A_41, %dot_general3A {dimension_numbers = #tpu.dot_dimension_numbers<[1], [0], [0], [1], [0, 0, 1, 1], [], []>, precision = #tpu.contract_precision<fp32>, transpose_lhs_hint = false} : vector<8x128xf32>, vector<128x128xf32>, vector<8x128xf32> -> vector<8x128xf32>
    %slice3A = vector.extract_strided_slice %dot_general3A_49 {offsets = [0, 127], sizes = [8, 1], strides = [1, 1]} : vector<8x128xf32> to vector<8x1xf32>
    %slice3A_50 = vector.extract_strided_slice %reshape3A {offsets = [0, 127], sizes = [8, 1], strides = [1, 1]} : vector<8x128xf32> to vector<8x1xf32>
    %add3A_51 = arith.addf %slice3A, %slice3A_50 : vector<8x1xf32>
    %dot_general3A_52 = arith.constant dense<0.000000e+00> : vector<8x1xf32>
    %dot_general3A_53 = tpu.matmul %convert_element_type3A_48, %add3A_51, %dot_general3A_52 {dimension_numbers = #tpu.dot_dimension_numbers<[1], [0], [0], [1], [0, 0, 1, 1], [], []>, precision = #tpu.contract_precision<fp32>, transpose_lhs_hint = false} : vector<8x8xf32>, vector<8x1xf32>, vector<8x1xf32> -> vector<8x1xf32>
    %add3A_54 = vector.broadcast %dot_general3A_53 : vector<8x1xf32> to vector<8x128xf32>
    %add3A_55 = arith.addf %dot_general3A_49, %add3A_54 : vector<8x128xf32>
    %reshape3A_56 = vector.shape_cast %add3A_55 : vector<8x128xf32> to vector<1x1024xf32>
    %lt3A_57 = vector.broadcast %sub3A_34 : f32 to vector<1x1024xf32>
    %lt3A_58 = arith.cmpf olt, %reshape3A_56, %lt3A_57 : vector<1x1024xf32>
    %convert_element_type3A_59 = arith.extui %lt3A_58 : vector<1x1024xi1> to vector<1x1024xi32>
    %convert_element_type3A_60 = arith.sitofp %convert_element_type3A_59 : vector<1x1024xi32> to vector<1x1024xf32>
    %mul3A = arith.mulf %convert_element_type3A_29, %convert_element_type3A_60 : vector<1x1024xf32>
    %add3A_61 = arith.addf %convert_element_type3A_26, %mul3A : vector<1x1024xf32>
    %reshape3A_62 = vector.shape_cast %add3A_61 : vector<1x1024xf32> to vector<8x128xf32>
    %dot_general3A_63 = arith.constant dense<0.000000e+00> : vector<8x128xf32>
    %dot_general3A_64 = tpu.matmul %reshape3A_62, %convert_element_type3A_41, %dot_general3A_63 {dimension_numbers = #tpu.dot_dimension_numbers<[1], [0], [0], [1], [0, 0, 1, 1], [], []>, precision = #tpu.contract_precision<fp32>, transpose_lhs_hint = false} : vector<8x128xf32>, vector<128x128xf32>, vector<8x128xf32> -> vector<8x128xf32>
    %slice3A_65 = vector.extract_strided_slice %dot_general3A_64 {offsets = [0, 127], sizes = [8, 1], strides = [1, 1]} : vector<8x128xf32> to vector<8x1xf32>
    %slice3A_66 = vector.extract_strided_slice %reshape3A_62 {offsets = [0, 127], sizes = [8, 1], strides = [1, 1]} : vector<8x128xf32> to vector<8x1xf32>
    %add3A_67 = arith.addf %slice3A_65, %slice3A_66 : vector<8x1xf32>
    %dot_general3A_68 = arith.constant dense<0.000000e+00> : vector<8x1xf32>
    %dot_general3A_69 = tpu.matmul %convert_element_type3A_48, %add3A_67, %dot_general3A_68 {dimension_numbers = #tpu.dot_dimension_numbers<[1], [0], [0], [1], [0, 0, 1, 1], [], []>, precision = #tpu.contract_precision<fp32>, transpose_lhs_hint = false} : vector<8x8xf32>, vector<8x1xf32>, vector<8x1xf32> -> vector<8x1xf32>
    %add3A_70 = vector.broadcast %dot_general3A_69 : vector<8x1xf32> to vector<8x128xf32>
    %add3A_71 = arith.addf %dot_general3A_64, %add3A_70 : vector<8x128xf32>
    %reshape3A_72 = vector.shape_cast %add3A_71 : vector<8x128xf32> to vector<1x1024xf32>
    %iota3A_73 = tpu.iota {dimensions = array<i32: 0>} : vector<512x1xi32>
    %convert_element_type3A_74 = arith.sitofp %iota3A_73 : vector<512x1xi32> to vector<512x1xf32>
    %eq3A_75 = vector.broadcast %reshape3A_72 : vector<1x1024xf32> to vector<512x1024xf32>
    %eq3A_76 = vector.broadcast %convert_element_type3A_74 : vector<512x1xf32> to vector<512x1024xf32>
    %eq3A_77 = arith.cmpf oeq, %eq3A_75, %eq3A_76 : vector<512x1024xf32>
    %convert_element_type3A_78 = arith.extui %eq3A_77 : vector<512x1024xi1> to vector<512x1024xi32>
    %convert_element_type3A_79 = arith.sitofp %convert_element_type3A_78 : vector<512x1024xi32> to vector<512x1024xf32>
    %mul3A_80 = vector.broadcast %add3A_61 : vector<1x1024xf32> to vector<512x1024xf32>
    %mul3A_81 = arith.mulf %convert_element_type3A_79, %mul3A_80 : vector<512x1024xf32>
    %convert_element_type3A_82 = arith.sitofp %get3A_17 : vector<1x1024xi32> to vector<1x1024xf32>
    %dot_general3A_83 = arith.constant dense<0.000000e+00> : vector<512x1xf32>
    %dot_general3A_84 = tpu.matmul %mul3A_81, %get3A_12, %dot_general3A_83 {dimension_numbers = #tpu.dot_dimension_numbers<[1], [1], [0], [0], [0, 0, 1, 0], [], []>, precision = #tpu.contract_precision<fp32>, transpose_lhs_hint = false} : vector<512x1024xf32>, vector<1x1024xf32>, vector<512x1xf32> -> vector<512x1xf32>
    %dot_general3A_85 = arith.constant dense<0.000000e+00> : vector<512x1xf32>
    %dot_general3A_86 = tpu.matmul %mul3A_81, %convert_element_type3A_82, %dot_general3A_85 {dimension_numbers = #tpu.dot_dimension_numbers<[1], [1], [0], [0], [0, 0, 1, 0], [], []>, precision = #tpu.contract_precision<fp32>, transpose_lhs_hint = false} : vector<512x1024xf32>, vector<1x1024xf32>, vector<512x1xf32> -> vector<512x1xf32>
    %get3A_87 = arith.constant 0 : index
    %get3A_88 = arith.constant 0 : index
    %get3A_89 = arith.constant 0 : index
    %get3A_90 = vector.load %arg3[%get3A_87, %get3A_88, %get3A_89] : memref<1x1x1024xf32, #tpu.memory_space<vmem>>, vector<1x1x1024xf32>
    %get3A_91 = vector.shape_cast %get3A_90 : vector<1x1x1024xf32> to vector<1x1024xf32>
    %get3A_92 = arith.constant 0 : index
    %get3A_93 = arith.constant 0 : index
    %get3A_94 = arith.constant 0 : index
    %get3A_95 = vector.load %arg4[%get3A_92, %get3A_93, %get3A_94] : memref<1x1x1024xi32, #tpu.memory_space<vmem>>, vector<1x1x1024xi32>
    %get3A_96 = vector.shape_cast %get3A_95 : vector<1x1x1024xi32> to vector<1x1024xi32>
    %iota3A_97 = tpu.iota {dimensions = array<i32: 1>} : vector<1x1024xi32>
    %lt3A_98 = vector.broadcast %get3A_7 : i32 to vector<1x1024xi32>
    %lt3A_99 = arith.cmpi slt, %iota3A_97, %lt3A_98 : vector<1x1024xi32>
    %bitcast_convert_type3A_100 = tpu.bitcast %get3A_91 : vector<1x1024xf32> -> vector<1x1024xi32>
    %jit3A_101 = arith.constant -1 : i32
    %broadcast_in_dim3A_102 = vector.broadcast %jit3A_101 : i32 to vector<1x1024xi32>
    %select_n3A_103 = arith.select %lt3A_99, %bitcast_convert_type3A_100, %broadcast_in_dim3A_102 : vector<1x1024xi1>, vector<1x1024xi32>
    %scan3A_104 = arith.constant -1 : i32
    %scan3A_105 = arith.constant 2139095041 : i32
    %scan3A_106 = arith.constant 0 : i32
    %scan3A_107 = arith.constant 32 : i32
    %scan3A_108 = arith.addi %scan3A_106, %scan3A_107 : i32
    %scan3A_109 = arith.constant 1 : i32
    %scan3A_110:2 = scf.for %scan3A_436 = %scan3A_106 to %scan3A_108 step %scan3A_109 iter_args(%scan3A_437 = %scan3A_104, %scan3A_438 = %scan3A_105) -> (i32, i32)  : i32 {
      %sub3A_439 = arith.subi %scan3A_438, %scan3A_437 : i32
      %jit3A_440 = arith.constant 2 : i32
      %div3A = arith.divsi %sub3A_439, %jit3A_440 : i32
      %sign3A = arith.constant 0 : i32
      %sign3A_441 = arith.cmpi sgt, %sub3A_439, %sign3A : i32
      %sign3A_442 = arith.extui %sign3A_441 : i1 to i32
      %sign3A_443 = arith.constant 0 : i32
      %sign3A_444 = arith.cmpi slt, %sub3A_439, %sign3A_443 : i32
      %sign3A_445 = arith.extui %sign3A_444 : i1 to i32
      %sign3A_446 = arith.subi %sign3A_442, %sign3A_445 : i32
      %sign3A_447 = arith.constant 0 : i32
      %sign3A_448 = arith.cmpi sgt, %jit3A_440, %sign3A_447 : i32
      %sign3A_449 = arith.extui %sign3A_448 : i1 to i32
      %sign3A_450 = arith.constant 0 : i32
      %sign3A_451 = arith.cmpi slt, %jit3A_440, %sign3A_450 : i32
      %sign3A_452 = arith.extui %sign3A_451 : i1 to i32
      %sign3A_453 = arith.subi %sign3A_449, %sign3A_452 : i32
      %ne3A = arith.cmpi ne, %sign3A_446, %sign3A_453 : i32
      %rem3A = arith.remsi %sub3A_439, %jit3A_440 : i32
      %ne3A_454 = arith.constant 0 : i32
      %ne3A_455 = arith.cmpi ne, %rem3A, %ne3A_454 : i32
      %and3A = arith.andi %ne3A, %ne3A_455 : i1
      %sub3A_456 = arith.constant 1 : i32
      %sub3A_457 = arith.subi %div3A, %sub3A_456 : i32
      %select_n3A_458 = arith.select %and3A, %sub3A_457, %div3A : i32
      %add3A_459 = arith.addi %scan3A_437, %select_n3A_458 : i32
      %ge3A = vector.broadcast %add3A_459 : i32 to vector<1x1024xi32>
      %ge3A_460 = arith.cmpi sge, %select_n3A_103, %ge3A : vector<1x1024xi32>
      %convert_element_type3A_461 = arith.extui %ge3A_460 : vector<1x1024xi1> to vector<1x1024xi32>
      %convert_element_type3A_462 = arith.sitofp %convert_element_type3A_461 : vector<1x1024xi32> to vector<1x1024xf32>
      %reduce_sum3A_463 = vector.shape_cast %convert_element_type3A_462 : vector<1x1024xf32> to vector<1x1x1024xf32>
      %reduce_sum3A_464 = arith.constant dense<0.000000e+00> : vector<1xf32>
      %reduce_sum3A_465 = vector.multi_reduction <add>, %reduce_sum3A_463, %reduce_sum3A_464 [1, 2] : vector<1x1x1024xf32> to vector<1xf32>
      %reduce_sum3A_466 = vector.shape_cast %reduce_sum3A_465 : vector<1xf32> to vector<1x1x1xf32>
      %reduce_sum3A_467 = vector.extract %reduce_sum3A_466[0, 0, 0] : f32 from vector<1x1x1xf32>
      %ge3A_468 = arith.constant 5.120000e+02 : f32
      %ge3A_469 = arith.cmpf oge, %reduce_sum3A_467, %ge3A_468 : f32
      %select_n3A_470 = arith.select %ge3A_469, %add3A_459, %scan3A_437 : i32
      %select_n3A_471 = arith.select %ge3A_469, %scan3A_438, %add3A_459 : i32
      scf.yield %select_n3A_470, %select_n3A_471 : i32, i32
    }
    %gt3A_111 = vector.broadcast %scan3A_110#0 : i32 to vector<1x1024xi32>
    %gt3A_112 = arith.cmpi sgt, %select_n3A_103, %gt3A_111 : vector<1x1024xi32>
    %convert_element_type3A_113 = arith.extui %gt3A_112 : vector<1x1024xi1> to vector<1x1024xi32>
    %convert_element_type3A_114 = arith.sitofp %convert_element_type3A_113 : vector<1x1024xi32> to vector<1x1024xf32>
    %eq3A_115 = vector.broadcast %scan3A_110#0 : i32 to vector<1x1024xi32>
    %eq3A_116 = arith.cmpi eq, %select_n3A_103, %eq3A_115 : vector<1x1024xi32>
    %convert_element_type3A_117 = arith.extui %eq3A_116 : vector<1x1024xi1> to vector<1x1024xi32>
    %convert_element_type3A_118 = arith.sitofp %convert_element_type3A_117 : vector<1x1024xi32> to vector<1x1024xf32>
    %reduce_sum3A_119 = vector.shape_cast %convert_element_type3A_114 : vector<1x1024xf32> to vector<1x1x1024xf32>
    %reduce_sum3A_120 = arith.constant dense<0.000000e+00> : vector<1xf32>
    %reduce_sum3A_121 = vector.multi_reduction <add>, %reduce_sum3A_119, %reduce_sum3A_120 [1, 2] : vector<1x1x1024xf32> to vector<1xf32>
    %reduce_sum3A_122 = vector.shape_cast %reduce_sum3A_121 : vector<1xf32> to vector<1x1x1xf32>
    %reduce_sum3A_123 = vector.extract %reduce_sum3A_122[0, 0, 0] : f32 from vector<1x1x1xf32>
    %sub3A_124 = arith.constant 5.120000e+02 : f32
    %sub3A_125 = arith.subf %sub3A_124, %reduce_sum3A_123 : f32
    %iota3A_126 = tpu.iota {dimensions = array<i32: 0>} : vector<128x128xi32>
    %convert_element_type3A_127 = arith.sitofp %iota3A_126 : vector<128x128xi32> to vector<128x128xf32>
    %iota3A_128 = tpu.iota {dimensions = array<i32: 1>} : vector<128x128xi32>
    %convert_element_type3A_129 = arith.sitofp %iota3A_128 : vector<128x128xi32> to vector<128x128xf32>
    %lt3A_130 = arith.cmpf olt, %convert_element_type3A_127, %convert_element_type3A_129 : vector<128x128xf32>
    %convert_element_type3A_131 = arith.extui %lt3A_130 : vector<128x128xi1> to vector<128x128xi32>
    %convert_element_type3A_132 = arith.sitofp %convert_element_type3A_131 : vector<128x128xi32> to vector<128x128xf32>
    %iota3A_133 = tpu.iota {dimensions = array<i32: 0>} : vector<8x8xi32>
    %convert_element_type3A_134 = arith.sitofp %iota3A_133 : vector<8x8xi32> to vector<8x8xf32>
    %iota3A_135 = tpu.iota {dimensions = array<i32: 1>} : vector<8x8xi32>
    %convert_element_type3A_136 = arith.sitofp %iota3A_135 : vector<8x8xi32> to vector<8x8xf32>
    %lt3A_137 = arith.cmpf olt, %convert_element_type3A_136, %convert_element_type3A_134 : vector<8x8xf32>
    %convert_element_type3A_138 = arith.extui %lt3A_137 : vector<8x8xi1> to vector<8x8xi32>
    %convert_element_type3A_139 = arith.sitofp %convert_element_type3A_138 : vector<8x8xi32> to vector<8x8xf32>
    %reshape3A_140 = vector.shape_cast %convert_element_type3A_118 : vector<1x1024xf32> to vector<8x128xf32>
    %dot_general3A_141 = arith.constant dense<0.000000e+00> : vector<8x128xf32>
    %dot_general3A_142 = tpu.matmul %reshape3A_140, %convert_element_type3A_132, %dot_general3A_141 {dimension_numbers = #tpu.dot_dimension_numbers<[1], [0], [0], [1], [0, 0, 1, 1], [], []>, precision = #tpu.contract_precision<fp32>, transpose_lhs_hint = false} : vector<8x128xf32>, vector<128x128xf32>, vector<8x128xf32> -> vector<8x128xf32>
    %slice3A_143 = vector.extract_strided_slice %dot_general3A_142 {offsets = [0, 127], sizes = [8, 1], strides = [1, 1]} : vector<8x128xf32> to vector<8x1xf32>
    %slice3A_144 = vector.extract_strided_slice %reshape3A_140 {offsets = [0, 127], sizes = [8, 1], strides = [1, 1]} : vector<8x128xf32> to vector<8x1xf32>
    %add3A_145 = arith.addf %slice3A_143, %slice3A_144 : vector<8x1xf32>
    %dot_general3A_146 = arith.constant dense<0.000000e+00> : vector<8x1xf32>
    %dot_general3A_147 = tpu.matmul %convert_element_type3A_139, %add3A_145, %dot_general3A_146 {dimension_numbers = #tpu.dot_dimension_numbers<[1], [0], [0], [1], [0, 0, 1, 1], [], []>, precision = #tpu.contract_precision<fp32>, transpose_lhs_hint = false} : vector<8x8xf32>, vector<8x1xf32>, vector<8x1xf32> -> vector<8x1xf32>
    %add3A_148 = vector.broadcast %dot_general3A_147 : vector<8x1xf32> to vector<8x128xf32>
    %add3A_149 = arith.addf %dot_general3A_142, %add3A_148 : vector<8x128xf32>
    %reshape3A_150 = vector.shape_cast %add3A_149 : vector<8x128xf32> to vector<1x1024xf32>
    %lt3A_151 = vector.broadcast %sub3A_125 : f32 to vector<1x1024xf32>
    %lt3A_152 = arith.cmpf olt, %reshape3A_150, %lt3A_151 : vector<1x1024xf32>
    %convert_element_type3A_153 = arith.extui %lt3A_152 : vector<1x1024xi1> to vector<1x1024xi32>
    %convert_element_type3A_154 = arith.sitofp %convert_element_type3A_153 : vector<1x1024xi32> to vector<1x1024xf32>
    %mul3A_155 = arith.mulf %convert_element_type3A_118, %convert_element_type3A_154 : vector<1x1024xf32>
    %add3A_156 = arith.addf %convert_element_type3A_114, %mul3A_155 : vector<1x1024xf32>
    %reshape3A_157 = vector.shape_cast %add3A_156 : vector<1x1024xf32> to vector<8x128xf32>
    %dot_general3A_158 = arith.constant dense<0.000000e+00> : vector<8x128xf32>
    %dot_general3A_159 = tpu.matmul %reshape3A_157, %convert_element_type3A_132, %dot_general3A_158 {dimension_numbers = #tpu.dot_dimension_numbers<[1], [0], [0], [1], [0, 0, 1, 1], [], []>, precision = #tpu.contract_precision<fp32>, transpose_lhs_hint = false} : vector<8x128xf32>, vector<128x128xf32>, vector<8x128xf32> -> vector<8x128xf32>
    %slice3A_160 = vector.extract_strided_slice %dot_general3A_159 {offsets = [0, 127], sizes = [8, 1], strides = [1, 1]} : vector<8x128xf32> to vector<8x1xf32>
    %slice3A_161 = vector.extract_strided_slice %reshape3A_157 {offsets = [0, 127], sizes = [8, 1], strides = [1, 1]} : vector<8x128xf32> to vector<8x1xf32>
    %add3A_162 = arith.addf %slice3A_160, %slice3A_161 : vector<8x1xf32>
    %dot_general3A_163 = arith.constant dense<0.000000e+00> : vector<8x1xf32>
    %dot_general3A_164 = tpu.matmul %convert_element_type3A_139, %add3A_162, %dot_general3A_163 {dimension_numbers = #tpu.dot_dimension_numbers<[1], [0], [0], [1], [0, 0, 1, 1], [], []>, precision = #tpu.contract_precision<fp32>, transpose_lhs_hint = false} : vector<8x8xf32>, vector<8x1xf32>, vector<8x1xf32> -> vector<8x1xf32>
    %add3A_165 = vector.broadcast %dot_general3A_164 : vector<8x1xf32> to vector<8x128xf32>
    %add3A_166 = arith.addf %dot_general3A_159, %add3A_165 : vector<8x128xf32>
    %reshape3A_167 = vector.shape_cast %add3A_166 : vector<8x128xf32> to vector<1x1024xf32>
    %iota3A_168 = tpu.iota {dimensions = array<i32: 0>} : vector<512x1xi32>
    %convert_element_type3A_169 = arith.sitofp %iota3A_168 : vector<512x1xi32> to vector<512x1xf32>
    %eq3A_170 = vector.broadcast %reshape3A_167 : vector<1x1024xf32> to vector<512x1024xf32>
    %eq3A_171 = vector.broadcast %convert_element_type3A_169 : vector<512x1xf32> to vector<512x1024xf32>
    %eq3A_172 = arith.cmpf oeq, %eq3A_170, %eq3A_171 : vector<512x1024xf32>
    %convert_element_type3A_173 = arith.extui %eq3A_172 : vector<512x1024xi1> to vector<512x1024xi32>
    %convert_element_type3A_174 = arith.sitofp %convert_element_type3A_173 : vector<512x1024xi32> to vector<512x1024xf32>
    %mul3A_175 = vector.broadcast %add3A_156 : vector<1x1024xf32> to vector<512x1024xf32>
    %mul3A_176 = arith.mulf %convert_element_type3A_174, %mul3A_175 : vector<512x1024xf32>
    %convert_element_type3A_177 = arith.sitofp %get3A_96 : vector<1x1024xi32> to vector<1x1024xf32>
    %dot_general3A_178 = arith.constant dense<0.000000e+00> : vector<512x1xf32>
    %dot_general3A_179 = tpu.matmul %mul3A_176, %get3A_91, %dot_general3A_178 {dimension_numbers = #tpu.dot_dimension_numbers<[1], [1], [0], [0], [0, 0, 1, 0], [], []>, precision = #tpu.contract_precision<fp32>, transpose_lhs_hint = false} : vector<512x1024xf32>, vector<1x1024xf32>, vector<512x1xf32> -> vector<512x1xf32>
    %dot_general3A_180 = arith.constant dense<0.000000e+00> : vector<512x1xf32>
    %dot_general3A_181 = tpu.matmul %mul3A_176, %convert_element_type3A_177, %dot_general3A_180 {dimension_numbers = #tpu.dot_dimension_numbers<[1], [1], [0], [0], [0, 0, 1, 0], [], []>, precision = #tpu.contract_precision<fp32>, transpose_lhs_hint = false} : vector<512x1024xf32>, vector<1x1024xf32>, vector<512x1xf32> -> vector<512x1xf32>
    %mul3A_182 = arith.constant 0.001953125 : f32
    %mul3A_183 = vector.broadcast %mul3A_182 : f32 to vector<512x1xf32>
    %mul3A_184 = arith.mulf %dot_general3A_86, %mul3A_183 : vector<512x1xf32>
    %floor3A = math.floor %mul3A_184 : vector<512x1xf32>
    %mul3A_185 = arith.constant 5.120000e+02 : f32
    %mul3A_186 = vector.broadcast %mul3A_185 : f32 to vector<512x1xf32>
    %mul3A_187 = arith.mulf %floor3A, %mul3A_186 : vector<512x1xf32>
    %sub3A_188 = arith.subf %dot_general3A_86, %mul3A_187 : vector<512x1xf32>
    %mul3A_189 = arith.constant 0.001953125 : f32
    %mul3A_190 = vector.broadcast %mul3A_189 : f32 to vector<512x1xf32>
    %mul3A_191 = arith.mulf %dot_general3A_181, %mul3A_190 : vector<512x1xf32>
    %floor3A_192 = math.floor %mul3A_191 : vector<512x1xf32>
    %mul3A_193 = arith.constant 5.120000e+02 : f32
    %mul3A_194 = vector.broadcast %mul3A_193 : f32 to vector<512x1xf32>
    %mul3A_195 = arith.mulf %floor3A_192, %mul3A_194 : vector<512x1xf32>
    %sub3A_196 = arith.subf %dot_general3A_181, %mul3A_195 : vector<512x1xf32>
    %transpose3A = tpu.transpose %dot_general3A_84, [1, 0] : vector<512x1xf32> -> vector<1x512xf32>
    %transpose3A_197 = tpu.transpose %dot_general3A_86, [1, 0] : vector<512x1xf32> -> vector<1x512xf32>
    %gt3A_198 = vector.broadcast %transpose3A : vector<1x512xf32> to vector<512x512xf32>
    %gt3A_199 = vector.broadcast %dot_general3A_84 : vector<512x1xf32> to vector<512x512xf32>
    %gt3A_200 = arith.cmpf ogt, %gt3A_198, %gt3A_199 : vector<512x512xf32>
    %convert_element_type3A_201 = arith.extui %gt3A_200 : vector<512x512xi1> to vector<512x512xi32>
    %convert_element_type3A_202 = arith.sitofp %convert_element_type3A_201 : vector<512x512xi32> to vector<512x512xf32>
    %eq3A_203 = vector.broadcast %transpose3A : vector<1x512xf32> to vector<512x512xf32>
    %eq3A_204 = vector.broadcast %dot_general3A_84 : vector<512x1xf32> to vector<512x512xf32>
    %eq3A_205 = arith.cmpf oeq, %eq3A_203, %eq3A_204 : vector<512x512xf32>
    %convert_element_type3A_206 = arith.extui %eq3A_205 : vector<512x512xi1> to vector<512x512xi32>
    %convert_element_type3A_207 = arith.sitofp %convert_element_type3A_206 : vector<512x512xi32> to vector<512x512xf32>
    %lt3A_208 = vector.broadcast %transpose3A_197 : vector<1x512xf32> to vector<512x512xf32>
    %lt3A_209 = vector.broadcast %dot_general3A_86 : vector<512x1xf32> to vector<512x512xf32>
    %lt3A_210 = arith.cmpf olt, %lt3A_208, %lt3A_209 : vector<512x512xf32>
    %convert_element_type3A_211 = arith.extui %lt3A_210 : vector<512x512xi1> to vector<512x512xi32>
    %convert_element_type3A_212 = arith.sitofp %convert_element_type3A_211 : vector<512x512xi32> to vector<512x512xf32>
    %mul3A_213 = arith.mulf %convert_element_type3A_207, %convert_element_type3A_212 : vector<512x512xf32>
    %add3A_214 = arith.addf %convert_element_type3A_202, %mul3A_213 : vector<512x512xf32>
    %reduce_sum3A_215 = arith.constant dense<0.000000e+00> : vector<512xf32>
    %reduce_sum3A_216 = vector.multi_reduction <add>, %add3A_214, %reduce_sum3A_215 [1] : vector<512x512xf32> to vector<512xf32>
    %broadcast_in_dim3A_217 = vector.shape_cast %reduce_sum3A_216 : vector<512xf32> to vector<512x1xf32>
    %transpose3A_218 = tpu.transpose %broadcast_in_dim3A_217, [1, 0] : vector<512x1xf32> -> vector<1x512xf32>
    %iota3A_219 = tpu.iota {dimensions = array<i32: 0>} : vector<512x1xi32>
    %convert_element_type3A_220 = arith.sitofp %iota3A_219 : vector<512x1xi32> to vector<512x1xf32>
    %eq3A_221 = vector.broadcast %transpose3A_218 : vector<1x512xf32> to vector<512x512xf32>
    %eq3A_222 = vector.broadcast %convert_element_type3A_220 : vector<512x1xf32> to vector<512x512xf32>
    %eq3A_223 = arith.cmpf oeq, %eq3A_221, %eq3A_222 : vector<512x512xf32>
    %convert_element_type3A_224 = arith.extui %eq3A_223 : vector<512x512xi1> to vector<512x512xi32>
    %convert_element_type3A_225 = arith.sitofp %convert_element_type3A_224 : vector<512x512xi32> to vector<512x512xf32>
    %dot_general3A_226 = arith.constant dense<0.000000e+00> : vector<512x1xf32>
    %dot_general3A_227 = tpu.matmul %convert_element_type3A_225, %sub3A_188, %dot_general3A_226 {dimension_numbers = #tpu.dot_dimension_numbers<[1], [0], [0], [1], [0, 0, 1, 1], [], []>, precision = #tpu.contract_precision<fp32>, transpose_lhs_hint = false} : vector<512x512xf32>, vector<512x1xf32>, vector<512x1xf32> -> vector<512x1xf32>
    %dot_general3A_228 = arith.constant dense<0.000000e+00> : vector<512x1xf32>
    %dot_general3A_229 = tpu.matmul %convert_element_type3A_225, %floor3A, %dot_general3A_228 {dimension_numbers = #tpu.dot_dimension_numbers<[1], [0], [0], [1], [0, 0, 1, 1], [], []>, precision = #tpu.contract_precision<fp32>, transpose_lhs_hint = false} : vector<512x512xf32>, vector<512x1xf32>, vector<512x1xf32> -> vector<512x1xf32>
    %concatenate3A = tpu.concatenate %dot_general3A_227, %dot_general3A_229 in 1 : vector<512x1xf32>, vector<512x1xf32> -> vector<512x2xf32>
    %convert_element_type3A_230 = arith.fptosi %concatenate3A : vector<512x2xf32> to vector<512x2xi32>
    %broadcast_in_dim3A_231 = vector.shape_cast %convert_element_type3A_230 : vector<512x2xi32> to vector<1x512x2xi32>
    %swap3A = arith.constant 0 : index
    %swap3A_232 = arith.constant 0 : index
    %swap3A_233 = arith.constant 0 : index
    %swap3A_234 = vector.load %arg7[%swap3A, %swap3A_232, %swap3A_233] : memref<1x512x2xi32, #tpu.memory_space<vmem>>, vector<1x512x2xi32>
    tpu.vector_store %arg7[%swap3A, %swap3A_232, %swap3A_233], %broadcast_in_dim3A_231 {strides = array<i32>} : memref<1x512x2xi32, #tpu.memory_space<vmem>>, vector<1x512x2xi32>,
    %transpose3A_235 = tpu.transpose %floor3A, [1, 0] : vector<512x1xf32> -> vector<1x512xf32>
    %transpose3A_236 = tpu.transpose %dot_general3A_84, [1, 0] : vector<512x1xf32> -> vector<1x512xf32>
    %mul3A_237 = arith.constant 0.61869353 : f32
    %mul3A_238 = vector.broadcast %mul3A_237 : f32 to vector<1x512xf32>
    %mul3A_239 = arith.mulf %transpose3A_236, %mul3A_238 : vector<1x512xf32>
    %iota3A_240 = tpu.iota {dimensions = array<i32: 0>} : vector<512x512xi32>
    %convert_element_type3A_241 = arith.sitofp %iota3A_240 : vector<512x512xi32> to vector<512x512xf32>
    %sub3A_242 = vector.broadcast %transpose3A_235 : vector<1x512xf32> to vector<512x512xf32>
    %sub3A_243 = arith.subf %convert_element_type3A_241, %sub3A_242 : vector<512x512xf32>
    %abs3A = math.absf %sub3A_243 : vector<512x512xf32>
    %eq3A_244 = arith.constant 0.000000e+00 : f32
    %eq3A_245 = vector.broadcast %eq3A_244 : f32 to vector<512x512xf32>
    %eq3A_246 = arith.cmpf oeq, %abs3A, %eq3A_245 : vector<512x512xf32>
    %convert_element_type3A_247 = arith.extui %eq3A_246 : vector<512x512xi1> to vector<512x512xi32>
    %convert_element_type3A_248 = arith.sitofp %convert_element_type3A_247 : vector<512x512xi32> to vector<512x512xf32>
    %mul3A_249 = arith.constant 1.000000e+00 : f32
    %mul3A_250 = vector.broadcast %mul3A_249 : f32 to vector<512x512xf32>
    %mul3A_251 = arith.mulf %convert_element_type3A_248, %mul3A_250 : vector<512x512xf32>
    %eq3A_252 = arith.constant 1.000000e+00 : f32
    %eq3A_253 = vector.broadcast %eq3A_252 : f32 to vector<512x512xf32>
    %eq3A_254 = arith.cmpf oeq, %abs3A, %eq3A_253 : vector<512x512xf32>
    %convert_element_type3A_255 = arith.extui %eq3A_254 : vector<512x512xi1> to vector<512x512xi32>
    %convert_element_type3A_256 = arith.sitofp %convert_element_type3A_255 : vector<512x512xi32> to vector<512x512xf32>
    %mul3A_257 = arith.constant 0.135335281 : f32
    %mul3A_258 = vector.broadcast %mul3A_257 : f32 to vector<512x512xf32>
    %mul3A_259 = arith.mulf %convert_element_type3A_256, %mul3A_258 : vector<512x512xf32>
    %add3A_260 = arith.addf %mul3A_251, %mul3A_259 : vector<512x512xf32>
    %eq3A_261 = arith.constant 2.000000e+00 : f32
    %eq3A_262 = vector.broadcast %eq3A_261 : f32 to vector<512x512xf32>
    %eq3A_263 = arith.cmpf oeq, %abs3A, %eq3A_262 : vector<512x512xf32>
    %convert_element_type3A_264 = arith.extui %eq3A_263 : vector<512x512xi1> to vector<512x512xi32>
    %convert_element_type3A_265 = arith.sitofp %convert_element_type3A_264 : vector<512x512xi32> to vector<512x512xf32>
    %mul3A_266 = arith.constant 3.35462624E-4 : f32
    %mul3A_267 = vector.broadcast %mul3A_266 : f32 to vector<512x512xf32>
    %mul3A_268 = arith.mulf %convert_element_type3A_265, %mul3A_267 : vector<512x512xf32>
    %add3A_269 = arith.addf %add3A_260, %mul3A_268 : vector<512x512xf32>
    %mul3A_270 = vector.broadcast %mul3A_239 : vector<1x512xf32> to vector<512x512xf32>
    %mul3A_271 = arith.mulf %add3A_269, %mul3A_270 : vector<512x512xf32>
    %transpose3A_272 = tpu.transpose %sub3A_188, [1, 0] : vector<512x1xf32> -> vector<1x512xf32>
    %broadcast_in_dim3A_273 = arith.constant 1.000000e+00 : f32
    %broadcast_in_dim3A_274 = vector.broadcast %broadcast_in_dim3A_273 : f32 to vector<1x512xf32>
    %iota3A_275 = tpu.iota {dimensions = array<i32: 0>} : vector<512x512xi32>
    %convert_element_type3A_276 = arith.sitofp %iota3A_275 : vector<512x512xi32> to vector<512x512xf32>
    %sub3A_277 = vector.broadcast %transpose3A_272 : vector<1x512xf32> to vector<512x512xf32>
    %sub3A_278 = arith.subf %convert_element_type3A_276, %sub3A_277 : vector<512x512xf32>
    %abs3A_279 = math.absf %sub3A_278 : vector<512x512xf32>
    %eq3A_280 = arith.constant 0.000000e+00 : f32
    %eq3A_281 = vector.broadcast %eq3A_280 : f32 to vector<512x512xf32>
    %eq3A_282 = arith.cmpf oeq, %abs3A_279, %eq3A_281 : vector<512x512xf32>
    %convert_element_type3A_283 = arith.extui %eq3A_282 : vector<512x512xi1> to vector<512x512xi32>
    %convert_element_type3A_284 = arith.sitofp %convert_element_type3A_283 : vector<512x512xi32> to vector<512x512xf32>
    %mul3A_285 = arith.constant 1.000000e+00 : f32
    %mul3A_286 = vector.broadcast %mul3A_285 : f32 to vector<512x512xf32>
    %mul3A_287 = arith.mulf %convert_element_type3A_284, %mul3A_286 : vector<512x512xf32>
    %eq3A_288 = arith.constant 1.000000e+00 : f32
    %eq3A_289 = vector.broadcast %eq3A_288 : f32 to vector<512x512xf32>
    %eq3A_290 = arith.cmpf oeq, %abs3A_279, %eq3A_289 : vector<512x512xf32>
    %convert_element_type3A_291 = arith.extui %eq3A_290 : vector<512x512xi1> to vector<512x512xi32>
    %convert_element_type3A_292 = arith.sitofp %convert_element_type3A_291 : vector<512x512xi32> to vector<512x512xf32>
    %mul3A_293 = arith.constant 0.135335281 : f32
    %mul3A_294 = vector.broadcast %mul3A_293 : f32 to vector<512x512xf32>
    %mul3A_295 = arith.mulf %convert_element_type3A_292, %mul3A_294 : vector<512x512xf32>
    %add3A_296 = arith.addf %mul3A_287, %mul3A_295 : vector<512x512xf32>
    %eq3A_297 = arith.constant 2.000000e+00 : f32
    %eq3A_298 = vector.broadcast %eq3A_297 : f32 to vector<512x512xf32>
    %eq3A_299 = arith.cmpf oeq, %abs3A_279, %eq3A_298 : vector<512x512xf32>
    %convert_element_type3A_300 = arith.extui %eq3A_299 : vector<512x512xi1> to vector<512x512xi32>
    %convert_element_type3A_301 = arith.sitofp %convert_element_type3A_300 : vector<512x512xi32> to vector<512x512xf32>
    %mul3A_302 = arith.constant 3.35462624E-4 : f32
    %mul3A_303 = vector.broadcast %mul3A_302 : f32 to vector<512x512xf32>
    %mul3A_304 = arith.mulf %convert_element_type3A_301, %mul3A_303 : vector<512x512xf32>
    %add3A_305 = arith.addf %add3A_296, %mul3A_304 : vector<512x512xf32>
    %mul3A_306 = vector.broadcast %broadcast_in_dim3A_274 : vector<1x512xf32> to vector<512x512xf32>
    %mul3A_307 = arith.mulf %add3A_305, %mul3A_306 : vector<512x512xf32>
    %transpose3A_308 = tpu.transpose %floor3A_192, [1, 0] : vector<512x1xf32> -> vector<1x512xf32>
    %transpose3A_309 = tpu.transpose %dot_general3A_179, [1, 0] : vector<512x1xf32> -> vector<1x512xf32>
    %mul3A_310 = arith.constant 0.61869353 : f32
    %mul3A_311 = vector.broadcast %mul3A_310 : f32 to vector<1x512xf32>
    %mul3A_312 = arith.mulf %transpose3A_309, %mul3A_311 : vector<1x512xf32>
    %iota3A_313 = tpu.iota {dimensions = array<i32: 0>} : vector<512x512xi32>
    %convert_element_type3A_314 = arith.sitofp %iota3A_313 : vector<512x512xi32> to vector<512x512xf32>
    %sub3A_315 = vector.broadcast %transpose3A_308 : vector<1x512xf32> to vector<512x512xf32>
    %sub3A_316 = arith.subf %convert_element_type3A_314, %sub3A_315 : vector<512x512xf32>
    %abs3A_317 = math.absf %sub3A_316 : vector<512x512xf32>
    %eq3A_318 = arith.constant 0.000000e+00 : f32
    %eq3A_319 = vector.broadcast %eq3A_318 : f32 to vector<512x512xf32>
    %eq3A_320 = arith.cmpf oeq, %abs3A_317, %eq3A_319 : vector<512x512xf32>
    %convert_element_type3A_321 = arith.extui %eq3A_320 : vector<512x512xi1> to vector<512x512xi32>
    %convert_element_type3A_322 = arith.sitofp %convert_element_type3A_321 : vector<512x512xi32> to vector<512x512xf32>
    %mul3A_323 = arith.constant 1.000000e+00 : f32
    %mul3A_324 = vector.broadcast %mul3A_323 : f32 to vector<512x512xf32>
    %mul3A_325 = arith.mulf %convert_element_type3A_322, %mul3A_324 : vector<512x512xf32>
    %eq3A_326 = arith.constant 1.000000e+00 : f32
    %eq3A_327 = vector.broadcast %eq3A_326 : f32 to vector<512x512xf32>
    %eq3A_328 = arith.cmpf oeq, %abs3A_317, %eq3A_327 : vector<512x512xf32>
    %convert_element_type3A_329 = arith.extui %eq3A_328 : vector<512x512xi1> to vector<512x512xi32>
    %convert_element_type3A_330 = arith.sitofp %convert_element_type3A_329 : vector<512x512xi32> to vector<512x512xf32>
    %mul3A_331 = arith.constant 0.135335281 : f32
    %mul3A_332 = vector.broadcast %mul3A_331 : f32 to vector<512x512xf32>
    %mul3A_333 = arith.mulf %convert_element_type3A_330, %mul3A_332 : vector<512x512xf32>
    %add3A_334 = arith.addf %mul3A_325, %mul3A_333 : vector<512x512xf32>
    %eq3A_335 = arith.constant 2.000000e+00 : f32
    %eq3A_336 = vector.broadcast %eq3A_335 : f32 to vector<512x512xf32>
    %eq3A_337 = arith.cmpf oeq, %abs3A_317, %eq3A_336 : vector<512x512xf32>
    %convert_element_type3A_338 = arith.extui %eq3A_337 : vector<512x512xi1> to vector<512x512xi32>
    %convert_element_type3A_339 = arith.sitofp %convert_element_type3A_338 : vector<512x512xi32> to vector<512x512xf32>
    %mul3A_340 = arith.constant 3.35462624E-4 : f32
    %mul3A_341 = vector.broadcast %mul3A_340 : f32 to vector<512x512xf32>
    %mul3A_342 = arith.mulf %convert_element_type3A_339, %mul3A_341 : vector<512x512xf32>
    %add3A_343 = arith.addf %add3A_334, %mul3A_342 : vector<512x512xf32>
    %mul3A_344 = vector.broadcast %mul3A_312 : vector<1x512xf32> to vector<512x512xf32>
    %mul3A_345 = arith.mulf %add3A_343, %mul3A_344 : vector<512x512xf32>
    %transpose3A_346 = tpu.transpose %sub3A_196, [1, 0] : vector<512x1xf32> -> vector<1x512xf32>
    %broadcast_in_dim3A_347 = arith.constant 1.000000e+00 : f32
    %broadcast_in_dim3A_348 = vector.broadcast %broadcast_in_dim3A_347 : f32 to vector<1x512xf32>
    %iota3A_349 = tpu.iota {dimensions = array<i32: 0>} : vector<512x512xi32>
    %convert_element_type3A_350 = arith.sitofp %iota3A_349 : vector<512x512xi32> to vector<512x512xf32>
    %sub3A_351 = vector.broadcast %transpose3A_346 : vector<1x512xf32> to vector<512x512xf32>
    %sub3A_352 = arith.subf %convert_element_type3A_350, %sub3A_351 : vector<512x512xf32>
    %abs3A_353 = math.absf %sub3A_352 : vector<512x512xf32>
    %eq3A_354 = arith.constant 0.000000e+00 : f32
    %eq3A_355 = vector.broadcast %eq3A_354 : f32 to vector<512x512xf32>
    %eq3A_356 = arith.cmpf oeq, %abs3A_353, %eq3A_355 : vector<512x512xf32>
    %convert_element_type3A_357 = arith.extui %eq3A_356 : vector<512x512xi1> to vector<512x512xi32>
    %convert_element_type3A_358 = arith.sitofp %convert_element_type3A_357 : vector<512x512xi32> to vector<512x512xf32>
    %mul3A_359 = arith.constant 1.000000e+00 : f32
    %mul3A_360 = vector.broadcast %mul3A_359 : f32 to vector<512x512xf32>
    %mul3A_361 = arith.mulf %convert_element_type3A_358, %mul3A_360 : vector<512x512xf32>
    %eq3A_362 = arith.constant 1.000000e+00 : f32
    %eq3A_363 = vector.broadcast %eq3A_362 : f32 to vector<512x512xf32>
    %eq3A_364 = arith.cmpf oeq, %abs3A_353, %eq3A_363 : vector<512x512xf32>
    %convert_element_type3A_365 = arith.extui %eq3A_364 : vector<512x512xi1> to vector<512x512xi32>
    %convert_element_type3A_366 = arith.sitofp %convert_element_type3A_365 : vector<512x512xi32> to vector<512x512xf32>
    %mul3A_367 = arith.constant 0.135335281 : f32
    %mul3A_368 = vector.broadcast %mul3A_367 : f32 to vector<512x512xf32>
    %mul3A_369 = arith.mulf %convert_element_type3A_366, %mul3A_368 : vector<512x512xf32>
    %add3A_370 = arith.addf %mul3A_361, %mul3A_369 : vector<512x512xf32>
    %eq3A_371 = arith.constant 2.000000e+00 : f32
    %eq3A_372 = vector.broadcast %eq3A_371 : f32 to vector<512x512xf32>
    %eq3A_373 = arith.cmpf oeq, %abs3A_353, %eq3A_372 : vector<512x512xf32>
    %convert_element_type3A_374 = arith.extui %eq3A_373 : vector<512x512xi1> to vector<512x512xi32>
    %convert_element_type3A_375 = arith.sitofp %convert_element_type3A_374 : vector<512x512xi32> to vector<512x512xf32>
    %mul3A_376 = arith.constant 3.35462624E-4 : f32
    %mul3A_377 = vector.broadcast %mul3A_376 : f32 to vector<512x512xf32>
    %mul3A_378 = arith.mulf %convert_element_type3A_375, %mul3A_377 : vector<512x512xf32>
    %add3A_379 = arith.addf %add3A_370, %mul3A_378 : vector<512x512xf32>
    %mul3A_380 = vector.broadcast %broadcast_in_dim3A_348 : vector<1x512xf32> to vector<512x512xf32>
    %mul3A_381 = arith.mulf %add3A_379, %mul3A_380 : vector<512x512xf32>
    %dot_general3A_382 = arith.constant dense<0.000000e+00> : vector<512x512xf32>
    %dot_general3A_383 = tpu.matmul %mul3A_271, %mul3A_307, %dot_general3A_382 {dimension_numbers = #tpu.dot_dimension_numbers<[1], [1], [0], [0], [0, 0, 1, 0], [], []>, precision = #tpu.contract_precision<fp32>, transpose_lhs_hint = false} : vector<512x512xf32>, vector<512x512xf32>, vector<512x512xf32> -> vector<512x512xf32>
    %dot_general3A_384 = arith.constant dense<0.000000e+00> : vector<512x512xf32>
    %dot_general3A_385 = tpu.matmul %mul3A_345, %mul3A_381, %dot_general3A_384 {dimension_numbers = #tpu.dot_dimension_numbers<[1], [1], [0], [0], [0, 0, 1, 0], [], []>, precision = #tpu.contract_precision<fp32>, transpose_lhs_hint = false} : vector<512x512xf32>, vector<512x512xf32>, vector<512x512xf32> -> vector<512x512xf32>
    %sub3A_386 = arith.subf %dot_general3A_383, %dot_general3A_385 : vector<512x512xf32>
    %get3A_387 = arith.constant 0 : index
    %get3A_388 = arith.constant 0 : index
    %get3A_389 = arith.constant 0 : index
    %get3A_390 = arith.constant 0 : index
    %get3A_391 = vector.load %arg6[%get3A_387, %get3A_388, %get3A_389, %get3A_390] : memref<1x1x512x512xf32, #tpu.memory_space<vmem>>, vector<1x1x512x512xf32>
    %get3A_392 = vector.shape_cast %get3A_391 : vector<1x1x512x512xf32> to vector<512x512xf32>
    %mul3A_393 = arith.mulf %sub3A_386, %sub3A_386 : vector<512x512xf32>
    %mul3A_394 = arith.mulf %mul3A_393, %get3A_392 : vector<512x512xf32>
    %reduce_sum3A_395 = vector.shape_cast %mul3A_394 : vector<512x512xf32> to vector<1x512x512xf32>
    %reduce_sum3A_396 = arith.constant dense<0.000000e+00> : vector<1xf32>
    %reduce_sum3A_397 = vector.multi_reduction <add>, %reduce_sum3A_395, %reduce_sum3A_396 [1, 2] : vector<1x512x512xf32> to vector<1xf32>
    %reduce_sum3A_398 = vector.shape_cast %reduce_sum3A_397 : vector<1xf32> to vector<1x1x1xf32>
    %reduce_sum3A_399 = vector.extract %reduce_sum3A_398[0, 0, 0] : f32 from vector<1x1x1xf32>
    %reduce_sum3A_400 = vector.shape_cast %get3A_392 : vector<512x512xf32> to vector<1x512x512xf32>
    %reduce_sum3A_401 = arith.constant dense<0.000000e+00> : vector<1xf32>
    %reduce_sum3A_402 = vector.multi_reduction <add>, %reduce_sum3A_400, %reduce_sum3A_401 [1, 2] : vector<1x512x512xf32> to vector<1xf32>
    %reduce_sum3A_403 = vector.shape_cast %reduce_sum3A_402 : vector<1xf32> to vector<1x1x1xf32>
    %reduce_sum3A_404 = vector.extract %reduce_sum3A_403[0, 0, 0] : f32 from vector<1x1x1xf32>
    %eq3A_405 = arith.constant 0 : i32
    %eq3A_406 = arith.cmpi eq, %arg0, %eq3A_405 : i32
    %convert_element_type3A_407 = arith.extui %eq3A_406 : i1 to i32
    %cond3A = arith.constant 0 : i32
    %cond3A_408 = arith.cmpi ne, %convert_element_type3A_407, %cond3A : i32
    scf.if %cond3A_408 {
      %broadcast_in_dim3A_436 = arith.constant 0.000000e+00 : f32
      %broadcast_in_dim3A_437 = vector.broadcast %broadcast_in_dim3A_436 : f32 to vector<16x128xf32>
      %swap3A_438 = arith.constant 0 : index
      %swap3A_439 = arith.constant 0 : index
      %swap3A_440 = vector.load %arg8[%swap3A_438, %swap3A_439] : memref<16x128xf32, #tpu.memory_space<vmem>>, vector<16x128xf32>
      tpu.vector_store %arg8[%swap3A_438, %swap3A_439], %broadcast_in_dim3A_437 {strides = array<i32>} : memref<16x128xf32, #tpu.memory_space<vmem>>, vector<16x128xf32>,
      %broadcast_in_dim3A_441 = arith.constant 0.000000e+00 : f32
      %broadcast_in_dim3A_442 = vector.broadcast %broadcast_in_dim3A_441 : f32 to vector<16x128xf32>
      %swap3A_443 = arith.constant 0 : index
      %swap3A_444 = arith.constant 0 : index
      %swap3A_445 = vector.load %arg9[%swap3A_443, %swap3A_444] : memref<16x128xf32, #tpu.memory_space<vmem>>, vector<16x128xf32>
      tpu.vector_store %arg9[%swap3A_443, %swap3A_444], %broadcast_in_dim3A_442 {strides = array<i32>} : memref<16x128xf32, #tpu.memory_space<vmem>>, vector<16x128xf32>,
    } else {
    }
    %iota3A_409 = tpu.iota {dimensions = array<i32: 0>} : vector<16x128xi32>
    %get3A_410 = arith.constant 0 : index
    %get3A_411 = arith.constant 0 : index
    %get3A_412 = vector.load %arg8[%get3A_410, %get3A_411] : memref<16x128xf32, #tpu.memory_space<vmem>>, vector<16x128xf32>
    %eq3A_413 = vector.broadcast %arg0 : i32 to vector<16x128xi32>
    %eq3A_414 = arith.cmpi eq, %iota3A_409, %eq3A_413 : vector<16x128xi32>
    %jit3A_415 = arith.constant 0.000000e+00 : f32
    %broadcast_in_dim3A_416 = vector.broadcast %reduce_sum3A_399 : f32 to vector<16x128xf32>
    %broadcast_in_dim3A_417 = vector.broadcast %jit3A_415 : f32 to vector<16x128xf32>
    %select_n3A_418 = arith.select %eq3A_414, %broadcast_in_dim3A_416, %broadcast_in_dim3A_417 : vector<16x128xi1>, vector<16x128xf32>
    %add3A_419 = arith.addf %get3A_412, %select_n3A_418 : vector<16x128xf32>
    %swap3A_420 = arith.constant 0 : index
    %swap3A_421 = arith.constant 0 : index
    %swap3A_422 = vector.load %arg8[%swap3A_420, %swap3A_421] : memref<16x128xf32, #tpu.memory_space<vmem>>, vector<16x128xf32>
    tpu.vector_store %arg8[%swap3A_420, %swap3A_421], %add3A_419 {strides = array<i32>} : memref<16x128xf32, #tpu.memory_space<vmem>>, vector<16x128xf32>,
    %get3A_423 = arith.constant 0 : index
    %get3A_424 = arith.constant 0 : index
    %get3A_425 = vector.load %arg9[%get3A_423, %get3A_424] : memref<16x128xf32, #tpu.memory_space<vmem>>, vector<16x128xf32>
    %eq3A_426 = vector.broadcast %arg0 : i32 to vector<16x128xi32>
    %eq3A_427 = arith.cmpi eq, %iota3A_409, %eq3A_426 : vector<16x128xi32>
    %jit3A_428 = arith.constant 0.000000e+00 : f32
    %broadcast_in_dim3A_429 = vector.broadcast %reduce_sum3A_404 : f32 to vector<16x128xf32>
    %broadcast_in_dim3A_430 = vector.broadcast %jit3A_428 : f32 to vector<16x128xf32>
    %select_n3A_431 = arith.select %eq3A_427, %broadcast_in_dim3A_429, %broadcast_in_dim3A_430 : vector<16x128xi1>, vector<16x128xf32>
    %add3A_432 = arith.addf %get3A_425, %select_n3A_431 : vector<16x128xf32>
    %swap3A_433 = arith.constant 0 : index
    %swap3A_434 = arith.constant 0 : index
    %swap3A_435 = vector.load %arg9[%swap3A_433, %swap3A_434] : memref<16x128xf32, #tpu.memory_space<vmem>>, vector<16x128xf32>
    tpu.vector_store %arg9[%swap3A_433, %swap3A_434], %add3A_432 {strides = array<i32>} : memref<16x128xf32, #tpu.memory_space<vmem>>, vector<16x128xf32>,
    return
  }
  func.func @transform_0(%arg0: i32) -> (i32, i32, i32) {
    %c0_i32 = arith.constant 0 : i32
    %c0_i32_0 = arith.constant 0 : i32
    %c0_i32_1 = arith.constant 0 : i32
    return %arg0, %c0_i32, %c0_i32_0 : i32, i32, i32
  }
  func.func @transform_1(%arg0: i32) -> (i32, i32, i32) {
    %c0_i32 = arith.constant 0 : i32
    %c0_i32_0 = arith.constant 0 : i32
    %c0_i32_1 = arith.constant 0 : i32
    return %arg0, %c0_i32, %c0_i32_0 : i32, i32, i32
  }
  func.func @transform_2(%arg0: i32) -> (i32, i32, i32) {
    %add3A = arith.constant 16 : i32
    %add3A_0 = arith.addi %arg0, %add3A : i32
    %c0_i32 = arith.constant 0 : i32
    %c0_i32_1 = arith.constant 0 : i32
    %c0_i32_2 = arith.constant 0 : i32
    return %add3A_0, %c0_i32, %c0_i32_1 : i32, i32, i32
  }
  func.func @transform_3(%arg0: i32) -> (i32, i32, i32) {
    %add3A = arith.constant 16 : i32
    %add3A_0 = arith.addi %arg0, %add3A : i32
    %c0_i32 = arith.constant 0 : i32
    %c0_i32_1 = arith.constant 0 : i32
    %c0_i32_2 = arith.constant 0 : i32
    return %add3A_0, %c0_i32, %c0_i32_1 : i32, i32, i32
  }
  func.func @transform_4(%arg0: i32) -> (i32, i32) {
    %c0_i32 = arith.constant 0 : i32
    %c0_i32_0 = arith.constant 0 : i32
    %c0_i32_1 = arith.constant 0 : i32
    return %c0_i32, %c0_i32_0 : i32, i32
  }
  func.func @transform_5(%arg0: i32) -> (i32, i32, i32, i32) {
    %c0_i32 = arith.constant 0 : i32
    %c0_i32_0 = arith.constant 0 : i32
    %c0_i32_1 = arith.constant 0 : i32
    %c0_i32_2 = arith.constant 0 : i32
    return %arg0, %c0_i32, %c0_i32_0, %c0_i32_1 : i32, i32, i32, i32
  }
  func.func @transform_6(%arg0: i32) -> (i32, i32, i32) {
    %c0_i32 = arith.constant 0 : i32
    %c0_i32_0 = arith.constant 0 : i32
    %c0_i32_1 = arith.constant 0 : i32
    return %arg0, %c0_i32, %c0_i32_0 : i32, i32, i32
  }
  func.func @transform_7(%arg0: i32) -> (i32, i32) {
    %c0_i32 = arith.constant 0 : i32
    %c0_i32_0 = arith.constant 0 : i32
    %c0_i32_1 = arith.constant 0 : i32
    return %c0_i32, %c0_i32_0 : i32, i32
  }
  func.func @transform_8(%arg0: i32) -> (i32, i32) {
    %c0_i32 = arith.constant 0 : i32
    %c0_i32_0 = arith.constant 0 : i32
    %c0_i32_1 = arith.constant 0 : i32
    return %c0_i32, %c0_i32_0 : i32, i32
  }
}

</mosaic_0001>

<sc_bundles>
// kernel: kernel.10.cloned.1.call-start
scs
__scs_entry_jumppad:
0x0: {  	(pc) =	sbr.rel $0x88, $3  }
0x1: {  	(tag) =	ssettag $0x0;
	lr =	simm.s32 $0x1  }
0x2: {  	[smem:$0x3F9E] =	sst lr;
	_ =	strace $0xD0000000  }
0x3: {  	_ = 	snop  }
0x4: {  	_ = 	snop  }
0x5: {  	_ = 	snop  }
0x6: {  	_ = 	snop  }
0x7: {  	_ = 	snop  }
__scs_overlays_trampoline_lowered:
0x8: {  	[smem:$0x3FAD] =	sst s0  }
0x9: {  	[smem:$0x3FAE] =	sst s1  }
0xa: {  	[smem:$0x3FAF] =	sst s2  }
0xb: {  	[smem:$0x3FB0] =	sst s3  }
0xc: {  	[smem:$0x3FB1] =	sst s4  }
0xd: {  	[smem:$0x3FB2] =	sst s5  }
0xe: {  	[smem:$0x3FB3] =	sst s6  }
0xf: {  	[smem:$0x3FB4] =	sst s7  }
0x10: {  	[smem:$0x3FB5] =	sst s8  }
0x11: {  	[smem:$0x3FB6] =	sst s9;
	s0 =	simm.s32 @!p0 $0x0  }
0x12: {  	s1 =	sld [smem:$0x3F9C];
	s0 =	simm.s32 @p0 $0x1  }
0x13: {  	[smem:$0x3FB7] =	sst s0;
	s0 =	simm.s32 @!p1 $0x0  }
0x14: {  	s2 =	sld [smem:$0x3F9B];
	s0 =	simm.s32 @p1 $0x1  }
0x15: {  	[smem:$0x3FB8] =	sst s0;
	s0 =	simm.s32 @!p2 $0x0  }
0x16: {  	s3 =	sld [smem:$0x3FDB];
	s0 =	simm.s32 @p2 $0x1  }
0x17: {  	s4 =	simm.s32 $0x1BF5;
	[smem:$0x3FBA] =	sst s0  }
0x18: {  	s0 =	sld [smem:$0x3F9D];
	_ =	swait.ge [sflag:s4], $0x0  }
0x19: {  	s7 =	sld [smem:$0x3F9E]  }
0x1a: {  	s8 =	sadd.s32 $0xFFFFE003, lr  }
0x1b: {  	s9 =	sadd.s32 $0xFFFFFEF7, lr;
	s5 =	simm.s32 $0xFFFFFFFF;
	p2 =	slt.u32 s8, $0xFFFFF086  }
0x1c: {  	p1 =	slt.u32 s9, $0xF7A;
	s5 =	simm.s32 @!p2 $0x0  }
0x1d: {  	s5 =	simm.s32 @p1 $0x1;
	p0 =	seq.s32 s7, s2  }
0x1e: {  	s7 =	smul.u32 @!p0 $0xF7A, s2;
	p2 =	seq.s32 @!p0 s5, $0x0  }
0x1f: {  	s9 =	smul.u32 $0xF7A, s1;
	s8 =	simm.s32 @!p0 $0x1BF5;
	p2 =	por !p2, p0  }
0x20: {  	[sflag:s8] =	ssyncset.s32 @!p0 $0xFFFFF086;
	s6 =	sadd.s32 @!p0 s3, s7;
	s7 =	simm.s32 @!p0 $0x108  }
0x21: {  	s3 =	sadd.s32 s3, s9;
	s6 =	sadd.s32 @!p0 $0x88, s6;
	s7 =	simm.s32 @p2 $0x1082  }
0x22: {  	[simem:s7], [sflag:s8] =	dma.local @!p0 [hbm:s6], $0xF7A  }
0x23: {  	s9 =	sor.u32 $0xD0000000, s2;
	s6 =	simm.s32 $0x108;
	_ =	swait.ge @!p0 [sflag:s8], $0x0  }
0x24: {  	s3 =	sadd.s32 $0x88, s3;
	s6 =	simm.s32 @!p1 $0x1082;
	[sflag:s4] =	ssyncset.s32 $0xFFFFF086  }
0x25: {  	[simem:s6], [sflag:s4] =	dma.local [hbm:s3], $0xF7A  }
0x26: {  	[smem:$0x3F9E] =	sst s1;
	(tag) =	ssettag s2;
	_ =	strace s9  }
0x27: {  	s1 =	sld [smem:$0x3FAE]  }
0x28: {  	s2 =	sld [smem:$0x3FAF]  }
0x29: {  	s4 =	sld [smem:$0x3FB1]  }
0x2a: {  	p0 =	seq.s32 s5, $0x0;
	s5 =	sld [smem:$0x3FB2]  }
0x2b: {  	s6 =	sld [smem:$0x3FB3]  }
0x2c: {  	s7 =	sld [smem:$0x3FB4]  }
0x2d: {  	s3 =	simm.s32 $0x108;
	s8 =	sld [smem:$0x3FB5]  }
0x2e: {  	s3 =	simm.s32 @!p0 $0x1082;
	s9 =	sld [smem:$0x3FB6]  }
0x2f: {  	lr =	sadd.s32 s0, s3;
	s0 =	sld [smem:$0x3FAD]  }
0x30: {  	s3 =	sld [smem:$0x3FB0]  }
0x31: {  	[smem:$0x3FB9] =	sst s10  }
0x32: {  	s10 =	sld [smem:$0x3FB7];
	_ =	sdelay $0x3  }
0x33: {  	p0 =	seq.s32 s10, $0x1;
	s10 =	sld [smem:$0x3FB9];
	_ =	sdelay $0x3  }
0x34: {  	[smem:$0x3FB9] =	sst s10  }
0x35: {  	s10 =	sld [smem:$0x3FB8];
	_ =	sdelay $0x3  }
0x36: {  	p1 =	seq.s32 s10, $0x1;
	s10 =	sld [smem:$0x3FB9];
	_ =	sdelay $0x3  }
0x37: {  	[smem:$0x3FB9] =	sst s10  }
0x38: {  	s10 =	sld [smem:$0x3FBA]  }
0x39: {  	_ = 	snop;
	(pc) =	sbr.ind lr, $3  }
0x3a: {  	_ = 	snop  }
0x3b: {  	_ = 	snop  }
0x3c: {  	p2 =	seq.s32 s10, $0x1;
	s10 =	sld [smem:$0x3FB9]  }
0x3d: {  	_ =	shalt  }
0x3e: {  	_ =	shalt  }
0x3f: {  	_ =	shalt  }
0x40: {  	_ =	shalt  }
0x41: {  	_ =	shalt  }
0x42: {  	_ =	shalt  }
0x43: {  	_ =	shalt  }
0x44: {  	_ =	shalt  }
0x45: {  	_ =	shalt  }
0x46: {  	_ =	shalt  }
0x47: {  	_ =	shalt  }
0x48: {  	_ =	shalt  }
0x49: {  	_ =	shalt  }
0x4a: {  	_ =	shalt  }
0x4b: {  	_ =	shalt  }
0x4c: {  	_ =	shalt  }
0x4d: {  	_ =	shalt  }
0x4e: {  	_ =	shalt  }
0x4f: {  	_ =	shalt  }
0x50: {  	_ =	shalt  }
0x51: {  	_ =	shalt  }
0x52: {  	_ =	shalt  }
0x53: {  	_ =	shalt  }
0x54: {  	_ =	shalt  }
0x55: {  	_ =	shalt  }
0x56: {  	_ =	shalt  }
0x57: {  	_ =	shalt  }
0x58: {  	_ =	shalt  }
0x59: {  	_ =	shalt  }
0x5a: {  	_ =	shalt  }
0x5b: {  	_ =	shalt  }
0x5c: {  	_ =	shalt  }
0x5d: {  	_ =	shalt  }
0x5e: {  	_ =	shalt  }
0x5f: {  	_ =	shalt  }
0x60: {  	_ =	shalt  }
0x61: {  	_ =	shalt  }
0x62: {  	_ =	shalt  }
0x63: {  	_ =	shalt  }
0x64: {  	_ =	shalt  }
0x65: {  	_ =	shalt  }
0x66: {  	_ =	shalt  }
0x67: {  	_ =	shalt  }
0x68: {  	_ =	shalt  }
0x69: {  	_ =	shalt  }
0x6a: {  	_ =	shalt  }
0x6b: {  	_ =	shalt  }
0x6c: {  	_ =	shalt  }
0x6d: {  	_ =	shalt  }
0x6e: {  	_ =	shalt  }
0x6f: {  	_ =	shalt  }
0x70: {  	_ =	shalt  }
0x71: {  	_ =	shalt  }
0x72: {  	_ =	shalt  }
0x73: {  	_ =	shalt  }
0x74: {  	_ =	shalt  }
0x75: {  	_ =	shalt  }
0x76: {  	_ =	shalt  }
0x77: {  	_ =	shalt  }
0x78: {  	_ =	shalt  }
0x79: {  	_ =	shalt  }
0x7a: {  	_ =	shalt  }
0x7b: {  	_ =	shalt  }
0x7c: {  	_ =	shalt  }
0x7d: {  	_ =	shalt  }
0x7e: {  	_ =	shalt  }
0x7f: {  	_ =	shalt  }
0x80: {  	_ =	shalt  }
0x81: {  	_ =	shalt  }
0x82: {  	_ =	shalt  }
0x83: {  	_ =	shalt  }
0x84: {  	_ =	shalt  }
0x85: {  	_ =	shalt  }
0x86: {  	_ =	shalt  }
0x87: {  	_ =	shalt  }
.Lfunc_end0:
.L_simem_size_0:
called_computation.1_lowered:
.L_overlay_start_0:
0x88: {  	s2 =	sld [smem:$0x3FD9]  }
0x89: {  	s3 =	sld [smem:$0x3FFE];
	_ =	sdelay $0x1  }
0x8a: {  	s1 =	srdreg.scid  }
0x8b: {  	s0 =	sand.u32 $0x1, s1  }
0x8c: {  	s14 =	sshll.u32 s0, $0xA;
	s2 =	sadd.s32 s3, s2  }
0x8d: {  	s2 =	sadd.s32 s2, s14  }
0x8e: {  	[smem:$0x3FC5] =	sst s2  }
0x8f: {  	_ = 	snop  }
0x90: {  	s2 =	sld [smem:$0x3FD0];
	_ =	sdelay $0x2  }
0x91: {  	s15 =	simm.s32 $0xA;
	s4 =	simm.s32 $0x10  }
0x92: {  	[smem:s4], [sflag:s15] =	dma.local [hbm:s2], $0x1  }
0x93: {  	_ =	swait.eq [sflag:s15], $0x1  }
0x94: {  	[sflag:s15] =	ssyncset.done $0x0  }
0x95: {  	[sflag:s15] =	ssyncadd.s32 $0xFFFFFFFF  }
0x96: {  	s16 =	sld [smem:$0x11];
	(tm) =	ssettm $0x1  }
0x97: {  	s17 =	sld [smem:$0x3FFB];
	_ =	sdelay $0x3  }
0x98: {  	_ =	strace s17  }
0x99: {  	s3 =	sld [smem:$0x3FFC];
	_ =	sdelay $0x3  }
0x9a: {  	_ =	strace s3  }
0x9b: {  	s3 =	sld [smem:$0x3FFD];
	_ =	sdelay $0x3  }
0x9c: {  	_ =	strace s3  }
0x9d: {  	_ =	strace $0x8FFFFFFF  }
0x9e: {  	s18 =	sld [smem:$0x3FDB];
	_ =	sdelay $0x1  }
0x9f: {  	s19 =	simm.s32 $_scs_section_size  }
0xa0: {  	s5 =	simm.s32 $_size__tile_overlayer_lowered;
	s6 =	simm.s32 $_tile_overlayer_lowered  }
0xa1: {  	s22 =	simm.s32 $0x1BFF;
	s21 =	sshll.u32 s6, $0x1;
	s3 =	sadd.s32 s19, s18  }
0xa2: {  	s7 =	simm.s32 $0x0;
	s20 =	sshll.u32 s5, $0x1;
	s5 =	sadd.s32 s21, s3  }
0xa3: {  	[timem:s7], [sflag:s22] =	dma.local [hbm:s5], s20  }
0xa4: {  	_ =	swait.ge [sflag:s22], s20  }
0xa5: {  	s4 =	ssub.s32 $0x0, s20;
	[sflag:s22] =	ssyncset.done $0x0  }
0xa6: {  	[sflag:s22] =	ssyncadd.s32 s4;
	_ =	sdelay $0x1  }
0xa7: {  	s23 =	simm.s32 $0x1B8B  }
0xa8: {  	_ =	swait.ge [sflag:s23], $0x1  }
0xa9: {  	[sflag:s23] =	ssyncset.done $0x0  }
0xaa: {  	s25 =	simm.s32 $0x1B8E;
	s24 =	sld [smem:$0x3FFE];
	[sflag:s23] =	ssyncadd.s32 $0xFFFFFFFF  }
0xab: {  	s26 =	simm.s32 $execute0_lowered;
	[smem:$0x3FD2] =	sst s25  }
0xac: {  	s5 =	sshll.u32 s26, $0x1;
	_ =	strace $0x80000049;
	[dreg:$0x1] =	wrdreg $0xFFFFFFFF  }
0xad: {  	s28 =	simm.s32 $_size_execute0_lowered;
	s3 =	sadd.s32 s3, s5;
	[dreg:$0x0] =	wrdreg $0x0  }
0xae: {  	s5 =	sshll.u32 s28, $0x1;
	[dreg:$0x2] =	wrdreg s3  }
0xaf: {  	[dreg:$0x3] =	wrdreg s5  }
0xb0: {  	[dreg:$0x4] =	wrdreg $0xC0  }
0xb1: {  	_ =	task [dreg:s7], $0x5FFFF  }
0xb2: {  	[dreg:$0x1] =	wrdreg $0xFFFFFFFF  }
0xb3: {  	[dreg:$0x0] =	wrdreg $0x60  }
0xb4: {  	[dreg:$0x2] =	wrdreg s24  }
0xb5: {  	[dreg:$0x3] =	wrdreg s16  }
0xb6: {  	[dreg:$0x4] =	wrdreg $0x9  }
0xb7: {  	_ =	task.clear_ibuf [dreg:s7], $0x5FFFF;
	_ =	strace $0x90000049  }
0xb8: {  	s29 =	simm.s32 $0x9;
	_ =	strace $0x8000004B  }
0xb9: {  	_ =	swait.ge [sflag:s29], $0x1  }
0xba: {  	[sflag:s29] =	ssyncadd.s32 $0xFFFFFFFF  }
0xbb: {  	_ =	strace $0x9000004B  }
0xbc: {  	_ =	sfence  }
0xbd: {  	s30 =	sld [smem:$0x0];
	_ =	sdelay $0x2  }
0xbe: {  	s31 =	sshll.u32 s1, $0xD;
	s1 =	sshrl.u32 s1, $0x2  }
0xbf: {  	s3 =	sand.u32 $0x4000, s31;
	s1 =	sadd.s32 s1, s30  }
0xc0: {  	s0 =	sor.u32 s3, s0;
	s1 =	sshll.u32 s1, $0x11  }
0xc1: {  	s0 =	sor.u32 s1, s0  }
0xc2: {  	s0 =	sadd.s32 $0x8F2B, s0  }
0xc3: {  	[sflag:s0] =	ssyncadd.remote.s32 $0x1  }
0xc4: {  	_ =	sfence.sel $0xFFFF  }
0xc5: {  	[dreg:$0x0] =	wrdreg $0xFFFFFFFF;
	(pc) =	sbr.abs _section_cstart, $3  }
0xc6: {  	[dreg:$0x1] =	wrdreg $0xFFFFFFFF  }
0xc7: {  	_ =	task.clear_ibuf [dreg:s7], $0x2FFFF;
	_ =	strace $0x9FFFFFFF  }
0xc8: {  	(tm) =	ssettm $0x7FFFFFFF  }
0xc9: {  	_ =	shalt  }
tec
execute0_lowered:
.L_overlay_start_1:
0x0: {  	(tag) =	ssettag $0x1  }
0x1: {  	s4 =	rddreg [dreg:$0x0]  }
0x2: {  	s5 =	rddreg [dreg:$0x1]  }
0x3: {  	s0 =	rddreg [dreg:$0x2]  }
0x4: {  	s3 =	srdreg.scid;
	s1 =	stileid.u32  }
0x5: {  	s2 =	simm.s32 $0x0;
	s13 =	simm.s32 $0x400;
	s14 =	simm.s32 $0x4080  }
0x6: {  	s15 =	simm.s32 $0x4480;
	s16 =	simm.s32 $0x4880;
	s17 =	simm.s32 $0x0  }
0x7: {  	s6 =	sand.u32 $0x1, s3;
	s29 =	sshll.u32 s1, $0x8;
	s7 =	sshrl.u32 s1, $0x2  }
0x8: {  	[smem:$0x7FF] =	sst s2;
	s8 =	sshll.u32 s6, $0x7;
	s3 =	sand.u32 $0x300, s29  }
0x9: {  	s30 =	sshll.u32 s7, $0xD;
	_ =	strace $0x8000004A;
	s10 =	sshll.u32 s7, $0xA  }
0xa: {  	s6 =	ssub.s32 $0x2, s6;
	s7 =	sshll.u32 s7, $0x15;
	s8 =	sor.u32 s8, s3  }
0xb: {  	s3 =	sadd.s32 $0x82800, s4;
	s9 =	sor.u32 s30, s8;
	s10 =	sor.u32 s10, s8  }
0xc: {  	s31 =	sshrl.u32 s6, $0x1;
	s9 =	sshrl.u32 s9, $0x3;
	s10 =	sshrl.u32 s10, $0x3  }
0xd: {  	s12 =	ssub.s32 s6, s31;
	s9 =	sadd.s32 s9, s4;
	s11 =	sadd.s32 s10, s4  }
0xe: {  	s4 =	sadd.s32 s5, s10;
	s5 =	sor.u32 s8, s7;
	s10 =	simm.s32 $0x4000  }
0xf: {  	s6 =	sadd.s32 $0x2800, s9;
	s7 =	sadd.s32 $0x3800, s9;
	s8 =	sadd.s32 $0x4800, s11  }
0x10: {  	s9 =	smax.u32 s12, $0x1;
	s11 =	simm.s32 $0x1;
	s12 =	simm.s32 $0x80  }
.LBB2_1:
0x11: {  	[tilespmem:s10], [sflag:$0x1] =	stream.linear.gather [hbm4b:s4+s2], $0x80, $0x38;
	[tilespmem:$0x4900] =	vst v63  }
0x12: {  	_ =	swait.ge [sflag:s11], $0x80  }
0x13: {  	[sflag:s11] =	ssyncset.done $0x0  }
0x14: {  	[sflag:s11] =	ssyncadd.s32 $0xFFFFFF80  }
0x15: {  	s18 =	simm.s32 $0x0;
	s20 =	simm.s32 $0x0;
	s19 =	simm.s32 $0x0;
	v0 =	vld.msk [tilespmem:$0x4000 ss:$0x0], $0xffff  }
.LBB2_2:
0x16: {  	s21 =	sshll.u32 s19, $0x11  }
0x17: {  	s21 =	sadd.s32 s5, s21  }
0x18: {  	s21 =	sshrl.u32 s21, $0x3  }
0x19: {  	s22 =	simm.s32 $0x0;
	s21 =	sadd.s32 s3, s21  }
0x1a: {  	[tilespmem:s22], [sflag:$0x1] =	stream.strided.gather [hbm4b:s21+s12], $0x4000, s13, s12, $0x38;
	[tilespmem:$0x4900] =	vst v63  }
0x1b: {  	_ =	swait.ge [sflag:s11], $0x4000  }
0x1c: {  	[sflag:s11] =	ssyncset.done $0x0  }
0x1d: {  	s31 =	simm.s32 $0x0;
	[sflag:s11] =	ssyncadd.s32 $0xFFFFC000  }
0x1e: {  	v1 =	vld [tilespmem:s31+$0x0];
	_ =	sdelay $0x4  }
0x1f: {  	vm0 =	vge.f32 v1, v0  }
0x20: {  	v2 =	vmpcnt.ones.xlane vm0;
	_ =	sdelay $0x1  }
0x21: {  	(v2sf) =	vpush v2, $0x0;
	_ =	sdelay $0xe  }
0x22: {  	p0 =	sgt.s32 s20, $0x3F0;
	s21 =	spop (v2sf)  }
0x23: {  	p1 =	slt.s32 @!p0 s21, $0x1  }
0x24: {  	p2 =	slt.s32 s20, $0x3F1;
	p1 =	por p1, p0  }
0x25: {  	s24 =	simm.s32 $0x40;
	s21 =	simm.s32 @!p2 $0x0;
	vm0 =	vge.f32 @!p1 v1, v0;
	v2 =	vlaneseq.u32 @!p1  }
0x26: {  	s23 =	simm.s32 $0x80;
	s22 =	smov.u32 s18;
	s21 =	sadd.s32 s20, s21;
	[tilespmem:s20+$0x4080] =	vst.msk @!p1 vm0, v1;
	v1 =	vor.u32 @!p1 s18, v2  }
.LBB2_3:
0x27: {  	s25 =	sshra.s32 s24, $0x2;
	s22 =	sadd.s32 $0x10, s22  }
0x28: {  	[tilespmem:s20+$0x4480] =	vst.msk @!p1 vm0, v1;
	s24 =	smov.u32 s23;
	s23 =	sadd.s32 $0x40, s23;
	s20 =	smov.u32 s21  }
0x29: {  	p0 =	sne.s32 s23, $0x10000;
	v1 =	vld [tilespmem:s25+$0x0];
	_ =	sdelay $0x4  }
0x2a: {  	vm0 =	vge.f32 v1, v0  }
0x2b: {  	v2 =	vmpcnt.ones.xlane vm0;
	_ =	sdelay $0x1  }
0x2c: {  	(v2sf) =	vpush v2, $0x0;
	_ =	sdelay $0xd  }
0x2d: {  	p1 =	slt.s32 s21, $0x3F1  }
.Ltmp0:
0x2e: {  	p2 =	sgt.s32 s21, $0x3F0;
	s25 =	spop (v2sf);
	(pc) =	sbr.rel @p0 .LBB2_3-.Ltmp0, $4  }
0x2f: {  	p3 =	slt.s32 @!p2 s25, $0x1;
	s25 =	simm.s32 @!p1 $0x0  }
0x30: {  	p1 =	por p3, p2;
	s21 =	sadd.s32 s21, s25  }
0x31: {  	vm0 =	vge.f32 @!p1 v1, v0;
	v2 =	vlaneseq.u32 @!p1  }
0x32: {  	[tilespmem:s20+$0x4080] =	vst.msk @!p1 vm0, v1;
	v1 =	vor.u32 @!p1 s22, v2  }
0x33: {  	s23 =	sshra.s32 s24, $0x2;
	[tilespmem:s20+$0x4480] =	vst.msk @!p1 vm0, v1  }
0x34: {  	v1 =	vld [tilespmem:s23+$0x0];
	_ =	sdelay $0x4  }
0x35: {  	vm15 =	vge.f32 v1, v0  }
0x36: {  	v2 =	vmpcnt.ones.xlane vm15;
	_ =	sdelay $0x1  }
0x37: {  	(v2sf) =	vpush v2, $0x0;
	_ =	sdelay $0xe  }
0x38: {  	p0 =	sgt.s32 s21, $0x3F0;
	s20 =	spop (v2sf)  }
0x39: {  	p1 =	slt.s32 @!p0 s20, $0x1  }
0x3a: {  	s19 =	sadd.s32 $0x1, s19;
	p0 =	por p1, p0;
	p1 =	slt.s32 s21, $0x3F1  }
0x3b: {  	s20 =	simm.s32 @!p1 $0x0;
	p1 =	sne.s32 s19, $0x10  }
.Ltmp1:
0x3c: {  	_ = 	snop;
	(pc) =	sbr.rel @p1 .LBB2_2-.Ltmp1, $4  }
0x3d: {  	_ = 	snop  }
0x3e: {  	s22 =	sadd.s32 $0x10, s22;
	vm0 =	vge.f32 @!p0 v1, v0;
	v2 =	vlaneseq.u32 @!p0  }
0x3f: {  	[tilespmem:s21+$0x4080] =	vst.msk @!p0 vm0, v1;
	v1 =	vor.u32 @!p0 s22, v2  }
0x40: {  	s18 =	sadd.s32 $0x4000, s18;
	s20 =	sadd.s32 s21, s20;
	[tilespmem:s21+$0x4480] =	vst.msk @!p0 vm0, v1  }
0x41: {  	v0 =	vmov s20  }
0x42: {  	[tilespmem:$0x4880] =	vst v0  }
0x43: {  	[hbm4b:s6+s12] =	stream.strided.scatter [tilespmem:s14], [sflag:$0x1], $0x400, s13, s12, $0x38;
	[tilespmem:$0x4900] =	vst v63  }
0x44: {  	_ =	swait.ge [sflag:s11], $0x400  }
0x45: {  	[sflag:s11] =	ssyncset.done $0x0  }
0x46: {  	[sflag:s11] =	ssyncadd.s32 $0xFFFFFC00  }
0x47: {  	[hbm4b:s7+s12] =	stream.strided.scatter [tilespmem:s15], [sflag:$0x1], $0x400, s13, s12, $0x38;
	[tilespmem:$0x4900] =	vst v63  }
0x48: {  	s17 =	sadd.s32 $0x1, s17;
	_ =	swait.ge [sflag:s11], $0x400  }
0x49: {  	p0 =	sne.s32 s17, s9;
	[sflag:s11] =	ssyncset.done $0x0  }
.Ltmp2:
0x4a: {  	[sflag:s11] =	ssyncadd.s32 $0xFFFFFC00;
	(pc) =	sbr.rel @p0 .LBB2_1-.Ltmp2, $4  }
0x4b: {  	[hbm4b:s8+s2] =	stream.linear.scatter [tilespmem:s16], [sflag:$0x1], $0x10, $0x38;
	[tilespmem:$0x4900] =	vst v63  }
0x4c: {  	_ =	swait.ge [sflag:s11], $0x10  }
0x4d: {  	[sflag:s11] =	ssyncset.done $0x0  }
0x4e: {  	[sflag:s11] =	ssyncadd.s32 $0xFFFFFFF0  }
0x4f: {  	_ =	sfence.sel $0x180000  }
0x50: {  	[bflag:$0x0] =	sbarrier.arrive $0xFFFF  }
0x51: {  	p0 =	sne.s32 s1, $0x0;
	_ =	strace $0x9000004A  }
0x52: {  	s0 =	sadd.s32 @!p0 $0x100000, s0;
	[bflag:$0x2] =	sbarrier.arrive $0xFFFF  }
0x53: {  	[sflag:s0] =	ssyncadd.tile.s32 @!p0 $0x1;
	_ =	shalt  }
.Lfunc_end2:
_tile_overlayer_lowered:
.L_overlay_start_2:
0x54: {  	(tag) =	ssettag $0x2  }
0x55: {  	s0 =	rddreg [dreg:$0x0];
	s2 =	stileid.u32  }
0x56: {  	s1 =	rddreg [dreg:$0x1];
	p0 =	sne.s32 s2, $0x0  }
0x57: {  	s3 =	rddreg [dreg:$0x2];
	[bflag:$0x3] =	sbarrier.arrive $0xFFFF;
	s2 =	simm.s32 @!p0 $0x1C01  }
0x58: {  	[timem:s3], [sflag:s2] =	dma.local @!p0 [hbm:s0], s1  }
0x59: {  	s0 =	simm.s32 @!p0 $0x1  }
0x5a: {  	_ =	swait.ge @!p0 [sflag:s0], s1  }
0x5b: {  	s1 =	ssub.s32 @!p0 $0x0, s1;
	[sflag:s0] =	ssyncset.done @!p0 $0x0  }
0x5c: {  	[sflag:s0] =	ssyncadd.s32 @!p0 s1  }
0x5d: {  	[bflag:$0x3] =	sbarrier.arrive $0xFFFF  }
0x5e: {  	_ =	shalt  }

// kernel: kernel.7.cloned.1.call-start
scs
__scs_entry_jumppad:
0x0: {  	(pc) =	sbr.rel $0x88, $3  }
0x1: {  	(tag) =	ssettag $0x0;
	lr =	simm.s32 $0x1  }
0x2: {  	[smem:$0x3F9E] =	sst lr;
	_ =	strace $0xD0000000  }
0x3: {  	_ = 	snop  }
0x4: {  	_ = 	snop  }
0x5: {  	_ = 	snop  }
0x6: {  	_ = 	snop  }
0x7: {  	_ = 	snop  }
__scs_overlays_trampoline_lowered:
0x8: {  	[smem:$0x3FAD] =	sst s0  }
0x9: {  	[smem:$0x3FAE] =	sst s1  }
0xa: {  	[smem:$0x3FAF] =	sst s2  }
0xb: {  	[smem:$0x3FB0] =	sst s3  }
0xc: {  	[smem:$0x3FB1] =	sst s4  }
0xd: {  	[smem:$0x3FB2] =	sst s5  }
0xe: {  	[smem:$0x3FB3] =	sst s6  }
0xf: {  	[smem:$0x3FB4] =	sst s7  }
0x10: {  	[smem:$0x3FB5] =	sst s8  }
0x11: {  	[smem:$0x3FB6] =	sst s9;
	s0 =	simm.s32 @!p0 $0x0  }
0x12: {  	s1 =	sld [smem:$0x3F9C];
	s0 =	simm.s32 @p0 $0x1  }
0x13: {  	[smem:$0x3FB7] =	sst s0;
	s0 =	simm.s32 @!p1 $0x0  }
0x14: {  	s2 =	sld [smem:$0x3F9B];
	s0 =	simm.s32 @p1 $0x1  }
0x15: {  	[smem:$0x3FB8] =	sst s0;
	s0 =	simm.s32 @!p2 $0x0  }
0x16: {  	s3 =	sld [smem:$0x3FDB];
	s0 =	simm.s32 @p2 $0x1  }
0x17: {  	s4 =	simm.s32 $0x1BF5;
	[smem:$0x3FBA] =	sst s0  }
0x18: {  	s0 =	sld [smem:$0x3F9D];
	_ =	swait.ge [sflag:s4], $0x0  }
0x19: {  	s7 =	sld [smem:$0x3F9E]  }
0x1a: {  	s8 =	sadd.s32 $0xFFFFE003, lr  }
0x1b: {  	s9 =	sadd.s32 $0xFFFFFEF7, lr;
	s5 =	simm.s32 $0xFFFFFFFF;
	p2 =	slt.u32 s8, $0xFFFFF086  }
0x1c: {  	p1 =	slt.u32 s9, $0xF7A;
	s5 =	simm.s32 @!p2 $0x0  }
0x1d: {  	s5 =	simm.s32 @p1 $0x1;
	p0 =	seq.s32 s7, s2  }
0x1e: {  	s7 =	smul.u32 @!p0 $0xF7A, s2;
	p2 =	seq.s32 @!p0 s5, $0x0  }
0x1f: {  	s9 =	smul.u32 $0xF7A, s1;
	s8 =	simm.s32 @!p0 $0x1BF5;
	p2 =	por !p2, p0  }
0x20: {  	[sflag:s8] =	ssyncset.s32 @!p0 $0xFFFFF086;
	s6 =	sadd.s32 @!p0 s3, s7;
	s7 =	simm.s32 @!p0 $0x108  }
0x21: {  	s3 =	sadd.s32 s3, s9;
	s6 =	sadd.s32 @!p0 $0x88, s6;
	s7 =	simm.s32 @p2 $0x1082  }
0x22: {  	[simem:s7], [sflag:s8] =	dma.local @!p0 [hbm:s6], $0xF7A  }
0x23: {  	s9 =	sor.u32 $0xD0000000, s2;
	s6 =	simm.s32 $0x108;
	_ =	swait.ge @!p0 [sflag:s8], $0x0  }
0x24: {  	s3 =	sadd.s32 $0x88, s3;
	s6 =	simm.s32 @!p1 $0x1082;
	[sflag:s4] =	ssyncset.s32 $0xFFFFF086  }
0x25: {  	[simem:s6], [sflag:s4] =	dma.local [hbm:s3], $0xF7A  }
0x26: {  	[smem:$0x3F9E] =	sst s1;
	(tag) =	ssettag s2;
	_ =	strace s9  }
0x27: {  	s1 =	sld [smem:$0x3FAE]  }
0x28: {  	s2 =	sld [smem:$0x3FAF]  }
0x29: {  	s4 =	sld [smem:$0x3FB1]  }
0x2a: {  	p0 =	seq.s32 s5, $0x0;
	s5 =	sld [smem:$0x3FB2]  }
0x2b: {  	s6 =	sld [smem:$0x3FB3]  }
0x2c: {  	s7 =	sld [smem:$0x3FB4]  }
0x2d: {  	s3 =	simm.s32 $0x108;
	s8 =	sld [smem:$0x3FB5]  }
0x2e: {  	s3 =	simm.s32 @!p0 $0x1082;
	s9 =	sld [smem:$0x3FB6]  }
0x2f: {  	lr =	sadd.s32 s0, s3;
	s0 =	sld [smem:$0x3FAD]  }
0x30: {  	s3 =	sld [smem:$0x3FB0]  }
0x31: {  	[smem:$0x3FB9] =	sst s10  }
0x32: {  	s10 =	sld [smem:$0x3FB7];
	_ =	sdelay $0x3  }
0x33: {  	p0 =	seq.s32 s10, $0x1;
	s10 =	sld [smem:$0x3FB9];
	_ =	sdelay $0x3  }
0x34: {  	[smem:$0x3FB9] =	sst s10  }
0x35: {  	s10 =	sld [smem:$0x3FB8];
	_ =	sdelay $0x3  }
0x36: {  	p1 =	seq.s32 s10, $0x1;
	s10 =	sld [smem:$0x3FB9];
	_ =	sdelay $0x3  }
0x37: {  	[smem:$0x3FB9] =	sst s10  }
0x38: {  	s10 =	sld [smem:$0x3FBA]  }
0x39: {  	_ = 	snop;
	(pc) =	sbr.ind lr, $3  }
0x3a: {  	_ = 	snop  }
0x3b: {  	_ = 	snop  }
0x3c: {  	p2 =	seq.s32 s10, $0x1;
	s10 =	sld [smem:$0x3FB9]  }
0x3d: {  	_ =	shalt  }
0x3e: {  	_ =	shalt  }
0x3f: {  	_ =	shalt  }
0x40: {  	_ =	shalt  }
0x41: {  	_ =	shalt  }
0x42: {  	_ =	shalt  }
0x43: {  	_ =	shalt  }
0x44: {  	_ =	shalt  }
0x45: {  	_ =	shalt  }
0x46: {  	_ =	shalt  }
0x47: {  	_ =	shalt  }
0x48: {  	_ =	shalt  }
0x49: {  	_ =	shalt  }
0x4a: {  	_ =	shalt  }
0x4b: {  	_ =	shalt  }
0x4c: {  	_ =	shalt  }
0x4d: {  	_ =	shalt  }
0x4e: {  	_ =	shalt  }
0x4f: {  	_ =	shalt  }
0x50: {  	_ =	shalt  }
0x51: {  	_ =	shalt  }
0x52: {  	_ =	shalt  }
0x53: {  	_ =	shalt  }
0x54: {  	_ =	shalt  }
0x55: {  	_ =	shalt  }
0x56: {  	_ =	shalt  }
0x57: {  	_ =	shalt  }
0x58: {  	_ =	shalt  }
0x59: {  	_ =	shalt  }
0x5a: {  	_ =	shalt  }
0x5b: {  	_ =	shalt  }
0x5c: {  	_ =	shalt  }
0x5d: {  	_ =	shalt  }
0x5e: {  	_ =	shalt  }
0x5f: {  	_ =	shalt  }
0x60: {  	_ =	shalt  }
0x61: {  	_ =	shalt  }
0x62: {  	_ =	shalt  }
0x63: {  	_ =	shalt  }
0x64: {  	_ =	shalt  }
0x65: {  	_ =	shalt  }
0x66: {  	_ =	shalt  }
0x67: {  	_ =	shalt  }
0x68: {  	_ =	shalt  }
0x69: {  	_ =	shalt  }
0x6a: {  	_ =	shalt  }
0x6b: {  	_ =	shalt  }
0x6c: {  	_ =	shalt  }
0x6d: {  	_ =	shalt  }
0x6e: {  	_ =	shalt  }
0x6f: {  	_ =	shalt  }
0x70: {  	_ =	shalt  }
0x71: {  	_ =	shalt  }
0x72: {  	_ =	shalt  }
0x73: {  	_ =	shalt  }
0x74: {  	_ =	shalt  }
0x75: {  	_ =	shalt  }
0x76: {  	_ =	shalt  }
0x77: {  	_ =	shalt  }
0x78: {  	_ =	shalt  }
0x79: {  	_ =	shalt  }
0x7a: {  	_ =	shalt  }
0x7b: {  	_ =	shalt  }
0x7c: {  	_ =	shalt  }
0x7d: {  	_ =	shalt  }
0x7e: {  	_ =	shalt  }
0x7f: {  	_ =	shalt  }
0x80: {  	_ =	shalt  }
0x81: {  	_ =	shalt  }
0x82: {  	_ =	shalt  }
0x83: {  	_ =	shalt  }
0x84: {  	_ =	shalt  }
0x85: {  	_ =	shalt  }
0x86: {  	_ =	shalt  }
0x87: {  	_ =	shalt  }
.Lfunc_end0:
.L_simem_size_0:
called_computation_lowered:
.L_overlay_start_0:
0x88: {  	s2 =	sld [smem:$0x3FD9]  }
0x89: {  	s3 =	sld [smem:$0x3FFE];
	_ =	sdelay $0x1  }
0x8a: {  	s1 =	srdreg.scid  }
0x8b: {  	s0 =	sand.u32 $0x1, s1  }
0x8c: {  	s16 =	sshll.u32 s0, $0xA;
	s2 =	sadd.s32 s3, s2  }
0x8d: {  	s2 =	sadd.s32 s2, s16  }
0x8e: {  	[smem:$0x3FC5] =	sst s2  }
0x8f: {  	_ = 	snop  }
0x90: {  	(tm) =	ssettm $0x1  }
0x91: {  	s17 =	sld [smem:$0x3FFB];
	_ =	sdelay $0x3  }
0x92: {  	_ =	strace s17  }
0x93: {  	s2 =	sld [smem:$0x3FFC];
	_ =	sdelay $0x3  }
0x94: {  	_ =	strace s2  }
0x95: {  	s2 =	sld [smem:$0x3FFD];
	_ =	sdelay $0x3  }
0x96: {  	_ =	strace s2  }
0x97: {  	_ =	strace $0x8FFFFFFF  }
0x98: {  	s18 =	sld [smem:$0x3FDB];
	_ =	sdelay $0x1  }
0x99: {  	s19 =	simm.s32 $_scs_section_size  }
0x9a: {  	s4 =	simm.s32 $_size__tile_overlayer_lowered;
	s5 =	simm.s32 $_tile_overlayer_lowered  }
0x9b: {  	s22 =	simm.s32 $0x1BFF;
	s21 =	sshll.u32 s5, $0x1;
	s2 =	sadd.s32 s19, s18  }
0x9c: {  	s6 =	simm.s32 $0x0;
	s20 =	sshll.u32 s4, $0x1;
	s4 =	sadd.s32 s21, s2  }
0x9d: {  	[timem:s6], [sflag:s22] =	dma.local [hbm:s4], s20  }
0x9e: {  	_ =	swait.ge [sflag:s22], s20  }
0x9f: {  	s3 =	ssub.s32 $0x0, s20;
	[sflag:s22] =	ssyncset.done $0x0  }
0xa0: {  	[sflag:s22] =	ssyncadd.s32 s3;
	_ =	sdelay $0x1  }
0xa1: {  	s23 =	simm.s32 $0x1B8B  }
0xa2: {  	_ =	swait.ge [sflag:s23], $0x1  }
0xa3: {  	[sflag:s23] =	ssyncset.done $0x0  }
0xa4: {  	s25 =	simm.s32 $0x1B8E;
	s24 =	sld [smem:$0x3FFE];
	[sflag:s23] =	ssyncadd.s32 $0xFFFFFFFF  }
0xa5: {  	s26 =	simm.s32 $execute0_lowered;
	[smem:$0x3FD2] =	sst s25  }
0xa6: {  	s4 =	sshll.u32 s26, $0x1;
	_ =	strace $0x80000046;
	[dreg:$0x1] =	wrdreg $0xFFFFFFFF  }
0xa7: {  	s28 =	simm.s32 $_size_execute0_lowered;
	s2 =	sadd.s32 s2, s4;
	[dreg:$0x0] =	wrdreg $0x0  }
0xa8: {  	s4 =	sshll.u32 s28, $0x1;
	[dreg:$0x2] =	wrdreg s2  }
0xa9: {  	[dreg:$0x3] =	wrdreg s4  }
0xaa: {  	[dreg:$0x4] =	wrdreg $0xC0  }
0xab: {  	_ =	task [dreg:s6], $0x5FFFF  }
0xac: {  	[dreg:$0x1] =	wrdreg $0xFFFFFFFF  }
0xad: {  	[dreg:$0x0] =	wrdreg $0x60  }
0xae: {  	[dreg:$0x2] =	wrdreg s24  }
0xaf: {  	[dreg:$0x3] =	wrdreg $0x9  }
0xb0: {  	_ =	task.clear_ibuf [dreg:s6], $0x4FFFF;
	_ =	strace $0x90000046  }
0xb1: {  	s29 =	simm.s32 $0x9;
	_ =	strace $0x80000048  }
0xb2: {  	_ =	swait.ge [sflag:s29], $0x1  }
0xb3: {  	[sflag:s29] =	ssyncadd.s32 $0xFFFFFFFF  }
0xb4: {  	_ =	strace $0x90000048  }
0xb5: {  	_ =	sfence  }
0xb6: {  	s30 =	sld [smem:$0x0];
	_ =	sdelay $0x2  }
0xb7: {  	s31 =	sshll.u32 s1, $0xD;
	s1 =	sshrl.u32 s1, $0x2  }
0xb8: {  	s3 =	sand.u32 $0x4000, s31;
	s1 =	sadd.s32 s1, s30  }
0xb9: {  	s0 =	sor.u32 s3, s0;
	s1 =	sshll.u32 s1, $0x11  }
0xba: {  	s0 =	sor.u32 s1, s0  }
0xbb: {  	s0 =	sadd.s32 $0x8F2B, s0  }
0xbc: {  	[sflag:s0] =	ssyncadd.remote.s32 $0x1  }
0xbd: {  	_ =	sfence.sel $0xFFFF  }
0xbe: {  	[dreg:$0x0] =	wrdreg $0xFFFFFFFF;
	(pc) =	sbr.abs _section_cstart, $3  }
0xbf: {  	[dreg:$0x1] =	wrdreg $0xFFFFFFFF  }
0xc0: {  	_ =	task.clear_ibuf [dreg:s6], $0x2FFFF;
	_ =	strace $0x9FFFFFFF  }
0xc1: {  	(tm) =	ssettm $0x7FFFFFFF  }
tec
execute0_lowered:
.L_overlay_start_1:
0x0: {  	(tag) =	ssettag $0x1  }
0x1: {  	s0 =	srdreg.scid;
	s4 =	stileid.u32  }
0x2: {  	s2 =	rddreg [dreg:$0x0];
	s3 =	simm.s32 $0x0;
	s5 =	simm.s32 $0x1  }
0x3: {  	s18 =	simm.s32 $0x2000;
	s19 =	simm.s32 $0x40000;
	s20 =	simm.s32 $0x8000  }
0x4: {  	s21 =	simm.s32 $0x10000;
	s22 =	simm.s32 $0x80;
	s0 =	sand.u32 $0x1, s0  }
0x5: {  	s23 =	simm.s32 $0x400;
	[smem:$0x7FF] =	sst s3;
	s1 =	sor.u32 s0, s4  }
0x6: {  	s3 =	sadd.s32 $0x182800, s2;
	p1 =	seq.s32 s0, $0x1;
	p0 =	seq.s32 s1, $0x0  }
0x7: {  	_ =	strace $0x80000047;
	s25 =	ssub.s32 $0x2, s0;
	p0 =	por !p0, !p1  }
0x8: {  	s9 =	sshll.u32 s0, $0x11;
	s1 =	simm.s32 $0x1;
	p0 =	por !p0, !p0  }
0x9: {  	s12 =	sshll.u32 s0, $0xB;
	s0 =	sshll.u32 s0, $0x14;
	s1 =	simm.s32 @!p0 $0x0  }
0xa: {  	s26 =	sshrl.u32 s25, $0x1;
	s30 =	sor.u32 $0x1D000, s12;
	s1 =	ssub.s32 s4, s1  }
0xb: {  	s4 =	sadd.s32 $0x382800, s2;
	s6 =	sshll.u32 s1, $0xF;
	s7 =	sshll.u32 s1, $0xA  }
0xc: {  	s29 =	sshll.u32 s1, $0x14;
	s13 =	sshll.u32 s1, $0x12;
	s1 =	sshll.u32 s1, $0x7  }
0xd: {  	s6 =	sand.u32 $0x1FFF8000, s6;
	s24 =	sand.u32 $0x1FFFFC00, s7;
	s9 =	sor.u32 s29, s9  }
0xe: {  	s15 =	sand.u32 $0xFFE00000, s13;
	s1 =	sand.u32 $0x380, s1;
	s14 =	sadd.s32 s6, s2  }
0xf: {  	s8 =	sadd.s32 s24, s2;
	s6 =	sadd.s32 $0x6800, s2;
	s2 =	ssub.s32 s25, s26  }
.Ltmp0:
0x10: {  	s0 =	sor.u32 s15, s0;
	s24 =	simm.s32 $0x1B000;
	(pc) =	sbr.rel .LBB2_1-.Ltmp0, $4  }
0x11: {  	s28 =	sadd.s32 $0x2800, s8;
	s8 =	sadd.s32 $0x102800, s14;
	s10 =	sadd.s32 $0x103D80, s14  }
0x12: {  	s25 =	simm.s32 $0x0;
	s11 =	sadd.s32 $0x105300, s14;
	s12 =	sadd.s32 $0x106880, s14  }
0x13: {  	s13 =	sadd.s32 $0x107E00, s14;
	s31 =	smax.u32 s2, $0x1;
	[dreg:$0x2] =	wrdreg s28  }
0x14: {  	v0 =	vimm.f32 $0.0e+00;
	v1 =	vmov s30;
	s14 =	sadd.s32 $0x109380, s14;
	s15 =	sor.u32 s1, s0;
	[dreg:$0x3] =	wrdreg s31  }
.LBB2_29:
0x15: {  	s25 =	sadd.s32 $0x1, s25;
	s0 =	rddreg [dreg:$0x3]  }
0x16: {  	p0 =	sne.s32 s25, s0  }
.Ltmp1:
0x17: {  	_ = 	snop;
	(pc) =	sbr.rel @!p0 .LBB2_30-.Ltmp1, $1  }
0x18: {  	_ =	sdelay $0x3  }
.LBB2_1:
0x19: {  	s0 =	simm.s32 $0x0  }
.Ltmp2:
0x1a: {  	s1 =	rddreg [dreg:$0x2];
	s2 =	simm.s32 $0x1D000;
	(pc) =	sbr.rel .LBB2_2-.Ltmp2, $4  }
0x1b: {  	[tilespmem:s2], [sflag:$0x1] =	stream.linear.gather [hbm4b:s1+s0], $0x2000, $0x38;
	[tilespmem:$0x1F000] =	vst v63  }
0x1c: {  	_ =	swait.ge [sflag:s5], $0x2000  }
0x1d: {  	[sflag:s5] =	ssyncset.done $0x0  }
0x1e: {  	s26 =	simm.s32 $0x0;
	[sflag:s5] =	ssyncadd.s32 $0xFFFFE000  }
.LBB2_28:
0x1f: {  	s0 =	sshll.u32 s26, $0x10  }
0x20: {  	s26 =	sadd.s32 $0x1, s26;
	s0 =	sadd.s32 s15, s0  }
0x21: {  	p0 =	sne.s32 s26, $0x10;
	s0 =	sshrl.u32 s0, $0x3  }
.Ltmp3:
0x22: {  	s0 =	sadd.s32 s6, s0;
	(pc) =	sbr.rel @!p0 .LBB2_29-.Ltmp3, $4  }
0x23: {  	[hbm4b:s0+s22] =	stream.strided.scatter [tilespmem:s24], [sflag:$0x1], $0x2000, s23, s22, $0x38;
	[tilespmem:$0x1F000] =	vst v63  }
0x24: {  	_ =	swait.ge [sflag:s5], $0x2000  }
0x25: {  	[sflag:s5] =	ssyncset.done $0x0  }
0x26: {  	[sflag:s5] =	ssyncadd.s32 $0xFFFFE000  }
.LBB2_2:
0x27: {  	s0 =	sshll.u32 s26, $0xD  }
0x28: {  	s0 =	sadd.s32 s9, s0  }
0x29: {  	s0 =	sshrl.u32 s0, $0x3  }
0x2a: {  	s2 =	simm.s32 $0x0;
	s1 =	sadd.s32 s3, s0  }
0x2b: {  	[tilespmem:s2], [sflag:$0x1] =	stream.strided.gather [hbm4b:s1+s18], $0x8000, s19, s18, $0x38;
	[tilespmem:$0x1F000] =	vst v63  }
0x2c: {  	_ =	swait.ge [sflag:s5], $0x8000  }
0x2d: {  	[sflag:s5] =	ssyncset.done $0x0  }
0x2e: {  	s0 =	sadd.s32 s4, s0;
	[sflag:s5] =	ssyncadd.s32 $0xFFFF8000  }
0x2f: {  	[tilespmem:s20], [sflag:$0x1] =	stream.strided.gather [hbm4b:s0+s18], $0x8000, s19, s18, $0x38;
	[tilespmem:$0x1F000] =	vst v63  }
0x30: {  	_ =	swait.ge [sflag:s5], $0x8000  }
0x31: {  	[sflag:s5] =	ssyncset.done $0x0  }
0x32: {  	s1 =	simm.s32 $0x0;
	s0 =	simm.s32 $0x40;
	[sflag:s5] =	ssyncadd.s32 $0xFFFF8000  }
.LBB2_3:
0x33: {  	p0 =	sne.s32 s0, $0x7FC0;
	[tilespmem:s1+$0x1B000] =	vst v0;
	s1 =	smov.u32 s0;
	s0 =	sadd.s32 $0x40, s0  }
.Ltmp4:
0x34: {  	(pc) =	sbr.rel @p0 .LBB2_3-.Ltmp4, $2  }
0x35: {  	_ =	sdelay $0x2  }
0x36: {  	s1 =	sshra.s32 s1, $0x2  }
0x37: {  	_ =	sdelay $0x1  }
0x38: {  	s0 =	sshll.u32 s26, $0x7  }
0x39: {  	[tilespmem:s1+$0x1B000] =	vst v0;
	s0 =	sand.u32 $0x3FFFFF80, s0  }
0x3a: {  	v2 =	vld.idx.msk [tilespmem:v1+s0+$0x0 ss:$0x1], $0xffff;
	_ =	sdelay $0x1  }
0x3b: {  	v3 =	vld.idx.msk [tilespmem:v1+s0+$0x1000 ss:$0x1], $0xffff;
	_ =	sdelay $0x2  }
0x3c: {  	(v2sf) =	vpush v2, $0x0;
	_ =	sdelay $0x1  }
0x3d: {  	(v2sf) =	vpush v3, $0x0;
	_ =	sdelay $0xc  }
0x3e: {  	s28 =	spop (v2sf)  }
0x3f: {  	p0 =	slt.f32 s28, $8.600000000e+01  }
0x40: {  	s29 =	spop (v2sf)  }
0x41: {  	p1 =	sge.f32 @p0 s29, $0.0e+00;
	_ =	sdelay $0x1  }
0x42: {  	p0 =	por !p0, !p1  }
.Ltmp5:
0x43: {  	_ = 	snop;
	(pc) =	sbr.rel @p0 .LBB2_8-.Ltmp5, $1  }
0x44: {  	_ =	sdelay $0x3  }
0x45: {  	s0 =	simm.s32 $0x0;
	s1 =	simm.s32 $0x0  }
0x46: {  	[tilespmem:s21], [sflag:$0x1] =	stream.linear.gather [hbm4b:s8+s0], $0xB000, $0x38;
	[tilespmem:$0x1F000] =	vst v63  }
0x47: {  	s7 =	simm.s32 $0x0;
	s2 =	sand.u32 $0x70, s0;
	s0 =	sand.u32 $0xC00, s0  }
0x48: {  	s1 =	sand.u32 $0x1000, s1;
	_ =	swait.ge [sflag:s5], $0xB000;
	s0 =	sor.u32 s0, s2  }
0x49: {  	s17 =	sand.u32 $0x380, s7;
	[sflag:s5] =	ssyncset.done $0x0;
	s0 =	sor.u32 s1, s0  }
0x4a: {  	[sflag:s5] =	ssyncadd.s32 $0xFFFF5000;
	s0 =	sor.u32 s17, s0  }
0x4b: {  	v2 =	vld [tilespmem:s0+$0x0];
	_ =	sdelay $0x1  }
0x4c: {  	v3 =	vld [tilespmem:s0+$0x2000];
	_ =	sdelay $0x1  }
0x4d: {  	v4 =	vld [tilespmem:s0+$0x4000]  }
0x4e: {  	vm0 =	vgt.s32 v2, $0x0  }
0x4f: {  	v5 =	vld [tilespmem:s0+$0x6000];
	v6 =	vnsel vm0, $0x0, v2  }
0x50: {  	vm8 =	vgt.s32 v3, $0x0;
	v6 =	vmin.u32 v6, $0xAFFF  }
0x51: {  	v3 =	vnsel vm8, $0x0, v3  }
0x52: {  	vm9 =	vgt.s32 v4, $0x0;
	v3 =	vmin.u32 v3, $0xAFFF  }
0x53: {  	v4 =	vnsel vm9, $0x0, v4  }
0x54: {  	v7 =	vld [tilespmem:s0+$0x8000];
	vm10 =	vgt.s32 v5, $0x0;
	v4 =	vmin.u32 v4, $0xAFFF  }
0x55: {  	v5 =	vnsel vm10, $0x0, v5;
	v6 =	vld.idx.msk [tilespmem:v6+s21+$0x0], $0xffff  }
0x56: {  	v8 =	vld [tilespmem:s0+$0xA000];
	v5 =	vmin.u32 v5, $0xAFFF  }
0x57: {  	v3 =	vld.idx.msk [tilespmem:v3+s21+$0x0], $0xffff  }
0x58: {  	v9 =	vld [tilespmem:s0+$0xC000]  }
0x59: {  	v4 =	vld.idx.msk [tilespmem:v4+s21+$0x0], $0xffff  }
0x5a: {  	v58 =	vld [tilespmem:s0+$0xE000];
	v6 =	vmul.f32 v6, v7  }
0x5b: {  	v5 =	vld.idx.msk [tilespmem:v5+s21+$0x0], $0xffff  }
0x5c: {  	v3 =	vmul.f32 v3, v8;
	v6 =	vadd.f32 $0.0e+00, v6;
	_ =	sdelay $0x1  }
0x5d: {  	v4 =	vmul.f32 v4, v9;
	v3 =	vadd.f32 v3, v6;
	_ =	sdelay $0x1  }
0x5e: {  	v3 =	vadd.f32 v4, v3;
	v4 =	vmul.f32 v5, v58  }
0x5f: {  	s2 =	simm.s32 $0x80;
	s1 =	simm.s32 $0x10  }
0x60: {  	s7 =	simm.s32 $0x10;
	s0 =	sand.u32 $0x70, s1;
	s1 =	sand.u32 $0xC00, s2;
	v3 =	vadd.f32 v4, v3  }
0x61: {  	s16 =	simm.s32 $0x4;
	s2 =	sand.u32 $0x1000, s7;
	s0 =	sor.u32 s1, s0;
	vm11 =	vlt.u32 v2, $0xAC00  }
0x62: {  	s30 =	simm.s32 $0x1B000;
	s17 =	sand.u32 $0x380, s16;
	s0 =	sor.u32 s2, s0;
	v2 =	vnsel vm11, $0x0, v3  }
0x63: {  	s0 =	sor.u32 s17, s0;
	[tilespmem:s30+$0x0] =	vst.add.f32.msk $0xffff, v2  }
0x64: {  	v2 =	vld [tilespmem:s0+$0x0];
	_ =	sdelay $0x1  }
0x65: {  	v3 =	vld [tilespmem:s0+$0x2000];
	_ =	sdelay $0x1  }
0x66: {  	v4 =	vld [tilespmem:s0+$0x4000]  }
0x67: {  	vm12 =	vgt.s32 v2, $0x0  }
0x68: {  	v5 =	vld [tilespmem:s0+$0x6000];
	v59 =	vnsel vm12, $0x0, v2  }
0x69: {  	vm13 =	vgt.s32 v3, $0x0;
	v6 =	vmin.u32 v59, $0xAFFF  }
0x6a: {  	v3 =	vnsel vm13, $0x0, v3  }
0x6b: {  	vm14 =	vgt.s32 v4, $0x0;
	v3 =	vmin.u32 v3, $0xAFFF  }
0x6c: {  	v4 =	vnsel vm14, $0x0, v4  }
0x6d: {  	v60 =	vld [tilespmem:s0+$0x8000];
	vm15 =	vgt.s32 v5, $0x0;
	v4 =	vmin.u32 v4, $0xAFFF  }
0x6e: {  	v5 =	vnsel vm15, $0x0, v5;
	v6 =	vld.idx.msk [tilespmem:v6+s21+$0x0], $0xffff  }
0x6f: {  	v61 =	vld [tilespmem:s0+$0xA000];
	v5 =	vmin.u32 v5, $0xAFFF  }
0x70: {  	v3 =	vld.idx.msk [tilespmem:v3+s21+$0x0], $0xffff  }
0x71: {  	v62 =	vld [tilespmem:s0+$0xC000]  }
0x72: {  	v4 =	vld.idx.msk [tilespmem:v4+s21+$0x0], $0xffff  }
0x73: {  	v63 =	vld [tilespmem:s0+$0xE000];
	v6 =	vmul.f32 v6, v60  }
0x74: {  	v5 =	vld.idx.msk [tilespmem:v5+s21+$0x0], $0xffff  }
0x75: {  	v3 =	vmul.f32 v3, v61;
	v6 =	vadd.f32 $0.0e+00, v6;
	_ =	sdelay $0x1  }
0x76: {  	v4 =	vmul.f32 v4, v62;
	v3 =	vadd.f32 v3, v6;
	_ =	sdelay $0x1  }
0x77: {  	s31 =	simm.s32 $0x3;
	v3 =	vadd.f32 v4, v3;
	v4 =	vmul.f32 v5, v63  }
0x78: {  	s1 =	simm.s32 $0x100;
	s2 =	simm.s32 $0x20;
	s0 =	simm.s32 $0x20  }
0x79: {  	s16 =	sand.u32 $0xC00, s1;
	s17 =	simm.s32 $0x8;
	s7 =	sand.u32 $0x70, s0;
	v3 =	vadd.f32 v4, v3  }
.LBB2_6:
0x7a: {  	p0 =	sne.s32 s31, $0x1FF;
	s2 =	sand.u32 $0x1000, s2;
	s7 =	sor.u32 s16, s7;
	vm0 =	vlt.u32 v2, $0xAC00  }
0x7b: {  	s16 =	sand.u32 $0x380, s17;
	s30 =	sadd.s32 $0x10, s30;
	s2 =	sor.u32 s2, s7;
	v2 =	vnsel vm0, $0x0, v3  }
0x7c: {  	s2 =	sor.u32 s16, s2;
	[tilespmem:s30+$0x0] =	vst.add.f32.msk $0xffff, v2  }
0x7d: {  	v2 =	vld [tilespmem:s2+$0x0];
	_ =	sdelay $0x1  }
0x7e: {  	v3 =	vld [tilespmem:s2+$0x2000];
	_ =	sdelay $0x1  }
0x7f: {  	v4 =	vld [tilespmem:s2+$0x4000]  }
0x80: {  	vm0 =	vgt.s32 v2, $0x0  }
0x81: {  	v5 =	vld [tilespmem:s2+$0x6000];
	v6 =	vnsel vm0, $0x0, v2  }
0x82: {  	v6 =	vmin.u32 v6, $0xAFFF;
	vm0 =	vgt.s32 v3, $0x0  }
0x83: {  	v3 =	vnsel vm0, $0x0, v3  }
0x84: {  	v3 =	vmin.u32 v3, $0xAFFF;
	vm0 =	vgt.s32 v4, $0x0  }
0x85: {  	v4 =	vnsel vm0, $0x0, v4  }
0x86: {  	v4 =	vmin.u32 v4, $0xAFFF;
	vm0 =	vgt.s32 v5, $0x0  }
0x87: {  	v6 =	vld.idx.msk [tilespmem:v6+s21+$0x0], $0xffff;
	v5 =	vnsel vm0, $0x0, v5  }
0x88: {  	v7 =	vld [tilespmem:s2+$0x8000];
	v5 =	vmin.u32 v5, $0xAFFF  }
0x89: {  	v3 =	vld.idx.msk [tilespmem:v3+s21+$0x0], $0xffff  }
0x8a: {  	v8 =	vld [tilespmem:s2+$0xA000]  }
0x8b: {  	v4 =	vld.idx.msk [tilespmem:v4+s21+$0x0], $0xffff  }
0x8c: {  	v9 =	vld [tilespmem:s2+$0xC000]  }
0x8d: {  	v6 =	vmul.f32 v6, v7;
	v5 =	vld.idx.msk [tilespmem:v5+s21+$0x0], $0xffff  }
0x8e: {  	v7 =	vld [tilespmem:s2+$0xE000]  }
0x8f: {  	v6 =	vadd.f32 $0.0e+00, v6;
	v3 =	vmul.f32 v3, v8;
	_ =	sdelay $0x1  }
.Ltmp6:
0x90: {  	v3 =	vadd.f32 v3, v6;
	v4 =	vmul.f32 v4, v9;
	(pc) =	sbr.rel @p0 .LBB2_6-.Ltmp6, $4  }
0x91: {  	_ = 	snop  }
0x92: {  	s0 =	sadd.s32 $0x10, s0;
	v3 =	vadd.f32 v4, v3;
	v4 =	vmul.f32 v5, v7  }
0x93: {  	s17 =	sshll.u32 s31, $0x2;
	s1 =	sadd.s32 $0x80, s1;
	s2 =	sshll.u32 s31, $0x4  }
0x94: {  	s7 =	sand.u32 $0x70, s0;
	s16 =	sand.u32 $0xC00, s1;
	s31 =	sadd.s32 $0x1, s31;
	v3 =	vadd.f32 v4, v3  }
0x95: {  	s0 =	sand.u32 $0x1000, s2;
	s1 =	sor.u32 s16, s7;
	vm0 =	vlt.u32 v2, $0xAC00  }
0x96: {  	s17 =	sand.u32 $0x380, s17;
	s30 =	sadd.s32 $0x10, s30;
	s0 =	sor.u32 s0, s1;
	v2 =	vnsel vm0, $0x0, v3  }
0x97: {  	s0 =	sor.u32 s17, s0;
	[tilespmem:s30+$0x0] =	vst.add.f32.msk $0xffff, v2  }
0x98: {  	v2 =	vld [tilespmem:s0+$0x0];
	_ =	sdelay $0x1  }
0x99: {  	v3 =	vld [tilespmem:s0+$0x2000];
	_ =	sdelay $0x1  }
0x9a: {  	v4 =	vld [tilespmem:s0+$0x4000]  }
0x9b: {  	vm11 =	vgt.s32 v2, $0x0  }
0x9c: {  	v5 =	vld [tilespmem:s0+$0x6000];
	v6 =	vnsel vm11, $0x0, v2  }
0x9d: {  	vm12 =	vgt.s32 v3, $0x0;
	v6 =	vmin.u32 v6, $0xAFFF  }
0x9e: {  	v3 =	vnsel vm12, $0x0, v3  }
0x9f: {  	vm13 =	vgt.s32 v4, $0x0;
	v3 =	vmin.u32 v3, $0xAFFF  }
0xa0: {  	v4 =	vnsel vm13, $0x0, v4  }
0xa1: {  	v7 =	vld [tilespmem:s0+$0x8000];
	vm14 =	vgt.s32 v5, $0x0;
	v4 =	vmin.u32 v4, $0xAFFF  }
0xa2: {  	v5 =	vnsel vm14, $0x0, v5;
	v6 =	vld.idx.msk [tilespmem:v6+s21+$0x0], $0xffff  }
0xa3: {  	v8 =	vld [tilespmem:s0+$0xA000];
	v5 =	vmin.u32 v5, $0xAFFF  }
0xa4: {  	v3 =	vld.idx.msk [tilespmem:v3+s21+$0x0], $0xffff  }
0xa5: {  	v9 =	vld [tilespmem:s0+$0xC000]  }
0xa6: {  	v4 =	vld.idx.msk [tilespmem:v4+s21+$0x0], $0xffff  }
0xa7: {  	v62 =	vld [tilespmem:s0+$0xE000];
	v6 =	vmul.f32 v6, v7  }
0xa8: {  	v5 =	vld.idx.msk [tilespmem:v5+s21+$0x0], $0xffff  }
0xa9: {  	v3 =	vmul.f32 v3, v8;
	v6 =	vadd.f32 $0.0e+00, v6;
	_ =	sdelay $0x1  }
0xaa: {  	v4 =	vmul.f32 v4, v9;
	v3 =	vadd.f32 v3, v6;
	_ =	sdelay $0x1  }
0xab: {  	v63 =	vmul.f32 v5, v62;
	v3 =	vadd.f32 v4, v3;
	_ =	sdelay $0x1  }
0xac: {  	v3 =	vadd.f32 v63, v3  }
0xad: {  	vm15 =	vlt.u32 v2, $0xAC00  }
0xae: {  	s31 =	sadd.s32 $0x10, s30;
	v2 =	vnsel vm15, $0x0, v3  }
0xaf: {  	[tilespmem:s31+$0x0] =	vst.add.f32.msk $0xffff, v2  }
.LBB2_8:
0xb0: {  	p0 =	slt.f32 s28, $1.720000000e+02;
	_ =	sdelay $0x1  }
0xb1: {  	p1 =	sge.f32 @p0 s29, $8.600000000e+01;
	_ =	sdelay $0x1  }
0xb2: {  	p0 =	por !p0, !p1  }
.Ltmp7:
0xb3: {  	_ = 	snop;
	(pc) =	sbr.rel @p0 .LBB2_12-.Ltmp7, $1  }
0xb4: {  	_ =	sdelay $0x3  }
0xb5: {  	s0 =	simm.s32 $0x0;
	s1 =	simm.s32 $0x0  }
0xb6: {  	[tilespmem:s21], [sflag:$0x1] =	stream.linear.gather [hbm4b:s10+s0], $0xB000, $0x38;
	[tilespmem:$0x1F000] =	vst v63  }
0xb7: {  	s7 =	simm.s32 $0x0;
	s2 =	sand.u32 $0x70, s0;
	s0 =	sand.u32 $0xC00, s0  }
0xb8: {  	s1 =	sand.u32 $0x1000, s1;
	_ =	swait.ge [sflag:s5], $0xB000;
	s0 =	sor.u32 s0, s2  }
0xb9: {  	s17 =	sand.u32 $0x380, s7;
	[sflag:s5] =	ssyncset.done $0x0;
	s0 =	sor.u32 s1, s0  }
0xba: {  	[sflag:s5] =	ssyncadd.s32 $0xFFFF5000;
	s0 =	sor.u32 s17, s0  }
0xbb: {  	v2 =	vld [tilespmem:s0+$0x0];
	_ =	sdelay $0x1  }
0xbc: {  	v3 =	vld [tilespmem:s0+$0x2000];
	_ =	sdelay $0x1  }
0xbd: {  	v4 =	vld [tilespmem:s0+$0x4000]  }
0xbe: {  	v5 =	vadd.s32 $0xFFFF5400, v2  }
0xbf: {  	v6 =	vld [tilespmem:s0+$0x6000];
	vm0 =	vgt.s32 v5, $0x0  }
0xc0: {  	v3 =	vadd.s32 $0xFFFF5400, v3;
	v5 =	vnsel vm0, $0x0, v5  }
0xc1: {  	vm8 =	vgt.s32 v3, $0x0;
	v5 =	vmin.u32 v5, $0xAFFF  }
0xc2: {  	v4 =	vadd.s32 $0xFFFF5400, v4;
	v3 =	vnsel vm8, $0x0, v3  }
0xc3: {  	vm9 =	vgt.s32 v4, $0x0;
	v3 =	vmin.u32 v3, $0xAFFF  }
0xc4: {  	v6 =	vadd.s32 $0xFFFF5400, v6;
	v4 =	vnsel vm9, $0x0, v4  }
0xc5: {  	v7 =	vld [tilespmem:s0+$0x8000];
	vm10 =	vgt.s32 v6, $0x0;
	v4 =	vmin.u32 v4, $0xAFFF  }
0xc6: {  	v6 =	vnsel vm10, $0x0, v6;
	v5 =	vld.idx.msk [tilespmem:v5+s21+$0x0], $0xffff  }
0xc7: {  	v8 =	vld [tilespmem:s0+$0xA000];
	v6 =	vmin.u32 v6, $0xAFFF  }
0xc8: {  	v3 =	vld.idx.msk [tilespmem:v3+s21+$0x0], $0xffff  }
0xc9: {  	v9 =	vld [tilespmem:s0+$0xC000]  }
0xca: {  	v4 =	vld.idx.msk [tilespmem:v4+s21+$0x0], $0xffff  }
0xcb: {  	v58 =	vld [tilespmem:s0+$0xE000];
	v5 =	vmul.f32 v5, v7  }
0xcc: {  	v6 =	vld.idx.msk [tilespmem:v6+s21+$0x0], $0xffff  }
0xcd: {  	v3 =	vmul.f32 v3, v8;
	v5 =	vadd.f32 $0.0e+00, v5;
	_ =	sdelay $0x1  }
0xce: {  	v4 =	vmul.f32 v4, v9;
	v3 =	vadd.f32 v3, v5;
	_ =	sdelay $0x1  }
0xcf: {  	v3 =	vadd.f32 v4, v3;
	v4 =	vmul.f32 v6, v58  }
0xd0: {  	s2 =	simm.s32 $0x80;
	s1 =	simm.s32 $0x10;
	v2 =	vshra.s32 v2, $0x9  }
0xd1: {  	s7 =	simm.s32 $0x10;
	s0 =	sand.u32 $0x70, s1;
	s1 =	sand.u32 $0xC00, s2;
	v2 =	vadd.s32 $0xFFFFFFAA, v2;
	v3 =	vadd.f32 v4, v3  }
0xd2: {  	s16 =	simm.s32 $0x4;
	s2 =	sand.u32 $0x1000, s7;
	s0 =	sor.u32 s1, s0;
	vm11 =	vlt.u32 v2, $0x56  }
0xd3: {  	s30 =	simm.s32 $0x1B000;
	s17 =	sand.u32 $0x380, s16;
	s0 =	sor.u32 s2, s0;
	v2 =	vnsel vm11, $0x0, v3  }
0xd4: {  	s0 =	sor.u32 s17, s0;
	[tilespmem:s30+$0x0] =	vst.add.f32.msk $0xffff, v2  }
0xd5: {  	v2 =	vld [tilespmem:s0+$0x0];
	_ =	sdelay $0x1  }
0xd6: {  	v3 =	vld [tilespmem:s0+$0x2000];
	_ =	sdelay $0x1  }
0xd7: {  	v4 =	vld [tilespmem:s0+$0x4000]  }
0xd8: {  	v5 =	vadd.s32 $0xFFFF5400, v2  }
0xd9: {  	v59 =	vld [tilespmem:s0+$0x6000];
	vm12 =	vgt.s32 v5, $0x0  }
0xda: {  	v3 =	vadd.s32 $0xFFFF5400, v3;
	v5 =	vnsel vm12, $0x0, v5  }
0xdb: {  	vm13 =	vgt.s32 v3, $0x0;
	v5 =	vmin.u32 v5, $0xAFFF  }
0xdc: {  	v4 =	vadd.s32 $0xFFFF5400, v4;
	v3 =	vnsel vm13, $0x0, v3  }
0xdd: {  	vm14 =	vgt.s32 v4, $0x0;
	v3 =	vmin.u32 v3, $0xAFFF  }
0xde: {  	v6 =	vadd.s32 $0xFFFF5400, v59;
	v4 =	vnsel vm14, $0x0, v4  }
0xdf: {  	v60 =	vld [tilespmem:s0+$0x8000];
	vm15 =	vgt.s32 v6, $0x0;
	v4 =	vmin.u32 v4, $0xAFFF  }
0xe0: {  	v6 =	vnsel vm15, $0x0, v6;
	v5 =	vld.idx.msk [tilespmem:v5+s21+$0x0], $0xffff  }
0xe1: {  	v61 =	vld [tilespmem:s0+$0xA000];
	v6 =	vmin.u32 v6, $0xAFFF  }
0xe2: {  	v3 =	vld.idx.msk [tilespmem:v3+s21+$0x0], $0xffff  }
0xe3: {  	v62 =	vld [tilespmem:s0+$0xC000]  }
0xe4: {  	v4 =	vld.idx.msk [tilespmem:v4+s21+$0x0], $0xffff  }
0xe5: {  	v63 =	vld [tilespmem:s0+$0xE000];
	v5 =	vmul.f32 v5, v60  }
0xe6: {  	v6 =	vld.idx.msk [tilespmem:v6+s21+$0x0], $0xffff  }
0xe7: {  	v3 =	vmul.f32 v3, v61;
	v5 =	vadd.f32 $0.0e+00, v5;
	_ =	sdelay $0x1  }
0xe8: {  	v4 =	vmul.f32 v4, v62;
	v3 =	vadd.f32 v3, v5;
	_ =	sdelay $0x1  }
0xe9: {  	s31 =	simm.s32 $0x20;
	v5 =	vmul.f32 v6, v63;
	v4 =	vadd.f32 v4, v3  }
0xea: {  	s7 =	sand.u32 $0x70, s31;
	s1 =	simm.s32 $0x100;
	s2 =	simm.s32 $0x20;
	v2 =	vshra.s32 v2, $0x9  }
0xeb: {  	s16 =	sand.u32 $0xC00, s1;
	s17 =	simm.s32 $0x8;
	s0 =	simm.s32 $0x3;
	v3 =	vadd.s32 $0xFFFFFFAA, v2;
	v2 =	vadd.f32 v5, v4  }
.LBB2_10:
0xec: {  	p0 =	sne.s32 s0, $0x1FF;
	s2 =	sand.u32 $0x1000, s2;
	s7 =	sor.u32 s16, s7;
	vm0 =	vlt.u32 v3, $0x56  }
0xed: {  	s16 =	sand.u32 $0x380, s17;
	s30 =	sadd.s32 $0x10, s30;
	s2 =	sor.u32 s2, s7;
	v2 =	vnsel vm0, $0x0, v2  }
0xee: {  	s2 =	sor.u32 s16, s2;
	[tilespmem:s30+$0x0] =	vst.add.f32.msk $0xffff, v2  }
0xef: {  	v2 =	vld [tilespmem:s2+$0x0];
	_ =	sdelay $0x1  }
0xf0: {  	v3 =	vld [tilespmem:s2+$0x2000];
	_ =	sdelay $0x1  }
0xf1: {  	v4 =	vld [tilespmem:s2+$0x4000]  }
0xf2: {  	v5 =	vadd.s32 $0xFFFF5400, v2  }
0xf3: {  	v6 =	vld [tilespmem:s2+$0x6000];
	vm0 =	vgt.s32 v5, $0x0  }
0xf4: {  	v5 =	vnsel vm0, $0x0, v5;
	v3 =	vadd.s32 $0xFFFF5400, v3  }
0xf5: {  	v5 =	vmin.u32 v5, $0xAFFF;
	vm0 =	vgt.s32 v3, $0x0  }
0xf6: {  	v3 =	vnsel vm0, $0x0, v3;
	v4 =	vadd.s32 $0xFFFF5400, v4  }
0xf7: {  	v3 =	vmin.u32 v3, $0xAFFF;
	vm0 =	vgt.s32 v4, $0x0  }
0xf8: {  	v4 =	vnsel vm0, $0x0, v4;
	v6 =	vadd.s32 $0xFFFF5400, v6  }
0xf9: {  	v4 =	vmin.u32 v4, $0xAFFF;
	vm0 =	vgt.s32 v6, $0x0  }
0xfa: {  	v5 =	vld.idx.msk [tilespmem:v5+s21+$0x0], $0xffff;
	v6 =	vnsel vm0, $0x0, v6  }
0xfb: {  	v7 =	vld [tilespmem:s2+$0x8000];
	v6 =	vmin.u32 v6, $0xAFFF  }
0xfc: {  	v3 =	vld.idx.msk [tilespmem:v3+s21+$0x0], $0xffff  }
0xfd: {  	v8 =	vld [tilespmem:s2+$0xA000]  }
0xfe: {  	v4 =	vld.idx.msk [tilespmem:v4+s21+$0x0], $0xffff  }
0xff: {  	v9 =	vld [tilespmem:s2+$0xC000]  }
0x100: {  	v5 =	vmul.f32 v5, v7;
	v6 =	vld.idx.msk [tilespmem:v6+s21+$0x0], $0xffff  }
0x101: {  	v7 =	vld [tilespmem:s2+$0xE000]  }
0x102: {  	v5 =	vadd.f32 $0.0e+00, v5;
	v3 =	vmul.f32 v3, v8;
	_ =	sdelay $0x1  }
.Ltmp8:
0x103: {  	v3 =	vadd.f32 v3, v5;
	v4 =	vmul.f32 v4, v9;
	(pc) =	sbr.rel @p0 .LBB2_10-.Ltmp8, $4  }
0x104: {  	_ = 	snop  }
0x105: {  	s31 =	sadd.s32 $0x10, s31;
	v4 =	vadd.f32 v4, v3;
	v5 =	vmul.f32 v6, v7  }
0x106: {  	s17 =	sshll.u32 s0, $0x2;
	s1 =	sadd.s32 $0x80, s1;
	v2 =	vshra.s32 v2, $0x9;
	s2 =	sshll.u32 s0, $0x4  }
0x107: {  	s7 =	sand.u32 $0x70, s31;
	s16 =	sand.u32 $0xC00, s1;
	s0 =	sadd.s32 $0x1, s0;
	v3 =	vadd.s32 $0xFFFFFFAA, v2;
	v2 =	vadd.f32 v5, v4  }
0x108: {  	s0 =	sand.u32 $0x1000, s2;
	s1 =	sor.u32 s16, s7;
	vm0 =	vlt.u32 v3, $0x56  }
0x109: {  	s17 =	sand.u32 $0x380, s17;
	s30 =	sadd.s32 $0x10, s30;
	s0 =	sor.u32 s0, s1;
	v2 =	vnsel vm0, $0x0, v2  }
0x10a: {  	s0 =	sor.u32 s17, s0;
	[tilespmem:s30+$0x0] =	vst.add.f32.msk $0xffff, v2  }
0x10b: {  	v2 =	vld [tilespmem:s0+$0x0];
	_ =	sdelay $0x1  }
0x10c: {  	v3 =	vld [tilespmem:s0+$0x2000];
	_ =	sdelay $0x1  }
0x10d: {  	v4 =	vld [tilespmem:s0+$0x4000]  }
0x10e: {  	v5 =	vadd.s32 $0xFFFF5400, v2  }
0x10f: {  	v6 =	vld [tilespmem:s0+$0x6000];
	vm11 =	vgt.s32 v5, $0x0  }
0x110: {  	v3 =	vadd.s32 $0xFFFF5400, v3;
	v5 =	vnsel vm11, $0x0, v5  }
0x111: {  	vm12 =	vgt.s32 v3, $0x0;
	v5 =	vmin.u32 v5, $0xAFFF  }
0x112: {  	v4 =	vadd.s32 $0xFFFF5400, v4;
	v3 =	vnsel vm12, $0x0, v3  }
0x113: {  	vm13 =	vgt.s32 v4, $0x0;
	v3 =	vmin.u32 v3, $0xAFFF  }
0x114: {  	v6 =	vadd.s32 $0xFFFF5400, v6;
	v4 =	vnsel vm13, $0x0, v4  }
0x115: {  	v7 =	vld [tilespmem:s0+$0x8000];
	vm14 =	vgt.s32 v6, $0x0;
	v4 =	vmin.u32 v4, $0xAFFF  }
0x116: {  	v6 =	vnsel vm14, $0x0, v6;
	v5 =	vld.idx.msk [tilespmem:v5+s21+$0x0], $0xffff  }
0x117: {  	v8 =	vld [tilespmem:s0+$0xA000];
	v6 =	vmin.u32 v6, $0xAFFF  }
0x118: {  	v3 =	vld.idx.msk [tilespmem:v3+s21+$0x0], $0xffff  }
0x119: {  	v9 =	vld [tilespmem:s0+$0xC000]  }
0x11a: {  	v4 =	vld.idx.msk [tilespmem:v4+s21+$0x0], $0xffff  }
0x11b: {  	v62 =	vld [tilespmem:s0+$0xE000];
	v5 =	vmul.f32 v5, v7  }
0x11c: {  	v6 =	vld.idx.msk [tilespmem:v6+s21+$0x0], $0xffff  }
0x11d: {  	v3 =	vmul.f32 v3, v8;
	v5 =	vadd.f32 $0.0e+00, v5;
	_ =	sdelay $0x1  }
0x11e: {  	v4 =	vmul.f32 v4, v9;
	v3 =	vadd.f32 v3, v5;
	_ =	sdelay $0x1  }
0x11f: {  	v63 =	vmul.f32 v6, v62;
	v3 =	vadd.f32 v4, v3  }
0x120: {  	v2 =	vshra.s32 v2, $0x9  }
0x121: {  	v2 =	vadd.s32 $0xFFFFFFAA, v2;
	v3 =	vadd.f32 v63, v3  }
0x122: {  	vm15 =	vlt.u32 v2, $0x56  }
0x123: {  	s31 =	sadd.s32 $0x10, s30;
	v2 =	vnsel vm15, $0x0, v3  }
0x124: {  	[tilespmem:s31+$0x0] =	vst.add.f32.msk $0xffff, v2  }
.LBB2_12:
0x125: {  	p0 =	slt.f32 s28, $2.580000000e+02;
	_ =	sdelay $0x1  }
0x126: {  	p1 =	sge.f32 @p0 s29, $1.720000000e+02;
	_ =	sdelay $0x1  }
0x127: {  	p0 =	por !p0, !p1  }
.Ltmp9:
0x128: {  	_ = 	snop;
	(pc) =	sbr.rel @p0 .LBB2_16-.Ltmp9, $1  }
0x129: {  	_ =	sdelay $0x3  }
0x12a: {  	s0 =	simm.s32 $0x0;
	s1 =	simm.s32 $0x0  }
0x12b: {  	[tilespmem:s21], [sflag:$0x1] =	stream.linear.gather [hbm4b:s11+s0], $0xB000, $0x38;
	[tilespmem:$0x1F000] =	vst v63  }
0x12c: {  	s7 =	simm.s32 $0x0;
	s2 =	sand.u32 $0x70, s0;
	s0 =	sand.u32 $0xC00, s0  }
0x12d: {  	s1 =	sand.u32 $0x1000, s1;
	_ =	swait.ge [sflag:s5], $0xB000;
	s0 =	sor.u32 s0, s2  }
0x12e: {  	s17 =	sand.u32 $0x380, s7;
	[sflag:s5] =	ssyncset.done $0x0;
	s0 =	sor.u32 s1, s0  }
0x12f: {  	[sflag:s5] =	ssyncadd.s32 $0xFFFF5000;
	s0 =	sor.u32 s17, s0  }
0x130: {  	v2 =	vld [tilespmem:s0+$0x0];
	_ =	sdelay $0x1  }
0x131: {  	v3 =	vld [tilespmem:s0+$0x2000];
	_ =	sdelay $0x1  }
0x132: {  	v4 =	vld [tilespmem:s0+$0x4000]  }
0x133: {  	v5 =	vadd.s32 $0xFFFEA800, v2  }
0x134: {  	v6 =	vld [tilespmem:s0+$0x6000];
	vm0 =	vgt.s32 v5, $0x0  }
0x135: {  	v3 =	vadd.s32 $0xFFFEA800, v3;
	v5 =	vnsel vm0, $0x0, v5  }
0x136: {  	vm8 =	vgt.s32 v3, $0x0;
	v5 =	vmin.u32 v5, $0xAFFF  }
0x137: {  	v4 =	vadd.s32 $0xFFFEA800, v4;
	v3 =	vnsel vm8, $0x0, v3  }
0x138: {  	vm9 =	vgt.s32 v4, $0x0;
	v3 =	vmin.u32 v3, $0xAFFF  }
0x139: {  	v6 =	vadd.s32 $0xFFFEA800, v6;
	v4 =	vnsel vm9, $0x0, v4  }
0x13a: {  	v7 =	vld [tilespmem:s0+$0x8000];
	vm10 =	vgt.s32 v6, $0x0;
	v4 =	vmin.u32 v4, $0xAFFF  }
0x13b: {  	v6 =	vnsel vm10, $0x0, v6;
	v5 =	vld.idx.msk [tilespmem:v5+s21+$0x0], $0xffff  }
0x13c: {  	v8 =	vld [tilespmem:s0+$0xA000];
	v6 =	vmin.u32 v6, $0xAFFF  }
0x13d: {  	v3 =	vld.idx.msk [tilespmem:v3+s21+$0x0], $0xffff  }
0x13e: {  	v9 =	vld [tilespmem:s0+$0xC000]  }
0x13f: {  	v4 =	vld.idx.msk [tilespmem:v4+s21+$0x0], $0xffff  }
0x140: {  	v58 =	vld [tilespmem:s0+$0xE000];
	v5 =	vmul.f32 v5, v7  }
0x141: {  	v6 =	vld.idx.msk [tilespmem:v6+s21+$0x0], $0xffff  }
0x142: {  	v3 =	vmul.f32 v3, v8;
	v5 =	vadd.f32 $0.0e+00, v5;
	_ =	sdelay $0x1  }
0x143: {  	v4 =	vmul.f32 v4, v9;
	v3 =	vadd.f32 v3, v5;
	_ =	sdelay $0x1  }
0x144: {  	v3 =	vadd.f32 v4, v3;
	v4 =	vmul.f32 v6, v58  }
0x145: {  	s2 =	simm.s32 $0x80;
	s1 =	simm.s32 $0x10;
	v2 =	vshra.s32 v2, $0x9  }
0x146: {  	s7 =	simm.s32 $0x10;
	s0 =	sand.u32 $0x70, s1;
	s1 =	sand.u32 $0xC00, s2;
	v2 =	vadd.s32 $0xFFFFFF54, v2;
	v3 =	vadd.f32 v4, v3  }
0x147: {  	s16 =	simm.s32 $0x4;
	s2 =	sand.u32 $0x1000, s7;
	s0 =	sor.u32 s1, s0;
	vm11 =	vlt.u32 v2, $0x56  }
0x148: {  	s30 =	simm.s32 $0x1B000;
	s17 =	sand.u32 $0x380, s16;
	s0 =	sor.u32 s2, s0;
	v2 =	vnsel vm11, $0x0, v3  }
0x149: {  	s0 =	sor.u32 s17, s0;
	[tilespmem:s30+$0x0] =	vst.add.f32.msk $0xffff, v2  }
0x14a: {  	v2 =	vld [tilespmem:s0+$0x0];
	_ =	sdelay $0x1  }
0x14b: {  	v3 =	vld [tilespmem:s0+$0x2000];
	_ =	sdelay $0x1  }
0x14c: {  	v4 =	vld [tilespmem:s0+$0x4000]  }
0x14d: {  	v5 =	vadd.s32 $0xFFFEA800, v2  }
0x14e: {  	v59 =	vld [tilespmem:s0+$0x6000];
	vm12 =	vgt.s32 v5, $0x0  }
0x14f: {  	v3 =	vadd.s32 $0xFFFEA800, v3;
	v5 =	vnsel vm12, $0x0, v5  }
0x150: {  	vm13 =	vgt.s32 v3, $0x0;
	v5 =	vmin.u32 v5, $0xAFFF  }
0x151: {  	v4 =	vadd.s32 $0xFFFEA800, v4;
	v3 =	vnsel vm13, $0x0, v3  }
0x152: {  	vm14 =	vgt.s32 v4, $0x0;
	v3 =	vmin.u32 v3, $0xAFFF  }
0x153: {  	v6 =	vadd.s32 $0xFFFEA800, v59;
	v4 =	vnsel vm14, $0x0, v4  }
0x154: {  	v60 =	vld [tilespmem:s0+$0x8000];
	vm15 =	vgt.s32 v6, $0x0;
	v4 =	vmin.u32 v4, $0xAFFF  }
0x155: {  	v6 =	vnsel vm15, $0x0, v6;
	v5 =	vld.idx.msk [tilespmem:v5+s21+$0x0], $0xffff  }
0x156: {  	v61 =	vld [tilespmem:s0+$0xA000];
	v6 =	vmin.u32 v6, $0xAFFF  }
0x157: {  	v3 =	vld.idx.msk [tilespmem:v3+s21+$0x0], $0xffff  }
0x158: {  	v62 =	vld [tilespmem:s0+$0xC000]  }
0x159: {  	v4 =	vld.idx.msk [tilespmem:v4+s21+$0x0], $0xffff  }
0x15a: {  	v63 =	vld [tilespmem:s0+$0xE000];
	v5 =	vmul.f32 v5, v60  }
0x15b: {  	v6 =	vld.idx.msk [tilespmem:v6+s21+$0x0], $0xffff  }
0x15c: {  	v3 =	vmul.f32 v3, v61;
	v5 =	vadd.f32 $0.0e+00, v5;
	_ =	sdelay $0x1  }
0x15d: {  	v4 =	vmul.f32 v4, v62;
	v3 =	vadd.f32 v3, v5;
	_ =	sdelay $0x1  }
0x15e: {  	s31 =	simm.s32 $0x20;
	v5 =	vmul.f32 v6, v63;
	v4 =	vadd.f32 v4, v3  }
0x15f: {  	s7 =	sand.u32 $0x70, s31;
	s1 =	simm.s32 $0x100;
	s2 =	simm.s32 $0x20;
	v2 =	vshra.s32 v2, $0x9  }
0x160: {  	s16 =	sand.u32 $0xC00, s1;
	s17 =	simm.s32 $0x8;
	s0 =	simm.s32 $0x3;
	v3 =	vadd.s32 $0xFFFFFF54, v2;
	v2 =	vadd.f32 v5, v4  }
.LBB2_14:
0x161: {  	p0 =	sne.s32 s0, $0x1FF;
	s2 =	sand.u32 $0x1000, s2;
	s7 =	sor.u32 s16, s7;
	vm0 =	vlt.u32 v3, $0x56  }
0x162: {  	s16 =	sand.u32 $0x380, s17;
	s30 =	sadd.s32 $0x10, s30;
	s2 =	sor.u32 s2, s7;
	v2 =	vnsel vm0, $0x0, v2  }
0x163: {  	s2 =	sor.u32 s16, s2;
	[tilespmem:s30+$0x0] =	vst.add.f32.msk $0xffff, v2  }
0x164: {  	v2 =	vld [tilespmem:s2+$0x0];
	_ =	sdelay $0x1  }
0x165: {  	v3 =	vld [tilespmem:s2+$0x2000];
	_ =	sdelay $0x1  }
0x166: {  	v4 =	vld [tilespmem:s2+$0x4000]  }
0x167: {  	v5 =	vadd.s32 $0xFFFEA800, v2  }
0x168: {  	v6 =	vld [tilespmem:s2+$0x6000];
	vm0 =	vgt.s32 v5, $0x0  }
0x169: {  	v5 =	vnsel vm0, $0x0, v5;
	v3 =	vadd.s32 $0xFFFEA800, v3  }
0x16a: {  	v5 =	vmin.u32 v5, $0xAFFF;
	vm0 =	vgt.s32 v3, $0x0  }
0x16b: {  	v3 =	vnsel vm0, $0x0, v3;
	v4 =	vadd.s32 $0xFFFEA800, v4  }
0x16c: {  	v3 =	vmin.u32 v3, $0xAFFF;
	vm0 =	vgt.s32 v4, $0x0  }
0x16d: {  	v4 =	vnsel vm0, $0x0, v4;
	v6 =	vadd.s32 $0xFFFEA800, v6  }
0x16e: {  	v4 =	vmin.u32 v4, $0xAFFF;
	vm0 =	vgt.s32 v6, $0x0  }
0x16f: {  	v5 =	vld.idx.msk [tilespmem:v5+s21+$0x0], $0xffff;
	v6 =	vnsel vm0, $0x0, v6  }
0x170: {  	v7 =	vld [tilespmem:s2+$0x8000];
	v6 =	vmin.u32 v6, $0xAFFF  }
0x171: {  	v3 =	vld.idx.msk [tilespmem:v3+s21+$0x0], $0xffff  }
0x172: {  	v8 =	vld [tilespmem:s2+$0xA000]  }
0x173: {  	v4 =	vld.idx.msk [tilespmem:v4+s21+$0x0], $0xffff  }
0x174: {  	v9 =	vld [tilespmem:s2+$0xC000]  }
0x175: {  	v5 =	vmul.f32 v5, v7;
	v6 =	vld.idx.msk [tilespmem:v6+s21+$0x0], $0xffff  }
0x176: {  	v7 =	vld [tilespmem:s2+$0xE000]  }
0x177: {  	v5 =	vadd.f32 $0.0e+00, v5;
	v3 =	vmul.f32 v3, v8;
	_ =	sdelay $0x1  }
.Ltmp10:
0x178: {  	v3 =	vadd.f32 v3, v5;
	v4 =	vmul.f32 v4, v9;
	(pc) =	sbr.rel @p0 .LBB2_14-.Ltmp10, $4  }
0x179: {  	_ = 	snop  }
0x17a: {  	s31 =	sadd.s32 $0x10, s31;
	v4 =	vadd.f32 v4, v3;
	v5 =	vmul.f32 v6, v7  }
0x17b: {  	s17 =	sshll.u32 s0, $0x2;
	s1 =	sadd.s32 $0x80, s1;
	v2 =	vshra.s32 v2, $0x9;
	s2 =	sshll.u32 s0, $0x4  }
0x17c: {  	s7 =	sand.u32 $0x70, s31;
	s16 =	sand.u32 $0xC00, s1;
	s0 =	sadd.s32 $0x1, s0;
	v3 =	vadd.s32 $0xFFFFFF54, v2;
	v2 =	vadd.f32 v5, v4  }
0x17d: {  	s0 =	sand.u32 $0x1000, s2;
	s1 =	sor.u32 s16, s7;
	vm0 =	vlt.u32 v3, $0x56  }
0x17e: {  	s17 =	sand.u32 $0x380, s17;
	s30 =	sadd.s32 $0x10, s30;
	s0 =	sor.u32 s0, s1;
	v2 =	vnsel vm0, $0x0, v2  }
0x17f: {  	s0 =	sor.u32 s17, s0;
	[tilespmem:s30+$0x0] =	vst.add.f32.msk $0xffff, v2  }
0x180: {  	v2 =	vld [tilespmem:s0+$0x0];
	_ =	sdelay $0x1  }
0x181: {  	v3 =	vld [tilespmem:s0+$0x2000];
	_ =	sdelay $0x1  }
0x182: {  	v4 =	vld [tilespmem:s0+$0x4000]  }
0x183: {  	v5 =	vadd.s32 $0xFFFEA800, v2  }
0x184: {  	v6 =	vld [tilespmem:s0+$0x6000];
	vm11 =	vgt.s32 v5, $0x0  }
0x185: {  	v3 =	vadd.s32 $0xFFFEA800, v3;
	v5 =	vnsel vm11, $0x0, v5  }
0x186: {  	vm12 =	vgt.s32 v3, $0x0;
	v5 =	vmin.u32 v5, $0xAFFF  }
0x187: {  	v4 =	vadd.s32 $0xFFFEA800, v4;
	v3 =	vnsel vm12, $0x0, v3  }
0x188: {  	vm13 =	vgt.s32 v4, $0x0;
	v3 =	vmin.u32 v3, $0xAFFF  }
0x189: {  	v6 =	vadd.s32 $0xFFFEA800, v6;
	v4 =	vnsel vm13, $0x0, v4  }
0x18a: {  	v7 =	vld [tilespmem:s0+$0x8000];
	vm14 =	vgt.s32 v6, $0x0;
	v4 =	vmin.u32 v4, $0xAFFF  }
0x18b: {  	v6 =	vnsel vm14, $0x0, v6;
	v5 =	vld.idx.msk [tilespmem:v5+s21+$0x0], $0xffff  }
0x18c: {  	v8 =	vld [tilespmem:s0+$0xA000];
	v6 =	vmin.u32 v6, $0xAFFF  }
0x18d: {  	v3 =	vld.idx.msk [tilespmem:v3+s21+$0x0], $0xffff  }
0x18e: {  	v9 =	vld [tilespmem:s0+$0xC000]  }
0x18f: {  	v4 =	vld.idx.msk [tilespmem:v4+s21+$0x0], $0xffff  }
0x190: {  	v62 =	vld [tilespmem:s0+$0xE000];
	v5 =	vmul.f32 v5, v7  }
0x191: {  	v6 =	vld.idx.msk [tilespmem:v6+s21+$0x0], $0xffff  }
0x192: {  	v3 =	vmul.f32 v3, v8;
	v5 =	vadd.f32 $0.0e+00, v5;
	_ =	sdelay $0x1  }
0x193: {  	v4 =	vmul.f32 v4, v9;
	v3 =	vadd.f32 v3, v5;
	_ =	sdelay $0x1  }
0x194: {  	v63 =	vmul.f32 v6, v62;
	v3 =	vadd.f32 v4, v3  }
0x195: {  	v2 =	vshra.s32 v2, $0x9  }
0x196: {  	v2 =	vadd.s32 $0xFFFFFF54, v2;
	v3 =	vadd.f32 v63, v3  }
0x197: {  	vm15 =	vlt.u32 v2, $0x56  }
0x198: {  	s31 =	sadd.s32 $0x10, s30;
	v2 =	vnsel vm15, $0x0, v3  }
0x199: {  	[tilespmem:s31+$0x0] =	vst.add.f32.msk $0xffff, v2  }
.LBB2_16:
0x19a: {  	p0 =	slt.f32 s28, $3.440000000e+02;
	_ =	sdelay $0x1  }
0x19b: {  	p1 =	sge.f32 @p0 s29, $2.580000000e+02;
	_ =	sdelay $0x1  }
0x19c: {  	p0 =	por !p0, !p1  }
.Ltmp11:
0x19d: {  	_ = 	snop;
	(pc) =	sbr.rel @p0 .LBB2_20-.Ltmp11, $1  }
0x19e: {  	_ =	sdelay $0x3  }
0x19f: {  	s0 =	simm.s32 $0x0;
	s1 =	simm.s32 $0x0  }
0x1a0: {  	[tilespmem:s21], [sflag:$0x1] =	stream.linear.gather [hbm4b:s12+s0], $0xB000, $0x38;
	[tilespmem:$0x1F000] =	vst v63  }
0x1a1: {  	s7 =	simm.s32 $0x0;
	s2 =	sand.u32 $0x70, s0;
	s0 =	sand.u32 $0xC00, s0  }
0x1a2: {  	s1 =	sand.u32 $0x1000, s1;
	_ =	swait.ge [sflag:s5], $0xB000;
	s0 =	sor.u32 s0, s2  }
0x1a3: {  	s17 =	sand.u32 $0x380, s7;
	[sflag:s5] =	ssyncset.done $0x0;
	s0 =	sor.u32 s1, s0  }
0x1a4: {  	[sflag:s5] =	ssyncadd.s32 $0xFFFF5000;
	s0 =	sor.u32 s17, s0  }
0x1a5: {  	v2 =	vld [tilespmem:s0+$0x0];
	_ =	sdelay $0x1  }
0x1a6: {  	v3 =	vld [tilespmem:s0+$0x2000];
	_ =	sdelay $0x1  }
0x1a7: {  	v4 =	vld [tilespmem:s0+$0x4000]  }
0x1a8: {  	v5 =	vadd.s32 $0xFFFDFC00, v2  }
0x1a9: {  	v6 =	vld [tilespmem:s0+$0x6000];
	vm0 =	vgt.s32 v5, $0x0  }
0x1aa: {  	v3 =	vadd.s32 $0xFFFDFC00, v3;
	v5 =	vnsel vm0, $0x0, v5  }
0x1ab: {  	vm8 =	vgt.s32 v3, $0x0;
	v5 =	vmin.u32 v5, $0xAFFF  }
0x1ac: {  	v4 =	vadd.s32 $0xFFFDFC00, v4;
	v3 =	vnsel vm8, $0x0, v3  }
0x1ad: {  	vm9 =	vgt.s32 v4, $0x0;
	v3 =	vmin.u32 v3, $0xAFFF  }
0x1ae: {  	v6 =	vadd.s32 $0xFFFDFC00, v6;
	v4 =	vnsel vm9, $0x0, v4  }
0x1af: {  	v7 =	vld [tilespmem:s0+$0x8000];
	vm10 =	vgt.s32 v6, $0x0;
	v4 =	vmin.u32 v4, $0xAFFF  }
0x1b0: {  	v6 =	vnsel vm10, $0x0, v6;
	v5 =	vld.idx.msk [tilespmem:v5+s21+$0x0], $0xffff  }
0x1b1: {  	v8 =	vld [tilespmem:s0+$0xA000];
	v6 =	vmin.u32 v6, $0xAFFF  }
0x1b2: {  	v3 =	vld.idx.msk [tilespmem:v3+s21+$0x0], $0xffff  }
0x1b3: {  	v9 =	vld [tilespmem:s0+$0xC000]  }
0x1b4: {  	v4 =	vld.idx.msk [tilespmem:v4+s21+$0x0], $0xffff  }
0x1b5: {  	v58 =	vld [tilespmem:s0+$0xE000];
	v5 =	vmul.f32 v5, v7  }
0x1b6: {  	v6 =	vld.idx.msk [tilespmem:v6+s21+$0x0], $0xffff  }
0x1b7: {  	v3 =	vmul.f32 v3, v8;
	v5 =	vadd.f32 $0.0e+00, v5;
	_ =	sdelay $0x1  }
0x1b8: {  	v4 =	vmul.f32 v4, v9;
	v3 =	vadd.f32 v3, v5;
	_ =	sdelay $0x1  }
0x1b9: {  	v3 =	vadd.f32 v4, v3;
	v4 =	vmul.f32 v6, v58  }
0x1ba: {  	s2 =	simm.s32 $0x80;
	s1 =	simm.s32 $0x10;
	v2 =	vshra.s32 v2, $0x9  }
0x1bb: {  	s7 =	simm.s32 $0x10;
	s0 =	sand.u32 $0x70, s1;
	s1 =	sand.u32 $0xC00, s2;
	v2 =	vadd.s32 $0xFFFFFEFE, v2;
	v3 =	vadd.f32 v4, v3  }
0x1bc: {  	s16 =	simm.s32 $0x4;
	s2 =	sand.u32 $0x1000, s7;
	s0 =	sor.u32 s1, s0;
	vm11 =	vlt.u32 v2, $0x56  }
0x1bd: {  	s30 =	simm.s32 $0x1B000;
	s17 =	sand.u32 $0x380, s16;
	s0 =	sor.u32 s2, s0;
	v2 =	vnsel vm11, $0x0, v3  }
0x1be: {  	s0 =	sor.u32 s17, s0;
	[tilespmem:s30+$0x0] =	vst.add.f32.msk $0xffff, v2  }
0x1bf: {  	v2 =	vld [tilespmem:s0+$0x0];
	_ =	sdelay $0x1  }
0x1c0: {  	v3 =	vld [tilespmem:s0+$0x2000];
	_ =	sdelay $0x1  }
0x1c1: {  	v4 =	vld [tilespmem:s0+$0x4000]  }
0x1c2: {  	v5 =	vadd.s32 $0xFFFDFC00, v2  }
0x1c3: {  	v59 =	vld [tilespmem:s0+$0x6000];
	vm12 =	vgt.s32 v5, $0x0  }
0x1c4: {  	v3 =	vadd.s32 $0xFFFDFC00, v3;
	v5 =	vnsel vm12, $0x0, v5  }
0x1c5: {  	vm13 =	vgt.s32 v3, $0x0;
	v5 =	vmin.u32 v5, $0xAFFF  }
0x1c6: {  	v4 =	vadd.s32 $0xFFFDFC00, v4;
	v3 =	vnsel vm13, $0x0, v3  }
0x1c7: {  	vm14 =	vgt.s32 v4, $0x0;
	v3 =	vmin.u32 v3, $0xAFFF  }
0x1c8: {  	v6 =	vadd.s32 $0xFFFDFC00, v59;
	v4 =	vnsel vm14, $0x0, v4  }
0x1c9: {  	v60 =	vld [tilespmem:s0+$0x8000];
	vm15 =	vgt.s32 v6, $0x0;
	v4 =	vmin.u32 v4, $0xAFFF  }
0x1ca: {  	v6 =	vnsel vm15, $0x0, v6;
	v5 =	vld.idx.msk [tilespmem:v5+s21+$0x0], $0xffff  }
0x1cb: {  	v61 =	vld [tilespmem:s0+$0xA000];
	v6 =	vmin.u32 v6, $0xAFFF  }
0x1cc: {  	v3 =	vld.idx.msk [tilespmem:v3+s21+$0x0], $0xffff  }
0x1cd: {  	v62 =	vld [tilespmem:s0+$0xC000]  }
0x1ce: {  	v4 =	vld.idx.msk [tilespmem:v4+s21+$0x0], $0xffff  }
0x1cf: {  	v63 =	vld [tilespmem:s0+$0xE000];
	v5 =	vmul.f32 v5, v60  }
0x1d0: {  	v6 =	vld.idx.msk [tilespmem:v6+s21+$0x0], $0xffff  }
0x1d1: {  	v3 =	vmul.f32 v3, v61;
	v5 =	vadd.f32 $0.0e+00, v5;
	_ =	sdelay $0x1  }
0x1d2: {  	v4 =	vmul.f32 v4, v62;
	v3 =	vadd.f32 v3, v5;
	_ =	sdelay $0x1  }
0x1d3: {  	s31 =	simm.s32 $0x20;
	v5 =	vmul.f32 v6, v63;
	v4 =	vadd.f32 v4, v3  }
0x1d4: {  	s7 =	sand.u32 $0x70, s31;
	s1 =	simm.s32 $0x100;
	s2 =	simm.s32 $0x20;
	v2 =	vshra.s32 v2, $0x9  }
0x1d5: {  	s16 =	sand.u32 $0xC00, s1;
	s17 =	simm.s32 $0x8;
	s0 =	simm.s32 $0x3;
	v3 =	vadd.s32 $0xFFFFFEFE, v2;
	v2 =	vadd.f32 v5, v4  }
.LBB2_18:
0x1d6: {  	p0 =	sne.s32 s0, $0x1FF;
	s2 =	sand.u32 $0x1000, s2;
	s7 =	sor.u32 s16, s7;
	vm0 =	vlt.u32 v3, $0x56  }
0x1d7: {  	s16 =	sand.u32 $0x380, s17;
	s30 =	sadd.s32 $0x10, s30;
	s2 =	sor.u32 s2, s7;
	v2 =	vnsel vm0, $0x0, v2  }
0x1d8: {  	s2 =	sor.u32 s16, s2;
	[tilespmem:s30+$0x0] =	vst.add.f32.msk $0xffff, v2  }
0x1d9: {  	v2 =	vld [tilespmem:s2+$0x0];
	_ =	sdelay $0x1  }
0x1da: {  	v3 =	vld [tilespmem:s2+$0x2000];
	_ =	sdelay $0x1  }
0x1db: {  	v4 =	vld [tilespmem:s2+$0x4000]  }
0x1dc: {  	v5 =	vadd.s32 $0xFFFDFC00, v2  }
0x1dd: {  	v6 =	vld [tilespmem:s2+$0x6000];
	vm0 =	vgt.s32 v5, $0x0  }
0x1de: {  	v5 =	vnsel vm0, $0x0, v5;
	v3 =	vadd.s32 $0xFFFDFC00, v3  }
0x1df: {  	v5 =	vmin.u32 v5, $0xAFFF;
	vm0 =	vgt.s32 v3, $0x0  }
0x1e0: {  	v3 =	vnsel vm0, $0x0, v3;
	v4 =	vadd.s32 $0xFFFDFC00, v4  }
0x1e1: {  	v3 =	vmin.u32 v3, $0xAFFF;
	vm0 =	vgt.s32 v4, $0x0  }
0x1e2: {  	v4 =	vnsel vm0, $0x0, v4;
	v6 =	vadd.s32 $0xFFFDFC00, v6  }
0x1e3: {  	v4 =	vmin.u32 v4, $0xAFFF;
	vm0 =	vgt.s32 v6, $0x0  }
0x1e4: {  	v5 =	vld.idx.msk [tilespmem:v5+s21+$0x0], $0xffff;
	v6 =	vnsel vm0, $0x0, v6  }
0x1e5: {  	v7 =	vld [tilespmem:s2+$0x8000];
	v6 =	vmin.u32 v6, $0xAFFF  }
0x1e6: {  	v3 =	vld.idx.msk [tilespmem:v3+s21+$0x0], $0xffff  }
0x1e7: {  	v8 =	vld [tilespmem:s2+$0xA000]  }
0x1e8: {  	v4 =	vld.idx.msk [tilespmem:v4+s21+$0x0], $0xffff  }
0x1e9: {  	v9 =	vld [tilespmem:s2+$0xC000]  }
0x1ea: {  	v5 =	vmul.f32 v5, v7;
	v6 =	vld.idx.msk [tilespmem:v6+s21+$0x0], $0xffff  }
0x1eb: {  	v7 =	vld [tilespmem:s2+$0xE000]  }
0x1ec: {  	v5 =	vadd.f32 $0.0e+00, v5;
	v3 =	vmul.f32 v3, v8;
	_ =	sdelay $0x1  }
.Ltmp12:
0x1ed: {  	v3 =	vadd.f32 v3, v5;
	v4 =	vmul.f32 v4, v9;
	(pc) =	sbr.rel @p0 .LBB2_18-.Ltmp12, $4  }
0x1ee: {  	_ = 	snop  }
0x1ef: {  	s31 =	sadd.s32 $0x10, s31;
	v4 =	vadd.f32 v4, v3;
	v5 =	vmul.f32 v6, v7  }
0x1f0: {  	s17 =	sshll.u32 s0, $0x2;
	s1 =	sadd.s32 $0x80, s1;
	v2 =	vshra.s32 v2, $0x9;
	s2 =	sshll.u32 s0, $0x4  }
0x1f1: {  	s7 =	sand.u32 $0x70, s31;
	s16 =	sand.u32 $0xC00, s1;
	s0 =	sadd.s32 $0x1, s0;
	v3 =	vadd.s32 $0xFFFFFEFE, v2;
	v2 =	vadd.f32 v5, v4  }
0x1f2: {  	s0 =	sand.u32 $0x1000, s2;
	s1 =	sor.u32 s16, s7;
	vm0 =	vlt.u32 v3, $0x56  }
0x1f3: {  	s17 =	sand.u32 $0x380, s17;
	s30 =	sadd.s32 $0x10, s30;
	s0 =	sor.u32 s0, s1;
	v2 =	vnsel vm0, $0x0, v2  }
0x1f4: {  	s0 =	sor.u32 s17, s0;
	[tilespmem:s30+$0x0] =	vst.add.f32.msk $0xffff, v2  }
0x1f5: {  	v2 =	vld [tilespmem:s0+$0x0];
	_ =	sdelay $0x1  }
0x1f6: {  	v3 =	vld [tilespmem:s0+$0x2000];
	_ =	sdelay $0x1  }
0x1f7: {  	v4 =	vld [tilespmem:s0+$0x4000]  }
0x1f8: {  	v5 =	vadd.s32 $0xFFFDFC00, v2  }
0x1f9: {  	v6 =	vld [tilespmem:s0+$0x6000];
	vm11 =	vgt.s32 v5, $0x0  }
0x1fa: {  	v3 =	vadd.s32 $0xFFFDFC00, v3;
	v5 =	vnsel vm11, $0x0, v5  }
0x1fb: {  	vm12 =	vgt.s32 v3, $0x0;
	v5 =	vmin.u32 v5, $0xAFFF  }
0x1fc: {  	v4 =	vadd.s32 $0xFFFDFC00, v4;
	v3 =	vnsel vm12, $0x0, v3  }
0x1fd: {  	vm13 =	vgt.s32 v4, $0x0;
	v3 =	vmin.u32 v3, $0xAFFF  }
0x1fe: {  	v6 =	vadd.s32 $0xFFFDFC00, v6;
	v4 =	vnsel vm13, $0x0, v4  }
0x1ff: {  	v7 =	vld [tilespmem:s0+$0x8000];
	vm14 =	vgt.s32 v6, $0x0;
	v4 =	vmin.u32 v4, $0xAFFF  }
0x200: {  	v6 =	vnsel vm14, $0x0, v6;
	v5 =	vld.idx.msk [tilespmem:v5+s21+$0x0], $0xffff  }
0x201: {  	v8 =	vld [tilespmem:s0+$0xA000];
	v6 =	vmin.u32 v6, $0xAFFF  }
0x202: {  	v3 =	vld.idx.msk [tilespmem:v3+s21+$0x0], $0xffff  }
0x203: {  	v9 =	vld [tilespmem:s0+$0xC000]  }
0x204: {  	v4 =	vld.idx.msk [tilespmem:v4+s21+$0x0], $0xffff  }
0x205: {  	v62 =	vld [tilespmem:s0+$0xE000];
	v5 =	vmul.f32 v5, v7  }
0x206: {  	v6 =	vld.idx.msk [tilespmem:v6+s21+$0x0], $0xffff  }
0x207: {  	v3 =	vmul.f32 v3, v8;
	v5 =	vadd.f32 $0.0e+00, v5;
	_ =	sdelay $0x1  }
0x208: {  	v4 =	vmul.f32 v4, v9;
	v3 =	vadd.f32 v3, v5;
	_ =	sdelay $0x1  }
0x209: {  	v63 =	vmul.f32 v6, v62;
	v3 =	vadd.f32 v4, v3  }
0x20a: {  	v2 =	vshra.s32 v2, $0x9  }
0x20b: {  	v2 =	vadd.s32 $0xFFFFFEFE, v2;
	v3 =	vadd.f32 v63, v3  }
0x20c: {  	vm15 =	vlt.u32 v2, $0x56  }
0x20d: {  	s31 =	sadd.s32 $0x10, s30;
	v2 =	vnsel vm15, $0x0, v3  }
0x20e: {  	[tilespmem:s31+$0x0] =	vst.add.f32.msk $0xffff, v2  }
.LBB2_20:
0x20f: {  	p0 =	slt.f32 s28, $4.300000000e+02;
	_ =	sdelay $0x1  }
0x210: {  	p1 =	sge.f32 @p0 s29, $3.440000000e+02;
	_ =	sdelay $0x1  }
0x211: {  	p0 =	por !p0, !p1  }
.Ltmp13:
0x212: {  	_ = 	snop;
	(pc) =	sbr.rel @p0 .LBB2_24-.Ltmp13, $1  }
0x213: {  	_ =	sdelay $0x3  }
0x214: {  	s0 =	simm.s32 $0x0;
	s1 =	simm.s32 $0x0  }
0x215: {  	[tilespmem:s21], [sflag:$0x1] =	stream.linear.gather [hbm4b:s13+s0], $0xB000, $0x38;
	[tilespmem:$0x1F000] =	vst v63  }
0x216: {  	s7 =	simm.s32 $0x0;
	s2 =	sand.u32 $0x70, s0;
	s0 =	sand.u32 $0xC00, s0  }
0x217: {  	s1 =	sand.u32 $0x1000, s1;
	_ =	swait.ge [sflag:s5], $0xB000;
	s0 =	sor.u32 s0, s2  }
0x218: {  	s17 =	sand.u32 $0x380, s7;
	[sflag:s5] =	ssyncset.done $0x0;
	s0 =	sor.u32 s1, s0  }
0x219: {  	[sflag:s5] =	ssyncadd.s32 $0xFFFF5000;
	s0 =	sor.u32 s17, s0  }
0x21a: {  	v2 =	vld [tilespmem:s0+$0x0];
	_ =	sdelay $0x1  }
0x21b: {  	v3 =	vld [tilespmem:s0+$0x2000];
	_ =	sdelay $0x1  }
0x21c: {  	v4 =	vld [tilespmem:s0+$0x4000]  }
0x21d: {  	v5 =	vadd.s32 $0xFFFD5000, v2  }
0x21e: {  	v6 =	vld [tilespmem:s0+$0x6000];
	vm0 =	vgt.s32 v5, $0x0  }
0x21f: {  	v3 =	vadd.s32 $0xFFFD5000, v3;
	v5 =	vnsel vm0, $0x0, v5  }
0x220: {  	vm8 =	vgt.s32 v3, $0x0;
	v5 =	vmin.u32 v5, $0xAFFF  }
0x221: {  	v4 =	vadd.s32 $0xFFFD5000, v4;
	v3 =	vnsel vm8, $0x0, v3  }
0x222: {  	vm9 =	vgt.s32 v4, $0x0;
	v3 =	vmin.u32 v3, $0xAFFF  }
0x223: {  	v6 =	vadd.s32 $0xFFFD5000, v6;
	v4 =	vnsel vm9, $0x0, v4  }
0x224: {  	v7 =	vld [tilespmem:s0+$0x8000];
	vm10 =	vgt.s32 v6, $0x0;
	v4 =	vmin.u32 v4, $0xAFFF  }
0x225: {  	v6 =	vnsel vm10, $0x0, v6;
	v5 =	vld.idx.msk [tilespmem:v5+s21+$0x0], $0xffff  }
0x226: {  	v8 =	vld [tilespmem:s0+$0xA000];
	v6 =	vmin.u32 v6, $0xAFFF  }
0x227: {  	v3 =	vld.idx.msk [tilespmem:v3+s21+$0x0], $0xffff  }
0x228: {  	v9 =	vld [tilespmem:s0+$0xC000]  }
0x229: {  	v4 =	vld.idx.msk [tilespmem:v4+s21+$0x0], $0xffff  }
0x22a: {  	v58 =	vld [tilespmem:s0+$0xE000];
	v5 =	vmul.f32 v5, v7  }
0x22b: {  	v6 =	vld.idx.msk [tilespmem:v6+s21+$0x0], $0xffff  }
0x22c: {  	v3 =	vmul.f32 v3, v8;
	v5 =	vadd.f32 $0.0e+00, v5;
	_ =	sdelay $0x1  }
0x22d: {  	v4 =	vmul.f32 v4, v9;
	v3 =	vadd.f32 v3, v5;
	_ =	sdelay $0x1  }
0x22e: {  	v3 =	vadd.f32 v4, v3;
	v4 =	vmul.f32 v6, v58  }
0x22f: {  	s2 =	simm.s32 $0x80;
	s1 =	simm.s32 $0x10;
	v2 =	vshra.s32 v2, $0x9  }
0x230: {  	s7 =	simm.s32 $0x10;
	s0 =	sand.u32 $0x70, s1;
	s1 =	sand.u32 $0xC00, s2;
	v2 =	vadd.s32 $0xFFFFFEA8, v2;
	v3 =	vadd.f32 v4, v3  }
0x231: {  	s16 =	simm.s32 $0x4;
	s2 =	sand.u32 $0x1000, s7;
	s0 =	sor.u32 s1, s0;
	vm11 =	vlt.u32 v2, $0x56  }
0x232: {  	s30 =	simm.s32 $0x1B000;
	s17 =	sand.u32 $0x380, s16;
	s0 =	sor.u32 s2, s0;
	v2 =	vnsel vm11, $0x0, v3  }
0x233: {  	s0 =	sor.u32 s17, s0;
	[tilespmem:s30+$0x0] =	vst.add.f32.msk $0xffff, v2  }
0x234: {  	v2 =	vld [tilespmem:s0+$0x0];
	_ =	sdelay $0x1  }
0x235: {  	v3 =	vld [tilespmem:s0+$0x2000];
	_ =	sdelay $0x1  }
0x236: {  	v4 =	vld [tilespmem:s0+$0x4000]  }
0x237: {  	v5 =	vadd.s32 $0xFFFD5000, v2  }
0x238: {  	v59 =	vld [tilespmem:s0+$0x6000];
	vm12 =	vgt.s32 v5, $0x0  }
0x239: {  	v3 =	vadd.s32 $0xFFFD5000, v3;
	v5 =	vnsel vm12, $0x0, v5  }
0x23a: {  	vm13 =	vgt.s32 v3, $0x0;
	v5 =	vmin.u32 v5, $0xAFFF  }
0x23b: {  	v4 =	vadd.s32 $0xFFFD5000, v4;
	v3 =	vnsel vm13, $0x0, v3  }
0x23c: {  	vm14 =	vgt.s32 v4, $0x0;
	v3 =	vmin.u32 v3, $0xAFFF  }
0x23d: {  	v6 =	vadd.s32 $0xFFFD5000, v59;
	v4 =	vnsel vm14, $0x0, v4  }
0x23e: {  	v60 =	vld [tilespmem:s0+$0x8000];
	vm15 =	vgt.s32 v6, $0x0;
	v4 =	vmin.u32 v4, $0xAFFF  }
0x23f: {  	v6 =	vnsel vm15, $0x0, v6;
	v5 =	vld.idx.msk [tilespmem:v5+s21+$0x0], $0xffff  }
0x240: {  	v61 =	vld [tilespmem:s0+$0xA000];
	v6 =	vmin.u32 v6, $0xAFFF  }
0x241: {  	v3 =	vld.idx.msk [tilespmem:v3+s21+$0x0], $0xffff  }
0x242: {  	v62 =	vld [tilespmem:s0+$0xC000]  }
0x243: {  	v4 =	vld.idx.msk [tilespmem:v4+s21+$0x0], $0xffff  }
0x244: {  	v63 =	vld [tilespmem:s0+$0xE000];
	v5 =	vmul.f32 v5, v60  }
0x245: {  	v6 =	vld.idx.msk [tilespmem:v6+s21+$0x0], $0xffff  }
0x246: {  	v3 =	vmul.f32 v3, v61;
	v5 =	vadd.f32 $0.0e+00, v5;
	_ =	sdelay $0x1  }
0x247: {  	v4 =	vmul.f32 v4, v62;
	v3 =	vadd.f32 v3, v5;
	_ =	sdelay $0x1  }
0x248: {  	s31 =	simm.s32 $0x20;
	v5 =	vmul.f32 v6, v63;
	v4 =	vadd.f32 v4, v3  }
0x249: {  	s7 =	sand.u32 $0x70, s31;
	s1 =	simm.s32 $0x100;
	s2 =	simm.s32 $0x20;
	v2 =	vshra.s32 v2, $0x9  }
0x24a: {  	s16 =	sand.u32 $0xC00, s1;
	s17 =	simm.s32 $0x8;
	s0 =	simm.s32 $0x3;
	v3 =	vadd.s32 $0xFFFFFEA8, v2;
	v2 =	vadd.f32 v5, v4  }
.LBB2_22:
0x24b: {  	p0 =	sne.s32 s0, $0x1FF;
	s2 =	sand.u32 $0x1000, s2;
	s7 =	sor.u32 s16, s7;
	vm0 =	vlt.u32 v3, $0x56  }
0x24c: {  	s16 =	sand.u32 $0x380, s17;
	s30 =	sadd.s32 $0x10, s30;
	s2 =	sor.u32 s2, s7;
	v2 =	vnsel vm0, $0x0, v2  }
0x24d: {  	s2 =	sor.u32 s16, s2;
	[tilespmem:s30+$0x0] =	vst.add.f32.msk $0xffff, v2  }
0x24e: {  	v2 =	vld [tilespmem:s2+$0x0];
	_ =	sdelay $0x1  }
0x24f: {  	v3 =	vld [tilespmem:s2+$0x2000];
	_ =	sdelay $0x1  }
0x250: {  	v4 =	vld [tilespmem:s2+$0x4000]  }
0x251: {  	v5 =	vadd.s32 $0xFFFD5000, v2  }
0x252: {  	v6 =	vld [tilespmem:s2+$0x6000];
	vm0 =	vgt.s32 v5, $0x0  }
0x253: {  	v5 =	vnsel vm0, $0x0, v5;
	v3 =	vadd.s32 $0xFFFD5000, v3  }
0x254: {  	v5 =	vmin.u32 v5, $0xAFFF;
	vm0 =	vgt.s32 v3, $0x0  }
0x255: {  	v3 =	vnsel vm0, $0x0, v3;
	v4 =	vadd.s32 $0xFFFD5000, v4  }
0x256: {  	v3 =	vmin.u32 v3, $0xAFFF;
	vm0 =	vgt.s32 v4, $0x0  }
0x257: {  	v4 =	vnsel vm0, $0x0, v4;
	v6 =	vadd.s32 $0xFFFD5000, v6  }
0x258: {  	v4 =	vmin.u32 v4, $0xAFFF;
	vm0 =	vgt.s32 v6, $0x0  }
0x259: {  	v5 =	vld.idx.msk [tilespmem:v5+s21+$0x0], $0xffff;
	v6 =	vnsel vm0, $0x0, v6  }
0x25a: {  	v7 =	vld [tilespmem:s2+$0x8000];
	v6 =	vmin.u32 v6, $0xAFFF  }
0x25b: {  	v3 =	vld.idx.msk [tilespmem:v3+s21+$0x0], $0xffff  }
0x25c: {  	v8 =	vld [tilespmem:s2+$0xA000]  }
0x25d: {  	v4 =	vld.idx.msk [tilespmem:v4+s21+$0x0], $0xffff  }
0x25e: {  	v9 =	vld [tilespmem:s2+$0xC000]  }
0x25f: {  	v5 =	vmul.f32 v5, v7;
	v6 =	vld.idx.msk [tilespmem:v6+s21+$0x0], $0xffff  }
0x260: {  	v7 =	vld [tilespmem:s2+$0xE000]  }
0x261: {  	v5 =	vadd.f32 $0.0e+00, v5;
	v3 =	vmul.f32 v3, v8;
	_ =	sdelay $0x1  }
.Ltmp14:
0x262: {  	v3 =	vadd.f32 v3, v5;
	v4 =	vmul.f32 v4, v9;
	(pc) =	sbr.rel @p0 .LBB2_22-.Ltmp14, $4  }
0x263: {  	_ = 	snop  }
0x264: {  	s31 =	sadd.s32 $0x10, s31;
	v4 =	vadd.f32 v4, v3;
	v5 =	vmul.f32 v6, v7  }
0x265: {  	s17 =	sshll.u32 s0, $0x2;
	s1 =	sadd.s32 $0x80, s1;
	v2 =	vshra.s32 v2, $0x9;
	s2 =	sshll.u32 s0, $0x4  }
0x266: {  	s7 =	sand.u32 $0x70, s31;
	s16 =	sand.u32 $0xC00, s1;
	s0 =	sadd.s32 $0x1, s0;
	v3 =	vadd.s32 $0xFFFFFEA8, v2;
	v2 =	vadd.f32 v5, v4  }
0x267: {  	s0 =	sand.u32 $0x1000, s2;
	s1 =	sor.u32 s16, s7;
	vm0 =	vlt.u32 v3, $0x56  }
0x268: {  	s17 =	sand.u32 $0x380, s17;
	s30 =	sadd.s32 $0x10, s30;
	s0 =	sor.u32 s0, s1;
	v2 =	vnsel vm0, $0x0, v2  }
0x269: {  	s0 =	sor.u32 s17, s0;
	[tilespmem:s30+$0x0] =	vst.add.f32.msk $0xffff, v2  }
0x26a: {  	v2 =	vld [tilespmem:s0+$0x0];
	_ =	sdelay $0x1  }
0x26b: {  	v3 =	vld [tilespmem:s0+$0x2000];
	_ =	sdelay $0x1  }
0x26c: {  	v4 =	vld [tilespmem:s0+$0x4000]  }
0x26d: {  	v5 =	vadd.s32 $0xFFFD5000, v2  }
0x26e: {  	v6 =	vld [tilespmem:s0+$0x6000];
	vm11 =	vgt.s32 v5, $0x0  }
0x26f: {  	v3 =	vadd.s32 $0xFFFD5000, v3;
	v5 =	vnsel vm11, $0x0, v5  }
0x270: {  	vm12 =	vgt.s32 v3, $0x0;
	v5 =	vmin.u32 v5, $0xAFFF  }
0x271: {  	v4 =	vadd.s32 $0xFFFD5000, v4;
	v3 =	vnsel vm12, $0x0, v3  }
0x272: {  	vm13 =	vgt.s32 v4, $0x0;
	v3 =	vmin.u32 v3, $0xAFFF  }
0x273: {  	v6 =	vadd.s32 $0xFFFD5000, v6;
	v4 =	vnsel vm13, $0x0, v4  }
0x274: {  	v7 =	vld [tilespmem:s0+$0x8000];
	vm14 =	vgt.s32 v6, $0x0;
	v4 =	vmin.u32 v4, $0xAFFF  }
0x275: {  	v6 =	vnsel vm14, $0x0, v6;
	v5 =	vld.idx.msk [tilespmem:v5+s21+$0x0], $0xffff  }
0x276: {  	v8 =	vld [tilespmem:s0+$0xA000];
	v6 =	vmin.u32 v6, $0xAFFF  }
0x277: {  	v3 =	vld.idx.msk [tilespmem:v3+s21+$0x0], $0xffff  }
0x278: {  	v9 =	vld [tilespmem:s0+$0xC000]  }
0x279: {  	v4 =	vld.idx.msk [tilespmem:v4+s21+$0x0], $0xffff  }
0x27a: {  	v62 =	vld [tilespmem:s0+$0xE000];
	v5 =	vmul.f32 v5, v7  }
0x27b: {  	v6 =	vld.idx.msk [tilespmem:v6+s21+$0x0], $0xffff  }
0x27c: {  	v3 =	vmul.f32 v3, v8;
	v5 =	vadd.f32 $0.0e+00, v5;
	_ =	sdelay $0x1  }
0x27d: {  	v4 =	vmul.f32 v4, v9;
	v3 =	vadd.f32 v3, v5;
	_ =	sdelay $0x1  }
0x27e: {  	v63 =	vmul.f32 v6, v62;
	v3 =	vadd.f32 v4, v3  }
0x27f: {  	v2 =	vshra.s32 v2, $0x9  }
0x280: {  	v2 =	vadd.s32 $0xFFFFFEA8, v2;
	v3 =	vadd.f32 v63, v3  }
0x281: {  	vm15 =	vlt.u32 v2, $0x56  }
0x282: {  	s31 =	sadd.s32 $0x10, s30;
	v2 =	vnsel vm15, $0x0, v3  }
0x283: {  	[tilespmem:s31+$0x0] =	vst.add.f32.msk $0xffff, v2  }
.LBB2_24:
0x284: {  	p0 =	slt.f32 s28, $5.120000000e+02;
	_ =	sdelay $0x1  }
0x285: {  	p1 =	sge.f32 @p0 s29, $4.300000000e+02;
	_ =	sdelay $0x1  }
0x286: {  	p0 =	por !p0, !p1  }
.Ltmp15:
0x287: {  	_ = 	snop;
	(pc) =	sbr.rel @p0 .LBB2_28-.Ltmp15, $1  }
0x288: {  	_ =	sdelay $0x3  }
0x289: {  	s0 =	simm.s32 $0x0;
	s1 =	simm.s32 $0x0  }
0x28a: {  	[tilespmem:s21], [sflag:$0x1] =	stream.linear.gather [hbm4b:s14+s0], $0xA400, $0x38;
	[tilespmem:$0x1F000] =	vst v63  }
0x28b: {  	s7 =	simm.s32 $0x0;
	s2 =	sand.u32 $0x70, s0;
	s0 =	sand.u32 $0xC00, s0  }
0x28c: {  	s1 =	sand.u32 $0x1000, s1;
	_ =	swait.ge [sflag:s5], $0xA400;
	s0 =	sor.u32 s0, s2  }
0x28d: {  	s31 =	sand.u32 $0x380, s7;
	[sflag:s5] =	ssyncset.done $0x0;
	s0 =	sor.u32 s1, s0  }
0x28e: {  	[sflag:s5] =	ssyncadd.s32 $0xFFFF5C00;
	s0 =	sor.u32 s31, s0  }
0x28f: {  	v2 =	vld [tilespmem:s0+$0x0];
	_ =	sdelay $0x1  }
0x290: {  	v3 =	vld [tilespmem:s0+$0x2000];
	_ =	sdelay $0x1  }
0x291: {  	v4 =	vld [tilespmem:s0+$0x4000]  }
0x292: {  	v5 =	vadd.s32 $0xFFFCA400, v2  }
0x293: {  	v6 =	vld [tilespmem:s0+$0x6000];
	vm0 =	vgt.s32 v5, $0x0  }
0x294: {  	v3 =	vadd.s32 $0xFFFCA400, v3;
	v5 =	vnsel vm0, $0x0, v5  }
0x295: {  	vm8 =	vgt.s32 v3, $0x0;
	v5 =	vmin.u32 v5, $0xA3FF  }
0x296: {  	v4 =	vadd.s32 $0xFFFCA400, v4;
	v3 =	vnsel vm8, $0x0, v3  }
0x297: {  	vm9 =	vgt.s32 v4, $0x0;
	v3 =	vmin.u32 v3, $0xA3FF  }
0x298: {  	v6 =	vadd.s32 $0xFFFCA400, v6;
	v4 =	vnsel vm9, $0x0, v4  }
0x299: {  	v7 =	vld [tilespmem:s0+$0x8000];
	vm10 =	vgt.s32 v6, $0x0;
	v4 =	vmin.u32 v4, $0xA3FF  }
0x29a: {  	v6 =	vnsel vm10, $0x0, v6;
	v5 =	vld.idx.msk [tilespmem:v5+s21+$0x0], $0xffff  }
0x29b: {  	v8 =	vld [tilespmem:s0+$0xA000];
	v6 =	vmin.u32 v6, $0xA3FF  }
0x29c: {  	v3 =	vld.idx.msk [tilespmem:v3+s21+$0x0], $0xffff  }
0x29d: {  	v9 =	vld [tilespmem:s0+$0xC000]  }
0x29e: {  	v4 =	vld.idx.msk [tilespmem:v4+s21+$0x0], $0xffff  }
0x29f: {  	v58 =	vld [tilespmem:s0+$0xE000];
	v5 =	vmul.f32 v5, v7  }
0x2a0: {  	v6 =	vld.idx.msk [tilespmem:v6+s21+$0x0], $0xffff  }
0x2a1: {  	v3 =	vmul.f32 v3, v8;
	v5 =	vadd.f32 $0.0e+00, v5;
	_ =	sdelay $0x1  }
0x2a2: {  	v4 =	vmul.f32 v4, v9;
	v3 =	vadd.f32 v3, v5;
	_ =	sdelay $0x1  }
0x2a3: {  	v3 =	vadd.f32 v4, v3;
	v4 =	vmul.f32 v6, v58  }
0x2a4: {  	s16 =	simm.s32 $0x80;
	s7 =	simm.s32 $0x10;
	v2 =	vshra.s32 v2, $0x9  }
0x2a5: {  	s17 =	simm.s32 $0x10;
	s1 =	sand.u32 $0xC00, s16;
	s0 =	sand.u32 $0x70, s7;
	v2 =	vadd.s32 $0xFFFFFE52, v2;
	v3 =	vadd.f32 v4, v3  }
0x2a6: {  	s30 =	simm.s32 $0x4;
	s2 =	sand.u32 $0x1000, s17;
	s0 =	sor.u32 s1, s0;
	vm11 =	vlt.u32 v2, $0x52  }
0x2a7: {  	s28 =	simm.s32 $0x1B000;
	s31 =	sand.u32 $0x380, s30;
	s0 =	sor.u32 s2, s0;
	v2 =	vnsel vm11, $0x0, v3  }
0x2a8: {  	s0 =	sor.u32 s31, s0;
	[tilespmem:s28+$0x0] =	vst.add.f32.msk $0xffff, v2  }
0x2a9: {  	v2 =	vld [tilespmem:s0+$0x0];
	_ =	sdelay $0x1  }
0x2aa: {  	v3 =	vld [tilespmem:s0+$0x2000];
	_ =	sdelay $0x1  }
0x2ab: {  	v4 =	vld [tilespmem:s0+$0x4000]  }
0x2ac: {  	v5 =	vadd.s32 $0xFFFCA400, v2  }
0x2ad: {  	v59 =	vld [tilespmem:s0+$0x6000];
	vm12 =	vgt.s32 v5, $0x0  }
0x2ae: {  	v3 =	vadd.s32 $0xFFFCA400, v3;
	v5 =	vnsel vm12, $0x0, v5  }
0x2af: {  	vm13 =	vgt.s32 v3, $0x0;
	v5 =	vmin.u32 v5, $0xA3FF  }
0x2b0: {  	v4 =	vadd.s32 $0xFFFCA400, v4;
	v3 =	vnsel vm13, $0x0, v3  }
0x2b1: {  	vm14 =	vgt.s32 v4, $0x0;
	v3 =	vmin.u32 v3, $0xA3FF  }
0x2b2: {  	v6 =	vadd.s32 $0xFFFCA400, v59;
	v4 =	vnsel vm14, $0x0, v4  }
0x2b3: {  	v60 =	vld [tilespmem:s0+$0x8000];
	vm15 =	vgt.s32 v6, $0x0;
	v4 =	vmin.u32 v4, $0xA3FF  }
0x2b4: {  	v6 =	vnsel vm15, $0x0, v6;
	v5 =	vld.idx.msk [tilespmem:v5+s21+$0x0], $0xffff  }
0x2b5: {  	v61 =	vld [tilespmem:s0+$0xA000];
	v6 =	vmin.u32 v6, $0xA3FF  }
0x2b6: {  	v3 =	vld.idx.msk [tilespmem:v3+s21+$0x0], $0xffff  }
0x2b7: {  	v62 =	vld [tilespmem:s0+$0xC000]  }
0x2b8: {  	v4 =	vld.idx.msk [tilespmem:v4+s21+$0x0], $0xffff  }
0x2b9: {  	v63 =	vld [tilespmem:s0+$0xE000];
	v5 =	vmul.f32 v5, v60  }
0x2ba: {  	v6 =	vld.idx.msk [tilespmem:v6+s21+$0x0], $0xffff  }
0x2bb: {  	v3 =	vmul.f32 v3, v61;
	v5 =	vadd.f32 $0.0e+00, v5;
	_ =	sdelay $0x1  }
0x2bc: {  	v4 =	vmul.f32 v4, v62;
	v3 =	vadd.f32 v3, v5;
	_ =	sdelay $0x1  }
0x2bd: {  	s29 =	simm.s32 $0x20;
	v5 =	vmul.f32 v6, v63;
	v4 =	vadd.f32 v4, v3  }
0x2be: {  	s17 =	simm.s32 $0x8;
	s7 =	sand.u32 $0x70, s29;
	s1 =	simm.s32 $0x100;
	v2 =	vshra.s32 v2, $0x9  }
0x2bf: {  	s2 =	simm.s32 $0x20;
	s16 =	sand.u32 $0xC00, s1;
	s0 =	simm.s32 $0x3;
	v3 =	vadd.s32 $0xFFFFFE52, v2;
	v2 =	vadd.f32 v5, v4  }
.LBB2_26:
0x2c0: {  	p0 =	sne.s32 s0, $0x1FF;
	s2 =	sand.u32 $0x1000, s2;
	s7 =	sor.u32 s16, s7;
	vm0 =	vlt.u32 v3, $0x52  }
0x2c1: {  	s16 =	sand.u32 $0x380, s17;
	s28 =	sadd.s32 $0x10, s28;
	s2 =	sor.u32 s2, s7;
	v2 =	vnsel vm0, $0x0, v2  }
0x2c2: {  	s2 =	sor.u32 s16, s2;
	[tilespmem:s28+$0x0] =	vst.add.f32.msk $0xffff, v2  }
0x2c3: {  	v2 =	vld [tilespmem:s2+$0x0];
	_ =	sdelay $0x1  }
0x2c4: {  	v3 =	vld [tilespmem:s2+$0x2000];
	_ =	sdelay $0x1  }
0x2c5: {  	v4 =	vld [tilespmem:s2+$0x4000]  }
0x2c6: {  	v5 =	vadd.s32 $0xFFFCA400, v2  }
0x2c7: {  	v6 =	vld [tilespmem:s2+$0x6000];
	vm0 =	vgt.s32 v5, $0x0  }
0x2c8: {  	v5 =	vnsel vm0, $0x0, v5;
	v3 =	vadd.s32 $0xFFFCA400, v3  }
0x2c9: {  	v5 =	vmin.u32 v5, $0xA3FF;
	vm0 =	vgt.s32 v3, $0x0  }
0x2ca: {  	v3 =	vnsel vm0, $0x0, v3;
	v4 =	vadd.s32 $0xFFFCA400, v4  }
0x2cb: {  	v3 =	vmin.u32 v3, $0xA3FF;
	vm0 =	vgt.s32 v4, $0x0  }
0x2cc: {  	v4 =	vnsel vm0, $0x0, v4;
	v6 =	vadd.s32 $0xFFFCA400, v6  }
0x2cd: {  	v4 =	vmin.u32 v4, $0xA3FF;
	vm0 =	vgt.s32 v6, $0x0  }
0x2ce: {  	v5 =	vld.idx.msk [tilespmem:v5+s21+$0x0], $0xffff;
	v6 =	vnsel vm0, $0x0, v6  }
0x2cf: {  	v7 =	vld [tilespmem:s2+$0x8000];
	v6 =	vmin.u32 v6, $0xA3FF  }
0x2d0: {  	v3 =	vld.idx.msk [tilespmem:v3+s21+$0x0], $0xffff  }
0x2d1: {  	v8 =	vld [tilespmem:s2+$0xA000]  }
0x2d2: {  	v4 =	vld.idx.msk [tilespmem:v4+s21+$0x0], $0xffff  }
0x2d3: {  	v9 =	vld [tilespmem:s2+$0xC000]  }
0x2d4: {  	v5 =	vmul.f32 v5, v7;
	v6 =	vld.idx.msk [tilespmem:v6+s21+$0x0], $0xffff  }
0x2d5: {  	v7 =	vld [tilespmem:s2+$0xE000]  }
0x2d6: {  	v5 =	vadd.f32 $0.0e+00, v5;
	v3 =	vmul.f32 v3, v8;
	_ =	sdelay $0x1  }
.Ltmp16:
0x2d7: {  	v3 =	vadd.f32 v3, v5;
	v4 =	vmul.f32 v4, v9;
	(pc) =	sbr.rel @p0 .LBB2_26-.Ltmp16, $4  }
0x2d8: {  	_ = 	snop  }
0x2d9: {  	s29 =	sadd.s32 $0x10, s29;
	v4 =	vadd.f32 v4, v3;
	v5 =	vmul.f32 v6, v7  }
0x2da: {  	s17 =	sshll.u32 s0, $0x2;
	s1 =	sadd.s32 $0x80, s1;
	v2 =	vshra.s32 v2, $0x9;
	s2 =	sshll.u32 s0, $0x4  }
0x2db: {  	s7 =	sand.u32 $0x70, s29;
	s16 =	sand.u32 $0xC00, s1;
	s0 =	sadd.s32 $0x1, s0;
	v3 =	vadd.s32 $0xFFFFFE52, v2;
	v2 =	vadd.f32 v5, v4  }
0x2dc: {  	s0 =	sand.u32 $0x1000, s2;
	s1 =	sor.u32 s16, s7;
	vm0 =	vlt.u32 v3, $0x52  }
0x2dd: {  	s29 =	sand.u32 $0x380, s17;
	s30 =	sadd.s32 $0x10, s28;
	s0 =	sor.u32 s0, s1;
	v2 =	vnsel vm0, $0x0, v2  }
0x2de: {  	s0 =	sor.u32 s29, s0;
	[tilespmem:s30+$0x0] =	vst.add.f32.msk $0xffff, v2  }
0x2df: {  	v2 =	vld [tilespmem:s0+$0x0];
	_ =	sdelay $0x1  }
0x2e0: {  	v3 =	vld [tilespmem:s0+$0x2000];
	_ =	sdelay $0x1  }
0x2e1: {  	v4 =	vld [tilespmem:s0+$0x4000]  }
0x2e2: {  	v5 =	vadd.s32 $0xFFFCA400, v2  }
0x2e3: {  	v6 =	vld [tilespmem:s0+$0x6000];
	vm11 =	vgt.s32 v5, $0x0  }
0x2e4: {  	v3 =	vadd.s32 $0xFFFCA400, v3;
	v5 =	vnsel vm11, $0x0, v5  }
0x2e5: {  	vm12 =	vgt.s32 v3, $0x0;
	v5 =	vmin.u32 v5, $0xA3FF  }
0x2e6: {  	v4 =	vadd.s32 $0xFFFCA400, v4;
	v3 =	vnsel vm12, $0x0, v3  }
0x2e7: {  	vm13 =	vgt.s32 v4, $0x0;
	v3 =	vmin.u32 v3, $0xA3FF  }
0x2e8: {  	v6 =	vadd.s32 $0xFFFCA400, v6;
	v4 =	vnsel vm13, $0x0, v4  }
0x2e9: {  	v7 =	vld [tilespmem:s0+$0x8000];
	vm14 =	vgt.s32 v6, $0x0;
	v4 =	vmin.u32 v4, $0xA3FF  }
0x2ea: {  	v6 =	vnsel vm14, $0x0, v6;
	v5 =	vld.idx.msk [tilespmem:v5+s21+$0x0], $0xffff  }
0x2eb: {  	v8 =	vld [tilespmem:s0+$0xA000];
	v6 =	vmin.u32 v6, $0xA3FF  }
0x2ec: {  	v3 =	vld.idx.msk [tilespmem:v3+s21+$0x0], $0xffff  }
0x2ed: {  	v9 =	vld [tilespmem:s0+$0xC000]  }
0x2ee: {  	v4 =	vld.idx.msk [tilespmem:v4+s21+$0x0], $0xffff  }
0x2ef: {  	v62 =	vld [tilespmem:s0+$0xE000];
	v5 =	vmul.f32 v5, v7  }
0x2f0: {  	v6 =	vld.idx.msk [tilespmem:v6+s21+$0x0], $0xffff  }
0x2f1: {  	v3 =	vmul.f32 v3, v8;
	v5 =	vadd.f32 $0.0e+00, v5;
	_ =	sdelay $0x1  }
0x2f2: {  	v4 =	vmul.f32 v4, v9;
	v3 =	vadd.f32 v3, v5;
	_ =	sdelay $0x1  }
0x2f3: {  	v63 =	vmul.f32 v6, v62;
	v3 =	vadd.f32 v4, v3  }
.Ltmp17:
0x2f4: {  	v2 =	vshra.s32 v2, $0x9;
	(pc) =	sbr.rel .LBB2_28-.Ltmp17, $4  }
0x2f5: {  	v2 =	vadd.s32 $0xFFFFFE52, v2;
	v3 =	vadd.f32 v63, v3  }
0x2f6: {  	vm15 =	vlt.u32 v2, $0x52  }
0x2f7: {  	s31 =	sadd.s32 $0x10, s30;
	v2 =	vnsel vm15, $0x0, v3  }
0x2f8: {  	[tilespmem:s31+$0x0] =	vst.add.f32.msk $0xffff, v2  }
.LBB2_30:
0x2f9: {  	_ =	sfence.sel $0x180000  }
0x2fa: {  	[bflag:$0x0] =	sbarrier.arrive $0xFFFF  }
0x2fb: {  	_ =	strace $0x90000047  }
0x2fc: {  	s0 =	stileid.u32;
	[bflag:$0x2] =	sbarrier.arrive $0xFFFF  }
0x2fd: {  	p0 =	sne.s32 s0, $0x0;
	s0 =	rddreg [dreg:$0x1]  }
0x2fe: {  	s0 =	sadd.s32 @!p0 $0x100000, s0  }
0x2ff: {  	[sflag:s0] =	ssyncadd.tile.s32 @!p0 $0x1;
	_ =	shalt  }
.Lfunc_end2:
_tile_overlayer_lowered:
.L_overlay_start_2:
0x300: {  	(tag) =	ssettag $0x2  }
0x301: {  	s0 =	rddreg [dreg:$0x0];
	s2 =	stileid.u32  }
0x302: {  	s1 =	rddreg [dreg:$0x1];
	p0 =	sne.s32 s2, $0x0  }
0x303: {  	s3 =	rddreg [dreg:$0x2];
	[bflag:$0x3] =	sbarrier.arrive $0xFFFF;
	s2 =	simm.s32 @!p0 $0x1C01  }
0x304: {  	[timem:s3], [sflag:s2] =	dma.local @!p0 [hbm:s0], s1  }
0x305: {  	s0 =	simm.s32 @!p0 $0x1  }
0x306: {  	_ =	swait.ge @!p0 [sflag:s0], s1  }
0x307: {  	s1 =	ssub.s32 @!p0 $0x0, s1;
	[sflag:s0] =	ssyncset.done @!p0 $0x0  }
0x308: {  	[sflag:s0] =	ssyncadd.s32 @!p0 s1  }
0x309: {  	[bflag:$0x3] =	sbarrier.arrive $0xFFFF  }
0x30a: {  	_ =	shalt  }

</sc_bundles>
